<compile_context>
chip_gen: v7x
topology: tpu7x:2x2x1
jax: 0.10.2.dev20260603
libtpu: 0.0.44.dev20260713+nightly
codegen_flags: <defaults>
</compile_context>

<pallas_src>
import functools

import jax
import jax.numpy as jnp
from jax import lax
from jax.experimental import pallas as pl
from jax.experimental.pallas import tpu as pltpu
from jax.experimental.pallas import tpu_sc as plsc

_N = 10000
_E = 320000
_ETOT = _N + _E
_NC = 2
_NS = 16
_NW = _NC * _NS
_K = 128
_CPW = (-(-_ETOT // (_NW * _K)) + 2) // 3 * 3
_EPAD = _NW * _K * _CPW
_RPS = 632
_NPAD = _RPS * _NS
_TW = 80
_AW = 72
_DW = 32


def _lrelu(v):
    return jnp.maximum(v, 0.2 * v)


def _make_edge_kernel(heads):
    outc = 64 // heads
    shift = outc.bit_length() - 1
    f32, i32 = jnp.float32, jnp.int32
    mesh = plsc.VectorSubcoreMesh(
        core_axis_name="c", subcore_axis_name="s",
        num_cores=_NC, num_subcores=_NS)

    @functools.partial(
        pl.kernel,
        out_type=jax.ShapeDtypeStruct((_NC, _NPAD, _AW), f32),
        mesh=mesh,
        compiler_params=pltpu.CompilerParams(use_tc_tiling_on_sc=False),
        scratch_types=[
            [pltpu.VMEM((_K,), i32)] * 3,
            [pltpu.VMEM((_K,), i32)] * 3,
            [pltpu.VMEM((_K, _TW), f32)] * 3,
            [pltpu.VMEM((_K, _DW), f32)] * 3,
            [pltpu.VMEM((_K, _AW), f32)] * 3,
            [pltpu.VMEM((_K,), i32)] * 3,
            pltpu.VMEM((_RPS // 8, _AW), f32),
            pltpu.VMEM_SHARED((_NPAD, _AW), f32),
            [pltpu.SemaphoreType.DMA] * 3,
            [pltpu.SemaphoreType.DMA] * 3,
            [pltpu.SemaphoreType.DMA] * 3,
        ],
    )
    def edge_kernel(table, adc, srcs, dsts, zeros, out,
                    idx_s, idx_d, rows_v, adc_v, msg_v, sidx, stage_v,
                    acc, gt, ga, ss):
        cid = lax.axis_index("c")
        sid = lax.axis_index("s")
        wid = sid * _NC + cid
        lanes = lax.broadcasted_iota(i32, (16,), 0)
        hd = jnp.bitwise_and(lanes, heads - 1)
        headvec = [lax.shift_right_logical(q * 16 + lanes, shift)
                   for q in range(4)]

        qr = _RPS // 8
        pltpu.sync_copy(zeros.at[pl.ds(0, qr)], stage_v)
        for r in range(8):
            pltpu.sync_copy(stage_v,
                            acc.at[pl.ds(sid * _RPS + r * qr, qr)])
        plsc.subcore_barrier()

        def fetch(t, b):
            base = (wid * _CPW + t) * _K
            pltpu.sync_copy(srcs.at[pl.ds(base, _K)], idx_s[b])
            pltpu.async_copy(table.at[idx_s[b]], rows_v[b], gt[b])
            pltpu.sync_copy(dsts.at[pl.ds(base, _K)], idx_d[b])
            pltpu.async_copy(adc.at[idx_d[b]], adc_v[b], ga[b])

        fetch(0, 0)
        fetch(1, 1)
        fetch(2, 2)

        def pair(u, carry):
            for b in range(3):
                t = u * 3 + b
                pltpu.make_async_copy(
                    table.at[idx_s[b]], rows_v[b], gt[b]).wait()
                pltpu.make_async_copy(
                    adc.at[idx_d[b]], adc_v[b], ga[b]).wait()

                @pl.when(u > 0)
                def _():
                    pltpu.make_async_copy(
                        msg_v[b], acc.at[sidx[b]], ss[b]).wait()

                @plsc.parallel_loop(0, _K, unroll=4)
                def edge(e):
                    as_vec = rows_v[b][e, pl.ds(64, 16)]
                    ad_vec = adc_v[b][e, pl.ds(0, 16)]
                    c_vec = adc_v[b][e, pl.ds(16, 16)]
                    ex = jnp.exp(_lrelu(as_vec + ad_vec) - c_vec)
                    if heads == 1:
                        msg_v[b][e, pl.ds(56, 16)] = ex
                    else:
                        msg_v[b][e, pl.ds(56, 16)] = ex.at[hd].get(
                            mode="promise_in_bounds")
                    for q in range(4):
                        hvec = rows_v[b][e, pl.ds(q * 16, 16)]
                        if heads == 1:
                            exv = ex
                        else:
                            exv = ex.at[headvec[q]].get(
                                mode="promise_in_bounds")
                        msg_v[b][e, pl.ds(q * 16, 16)] = hvec * exv

                @plsc.parallel_loop(0, _K // 16, unroll=8)
                def cpidx(g):
                    sidx[b][pl.ds(g * 16, 16)] = idx_d[b][pl.ds(g * 16, 16)]
                pltpu.async_copy(msg_v[b], acc.at[sidx[b]], ss[b],
                                 add=True)

                @pl.when(t + 3 < _CPW)
                def _():
                    fetch(t + 3, b)
            return carry
        lax.fori_loop(0, _CPW // 3, pair, 0)

        for b in range(3):
            pltpu.make_async_copy(msg_v[b], acc.at[sidx[b]], ss[b]).wait()
        plsc.subcore_barrier()
        for r in range(8):
            pltpu.sync_copy(acc.at[pl.ds(sid * _RPS + r * qr, qr)], stage_v)
            pltpu.sync_copy(stage_v,
                            out.at[cid, pl.ds(sid * _RPS + r * qr, qr)])

    return edge_kernel


_edge8 = _make_edge_kernel(8)
_edge1 = _make_edge_kernel(1)


def _tc_pre1(x_ref, w1_ref, ams_ref, amd_ref, p_ref, table_ref, adc_ref):
    h = jnp.dot(x_ref[...], w1_ref[...], preferred_element_type=jnp.float32)
    a_s = jnp.dot(h, ams_ref[...], preferred_element_type=jnp.float32)
    a_d = jnp.dot(h, amd_ref[...], preferred_element_type=jnp.float32)
    gmax = jnp.max(a_s, axis=0, keepdims=True)
    p = p_ref[...]
    table_ref[:, 0:64] = h
    table_ref[:, 64:80] = jnp.dot(a_s, p, preferred_element_type=jnp.float32)
    adc_ref[:, 0:16] = jnp.dot(a_d, p, preferred_element_type=jnp.float32)
    adc_ref[:, 16:32] = jnp.dot(_lrelu(gmax + a_d), p,
                                preferred_element_type=jnp.float32)


def _tc_mid(acc_ref, b1_ref, w2_ref, ams_ref, amd_ref, rep_ref, p_ref,
            table_ref, adc_ref):
    s = acc_ref[0] + acc_ref[1]
    denom = jnp.dot(s[:, 64:72], rep_ref[...],
                    preferred_element_type=jnp.float32)
    out1 = s[:, 0:64] / (denom + 1e-16) + b1_ref[...]
    h2 = jnp.dot(out1, w2_ref[...], preferred_element_type=jnp.float32)
    a_s = jnp.dot(h2, ams_ref[...], preferred_element_type=jnp.float32)
    a_d = jnp.dot(h2, amd_ref[...], preferred_element_type=jnp.float32)
    gmax = jnp.max(a_s, axis=0, keepdims=True)
    p = p_ref[...]
    table_ref[:, 0:64] = h2
    table_ref[:, 64:80] = jnp.dot(a_s, p, preferred_element_type=jnp.float32)
    adc_ref[:, 0:16] = jnp.dot(a_d, p, preferred_element_type=jnp.float32)
    adc_ref[:, 16:32] = jnp.dot(_lrelu(gmax + a_d), p,
                                preferred_element_type=jnp.float32)


def _tc_post(acc_ref, b2_ref, rep_ref, out_ref):
    s = acc_ref[0] + acc_ref[1]
    denom = jnp.dot(s[:, 64:72], rep_ref[...],
                    preferred_element_type=jnp.float32)
    out_ref[...] = s[:, 0:64] / (denom + 1e-16) + b2_ref[...]


def kernel(x, edge_index, W1, a_src1, a_dst1, b1, W2, a_src2, a_dst2, b2):
    f32, i32 = jnp.float32, jnp.int32
    loops = jnp.arange(_N, dtype=i32)
    padi = jnp.full((_EPAD - _ETOT,), _N, dtype=i32)
    src = jnp.concatenate([edge_index[0].astype(i32), loops, padi])
    dst = jnp.concatenate([edge_index[1].astype(i32), loops, padi])
    xpad = jnp.pad(x, ((0, _NPAD - _N), (0, 0)))
    zeros = jnp.zeros((_NPAD, _AW), f32)

    eye8 = jnp.eye(8, dtype=f32)
    expand = jnp.repeat(eye8, 8, axis=0)
    am1s = a_src1.reshape(64, 1) * expand
    am1d = a_dst1.reshape(64, 1) * expand
    rep = jnp.repeat(eye8, 8, axis=1)
    am2s = jnp.pad(a_src2.reshape(64, 1), ((0, 0), (0, 7)))
    am2d = jnp.pad(a_dst2.reshape(64, 1), ((0, 0), (0, 7)))

    p1 = jnp.pad(eye8, ((0, 0), (0, 8)))
    p2 = jnp.zeros((8, 16), f32).at[0, :].set(1.0)
    table1, adc1 = pl.pallas_call(
        _tc_pre1,
        out_shape=[jax.ShapeDtypeStruct((_NPAD, _TW), f32),
                   jax.ShapeDtypeStruct((_NPAD, _DW), f32)],
    )(xpad, W1, am1s, am1d, p1)

    acc1 = _edge8(table1, adc1, src, dst, zeros)

    table2, adc2 = pl.pallas_call(
        _tc_mid,
        out_shape=[jax.ShapeDtypeStruct((_NPAD, _TW), f32),
                   jax.ShapeDtypeStruct((_NPAD, _DW), f32)],
    )(acc1, b1.reshape(1, 64), W2, am2s, am2d, rep, p2)

    acc2 = _edge1(table2, adc2, src, dst, zeros)

    outp = pl.pallas_call(
        _tc_post,
        out_shape=jax.ShapeDtypeStruct((_NPAD, 64), f32),
    )(acc2, b2.reshape(1, 64), rep)
    return outp[:_N]

# --- scband reference (transcript-rebuilt; emitter-appended) ---
"""Pipeline reference for scband-net-20847771255349 (READ-ONLY COPY).

The authoritative reference and input builder live on the scoring server;
editing this copy changes nothing except your own understanding.
"""

import jax, jax.numpy as jnp
import numpy as np

N = 10000
E = 320000
D_IN = 128
OUT = 64


def gat_layer(x, src, dst, W, att_src, att_dst, bias, heads, out_ch, concat):
    n = x.shape[0]
    h = (x @ W).reshape(n, heads, out_ch)
    a_s = (h * att_src[None, :, :]).sum(-1)  # [N, heads]
    a_d = (h * att_dst[None, :, :]).sum(-1)  # [N, heads]
    alpha = a_s[src] + a_d[dst]              # [Etot, heads]
    alpha = jax.nn.leaky_relu(alpha, negative_slope=0.2)
    amax = jax.ops.segment_max(alpha, dst, num_segments=n)
    amax = jnp.where(jnp.isfinite(amax), amax, 0.0)
    ex = jnp.exp(alpha - amax[dst])
    denom = jax.ops.segment_sum(ex, dst, num_segments=n)
    coef = ex / (denom[dst] + 1e-16)
    msg = h[src] * coef[:, :, None]
    out = jax.ops.segment_sum(msg, dst, num_segments=n)
    if concat:
        out = out.reshape(n, heads * out_ch)
    else:
        out = out.mean(axis=1)
    return out + bias


def setup_inputs(seed: int = 0):
    key = jax.random.key(seed)
    ks = jax.random.split(key, 12)
    x = jax.random.normal(ks[0], (N, D_IN), dtype=jnp.float32)
    edge_index = jax.random.randint(ks[1], (2, E), 0, N, dtype=jnp.int32)
    s1 = 1.0 / np.sqrt(D_IN)
    W1 = jax.random.uniform(ks[2], (D_IN, 8 * 8), minval=-s1, maxval=s1, dtype=jnp.float32)
    a_src1 = jax.random.normal(ks[3], (8, 8), dtype=jnp.float32) * 0.1
    a_dst1 = jax.random.normal(ks[4], (8, 8), dtype=jnp.float32) * 0.1
    b1 = jnp.zeros((64,), dtype=jnp.float32)
    s2 = 1.0 / np.sqrt(64)
    W2 = jax.random.uniform(ks[5], (64, 1 * OUT), minval=-s2, maxval=s2, dtype=jnp.float32)
    a_src2 = jax.random.normal(ks[6], (1, OUT), dtype=jnp.float32) * 0.1
    a_dst2 = jax.random.normal(ks[7], (1, OUT), dtype=jnp.float32) * 0.1
    b2 = jnp.zeros((OUT,), dtype=jnp.float32)
    return {"x": x, "edge_index": edge_index, "W1": W1, "a_src1": a_src1, "a_dst1": a_dst1, "b1": b1, "W2": W2, "a_src2": a_src2, "a_dst2": a_dst2, "b2": b2}


def reference(x, edge_index, W1, a_src1, a_dst1, b1, W2, a_src2, a_dst2, b2):
    # PyG GATConv adds self-loops by default
    loops = jnp.arange(N, dtype=edge_index.dtype)
    src = jnp.concatenate([edge_index[0], loops])
    dst = jnp.concatenate([edge_index[1], loops])
    # dropout=0.6 is inactive in eval mode
    h = gat_layer(x, src, dst, W1, a_src1, a_dst1, b1, heads=8, out_ch=8, concat=True)
    out = gat_layer(h, src, dst, W2, a_src2, a_dst2, b2, heads=1, out_ch=OUT, concat=True)
    return out

if __name__ == "__main__":
    import jax
    _d = setup_inputs()
    print(jax.jit(kernel)(*tuple(_d.values())))

</pallas_src>

<mosaic_0001>
#map = affine_map<(d0, d1) -> (0, 0)>
#map1 = affine_map<(d0, d1) -> (0)>
#map2 = affine_map<(d0, d1) -> (0, 0, 0)>
module attributes {stable_mosaic.version = 14 : i64} {
  func.func @edge_kernel(%arg0: i32, %arg1: i32, %arg2: memref<10112x80xf32, #tpu.memory_space<hbm>>, %arg3: memref<10112x32xf32, #tpu.memory_space<hbm>>, %arg4: memref<331776xi32, #tpu.memory_space<hbm>>, %arg5: memref<331776xi32, #tpu.memory_space<hbm>>, %arg6: memref<10112x72xf32, #tpu.memory_space<hbm>>, %arg7: memref<2x10112x72xf32, #tpu.memory_space<hbm>>, %arg8: memref<128xi32, #tpu.memory_space<vmem>>, %arg9: memref<128xi32, #tpu.memory_space<vmem>>, %arg10: memref<128xi32, #tpu.memory_space<vmem>>, %arg11: memref<128xi32, #tpu.memory_space<vmem>>, %arg12: memref<128xi32, #tpu.memory_space<vmem>>, %arg13: memref<128xi32, #tpu.memory_space<vmem>>, %arg14: memref<128x80xf32, #tpu.memory_space<vmem>>, %arg15: memref<128x80xf32, #tpu.memory_space<vmem>>, %arg16: memref<128x80xf32, #tpu.memory_space<vmem>>, %arg17: memref<128x32xf32, #tpu.memory_space<vmem>>, %arg18: memref<128x32xf32, #tpu.memory_space<vmem>>, %arg19: memref<128x32xf32, #tpu.memory_space<vmem>>, %arg20: memref<128x72xf32, #tpu.memory_space<vmem>>, %arg21: memref<128x72xf32, #tpu.memory_space<vmem>>, %arg22: memref<128x72xf32, #tpu.memory_space<vmem>>, %arg23: memref<128xi32, #tpu.memory_space<vmem>>, %arg24: memref<128xi32, #tpu.memory_space<vmem>>, %arg25: memref<128xi32, #tpu.memory_space<vmem>>, %arg26: memref<79x72xf32, #tpu.memory_space<vmem>>, %arg27: memref<10112x72xf32, #tpu.memory_space<vmem_shared>>, %arg28: memref<!tpu.dma_semaphore, #tpu.memory_space<semaphore_mem>>, %arg29: memref<!tpu.dma_semaphore, #tpu.memory_space<semaphore_mem>>, %arg30: memref<!tpu.dma_semaphore, #tpu.memory_space<semaphore_mem>>, %arg31: memref<!tpu.dma_semaphore, #tpu.memory_space<semaphore_mem>>, %arg32: memref<!tpu.dma_semaphore, #tpu.memory_space<semaphore_mem>>, %arg33: memref<!tpu.dma_semaphore, #tpu.memory_space<semaphore_mem>>, %arg34: memref<!tpu.dma_semaphore, #tpu.memory_space<semaphore_mem>>, %arg35: memref<!tpu.dma_semaphore, #tpu.memory_space<semaphore_mem>>, %arg36: memref<!tpu.dma_semaphore, #tpu.memory_space<semaphore_mem>>) attributes {dimension_semantics = [#tpu.dimension_semantics<core_parallel>, #tpu.dimension_semantics<subcore_parallel>], iteration_bounds = array<i64: 2, 16>, scalar_prefetch = 0 : i64, scratch_operands = 29 : i64, tpu.core_type = #tpu.core_type<sc_vector_subcore>, window_params = [{transform_indices = #map}, {transform_indices = #map}, {transform_indices = #map1}, {transform_indices = #map1}, {transform_indices = #map}, {transform_indices = #map2}]} {
    %mul3A = arith.constant 2 : i32
    %mul3A_0 = arith.muli %arg1, %mul3A : i32
    %add3A = arith.addi %mul3A_0, %arg0 : i32
    %iota3A = tpu.iota {dimensions = array<i32: 0>} : vector<16xi32>
    %and3A = arith.constant 7 : i32
    %and3A_1 = vector.broadcast %and3A : i32 to vector<16xi32>
    %and3A_2 = arith.andi %iota3A, %and3A_1 : vector<16xi32>
    %add3A_3 = arith.constant 0 : i32
    %add3A_4 = vector.broadcast %add3A_3 : i32 to vector<16xi32>
    %add3A_5 = arith.addi %add3A_4, %iota3A : vector<16xi32>
    %shift_right_logical3A = arith.constant 3 : i32
    %shift_right_logical3A_6 = vector.broadcast %shift_right_logical3A : i32 to vector<16xi32>
    %shift_right_logical3A_7 = arith.shrui %add3A_5, %shift_right_logical3A_6 : vector<16xi32>
    %add3A_8 = arith.constant 16 : i32
    %add3A_9 = vector.broadcast %add3A_8 : i32 to vector<16xi32>
    %add3A_10 = arith.addi %add3A_9, %iota3A : vector<16xi32>
    %shift_right_logical3A_11 = arith.constant 3 : i32
    %shift_right_logical3A_12 = vector.broadcast %shift_right_logical3A_11 : i32 to vector<16xi32>
    %shift_right_logical3A_13 = arith.shrui %add3A_10, %shift_right_logical3A_12 : vector<16xi32>
    %add3A_14 = arith.constant 32 : i32
    %add3A_15 = vector.broadcast %add3A_14 : i32 to vector<16xi32>
    %add3A_16 = arith.addi %add3A_15, %iota3A : vector<16xi32>
    %shift_right_logical3A_17 = arith.constant 3 : i32
    %shift_right_logical3A_18 = vector.broadcast %shift_right_logical3A_17 : i32 to vector<16xi32>
    %shift_right_logical3A_19 = arith.shrui %add3A_16, %shift_right_logical3A_18 : vector<16xi32>
    %add3A_20 = arith.constant 48 : i32
    %add3A_21 = vector.broadcast %add3A_20 : i32 to vector<16xi32>
    %add3A_22 = arith.addi %add3A_21, %iota3A : vector<16xi32>
    %shift_right_logical3A_23 = arith.constant 3 : i32
    %shift_right_logical3A_24 = vector.broadcast %shift_right_logical3A_23 : i32 to vector<16xi32>
    %shift_right_logical3A_25 = arith.shrui %add3A_22, %shift_right_logical3A_24 : vector<16xi32>
    "tpu.region"() ({
      %run_scoped3A = tpu.sem_alloc : memref<!tpu.dma_semaphore, #tpu.memory_space<semaphore_mem>>
      %dma_start3A_171 = arith.constant 0 : i32
      %dma_start3A_172 = arith.constant 0 : i32
      %dma_start3A_173 = tpu.memref_slice %arg6[%dma_start3A_171, %dma_start3A_172] : memref<10112x72xf32, #tpu.memory_space<hbm>> -> memref<79x72xf32, #tpu.memory_space<hbm>>
      %dma_start3A_174 = arith.constant 0 : i32
      %dma_start3A_175 = arith.constant 0 : i32
      %dma_start3A_176 = tpu.memref_slice %arg6[%dma_start3A_174, %dma_start3A_175] : memref<10112x72xf32, #tpu.memory_space<hbm>> -> memref<79x72xf32, #tpu.memory_space<hbm>>
      tpu.enqueue_dma source(%dma_start3A_176 : memref<79x72xf32, #tpu.memory_space<hbm>>) target(%arg26 : memref<79x72xf32, #tpu.memory_space<vmem>>) target_semaphore(%run_scoped3A : memref<!tpu.dma_semaphore, #tpu.memory_space<semaphore_mem>>)
      %dma_wait3A_177 = arith.constant 0 : i32
      %dma_wait3A_178 = arith.constant 0 : i32
      %dma_wait3A_179 = tpu.memref_slice %arg6[%dma_wait3A_177, %dma_wait3A_178] : memref<10112x72xf32, #tpu.memory_space<hbm>> -> memref<79x72xf32, #tpu.memory_space<hbm>>
      %dma_wait3A_180 = arith.constant 0 : i32
      %dma_wait3A_181 = arith.constant 0 : i32
      %dma_wait3A_182 = tpu.memref_slice %arg6[%dma_wait3A_180, %dma_wait3A_181] : memref<10112x72xf32, #tpu.memory_space<hbm>> -> memref<79x72xf32, #tpu.memory_space<hbm>>
      tpu.wait_dma2 semaphore(%run_scoped3A : memref<!tpu.dma_semaphore, #tpu.memory_space<semaphore_mem>>) src(%dma_wait3A_182 : memref<79x72xf32, #tpu.memory_space<hbm>>) dst(%arg26 : memref<79x72xf32, #tpu.memory_space<vmem>>)
      tpu.yield
    }) : () -> ()
    %mul3A_26 = arith.constant 632 : i32
    %mul3A_27 = arith.muli %arg1, %mul3A_26 : i32
    %add3A_28 = arith.constant 0 : i32
    %add3A_29 = arith.addi %mul3A_27, %add3A_28 : i32
    "tpu.region"() ({
      %run_scoped3A = tpu.sem_alloc : memref<!tpu.dma_semaphore, #tpu.memory_space<semaphore_mem>>
      %dma_start3A_171 = arith.constant 0 : i32
      %dma_start3A_172 = tpu.memref_slice %arg27[%add3A_29, %dma_start3A_171] : memref<10112x72xf32, #tpu.memory_space<vmem_shared>> -> memref<79x72xf32, #tpu.memory_space<vmem_shared>>
      %dma_start3A_173 = arith.constant 0 : i32
      %dma_start3A_174 = tpu.memref_slice %arg27[%add3A_29, %dma_start3A_173] : memref<10112x72xf32, #tpu.memory_space<vmem_shared>> -> memref<79x72xf32, #tpu.memory_space<vmem_shared>>
      tpu.enqueue_dma source(%arg26 : memref<79x72xf32, #tpu.memory_space<vmem>>) target(%dma_start3A_174 : memref<79x72xf32, #tpu.memory_space<vmem_shared>>) target_semaphore(%run_scoped3A : memref<!tpu.dma_semaphore, #tpu.memory_space<semaphore_mem>>)
      %dma_wait3A_175 = arith.constant 0 : i32
      %dma_wait3A_176 = tpu.memref_slice %arg27[%add3A_29, %dma_wait3A_175] : memref<10112x72xf32, #tpu.memory_space<vmem_shared>> -> memref<79x72xf32, #tpu.memory_space<vmem_shared>>
      %dma_wait3A_177 = arith.constant 0 : i32
      %dma_wait3A_178 = tpu.memref_slice %arg27[%add3A_29, %dma_wait3A_177] : memref<10112x72xf32, #tpu.memory_space<vmem_shared>> -> memref<79x72xf32, #tpu.memory_space<vmem_shared>>
      tpu.wait_dma2 semaphore(%run_scoped3A : memref<!tpu.dma_semaphore, #tpu.memory_space<semaphore_mem>>) src(%arg26 : memref<79x72xf32, #tpu.memory_space<vmem>>) dst(%dma_wait3A_178 : memref<79x72xf32, #tpu.memory_space<vmem_shared>>)
      tpu.yield
    }) : () -> ()
    %mul3A_30 = arith.constant 632 : i32
    %mul3A_31 = arith.muli %arg1, %mul3A_30 : i32
    %add3A_32 = arith.constant 79 : i32
    %add3A_33 = arith.addi %mul3A_31, %add3A_32 : i32
    "tpu.region"() ({
      %run_scoped3A = tpu.sem_alloc : memref<!tpu.dma_semaphore, #tpu.memory_space<semaphore_mem>>
      %dma_start3A_171 = arith.constant 0 : i32
      %dma_start3A_172 = tpu.memref_slice %arg27[%add3A_33, %dma_start3A_171] : memref<10112x72xf32, #tpu.memory_space<vmem_shared>> -> memref<79x72xf32, #tpu.memory_space<vmem_shared>>
      %dma_start3A_173 = arith.constant 0 : i32
      %dma_start3A_174 = tpu.memref_slice %arg27[%add3A_33, %dma_start3A_173] : memref<10112x72xf32, #tpu.memory_space<vmem_shared>> -> memref<79x72xf32, #tpu.memory_space<vmem_shared>>
      tpu.enqueue_dma source(%arg26 : memref<79x72xf32, #tpu.memory_space<vmem>>) target(%dma_start3A_174 : memref<79x72xf32, #tpu.memory_space<vmem_shared>>) target_semaphore(%run_scoped3A : memref<!tpu.dma_semaphore, #tpu.memory_space<semaphore_mem>>)
      %dma_wait3A_175 = arith.constant 0 : i32
      %dma_wait3A_176 = tpu.memref_slice %arg27[%add3A_33, %dma_wait3A_175] : memref<10112x72xf32, #tpu.memory_space<vmem_shared>> -> memref<79x72xf32, #tpu.memory_space<vmem_shared>>
      %dma_wait3A_177 = arith.constant 0 : i32
      %dma_wait3A_178 = tpu.memref_slice %arg27[%add3A_33, %dma_wait3A_177] : memref<10112x72xf32, #tpu.memory_space<vmem_shared>> -> memref<79x72xf32, #tpu.memory_space<vmem_shared>>
      tpu.wait_dma2 semaphore(%run_scoped3A : memref<!tpu.dma_semaphore, #tpu.memory_space<semaphore_mem>>) src(%arg26 : memref<79x72xf32, #tpu.memory_space<vmem>>) dst(%dma_wait3A_178 : memref<79x72xf32, #tpu.memory_space<vmem_shared>>)
      tpu.yield
    }) : () -> ()
    %mul3A_34 = arith.constant 632 : i32
    %mul3A_35 = arith.muli %arg1, %mul3A_34 : i32
    %add3A_36 = arith.constant 158 : i32
    %add3A_37 = arith.addi %mul3A_35, %add3A_36 : i32
    "tpu.region"() ({
      %run_scoped3A = tpu.sem_alloc : memref<!tpu.dma_semaphore, #tpu.memory_space<semaphore_mem>>
      %dma_start3A_171 = arith.constant 0 : i32
      %dma_start3A_172 = tpu.memref_slice %arg27[%add3A_37, %dma_start3A_171] : memref<10112x72xf32, #tpu.memory_space<vmem_shared>> -> memref<79x72xf32, #tpu.memory_space<vmem_shared>>
      %dma_start3A_173 = arith.constant 0 : i32
      %dma_start3A_174 = tpu.memref_slice %arg27[%add3A_37, %dma_start3A_173] : memref<10112x72xf32, #tpu.memory_space<vmem_shared>> -> memref<79x72xf32, #tpu.memory_space<vmem_shared>>
      tpu.enqueue_dma source(%arg26 : memref<79x72xf32, #tpu.memory_space<vmem>>) target(%dma_start3A_174 : memref<79x72xf32, #tpu.memory_space<vmem_shared>>) target_semaphore(%run_scoped3A : memref<!tpu.dma_semaphore, #tpu.memory_space<semaphore_mem>>)
      %dma_wait3A_175 = arith.constant 0 : i32
      %dma_wait3A_176 = tpu.memref_slice %arg27[%add3A_37, %dma_wait3A_175] : memref<10112x72xf32, #tpu.memory_space<vmem_shared>> -> memref<79x72xf32, #tpu.memory_space<vmem_shared>>
      %dma_wait3A_177 = arith.constant 0 : i32
      %dma_wait3A_178 = tpu.memref_slice %arg27[%add3A_37, %dma_wait3A_177] : memref<10112x72xf32, #tpu.memory_space<vmem_shared>> -> memref<79x72xf32, #tpu.memory_space<vmem_shared>>
      tpu.wait_dma2 semaphore(%run_scoped3A : memref<!tpu.dma_semaphore, #tpu.memory_space<semaphore_mem>>) src(%arg26 : memref<79x72xf32, #tpu.memory_space<vmem>>) dst(%dma_wait3A_178 : memref<79x72xf32, #tpu.memory_space<vmem_shared>>)
      tpu.yield
    }) : () -> ()
    %mul3A_38 = arith.constant 632 : i32
    %mul3A_39 = arith.muli %arg1, %mul3A_38 : i32
    %add3A_40 = arith.constant 237 : i32
    %add3A_41 = arith.addi %mul3A_39, %add3A_40 : i32
    "tpu.region"() ({
      %run_scoped3A = tpu.sem_alloc : memref<!tpu.dma_semaphore, #tpu.memory_space<semaphore_mem>>
      %dma_start3A_171 = arith.constant 0 : i32
      %dma_start3A_172 = tpu.memref_slice %arg27[%add3A_41, %dma_start3A_171] : memref<10112x72xf32, #tpu.memory_space<vmem_shared>> -> memref<79x72xf32, #tpu.memory_space<vmem_shared>>
      %dma_start3A_173 = arith.constant 0 : i32
      %dma_start3A_174 = tpu.memref_slice %arg27[%add3A_41, %dma_start3A_173] : memref<10112x72xf32, #tpu.memory_space<vmem_shared>> -> memref<79x72xf32, #tpu.memory_space<vmem_shared>>
      tpu.enqueue_dma source(%arg26 : memref<79x72xf32, #tpu.memory_space<vmem>>) target(%dma_start3A_174 : memref<79x72xf32, #tpu.memory_space<vmem_shared>>) target_semaphore(%run_scoped3A : memref<!tpu.dma_semaphore, #tpu.memory_space<semaphore_mem>>)
      %dma_wait3A_175 = arith.constant 0 : i32
      %dma_wait3A_176 = tpu.memref_slice %arg27[%add3A_41, %dma_wait3A_175] : memref<10112x72xf32, #tpu.memory_space<vmem_shared>> -> memref<79x72xf32, #tpu.memory_space<vmem_shared>>
      %dma_wait3A_177 = arith.constant 0 : i32
      %dma_wait3A_178 = tpu.memref_slice %arg27[%add3A_41, %dma_wait3A_177] : memref<10112x72xf32, #tpu.memory_space<vmem_shared>> -> memref<79x72xf32, #tpu.memory_space<vmem_shared>>
      tpu.wait_dma2 semaphore(%run_scoped3A : memref<!tpu.dma_semaphore, #tpu.memory_space<semaphore_mem>>) src(%arg26 : memref<79x72xf32, #tpu.memory_space<vmem>>) dst(%dma_wait3A_178 : memref<79x72xf32, #tpu.memory_space<vmem_shared>>)
      tpu.yield
    }) : () -> ()
    %mul3A_42 = arith.constant 632 : i32
    %mul3A_43 = arith.muli %arg1, %mul3A_42 : i32
    %add3A_44 = arith.constant 316 : i32
    %add3A_45 = arith.addi %mul3A_43, %add3A_44 : i32
    "tpu.region"() ({
      %run_scoped3A = tpu.sem_alloc : memref<!tpu.dma_semaphore, #tpu.memory_space<semaphore_mem>>
      %dma_start3A_171 = arith.constant 0 : i32
      %dma_start3A_172 = tpu.memref_slice %arg27[%add3A_45, %dma_start3A_171] : memref<10112x72xf32, #tpu.memory_space<vmem_shared>> -> memref<79x72xf32, #tpu.memory_space<vmem_shared>>
      %dma_start3A_173 = arith.constant 0 : i32
      %dma_start3A_174 = tpu.memref_slice %arg27[%add3A_45, %dma_start3A_173] : memref<10112x72xf32, #tpu.memory_space<vmem_shared>> -> memref<79x72xf32, #tpu.memory_space<vmem_shared>>
      tpu.enqueue_dma source(%arg26 : memref<79x72xf32, #tpu.memory_space<vmem>>) target(%dma_start3A_174 : memref<79x72xf32, #tpu.memory_space<vmem_shared>>) target_semaphore(%run_scoped3A : memref<!tpu.dma_semaphore, #tpu.memory_space<semaphore_mem>>)
      %dma_wait3A_175 = arith.constant 0 : i32
      %dma_wait3A_176 = tpu.memref_slice %arg27[%add3A_45, %dma_wait3A_175] : memref<10112x72xf32, #tpu.memory_space<vmem_shared>> -> memref<79x72xf32, #tpu.memory_space<vmem_shared>>
      %dma_wait3A_177 = arith.constant 0 : i32
      %dma_wait3A_178 = tpu.memref_slice %arg27[%add3A_45, %dma_wait3A_177] : memref<10112x72xf32, #tpu.memory_space<vmem_shared>> -> memref<79x72xf32, #tpu.memory_space<vmem_shared>>
      tpu.wait_dma2 semaphore(%run_scoped3A : memref<!tpu.dma_semaphore, #tpu.memory_space<semaphore_mem>>) src(%arg26 : memref<79x72xf32, #tpu.memory_space<vmem>>) dst(%dma_wait3A_178 : memref<79x72xf32, #tpu.memory_space<vmem_shared>>)
      tpu.yield
    }) : () -> ()
    %mul3A_46 = arith.constant 632 : i32
    %mul3A_47 = arith.muli %arg1, %mul3A_46 : i32
    %add3A_48 = arith.constant 395 : i32
    %add3A_49 = arith.addi %mul3A_47, %add3A_48 : i32
    "tpu.region"() ({
      %run_scoped3A = tpu.sem_alloc : memref<!tpu.dma_semaphore, #tpu.memory_space<semaphore_mem>>
      %dma_start3A_171 = arith.constant 0 : i32
      %dma_start3A_172 = tpu.memref_slice %arg27[%add3A_49, %dma_start3A_171] : memref<10112x72xf32, #tpu.memory_space<vmem_shared>> -> memref<79x72xf32, #tpu.memory_space<vmem_shared>>
      %dma_start3A_173 = arith.constant 0 : i32
      %dma_start3A_174 = tpu.memref_slice %arg27[%add3A_49, %dma_start3A_173] : memref<10112x72xf32, #tpu.memory_space<vmem_shared>> -> memref<79x72xf32, #tpu.memory_space<vmem_shared>>
      tpu.enqueue_dma source(%arg26 : memref<79x72xf32, #tpu.memory_space<vmem>>) target(%dma_start3A_174 : memref<79x72xf32, #tpu.memory_space<vmem_shared>>) target_semaphore(%run_scoped3A : memref<!tpu.dma_semaphore, #tpu.memory_space<semaphore_mem>>)
      %dma_wait3A_175 = arith.constant 0 : i32
      %dma_wait3A_176 = tpu.memref_slice %arg27[%add3A_49, %dma_wait3A_175] : memref<10112x72xf32, #tpu.memory_space<vmem_shared>> -> memref<79x72xf32, #tpu.memory_space<vmem_shared>>
      %dma_wait3A_177 = arith.constant 0 : i32
      %dma_wait3A_178 = tpu.memref_slice %arg27[%add3A_49, %dma_wait3A_177] : memref<10112x72xf32, #tpu.memory_space<vmem_shared>> -> memref<79x72xf32, #tpu.memory_space<vmem_shared>>
      tpu.wait_dma2 semaphore(%run_scoped3A : memref<!tpu.dma_semaphore, #tpu.memory_space<semaphore_mem>>) src(%arg26 : memref<79x72xf32, #tpu.memory_space<vmem>>) dst(%dma_wait3A_178 : memref<79x72xf32, #tpu.memory_space<vmem_shared>>)
      tpu.yield
    }) : () -> ()
    %mul3A_50 = arith.constant 632 : i32
    %mul3A_51 = arith.muli %arg1, %mul3A_50 : i32
    %add3A_52 = arith.constant 474 : i32
    %add3A_53 = arith.addi %mul3A_51, %add3A_52 : i32
    "tpu.region"() ({
      %run_scoped3A = tpu.sem_alloc : memref<!tpu.dma_semaphore, #tpu.memory_space<semaphore_mem>>
      %dma_start3A_171 = arith.constant 0 : i32
      %dma_start3A_172 = tpu.memref_slice %arg27[%add3A_53, %dma_start3A_171] : memref<10112x72xf32, #tpu.memory_space<vmem_shared>> -> memref<79x72xf32, #tpu.memory_space<vmem_shared>>
      %dma_start3A_173 = arith.constant 0 : i32
      %dma_start3A_174 = tpu.memref_slice %arg27[%add3A_53, %dma_start3A_173] : memref<10112x72xf32, #tpu.memory_space<vmem_shared>> -> memref<79x72xf32, #tpu.memory_space<vmem_shared>>
      tpu.enqueue_dma source(%arg26 : memref<79x72xf32, #tpu.memory_space<vmem>>) target(%dma_start3A_174 : memref<79x72xf32, #tpu.memory_space<vmem_shared>>) target_semaphore(%run_scoped3A : memref<!tpu.dma_semaphore, #tpu.memory_space<semaphore_mem>>)
      %dma_wait3A_175 = arith.constant 0 : i32
      %dma_wait3A_176 = tpu.memref_slice %arg27[%add3A_53, %dma_wait3A_175] : memref<10112x72xf32, #tpu.memory_space<vmem_shared>> -> memref<79x72xf32, #tpu.memory_space<vmem_shared>>
      %dma_wait3A_177 = arith.constant 0 : i32
      %dma_wait3A_178 = tpu.memref_slice %arg27[%add3A_53, %dma_wait3A_177] : memref<10112x72xf32, #tpu.memory_space<vmem_shared>> -> memref<79x72xf32, #tpu.memory_space<vmem_shared>>
      tpu.wait_dma2 semaphore(%run_scoped3A : memref<!tpu.dma_semaphore, #tpu.memory_space<semaphore_mem>>) src(%arg26 : memref<79x72xf32, #tpu.memory_space<vmem>>) dst(%dma_wait3A_178 : memref<79x72xf32, #tpu.memory_space<vmem_shared>>)
      tpu.yield
    }) : () -> ()
    %mul3A_54 = arith.constant 632 : i32
    %mul3A_55 = arith.muli %arg1, %mul3A_54 : i32
    %add3A_56 = arith.constant 553 : i32
    %add3A_57 = arith.addi %mul3A_55, %add3A_56 : i32
    "tpu.region"() ({
      %run_scoped3A = tpu.sem_alloc : memref<!tpu.dma_semaphore, #tpu.memory_space<semaphore_mem>>
      %dma_start3A_171 = arith.constant 0 : i32
      %dma_start3A_172 = tpu.memref_slice %arg27[%add3A_57, %dma_start3A_171] : memref<10112x72xf32, #tpu.memory_space<vmem_shared>> -> memref<79x72xf32, #tpu.memory_space<vmem_shared>>
      %dma_start3A_173 = arith.constant 0 : i32
      %dma_start3A_174 = tpu.memref_slice %arg27[%add3A_57, %dma_start3A_173] : memref<10112x72xf32, #tpu.memory_space<vmem_shared>> -> memref<79x72xf32, #tpu.memory_space<vmem_shared>>
      tpu.enqueue_dma source(%arg26 : memref<79x72xf32, #tpu.memory_space<vmem>>) target(%dma_start3A_174 : memref<79x72xf32, #tpu.memory_space<vmem_shared>>) target_semaphore(%run_scoped3A : memref<!tpu.dma_semaphore, #tpu.memory_space<semaphore_mem>>)
      %dma_wait3A_175 = arith.constant 0 : i32
      %dma_wait3A_176 = tpu.memref_slice %arg27[%add3A_57, %dma_wait3A_175] : memref<10112x72xf32, #tpu.memory_space<vmem_shared>> -> memref<79x72xf32, #tpu.memory_space<vmem_shared>>
      %dma_wait3A_177 = arith.constant 0 : i32
      %dma_wait3A_178 = tpu.memref_slice %arg27[%add3A_57, %dma_wait3A_177] : memref<10112x72xf32, #tpu.memory_space<vmem_shared>> -> memref<79x72xf32, #tpu.memory_space<vmem_shared>>
      tpu.wait_dma2 semaphore(%run_scoped3A : memref<!tpu.dma_semaphore, #tpu.memory_space<semaphore_mem>>) src(%arg26 : memref<79x72xf32, #tpu.memory_space<vmem>>) dst(%dma_wait3A_178 : memref<79x72xf32, #tpu.memory_space<vmem_shared>>)
      tpu.yield
    }) : () -> ()
    %barrier3A = arith.constant 0 : index
    tpu.barrier barrier_id(%barrier3A)
    %mul3A_58 = arith.constant 81 : i32
    %mul3A_59 = arith.muli %add3A, %mul3A_58 : i32
    %add3A_60 = arith.constant 0 : i32
    %add3A_61 = arith.addi %mul3A_59, %add3A_60 : i32
    %mul3A_62 = arith.constant 128 : i32
    %mul3A_63 = arith.muli %add3A_61, %mul3A_62 : i32
    "tpu.region"() ({
      %run_scoped3A = tpu.sem_alloc : memref<!tpu.dma_semaphore, #tpu.memory_space<semaphore_mem>>
      %dma_start3A_171 = tpu.memref_slice %arg4[%mul3A_63] : memref<331776xi32, #tpu.memory_space<hbm>> -> memref<128xi32, #tpu.memory_space<hbm>>
      %dma_start3A_172 = tpu.memref_slice %arg4[%mul3A_63] : memref<331776xi32, #tpu.memory_space<hbm>> -> memref<128xi32, #tpu.memory_space<hbm>>
      tpu.enqueue_dma source(%dma_start3A_172 : memref<128xi32, #tpu.memory_space<hbm>>) target(%arg8 : memref<128xi32, #tpu.memory_space<vmem>>) target_semaphore(%run_scoped3A : memref<!tpu.dma_semaphore, #tpu.memory_space<semaphore_mem>>)
      %dma_wait3A_173 = tpu.memref_slice %arg4[%mul3A_63] : memref<331776xi32, #tpu.memory_space<hbm>> -> memref<128xi32, #tpu.memory_space<hbm>>
      %dma_wait3A_174 = tpu.memref_slice %arg4[%mul3A_63] : memref<331776xi32, #tpu.memory_space<hbm>> -> memref<128xi32, #tpu.memory_space<hbm>>
      tpu.wait_dma2 semaphore(%run_scoped3A : memref<!tpu.dma_semaphore, #tpu.memory_space<semaphore_mem>>) src(%dma_wait3A_174 : memref<128xi32, #tpu.memory_space<hbm>>) dst(%arg8 : memref<128xi32, #tpu.memory_space<vmem>>)
      tpu.yield
    }) : () -> ()
    %dma_start3A = arith.constant 0 : i32
    %dma_start3A_64 = arith.constant 0 : i32
    %dma_start3A_65 = tpu.memref_slice %arg2[%dma_start3A, %dma_start3A_64] : memref<10112x80xf32, #tpu.memory_space<hbm>> -> memref<10112x80xf32, #tpu.memory_space<hbm>>
    tpu.enqueue_indirect_dma source(%dma_start3A_65 : memref<10112x80xf32, #tpu.memory_space<hbm>>) target(%arg14 : memref<128x80xf32, #tpu.memory_space<vmem>>) offsets(%arg8 : memref<128xi32, #tpu.memory_space<vmem>>) semaphore(%arg28 : memref<!tpu.dma_semaphore, #tpu.memory_space<semaphore_mem>>)
    "tpu.region"() ({
      %run_scoped3A = tpu.sem_alloc : memref<!tpu.dma_semaphore, #tpu.memory_space<semaphore_mem>>
      %dma_start3A_171 = tpu.memref_slice %arg5[%mul3A_63] : memref<331776xi32, #tpu.memory_space<hbm>> -> memref<128xi32, #tpu.memory_space<hbm>>
      %dma_start3A_172 = tpu.memref_slice %arg5[%mul3A_63] : memref<331776xi32, #tpu.memory_space<hbm>> -> memref<128xi32, #tpu.memory_space<hbm>>
      tpu.enqueue_dma source(%dma_start3A_172 : memref<128xi32, #tpu.memory_space<hbm>>) target(%arg11 : memref<128xi32, #tpu.memory_space<vmem>>) target_semaphore(%run_scoped3A : memref<!tpu.dma_semaphore, #tpu.memory_space<semaphore_mem>>)
      %dma_wait3A_173 = tpu.memref_slice %arg5[%mul3A_63] : memref<331776xi32, #tpu.memory_space<hbm>> -> memref<128xi32, #tpu.memory_space<hbm>>
      %dma_wait3A_174 = tpu.memref_slice %arg5[%mul3A_63] : memref<331776xi32, #tpu.memory_space<hbm>> -> memref<128xi32, #tpu.memory_space<hbm>>
      tpu.wait_dma2 semaphore(%run_scoped3A : memref<!tpu.dma_semaphore, #tpu.memory_space<semaphore_mem>>) src(%dma_wait3A_174 : memref<128xi32, #tpu.memory_space<hbm>>) dst(%arg11 : memref<128xi32, #tpu.memory_space<vmem>>)
      tpu.yield
    }) : () -> ()
    %dma_start3A_66 = arith.constant 0 : i32
    %dma_start3A_67 = arith.constant 0 : i32
    %dma_start3A_68 = tpu.memref_slice %arg3[%dma_start3A_66, %dma_start3A_67] : memref<10112x32xf32, #tpu.memory_space<hbm>> -> memref<10112x32xf32, #tpu.memory_space<hbm>>
    tpu.enqueue_indirect_dma source(%dma_start3A_68 : memref<10112x32xf32, #tpu.memory_space<hbm>>) target(%arg17 : memref<128x32xf32, #tpu.memory_space<vmem>>) offsets(%arg11 : memref<128xi32, #tpu.memory_space<vmem>>) semaphore(%arg31 : memref<!tpu.dma_semaphore, #tpu.memory_space<semaphore_mem>>)
    %mul3A_69 = arith.constant 81 : i32
    %mul3A_70 = arith.muli %add3A, %mul3A_69 : i32
    %add3A_71 = arith.constant 1 : i32
    %add3A_72 = arith.addi %mul3A_70, %add3A_71 : i32
    %mul3A_73 = arith.constant 128 : i32
    %mul3A_74 = arith.muli %add3A_72, %mul3A_73 : i32
    "tpu.region"() ({
      %run_scoped3A = tpu.sem_alloc : memref<!tpu.dma_semaphore, #tpu.memory_space<semaphore_mem>>
      %dma_start3A_171 = tpu.memref_slice %arg4[%mul3A_74] : memref<331776xi32, #tpu.memory_space<hbm>> -> memref<128xi32, #tpu.memory_space<hbm>>
      %dma_start3A_172 = tpu.memref_slice %arg4[%mul3A_74] : memref<331776xi32, #tpu.memory_space<hbm>> -> memref<128xi32, #tpu.memory_space<hbm>>
      tpu.enqueue_dma source(%dma_start3A_172 : memref<128xi32, #tpu.memory_space<hbm>>) target(%arg9 : memref<128xi32, #tpu.memory_space<vmem>>) target_semaphore(%run_scoped3A : memref<!tpu.dma_semaphore, #tpu.memory_space<semaphore_mem>>)
      %dma_wait3A_173 = tpu.memref_slice %arg4[%mul3A_74] : memref<331776xi32, #tpu.memory_space<hbm>> -> memref<128xi32, #tpu.memory_space<hbm>>
      %dma_wait3A_174 = tpu.memref_slice %arg4[%mul3A_74] : memref<331776xi32, #tpu.memory_space<hbm>> -> memref<128xi32, #tpu.memory_space<hbm>>
      tpu.wait_dma2 semaphore(%run_scoped3A : memref<!tpu.dma_semaphore, #tpu.memory_space<semaphore_mem>>) src(%dma_wait3A_174 : memref<128xi32, #tpu.memory_space<hbm>>) dst(%arg9 : memref<128xi32, #tpu.memory_space<vmem>>)
      tpu.yield
    }) : () -> ()
    %dma_start3A_75 = arith.constant 0 : i32
    %dma_start3A_76 = arith.constant 0 : i32
    %dma_start3A_77 = tpu.memref_slice %arg2[%dma_start3A_75, %dma_start3A_76] : memref<10112x80xf32, #tpu.memory_space<hbm>> -> memref<10112x80xf32, #tpu.memory_space<hbm>>
    tpu.enqueue_indirect_dma source(%dma_start3A_77 : memref<10112x80xf32, #tpu.memory_space<hbm>>) target(%arg15 : memref<128x80xf32, #tpu.memory_space<vmem>>) offsets(%arg9 : memref<128xi32, #tpu.memory_space<vmem>>) semaphore(%arg29 : memref<!tpu.dma_semaphore, #tpu.memory_space<semaphore_mem>>)
    "tpu.region"() ({
      %run_scoped3A = tpu.sem_alloc : memref<!tpu.dma_semaphore, #tpu.memory_space<semaphore_mem>>
      %dma_start3A_171 = tpu.memref_slice %arg5[%mul3A_74] : memref<331776xi32, #tpu.memory_space<hbm>> -> memref<128xi32, #tpu.memory_space<hbm>>
      %dma_start3A_172 = tpu.memref_slice %arg5[%mul3A_74] : memref<331776xi32, #tpu.memory_space<hbm>> -> memref<128xi32, #tpu.memory_space<hbm>>
      tpu.enqueue_dma source(%dma_start3A_172 : memref<128xi32, #tpu.memory_space<hbm>>) target(%arg12 : memref<128xi32, #tpu.memory_space<vmem>>) target_semaphore(%run_scoped3A : memref<!tpu.dma_semaphore, #tpu.memory_space<semaphore_mem>>)
      %dma_wait3A_173 = tpu.memref_slice %arg5[%mul3A_74] : memref<331776xi32, #tpu.memory_space<hbm>> -> memref<128xi32, #tpu.memory_space<hbm>>
      %dma_wait3A_174 = tpu.memref_slice %arg5[%mul3A_74] : memref<331776xi32, #tpu.memory_space<hbm>> -> memref<128xi32, #tpu.memory_space<hbm>>
      tpu.wait_dma2 semaphore(%run_scoped3A : memref<!tpu.dma_semaphore, #tpu.memory_space<semaphore_mem>>) src(%dma_wait3A_174 : memref<128xi32, #tpu.memory_space<hbm>>) dst(%arg12 : memref<128xi32, #tpu.memory_space<vmem>>)
      tpu.yield
    }) : () -> ()
    %dma_start3A_78 = arith.constant 0 : i32
    %dma_start3A_79 = arith.constant 0 : i32
    %dma_start3A_80 = tpu.memref_slice %arg3[%dma_start3A_78, %dma_start3A_79] : memref<10112x32xf32, #tpu.memory_space<hbm>> -> memref<10112x32xf32, #tpu.memory_space<hbm>>
    tpu.enqueue_indirect_dma source(%dma_start3A_80 : memref<10112x32xf32, #tpu.memory_space<hbm>>) target(%arg18 : memref<128x32xf32, #tpu.memory_space<vmem>>) offsets(%arg12 : memref<128xi32, #tpu.memory_space<vmem>>) semaphore(%arg32 : memref<!tpu.dma_semaphore, #tpu.memory_space<semaphore_mem>>)
    %mul3A_81 = arith.constant 81 : i32
    %mul3A_82 = arith.muli %add3A, %mul3A_81 : i32
    %add3A_83 = arith.constant 2 : i32
    %add3A_84 = arith.addi %mul3A_82, %add3A_83 : i32
    %mul3A_85 = arith.constant 128 : i32
    %mul3A_86 = arith.muli %add3A_84, %mul3A_85 : i32
    "tpu.region"() ({
      %run_scoped3A = tpu.sem_alloc : memref<!tpu.dma_semaphore, #tpu.memory_space<semaphore_mem>>
      %dma_start3A_171 = tpu.memref_slice %arg4[%mul3A_86] : memref<331776xi32, #tpu.memory_space<hbm>> -> memref<128xi32, #tpu.memory_space<hbm>>
      %dma_start3A_172 = tpu.memref_slice %arg4[%mul3A_86] : memref<331776xi32, #tpu.memory_space<hbm>> -> memref<128xi32, #tpu.memory_space<hbm>>
      tpu.enqueue_dma source(%dma_start3A_172 : memref<128xi32, #tpu.memory_space<hbm>>) target(%arg10 : memref<128xi32, #tpu.memory_space<vmem>>) target_semaphore(%run_scoped3A : memref<!tpu.dma_semaphore, #tpu.memory_space<semaphore_mem>>)
      %dma_wait3A_173 = tpu.memref_slice %arg4[%mul3A_86] : memref<331776xi32, #tpu.memory_space<hbm>> -> memref<128xi32, #tpu.memory_space<hbm>>
      %dma_wait3A_174 = tpu.memref_slice %arg4[%mul3A_86] : memref<331776xi32, #tpu.memory_space<hbm>> -> memref<128xi32, #tpu.memory_space<hbm>>
      tpu.wait_dma2 semaphore(%run_scoped3A : memref<!tpu.dma_semaphore, #tpu.memory_space<semaphore_mem>>) src(%dma_wait3A_174 : memref<128xi32, #tpu.memory_space<hbm>>) dst(%arg10 : memref<128xi32, #tpu.memory_space<vmem>>)
      tpu.yield
    }) : () -> ()
    %dma_start3A_87 = arith.constant 0 : i32
    %dma_start3A_88 = arith.constant 0 : i32
    %dma_start3A_89 = tpu.memref_slice %arg2[%dma_start3A_87, %dma_start3A_88] : memref<10112x80xf32, #tpu.memory_space<hbm>> -> memref<10112x80xf32, #tpu.memory_space<hbm>>
    tpu.enqueue_indirect_dma source(%dma_start3A_89 : memref<10112x80xf32, #tpu.memory_space<hbm>>) target(%arg16 : memref<128x80xf32, #tpu.memory_space<vmem>>) offsets(%arg10 : memref<128xi32, #tpu.memory_space<vmem>>) semaphore(%arg30 : memref<!tpu.dma_semaphore, #tpu.memory_space<semaphore_mem>>)
    "tpu.region"() ({
      %run_scoped3A = tpu.sem_alloc : memref<!tpu.dma_semaphore, #tpu.memory_space<semaphore_mem>>
      %dma_start3A_171 = tpu.memref_slice %arg5[%mul3A_86] : memref<331776xi32, #tpu.memory_space<hbm>> -> memref<128xi32, #tpu.memory_space<hbm>>
      %dma_start3A_172 = tpu.memref_slice %arg5[%mul3A_86] : memref<331776xi32, #tpu.memory_space<hbm>> -> memref<128xi32, #tpu.memory_space<hbm>>
      tpu.enqueue_dma source(%dma_start3A_172 : memref<128xi32, #tpu.memory_space<hbm>>) target(%arg13 : memref<128xi32, #tpu.memory_space<vmem>>) target_semaphore(%run_scoped3A : memref<!tpu.dma_semaphore, #tpu.memory_space<semaphore_mem>>)
      %dma_wait3A_173 = tpu.memref_slice %arg5[%mul3A_86] : memref<331776xi32, #tpu.memory_space<hbm>> -> memref<128xi32, #tpu.memory_space<hbm>>
      %dma_wait3A_174 = tpu.memref_slice %arg5[%mul3A_86] : memref<331776xi32, #tpu.memory_space<hbm>> -> memref<128xi32, #tpu.memory_space<hbm>>
      tpu.wait_dma2 semaphore(%run_scoped3A : memref<!tpu.dma_semaphore, #tpu.memory_space<semaphore_mem>>) src(%dma_wait3A_174 : memref<128xi32, #tpu.memory_space<hbm>>) dst(%arg13 : memref<128xi32, #tpu.memory_space<vmem>>)
      tpu.yield
    }) : () -> ()
    %dma_start3A_90 = arith.constant 0 : i32
    %dma_start3A_91 = arith.constant 0 : i32
    %dma_start3A_92 = tpu.memref_slice %arg3[%dma_start3A_90, %dma_start3A_91] : memref<10112x32xf32, #tpu.memory_space<hbm>> -> memref<10112x32xf32, #tpu.memory_space<hbm>>
    tpu.enqueue_indirect_dma source(%dma_start3A_92 : memref<10112x32xf32, #tpu.memory_space<hbm>>) target(%arg19 : memref<128x32xf32, #tpu.memory_space<vmem>>) offsets(%arg13 : memref<128xi32, #tpu.memory_space<vmem>>) semaphore(%arg33 : memref<!tpu.dma_semaphore, #tpu.memory_space<semaphore_mem>>)
    %scan3A = arith.constant 0 : i32
    %scan3A_93 = arith.constant 0 : i32
    %scan3A_94 = arith.constant 27 : i32
    %scan3A_95 = arith.addi %scan3A_93, %scan3A_94 : i32
    %scan3A_96 = arith.constant 1 : i32
    scf.for %scan3A_171 = %scan3A_93 to %scan3A_95 step %scan3A_96  : i32 {
      %mul3A_172 = arith.constant 3 : i32
      %mul3A_173 = arith.muli %scan3A_171, %mul3A_172 : i32
      %add3A_174 = arith.constant 0 : i32
      %add3A_175 = arith.addi %mul3A_173, %add3A_174 : i32
      %dma_wait3A_176 = arith.constant 0 : i32
      %dma_wait3A_177 = arith.constant 0 : i32
      %dma_wait3A_178 = tpu.memref_slice %arg2[%dma_wait3A_176, %dma_wait3A_177] : memref<10112x80xf32, #tpu.memory_space<hbm>> -> memref<10112x80xf32, #tpu.memory_space<hbm>>
      tpu.wait_indirect_dma semaphore(%arg28 : memref<!tpu.dma_semaphore, #tpu.memory_space<semaphore_mem>>) src(%dma_wait3A_178 : memref<10112x80xf32, #tpu.memory_space<hbm>>) dst(%arg14 : memref<128x80xf32, #tpu.memory_space<vmem>>)
      %dma_wait3A_179 = arith.constant 0 : i32
      %dma_wait3A_180 = arith.constant 0 : i32
      %dma_wait3A_181 = tpu.memref_slice %arg3[%dma_wait3A_179, %dma_wait3A_180] : memref<10112x32xf32, #tpu.memory_space<hbm>> -> memref<10112x32xf32, #tpu.memory_space<hbm>>
      tpu.wait_indirect_dma semaphore(%arg31 : memref<!tpu.dma_semaphore, #tpu.memory_space<semaphore_mem>>) src(%dma_wait3A_181 : memref<10112x32xf32, #tpu.memory_space<hbm>>) dst(%arg17 : memref<128x32xf32, #tpu.memory_space<vmem>>)
      %gt3A = arith.constant 0 : i32
      %gt3A_182 = arith.cmpi sgt, %scan3A_171, %gt3A : i32
      %convert_element_type3A = arith.extui %gt3A_182 : i1 to i32
      %cond3A = arith.constant 0 : i32
      %cond3A_183 = arith.cmpi ne, %convert_element_type3A, %cond3A : i32
      scf.if %cond3A_183 {
        %dma_wait3A_260 = arith.constant 0 : i32
        %dma_wait3A_261 = arith.constant 0 : i32
        %dma_wait3A_262 = tpu.memref_slice %arg27[%dma_wait3A_260, %dma_wait3A_261] : memref<10112x72xf32, #tpu.memory_space<vmem_shared>> -> memref<10112x72xf32, #tpu.memory_space<vmem_shared>>
        tpu.wait_indirect_dma semaphore(%arg34 : memref<!tpu.dma_semaphore, #tpu.memory_space<semaphore_mem>>) src(%arg20 : memref<128x72xf32, #tpu.memory_space<vmem>>) dst(%dma_wait3A_262 : memref<10112x72xf32, #tpu.memory_space<vmem_shared>>)
      } else {
      }
      %parallel_loop3A = arith.constant 0 : i32
      %parallel_loop3A_184 = arith.constant 128 : i32
      %parallel_loop3A_185 = arith.constant 1 : i32
      scf.for %parallel_loop3A_260 = %parallel_loop3A to %parallel_loop3A_184 step %parallel_loop3A_185  : i32 {
        %parallel_loop3A_261 = arith.index_cast %parallel_loop3A_260 : i32 to index
        %parallel_loop3A_262 = arith.constant 64 : index
        %parallel_loop3A_263 = tpu.vector_load %arg14[%parallel_loop3A_261, %parallel_loop3A_262] {strides = array<i32>} : memref<128x80xf32, #tpu.memory_space<vmem>>, vector<1x16xf32>,
        %parallel_loop3A_264 = vector.shape_cast %parallel_loop3A_263 : vector<1x16xf32> to vector<16xf32>
        %parallel_loop3A_265 = arith.index_cast %parallel_loop3A_260 : i32 to index
        %parallel_loop3A_266 = arith.constant 0 : index
        %parallel_loop3A_267 = tpu.vector_load %arg17[%parallel_loop3A_265, %parallel_loop3A_266] {strides = array<i32>} : memref<128x32xf32, #tpu.memory_space<vmem>>, vector<1x16xf32>,
        %parallel_loop3A_268 = vector.shape_cast %parallel_loop3A_267 : vector<1x16xf32> to vector<16xf32>
        %parallel_loop3A_269 = arith.index_cast %parallel_loop3A_260 : i32 to index
        %parallel_loop3A_270 = arith.constant 16 : index
        %parallel_loop3A_271 = tpu.vector_load %arg17[%parallel_loop3A_269, %parallel_loop3A_270] {strides = array<i32>} : memref<128x32xf32, #tpu.memory_space<vmem>>, vector<1x16xf32>,
        %parallel_loop3A_272 = vector.shape_cast %parallel_loop3A_271 : vector<1x16xf32> to vector<16xf32>
        %parallel_loop3A_273 = arith.addf %parallel_loop3A_264, %parallel_loop3A_268 : vector<16xf32>
        %parallel_loop3A_274 = arith.constant 2.000000e-01 : f32
        %parallel_loop3A_275 = vector.broadcast %parallel_loop3A_274 : f32 to vector<16xf32>
        %parallel_loop3A_276 = arith.mulf %parallel_loop3A_275, %parallel_loop3A_273 : vector<16xf32>
        %parallel_loop3A_277 = arith.maximumf %parallel_loop3A_273, %parallel_loop3A_276 : vector<16xf32>
        %parallel_loop3A_278 = arith.subf %parallel_loop3A_277, %parallel_loop3A_272 : vector<16xf32>
        %parallel_loop3A_279 = math.exp %parallel_loop3A_278 : vector<16xf32>
        %parallel_loop3A_280 = arith.constant 0 : i32
        %parallel_loop3A_281 = vector.broadcast %parallel_loop3A_280 : i32 to vector<16xi32>
        %parallel_loop3A_282 = arith.cmpi slt, %and3A_2, %parallel_loop3A_281 : vector<16xi32>
        %parallel_loop3A_283 = arith.constant 16 : i32
        %parallel_loop3A_284 = vector.broadcast %parallel_loop3A_283 : i32 to vector<16xi32>
        %parallel_loop3A_285 = arith.addi %and3A_2, %parallel_loop3A_284 : vector<16xi32>
        %parallel_loop3A_286 = arith.select %parallel_loop3A_282, %parallel_loop3A_285, %and3A_2 : vector<16xi1>, vector<16xi32>
        %parallel_loop3A_287 = vector.shape_cast %parallel_loop3A_286 : vector<16xi32> to vector<16x1xi32>
        %parallel_loop3A_288 = vector.shape_cast %parallel_loop3A_287 : vector<16x1xi32> to vector<16xi32>
        %parallel_loop3A_289 = tpu.dynamic_gather %parallel_loop3A_279[%parallel_loop3A_288] in [0] : vector<16xf32>, vector<16xi32> -> vector<16xf32>
        %parallel_loop3A_290 = arith.index_cast %parallel_loop3A_260 : i32 to index
        %parallel_loop3A_291 = arith.constant 56 : index
        %parallel_loop3A_292 = tpu.vector_load %arg20[%parallel_loop3A_290, %parallel_loop3A_291] {strides = array<i32>} : memref<128x72xf32, #tpu.memory_space<vmem>>, vector<1x16xf32>,
        %parallel_loop3A_293 = vector.shape_cast %parallel_loop3A_292 : vector<1x16xf32> to vector<16xf32>
        %parallel_loop3A_294 = vector.shape_cast %parallel_loop3A_289 : vector<16xf32> to vector<1x16xf32>
        tpu.vector_store %arg20[%parallel_loop3A_290, %parallel_loop3A_291], %parallel_loop3A_294 {strides = array<i32>} : memref<128x72xf32, #tpu.memory_space<vmem>>, vector<1x16xf32>,
        %parallel_loop3A_295 = arith.index_cast %parallel_loop3A_260 : i32 to index
        %parallel_loop3A_296 = arith.constant 0 : index
        %parallel_loop3A_297 = tpu.vector_load %arg14[%parallel_loop3A_295, %parallel_loop3A_296] {strides = array<i32>} : memref<128x80xf32, #tpu.memory_space<vmem>>, vector<1x16xf32>,
        %parallel_loop3A_298 = vector.shape_cast %parallel_loop3A_297 : vector<1x16xf32> to vector<16xf32>
        %parallel_loop3A_299 = arith.constant 0 : i32
        %parallel_loop3A_300 = vector.broadcast %parallel_loop3A_299 : i32 to vector<16xi32>
        %parallel_loop3A_301 = arith.cmpi slt, %shift_right_logical3A_7, %parallel_loop3A_300 : vector<16xi32>
        %parallel_loop3A_302 = arith.constant 16 : i32
        %parallel_loop3A_303 = vector.broadcast %parallel_loop3A_302 : i32 to vector<16xi32>
        %parallel_loop3A_304 = arith.addi %shift_right_logical3A_7, %parallel_loop3A_303 : vector<16xi32>
        %parallel_loop3A_305 = arith.select %parallel_loop3A_301, %parallel_loop3A_304, %shift_right_logical3A_7 : vector<16xi1>, vector<16xi32>
        %parallel_loop3A_306 = vector.shape_cast %parallel_loop3A_305 : vector<16xi32> to vector<16x1xi32>
        %parallel_loop3A_307 = vector.shape_cast %parallel_loop3A_306 : vector<16x1xi32> to vector<16xi32>
        %parallel_loop3A_308 = tpu.dynamic_gather %parallel_loop3A_279[%parallel_loop3A_307] in [0] : vector<16xf32>, vector<16xi32> -> vector<16xf32>
        %parallel_loop3A_309 = arith.mulf %parallel_loop3A_298, %parallel_loop3A_308 : vector<16xf32>
        %parallel_loop3A_310 = arith.index_cast %parallel_loop3A_260 : i32 to index
        %parallel_loop3A_311 = arith.constant 0 : index
        %parallel_loop3A_312 = tpu.vector_load %arg20[%parallel_loop3A_310, %parallel_loop3A_311] {strides = array<i32>} : memref<128x72xf32, #tpu.memory_space<vmem>>, vector<1x16xf32>,
        %parallel_loop3A_313 = vector.shape_cast %parallel_loop3A_312 : vector<1x16xf32> to vector<16xf32>
        %parallel_loop3A_314 = vector.shape_cast %parallel_loop3A_309 : vector<16xf32> to vector<1x16xf32>
        tpu.vector_store %arg20[%parallel_loop3A_310, %parallel_loop3A_311], %parallel_loop3A_314 {strides = array<i32>} : memref<128x72xf32, #tpu.memory_space<vmem>>, vector<1x16xf32>,
        %parallel_loop3A_315 = arith.index_cast %parallel_loop3A_260 : i32 to index
        %parallel_loop3A_316 = arith.constant 16 : index
        %parallel_loop3A_317 = tpu.vector_load %arg14[%parallel_loop3A_315, %parallel_loop3A_316] {strides = array<i32>} : memref<128x80xf32, #tpu.memory_space<vmem>>, vector<1x16xf32>,
        %parallel_loop3A_318 = vector.shape_cast %parallel_loop3A_317 : vector<1x16xf32> to vector<16xf32>
        %parallel_loop3A_319 = arith.constant 0 : i32
        %parallel_loop3A_320 = vector.broadcast %parallel_loop3A_319 : i32 to vector<16xi32>
        %parallel_loop3A_321 = arith.cmpi slt, %shift_right_logical3A_13, %parallel_loop3A_320 : vector<16xi32>
        %parallel_loop3A_322 = arith.constant 16 : i32
        %parallel_loop3A_323 = vector.broadcast %parallel_loop3A_322 : i32 to vector<16xi32>
        %parallel_loop3A_324 = arith.addi %shift_right_logical3A_13, %parallel_loop3A_323 : vector<16xi32>
        %parallel_loop3A_325 = arith.select %parallel_loop3A_321, %parallel_loop3A_324, %shift_right_logical3A_13 : vector<16xi1>, vector<16xi32>
        %parallel_loop3A_326 = vector.shape_cast %parallel_loop3A_325 : vector<16xi32> to vector<16x1xi32>
        %parallel_loop3A_327 = vector.shape_cast %parallel_loop3A_326 : vector<16x1xi32> to vector<16xi32>
        %parallel_loop3A_328 = tpu.dynamic_gather %parallel_loop3A_279[%parallel_loop3A_327] in [0] : vector<16xf32>, vector<16xi32> -> vector<16xf32>
        %parallel_loop3A_329 = arith.mulf %parallel_loop3A_318, %parallel_loop3A_328 : vector<16xf32>
        %parallel_loop3A_330 = arith.index_cast %parallel_loop3A_260 : i32 to index
        %parallel_loop3A_331 = arith.constant 16 : index
        %parallel_loop3A_332 = tpu.vector_load %arg20[%parallel_loop3A_330, %parallel_loop3A_331] {strides = array<i32>} : memref<128x72xf32, #tpu.memory_space<vmem>>, vector<1x16xf32>,
        %parallel_loop3A_333 = vector.shape_cast %parallel_loop3A_332 : vector<1x16xf32> to vector<16xf32>
        %parallel_loop3A_334 = vector.shape_cast %parallel_loop3A_329 : vector<16xf32> to vector<1x16xf32>
        tpu.vector_store %arg20[%parallel_loop3A_330, %parallel_loop3A_331], %parallel_loop3A_334 {strides = array<i32>} : memref<128x72xf32, #tpu.memory_space<vmem>>, vector<1x16xf32>,
        %parallel_loop3A_335 = arith.index_cast %parallel_loop3A_260 : i32 to index
        %parallel_loop3A_336 = arith.constant 32 : index
        %parallel_loop3A_337 = tpu.vector_load %arg14[%parallel_loop3A_335, %parallel_loop3A_336] {strides = array<i32>} : memref<128x80xf32, #tpu.memory_space<vmem>>, vector<1x16xf32>,
        %parallel_loop3A_338 = vector.shape_cast %parallel_loop3A_337 : vector<1x16xf32> to vector<16xf32>
        %parallel_loop3A_339 = arith.constant 0 : i32
        %parallel_loop3A_340 = vector.broadcast %parallel_loop3A_339 : i32 to vector<16xi32>
        %parallel_loop3A_341 = arith.cmpi slt, %shift_right_logical3A_19, %parallel_loop3A_340 : vector<16xi32>
        %parallel_loop3A_342 = arith.constant 16 : i32
        %parallel_loop3A_343 = vector.broadcast %parallel_loop3A_342 : i32 to vector<16xi32>
        %parallel_loop3A_344 = arith.addi %shift_right_logical3A_19, %parallel_loop3A_343 : vector<16xi32>
        %parallel_loop3A_345 = arith.select %parallel_loop3A_341, %parallel_loop3A_344, %shift_right_logical3A_19 : vector<16xi1>, vector<16xi32>
        %parallel_loop3A_346 = vector.shape_cast %parallel_loop3A_345 : vector<16xi32> to vector<16x1xi32>
        %parallel_loop3A_347 = vector.shape_cast %parallel_loop3A_346 : vector<16x1xi32> to vector<16xi32>
        %parallel_loop3A_348 = tpu.dynamic_gather %parallel_loop3A_279[%parallel_loop3A_347] in [0] : vector<16xf32>, vector<16xi32> -> vector<16xf32>
        %parallel_loop3A_349 = arith.mulf %parallel_loop3A_338, %parallel_loop3A_348 : vector<16xf32>
        %parallel_loop3A_350 = arith.index_cast %parallel_loop3A_260 : i32 to index
        %parallel_loop3A_351 = arith.constant 32 : index
        %parallel_loop3A_352 = tpu.vector_load %arg20[%parallel_loop3A_350, %parallel_loop3A_351] {strides = array<i32>} : memref<128x72xf32, #tpu.memory_space<vmem>>, vector<1x16xf32>,
        %parallel_loop3A_353 = vector.shape_cast %parallel_loop3A_352 : vector<1x16xf32> to vector<16xf32>
        %parallel_loop3A_354 = vector.shape_cast %parallel_loop3A_349 : vector<16xf32> to vector<1x16xf32>
        tpu.vector_store %arg20[%parallel_loop3A_350, %parallel_loop3A_351], %parallel_loop3A_354 {strides = array<i32>} : memref<128x72xf32, #tpu.memory_space<vmem>>, vector<1x16xf32>,
        %parallel_loop3A_355 = arith.index_cast %parallel_loop3A_260 : i32 to index
        %parallel_loop3A_356 = arith.constant 48 : index
        %parallel_loop3A_357 = tpu.vector_load %arg14[%parallel_loop3A_355, %parallel_loop3A_356] {strides = array<i32>} : memref<128x80xf32, #tpu.memory_space<vmem>>, vector<1x16xf32>,
        %parallel_loop3A_358 = vector.shape_cast %parallel_loop3A_357 : vector<1x16xf32> to vector<16xf32>
        %parallel_loop3A_359 = arith.constant 0 : i32
        %parallel_loop3A_360 = vector.broadcast %parallel_loop3A_359 : i32 to vector<16xi32>
        %parallel_loop3A_361 = arith.cmpi slt, %shift_right_logical3A_25, %parallel_loop3A_360 : vector<16xi32>
        %parallel_loop3A_362 = arith.constant 16 : i32
        %parallel_loop3A_363 = vector.broadcast %parallel_loop3A_362 : i32 to vector<16xi32>
        %parallel_loop3A_364 = arith.addi %shift_right_logical3A_25, %parallel_loop3A_363 : vector<16xi32>
        %parallel_loop3A_365 = arith.select %parallel_loop3A_361, %parallel_loop3A_364, %shift_right_logical3A_25 : vector<16xi1>, vector<16xi32>
        %parallel_loop3A_366 = vector.shape_cast %parallel_loop3A_365 : vector<16xi32> to vector<16x1xi32>
        %parallel_loop3A_367 = vector.shape_cast %parallel_loop3A_366 : vector<16x1xi32> to vector<16xi32>
        %parallel_loop3A_368 = tpu.dynamic_gather %parallel_loop3A_279[%parallel_loop3A_367] in [0] : vector<16xf32>, vector<16xi32> -> vector<16xf32>
        %parallel_loop3A_369 = arith.mulf %parallel_loop3A_358, %parallel_loop3A_368 : vector<16xf32>
        %parallel_loop3A_370 = arith.index_cast %parallel_loop3A_260 : i32 to index
        %parallel_loop3A_371 = arith.constant 48 : index
        %parallel_loop3A_372 = tpu.vector_load %arg20[%parallel_loop3A_370, %parallel_loop3A_371] {strides = array<i32>} : memref<128x72xf32, #tpu.memory_space<vmem>>, vector<1x16xf32>,
        %parallel_loop3A_373 = vector.shape_cast %parallel_loop3A_372 : vector<1x16xf32> to vector<16xf32>
        %parallel_loop3A_374 = vector.shape_cast %parallel_loop3A_369 : vector<16xf32> to vector<1x16xf32>
        tpu.vector_store %arg20[%parallel_loop3A_370, %parallel_loop3A_371], %parallel_loop3A_374 {strides = array<i32>} : memref<128x72xf32, #tpu.memory_space<vmem>>, vector<1x16xf32>,
      } {sc.loop_unroll_factor = 4 : i64, sc.parallel_access}
      %parallel_loop3A_186 = arith.constant 0 : i32
      %parallel_loop3A_187 = arith.constant 8 : i32
      %parallel_loop3A_188 = arith.constant 1 : i32
      scf.for %parallel_loop3A_260 = %parallel_loop3A_186 to %parallel_loop3A_187 step %parallel_loop3A_188  : i32 {
        %parallel_loop3A_261 = arith.constant 16 : i32
        %parallel_loop3A_262 = arith.muli %parallel_loop3A_260, %parallel_loop3A_261 : i32
        %parallel_loop3A_263 = arith.index_cast %parallel_loop3A_262 : i32 to index
        %parallel_loop3A_264 = tpu.vector_load %arg11[%parallel_loop3A_263] {strides = array<i32>} : memref<128xi32, #tpu.memory_space<vmem>>, vector<16xi32>,
        %parallel_loop3A_265 = vector.shape_cast %parallel_loop3A_264 : vector<16xi32> to vector<16xi32>
        %parallel_loop3A_266 = arith.constant 16 : i32
        %parallel_loop3A_267 = arith.muli %parallel_loop3A_260, %parallel_loop3A_266 : i32
        %parallel_loop3A_268 = arith.index_cast %parallel_loop3A_267 : i32 to index
        %parallel_loop3A_269 = tpu.vector_load %arg23[%parallel_loop3A_268] {strides = array<i32>} : memref<128xi32, #tpu.memory_space<vmem>>, vector<16xi32>,
        %parallel_loop3A_270 = vector.shape_cast %parallel_loop3A_269 : vector<16xi32> to vector<16xi32>
        %parallel_loop3A_271 = vector.shape_cast %parallel_loop3A_265 : vector<16xi32> to vector<16xi32>
        tpu.vector_store %arg23[%parallel_loop3A_268], %parallel_loop3A_271 {strides = array<i32>} : memref<128xi32, #tpu.memory_space<vmem>>, vector<16xi32>,
      } {sc.loop_unroll_factor = 8 : i64, sc.parallel_access}
      %dma_start3A_189 = arith.constant 0 : i32
      %dma_start3A_190 = arith.constant 0 : i32
      %dma_start3A_191 = tpu.memref_slice %arg27[%dma_start3A_189, %dma_start3A_190] : memref<10112x72xf32, #tpu.memory_space<vmem_shared>> -> memref<10112x72xf32, #tpu.memory_space<vmem_shared>>
      tpu.enqueue_indirect_dma source(%arg20 : memref<128x72xf32, #tpu.memory_space<vmem>>) target(%dma_start3A_191 : memref<10112x72xf32, #tpu.memory_space<vmem_shared>>) offsets(%arg23 : memref<128xi32, #tpu.memory_space<vmem>>) semaphore(%arg34 : memref<!tpu.dma_semaphore, #tpu.memory_space<semaphore_mem>>) {add = true}
      %add3A_192 = arith.constant 3 : i32
      %add3A_193 = arith.addi %add3A_175, %add3A_192 : i32
      %lt3A = arith.constant 81 : i32
      %lt3A_194 = arith.cmpi slt, %add3A_193, %lt3A : i32
      %convert_element_type3A_195 = arith.extui %lt3A_194 : i1 to i32
      %cond3A_196 = arith.constant 0 : i32
      %cond3A_197 = arith.cmpi ne, %convert_element_type3A_195, %cond3A_196 : i32
      scf.if %cond3A_197 {
        %add3A_260 = arith.constant 3 : i32
        %add3A_261 = arith.addi %add3A_175, %add3A_260 : i32
        %mul3A_262 = arith.constant 81 : i32
        %mul3A_263 = arith.muli %add3A, %mul3A_262 : i32
        %add3A_264 = arith.addi %mul3A_263, %add3A_261 : i32
        %mul3A_265 = arith.constant 128 : i32
        %mul3A_266 = arith.muli %add3A_264, %mul3A_265 : i32
        "tpu.region"() ({
          %run_scoped3A = tpu.sem_alloc : memref<!tpu.dma_semaphore, #tpu.memory_space<semaphore_mem>>
          %dma_start3A_273 = tpu.memref_slice %arg4[%mul3A_266] : memref<331776xi32, #tpu.memory_space<hbm>> -> memref<128xi32, #tpu.memory_space<hbm>>
          %dma_start3A_274 = tpu.memref_slice %arg4[%mul3A_266] : memref<331776xi32, #tpu.memory_space<hbm>> -> memref<128xi32, #tpu.memory_space<hbm>>
          tpu.enqueue_dma source(%dma_start3A_274 : memref<128xi32, #tpu.memory_space<hbm>>) target(%arg8 : memref<128xi32, #tpu.memory_space<vmem>>) target_semaphore(%run_scoped3A : memref<!tpu.dma_semaphore, #tpu.memory_space<semaphore_mem>>)
          %dma_wait3A_275 = tpu.memref_slice %arg4[%mul3A_266] : memref<331776xi32, #tpu.memory_space<hbm>> -> memref<128xi32, #tpu.memory_space<hbm>>
          %dma_wait3A_276 = tpu.memref_slice %arg4[%mul3A_266] : memref<331776xi32, #tpu.memory_space<hbm>> -> memref<128xi32, #tpu.memory_space<hbm>>
          tpu.wait_dma2 semaphore(%run_scoped3A : memref<!tpu.dma_semaphore, #tpu.memory_space<semaphore_mem>>) src(%dma_wait3A_276 : memref<128xi32, #tpu.memory_space<hbm>>) dst(%arg8 : memref<128xi32, #tpu.memory_space<vmem>>)
          tpu.yield
        }) : () -> ()
        %dma_start3A_267 = arith.constant 0 : i32
        %dma_start3A_268 = arith.constant 0 : i32
        %dma_start3A_269 = tpu.memref_slice %arg2[%dma_start3A_267, %dma_start3A_268] : memref<10112x80xf32, #tpu.memory_space<hbm>> -> memref<10112x80xf32, #tpu.memory_space<hbm>>
        tpu.enqueue_indirect_dma source(%dma_start3A_269 : memref<10112x80xf32, #tpu.memory_space<hbm>>) target(%arg14 : memref<128x80xf32, #tpu.memory_space<vmem>>) offsets(%arg8 : memref<128xi32, #tpu.memory_space<vmem>>) semaphore(%arg28 : memref<!tpu.dma_semaphore, #tpu.memory_space<semaphore_mem>>)
        "tpu.region"() ({
          %run_scoped3A = tpu.sem_alloc : memref<!tpu.dma_semaphore, #tpu.memory_space<semaphore_mem>>
          %dma_start3A_273 = tpu.memref_slice %arg5[%mul3A_266] : memref<331776xi32, #tpu.memory_space<hbm>> -> memref<128xi32, #tpu.memory_space<hbm>>
          %dma_start3A_274 = tpu.memref_slice %arg5[%mul3A_266] : memref<331776xi32, #tpu.memory_space<hbm>> -> memref<128xi32, #tpu.memory_space<hbm>>
          tpu.enqueue_dma source(%dma_start3A_274 : memref<128xi32, #tpu.memory_space<hbm>>) target(%arg11 : memref<128xi32, #tpu.memory_space<vmem>>) target_semaphore(%run_scoped3A : memref<!tpu.dma_semaphore, #tpu.memory_space<semaphore_mem>>)
          %dma_wait3A_275 = tpu.memref_slice %arg5[%mul3A_266] : memref<331776xi32, #tpu.memory_space<hbm>> -> memref<128xi32, #tpu.memory_space<hbm>>
          %dma_wait3A_276 = tpu.memref_slice %arg5[%mul3A_266] : memref<331776xi32, #tpu.memory_space<hbm>> -> memref<128xi32, #tpu.memory_space<hbm>>
          tpu.wait_dma2 semaphore(%run_scoped3A : memref<!tpu.dma_semaphore, #tpu.memory_space<semaphore_mem>>) src(%dma_wait3A_276 : memref<128xi32, #tpu.memory_space<hbm>>) dst(%arg11 : memref<128xi32, #tpu.memory_space<vmem>>)
          tpu.yield
        }) : () -> ()
        %dma_start3A_270 = arith.constant 0 : i32
        %dma_start3A_271 = arith.constant 0 : i32
        %dma_start3A_272 = tpu.memref_slice %arg3[%dma_start3A_270, %dma_start3A_271] : memref<10112x32xf32, #tpu.memory_space<hbm>> -> memref<10112x32xf32, #tpu.memory_space<hbm>>
        tpu.enqueue_indirect_dma source(%dma_start3A_272 : memref<10112x32xf32, #tpu.memory_space<hbm>>) target(%arg17 : memref<128x32xf32, #tpu.memory_space<vmem>>) offsets(%arg11 : memref<128xi32, #tpu.memory_space<vmem>>) semaphore(%arg31 : memref<!tpu.dma_semaphore, #tpu.memory_space<semaphore_mem>>)
      } else {
      }
      %mul3A_198 = arith.constant 3 : i32
      %mul3A_199 = arith.muli %scan3A_171, %mul3A_198 : i32
      %add3A_200 = arith.constant 1 : i32
      %add3A_201 = arith.addi %mul3A_199, %add3A_200 : i32
      %dma_wait3A_202 = arith.constant 0 : i32
      %dma_wait3A_203 = arith.constant 0 : i32
      %dma_wait3A_204 = tpu.memref_slice %arg2[%dma_wait3A_202, %dma_wait3A_203] : memref<10112x80xf32, #tpu.memory_space<hbm>> -> memref<10112x80xf32, #tpu.memory_space<hbm>>
      tpu.wait_indirect_dma semaphore(%arg29 : memref<!tpu.dma_semaphore, #tpu.memory_space<semaphore_mem>>) src(%dma_wait3A_204 : memref<10112x80xf32, #tpu.memory_space<hbm>>) dst(%arg15 : memref<128x80xf32, #tpu.memory_space<vmem>>)
      %dma_wait3A_205 = arith.constant 0 : i32
      %dma_wait3A_206 = arith.constant 0 : i32
      %dma_wait3A_207 = tpu.memref_slice %arg3[%dma_wait3A_205, %dma_wait3A_206] : memref<10112x32xf32, #tpu.memory_space<hbm>> -> memref<10112x32xf32, #tpu.memory_space<hbm>>
      tpu.wait_indirect_dma semaphore(%arg32 : memref<!tpu.dma_semaphore, #tpu.memory_space<semaphore_mem>>) src(%dma_wait3A_207 : memref<10112x32xf32, #tpu.memory_space<hbm>>) dst(%arg18 : memref<128x32xf32, #tpu.memory_space<vmem>>)
      %gt3A_208 = arith.constant 0 : i32
      %gt3A_209 = arith.cmpi sgt, %scan3A_171, %gt3A_208 : i32
      %convert_element_type3A_210 = arith.extui %gt3A_209 : i1 to i32
      %cond3A_211 = arith.constant 0 : i32
      %cond3A_212 = arith.cmpi ne, %convert_element_type3A_210, %cond3A_211 : i32
      scf.if %cond3A_212 {
        %dma_wait3A_260 = arith.constant 0 : i32
        %dma_wait3A_261 = arith.constant 0 : i32
        %dma_wait3A_262 = tpu.memref_slice %arg27[%dma_wait3A_260, %dma_wait3A_261] : memref<10112x72xf32, #tpu.memory_space<vmem_shared>> -> memref<10112x72xf32, #tpu.memory_space<vmem_shared>>
        tpu.wait_indirect_dma semaphore(%arg35 : memref<!tpu.dma_semaphore, #tpu.memory_space<semaphore_mem>>) src(%arg21 : memref<128x72xf32, #tpu.memory_space<vmem>>) dst(%dma_wait3A_262 : memref<10112x72xf32, #tpu.memory_space<vmem_shared>>)
      } else {
      }
      %parallel_loop3A_213 = arith.constant 0 : i32
      %parallel_loop3A_214 = arith.constant 128 : i32
      %parallel_loop3A_215 = arith.constant 1 : i32
      scf.for %parallel_loop3A_260 = %parallel_loop3A_213 to %parallel_loop3A_214 step %parallel_loop3A_215  : i32 {
        %parallel_loop3A_261 = arith.index_cast %parallel_loop3A_260 : i32 to index
        %parallel_loop3A_262 = arith.constant 64 : index
        %parallel_loop3A_263 = tpu.vector_load %arg15[%parallel_loop3A_261, %parallel_loop3A_262] {strides = array<i32>} : memref<128x80xf32, #tpu.memory_space<vmem>>, vector<1x16xf32>,
        %parallel_loop3A_264 = vector.shape_cast %parallel_loop3A_263 : vector<1x16xf32> to vector<16xf32>
        %parallel_loop3A_265 = arith.index_cast %parallel_loop3A_260 : i32 to index
        %parallel_loop3A_266 = arith.constant 0 : index
        %parallel_loop3A_267 = tpu.vector_load %arg18[%parallel_loop3A_265, %parallel_loop3A_266] {strides = array<i32>} : memref<128x32xf32, #tpu.memory_space<vmem>>, vector<1x16xf32>,
        %parallel_loop3A_268 = vector.shape_cast %parallel_loop3A_267 : vector<1x16xf32> to vector<16xf32>
        %parallel_loop3A_269 = arith.index_cast %parallel_loop3A_260 : i32 to index
        %parallel_loop3A_270 = arith.constant 16 : index
        %parallel_loop3A_271 = tpu.vector_load %arg18[%parallel_loop3A_269, %parallel_loop3A_270] {strides = array<i32>} : memref<128x32xf32, #tpu.memory_space<vmem>>, vector<1x16xf32>,
        %parallel_loop3A_272 = vector.shape_cast %parallel_loop3A_271 : vector<1x16xf32> to vector<16xf32>
        %parallel_loop3A_273 = arith.addf %parallel_loop3A_264, %parallel_loop3A_268 : vector<16xf32>
        %parallel_loop3A_274 = arith.constant 2.000000e-01 : f32
        %parallel_loop3A_275 = vector.broadcast %parallel_loop3A_274 : f32 to vector<16xf32>
        %parallel_loop3A_276 = arith.mulf %parallel_loop3A_275, %parallel_loop3A_273 : vector<16xf32>
        %parallel_loop3A_277 = arith.maximumf %parallel_loop3A_273, %parallel_loop3A_276 : vector<16xf32>
        %parallel_loop3A_278 = arith.subf %parallel_loop3A_277, %parallel_loop3A_272 : vector<16xf32>
        %parallel_loop3A_279 = math.exp %parallel_loop3A_278 : vector<16xf32>
        %parallel_loop3A_280 = arith.constant 0 : i32
        %parallel_loop3A_281 = vector.broadcast %parallel_loop3A_280 : i32 to vector<16xi32>
        %parallel_loop3A_282 = arith.cmpi slt, %and3A_2, %parallel_loop3A_281 : vector<16xi32>
        %parallel_loop3A_283 = arith.constant 16 : i32
        %parallel_loop3A_284 = vector.broadcast %parallel_loop3A_283 : i32 to vector<16xi32>
        %parallel_loop3A_285 = arith.addi %and3A_2, %parallel_loop3A_284 : vector<16xi32>
        %parallel_loop3A_286 = arith.select %parallel_loop3A_282, %parallel_loop3A_285, %and3A_2 : vector<16xi1>, vector<16xi32>
        %parallel_loop3A_287 = vector.shape_cast %parallel_loop3A_286 : vector<16xi32> to vector<16x1xi32>
        %parallel_loop3A_288 = vector.shape_cast %parallel_loop3A_287 : vector<16x1xi32> to vector<16xi32>
        %parallel_loop3A_289 = tpu.dynamic_gather %parallel_loop3A_279[%parallel_loop3A_288] in [0] : vector<16xf32>, vector<16xi32> -> vector<16xf32>
        %parallel_loop3A_290 = arith.index_cast %parallel_loop3A_260 : i32 to index
        %parallel_loop3A_291 = arith.constant 56 : index
        %parallel_loop3A_292 = tpu.vector_load %arg21[%parallel_loop3A_290, %parallel_loop3A_291] {strides = array<i32>} : memref<128x72xf32, #tpu.memory_space<vmem>>, vector<1x16xf32>,
        %parallel_loop3A_293 = vector.shape_cast %parallel_loop3A_292 : vector<1x16xf32> to vector<16xf32>
        %parallel_loop3A_294 = vector.shape_cast %parallel_loop3A_289 : vector<16xf32> to vector<1x16xf32>
        tpu.vector_store %arg21[%parallel_loop3A_290, %parallel_loop3A_291], %parallel_loop3A_294 {strides = array<i32>} : memref<128x72xf32, #tpu.memory_space<vmem>>, vector<1x16xf32>,
        %parallel_loop3A_295 = arith.index_cast %parallel_loop3A_260 : i32 to index
        %parallel_loop3A_296 = arith.constant 0 : index
        %parallel_loop3A_297 = tpu.vector_load %arg15[%parallel_loop3A_295, %parallel_loop3A_296] {strides = array<i32>} : memref<128x80xf32, #tpu.memory_space<vmem>>, vector<1x16xf32>,
        %parallel_loop3A_298 = vector.shape_cast %parallel_loop3A_297 : vector<1x16xf32> to vector<16xf32>
        %parallel_loop3A_299 = arith.constant 0 : i32
        %parallel_loop3A_300 = vector.broadcast %parallel_loop3A_299 : i32 to vector<16xi32>
        %parallel_loop3A_301 = arith.cmpi slt, %shift_right_logical3A_7, %parallel_loop3A_300 : vector<16xi32>
        %parallel_loop3A_302 = arith.constant 16 : i32
        %parallel_loop3A_303 = vector.broadcast %parallel_loop3A_302 : i32 to vector<16xi32>
        %parallel_loop3A_304 = arith.addi %shift_right_logical3A_7, %parallel_loop3A_303 : vector<16xi32>
        %parallel_loop3A_305 = arith.select %parallel_loop3A_301, %parallel_loop3A_304, %shift_right_logical3A_7 : vector<16xi1>, vector<16xi32>
        %parallel_loop3A_306 = vector.shape_cast %parallel_loop3A_305 : vector<16xi32> to vector<16x1xi32>
        %parallel_loop3A_307 = vector.shape_cast %parallel_loop3A_306 : vector<16x1xi32> to vector<16xi32>
        %parallel_loop3A_308 = tpu.dynamic_gather %parallel_loop3A_279[%parallel_loop3A_307] in [0] : vector<16xf32>, vector<16xi32> -> vector<16xf32>
        %parallel_loop3A_309 = arith.mulf %parallel_loop3A_298, %parallel_loop3A_308 : vector<16xf32>
        %parallel_loop3A_310 = arith.index_cast %parallel_loop3A_260 : i32 to index
        %parallel_loop3A_311 = arith.constant 0 : index
        %parallel_loop3A_312 = tpu.vector_load %arg21[%parallel_loop3A_310, %parallel_loop3A_311] {strides = array<i32>} : memref<128x72xf32, #tpu.memory_space<vmem>>, vector<1x16xf32>,
        %parallel_loop3A_313 = vector.shape_cast %parallel_loop3A_312 : vector<1x16xf32> to vector<16xf32>
        %parallel_loop3A_314 = vector.shape_cast %parallel_loop3A_309 : vector<16xf32> to vector<1x16xf32>
        tpu.vector_store %arg21[%parallel_loop3A_310, %parallel_loop3A_311], %parallel_loop3A_314 {strides = array<i32>} : memref<128x72xf32, #tpu.memory_space<vmem>>, vector<1x16xf32>,
        %parallel_loop3A_315 = arith.index_cast %parallel_loop3A_260 : i32 to index
        %parallel_loop3A_316 = arith.constant 16 : index
        %parallel_loop3A_317 = tpu.vector_load %arg15[%parallel_loop3A_315, %parallel_loop3A_316] {strides = array<i32>} : memref<128x80xf32, #tpu.memory_space<vmem>>, vector<1x16xf32>,
        %parallel_loop3A_318 = vector.shape_cast %parallel_loop3A_317 : vector<1x16xf32> to vector<16xf32>
        %parallel_loop3A_319 = arith.constant 0 : i32
        %parallel_loop3A_320 = vector.broadcast %parallel_loop3A_319 : i32 to vector<16xi32>
        %parallel_loop3A_321 = arith.cmpi slt, %shift_right_logical3A_13, %parallel_loop3A_320 : vector<16xi32>
        %parallel_loop3A_322 = arith.constant 16 : i32
        %parallel_loop3A_323 = vector.broadcast %parallel_loop3A_322 : i32 to vector<16xi32>
        %parallel_loop3A_324 = arith.addi %shift_right_logical3A_13, %parallel_loop3A_323 : vector<16xi32>
        %parallel_loop3A_325 = arith.select %parallel_loop3A_321, %parallel_loop3A_324, %shift_right_logical3A_13 : vector<16xi1>, vector<16xi32>
        %parallel_loop3A_326 = vector.shape_cast %parallel_loop3A_325 : vector<16xi32> to vector<16x1xi32>
        %parallel_loop3A_327 = vector.shape_cast %parallel_loop3A_326 : vector<16x1xi32> to vector<16xi32>
        %parallel_loop3A_328 = tpu.dynamic_gather %parallel_loop3A_279[%parallel_loop3A_327] in [0] : vector<16xf32>, vector<16xi32> -> vector<16xf32>
        %parallel_loop3A_329 = arith.mulf %parallel_loop3A_318, %parallel_loop3A_328 : vector<16xf32>
        %parallel_loop3A_330 = arith.index_cast %parallel_loop3A_260 : i32 to index
        %parallel_loop3A_331 = arith.constant 16 : index
        %parallel_loop3A_332 = tpu.vector_load %arg21[%parallel_loop3A_330, %parallel_loop3A_331] {strides = array<i32>} : memref<128x72xf32, #tpu.memory_space<vmem>>, vector<1x16xf32>,
        %parallel_loop3A_333 = vector.shape_cast %parallel_loop3A_332 : vector<1x16xf32> to vector<16xf32>
        %parallel_loop3A_334 = vector.shape_cast %parallel_loop3A_329 : vector<16xf32> to vector<1x16xf32>
        tpu.vector_store %arg21[%parallel_loop3A_330, %parallel_loop3A_331], %parallel_loop3A_334 {strides = array<i32>} : memref<128x72xf32, #tpu.memory_space<vmem>>, vector<1x16xf32>,
        %parallel_loop3A_335 = arith.index_cast %parallel_loop3A_260 : i32 to index
        %parallel_loop3A_336 = arith.constant 32 : index
        %parallel_loop3A_337 = tpu.vector_load %arg15[%parallel_loop3A_335, %parallel_loop3A_336] {strides = array<i32>} : memref<128x80xf32, #tpu.memory_space<vmem>>, vector<1x16xf32>,
        %parallel_loop3A_338 = vector.shape_cast %parallel_loop3A_337 : vector<1x16xf32> to vector<16xf32>
        %parallel_loop3A_339 = arith.constant 0 : i32
        %parallel_loop3A_340 = vector.broadcast %parallel_loop3A_339 : i32 to vector<16xi32>
        %parallel_loop3A_341 = arith.cmpi slt, %shift_right_logical3A_19, %parallel_loop3A_340 : vector<16xi32>
        %parallel_loop3A_342 = arith.constant 16 : i32
        %parallel_loop3A_343 = vector.broadcast %parallel_loop3A_342 : i32 to vector<16xi32>
        %parallel_loop3A_344 = arith.addi %shift_right_logical3A_19, %parallel_loop3A_343 : vector<16xi32>
        %parallel_loop3A_345 = arith.select %parallel_loop3A_341, %parallel_loop3A_344, %shift_right_logical3A_19 : vector<16xi1>, vector<16xi32>
        %parallel_loop3A_346 = vector.shape_cast %parallel_loop3A_345 : vector<16xi32> to vector<16x1xi32>
        %parallel_loop3A_347 = vector.shape_cast %parallel_loop3A_346 : vector<16x1xi32> to vector<16xi32>
        %parallel_loop3A_348 = tpu.dynamic_gather %parallel_loop3A_279[%parallel_loop3A_347] in [0] : vector<16xf32>, vector<16xi32> -> vector<16xf32>
        %parallel_loop3A_349 = arith.mulf %parallel_loop3A_338, %parallel_loop3A_348 : vector<16xf32>
        %parallel_loop3A_350 = arith.index_cast %parallel_loop3A_260 : i32 to index
        %parallel_loop3A_351 = arith.constant 32 : index
        %parallel_loop3A_352 = tpu.vector_load %arg21[%parallel_loop3A_350, %parallel_loop3A_351] {strides = array<i32>} : memref<128x72xf32, #tpu.memory_space<vmem>>, vector<1x16xf32>,
        %parallel_loop3A_353 = vector.shape_cast %parallel_loop3A_352 : vector<1x16xf32> to vector<16xf32>
        %parallel_loop3A_354 = vector.shape_cast %parallel_loop3A_349 : vector<16xf32> to vector<1x16xf32>
        tpu.vector_store %arg21[%parallel_loop3A_350, %parallel_loop3A_351], %parallel_loop3A_354 {strides = array<i32>} : memref<128x72xf32, #tpu.memory_space<vmem>>, vector<1x16xf32>,
        %parallel_loop3A_355 = arith.index_cast %parallel_loop3A_260 : i32 to index
        %parallel_loop3A_356 = arith.constant 48 : index
        %parallel_loop3A_357 = tpu.vector_load %arg15[%parallel_loop3A_355, %parallel_loop3A_356] {strides = array<i32>} : memref<128x80xf32, #tpu.memory_space<vmem>>, vector<1x16xf32>,
        %parallel_loop3A_358 = vector.shape_cast %parallel_loop3A_357 : vector<1x16xf32> to vector<16xf32>
        %parallel_loop3A_359 = arith.constant 0 : i32
        %parallel_loop3A_360 = vector.broadcast %parallel_loop3A_359 : i32 to vector<16xi32>
        %parallel_loop3A_361 = arith.cmpi slt, %shift_right_logical3A_25, %parallel_loop3A_360 : vector<16xi32>
        %parallel_loop3A_362 = arith.constant 16 : i32
        %parallel_loop3A_363 = vector.broadcast %parallel_loop3A_362 : i32 to vector<16xi32>
        %parallel_loop3A_364 = arith.addi %shift_right_logical3A_25, %parallel_loop3A_363 : vector<16xi32>
        %parallel_loop3A_365 = arith.select %parallel_loop3A_361, %parallel_loop3A_364, %shift_right_logical3A_25 : vector<16xi1>, vector<16xi32>
        %parallel_loop3A_366 = vector.shape_cast %parallel_loop3A_365 : vector<16xi32> to vector<16x1xi32>
        %parallel_loop3A_367 = vector.shape_cast %parallel_loop3A_366 : vector<16x1xi32> to vector<16xi32>
        %parallel_loop3A_368 = tpu.dynamic_gather %parallel_loop3A_279[%parallel_loop3A_367] in [0] : vector<16xf32>, vector<16xi32> -> vector<16xf32>
        %parallel_loop3A_369 = arith.mulf %parallel_loop3A_358, %parallel_loop3A_368 : vector<16xf32>
        %parallel_loop3A_370 = arith.index_cast %parallel_loop3A_260 : i32 to index
        %parallel_loop3A_371 = arith.constant 48 : index
        %parallel_loop3A_372 = tpu.vector_load %arg21[%parallel_loop3A_370, %parallel_loop3A_371] {strides = array<i32>} : memref<128x72xf32, #tpu.memory_space<vmem>>, vector<1x16xf32>,
        %parallel_loop3A_373 = vector.shape_cast %parallel_loop3A_372 : vector<1x16xf32> to vector<16xf32>
        %parallel_loop3A_374 = vector.shape_cast %parallel_loop3A_369 : vector<16xf32> to vector<1x16xf32>
        tpu.vector_store %arg21[%parallel_loop3A_370, %parallel_loop3A_371], %parallel_loop3A_374 {strides = array<i32>} : memref<128x72xf32, #tpu.memory_space<vmem>>, vector<1x16xf32>,
      } {sc.loop_unroll_factor = 4 : i64, sc.parallel_access}
      %parallel_loop3A_216 = arith.constant 0 : i32
      %parallel_loop3A_217 = arith.constant 8 : i32
      %parallel_loop3A_218 = arith.constant 1 : i32
      scf.for %parallel_loop3A_260 = %parallel_loop3A_216 to %parallel_loop3A_217 step %parallel_loop3A_218  : i32 {
        %parallel_loop3A_261 = arith.constant 16 : i32
        %parallel_loop3A_262 = arith.muli %parallel_loop3A_260, %parallel_loop3A_261 : i32
        %parallel_loop3A_263 = arith.index_cast %parallel_loop3A_262 : i32 to index
        %parallel_loop3A_264 = tpu.vector_load %arg12[%parallel_loop3A_263] {strides = array<i32>} : memref<128xi32, #tpu.memory_space<vmem>>, vector<16xi32>,
        %parallel_loop3A_265 = vector.shape_cast %parallel_loop3A_264 : vector<16xi32> to vector<16xi32>
        %parallel_loop3A_266 = arith.constant 16 : i32
        %parallel_loop3A_267 = arith.muli %parallel_loop3A_260, %parallel_loop3A_266 : i32
        %parallel_loop3A_268 = arith.index_cast %parallel_loop3A_267 : i32 to index
        %parallel_loop3A_269 = tpu.vector_load %arg24[%parallel_loop3A_268] {strides = array<i32>} : memref<128xi32, #tpu.memory_space<vmem>>, vector<16xi32>,
        %parallel_loop3A_270 = vector.shape_cast %parallel_loop3A_269 : vector<16xi32> to vector<16xi32>
        %parallel_loop3A_271 = vector.shape_cast %parallel_loop3A_265 : vector<16xi32> to vector<16xi32>
        tpu.vector_store %arg24[%parallel_loop3A_268], %parallel_loop3A_271 {strides = array<i32>} : memref<128xi32, #tpu.memory_space<vmem>>, vector<16xi32>,
      } {sc.loop_unroll_factor = 8 : i64, sc.parallel_access}
      %dma_start3A_219 = arith.constant 0 : i32
      %dma_start3A_220 = arith.constant 0 : i32
      %dma_start3A_221 = tpu.memref_slice %arg27[%dma_start3A_219, %dma_start3A_220] : memref<10112x72xf32, #tpu.memory_space<vmem_shared>> -> memref<10112x72xf32, #tpu.memory_space<vmem_shared>>
      tpu.enqueue_indirect_dma source(%arg21 : memref<128x72xf32, #tpu.memory_space<vmem>>) target(%dma_start3A_221 : memref<10112x72xf32, #tpu.memory_space<vmem_shared>>) offsets(%arg24 : memref<128xi32, #tpu.memory_space<vmem>>) semaphore(%arg35 : memref<!tpu.dma_semaphore, #tpu.memory_space<semaphore_mem>>) {add = true}
      %add3A_222 = arith.constant 3 : i32
      %add3A_223 = arith.addi %add3A_201, %add3A_222 : i32
      %lt3A_224 = arith.constant 81 : i32
      %lt3A_225 = arith.cmpi slt, %add3A_223, %lt3A_224 : i32
      %convert_element_type3A_226 = arith.extui %lt3A_225 : i1 to i32
      %cond3A_227 = arith.constant 0 : i32
      %cond3A_228 = arith.cmpi ne, %convert_element_type3A_226, %cond3A_227 : i32
      scf.if %cond3A_228 {
        %add3A_260 = arith.constant 3 : i32
        %add3A_261 = arith.addi %add3A_201, %add3A_260 : i32
        %mul3A_262 = arith.constant 81 : i32
        %mul3A_263 = arith.muli %add3A, %mul3A_262 : i32
        %add3A_264 = arith.addi %mul3A_263, %add3A_261 : i32
        %mul3A_265 = arith.constant 128 : i32
        %mul3A_266 = arith.muli %add3A_264, %mul3A_265 : i32
        "tpu.region"() ({
          %run_scoped3A = tpu.sem_alloc : memref<!tpu.dma_semaphore, #tpu.memory_space<semaphore_mem>>
          %dma_start3A_273 = tpu.memref_slice %arg4[%mul3A_266] : memref<331776xi32, #tpu.memory_space<hbm>> -> memref<128xi32, #tpu.memory_space<hbm>>
          %dma_start3A_274 = tpu.memref_slice %arg4[%mul3A_266] : memref<331776xi32, #tpu.memory_space<hbm>> -> memref<128xi32, #tpu.memory_space<hbm>>
          tpu.enqueue_dma source(%dma_start3A_274 : memref<128xi32, #tpu.memory_space<hbm>>) target(%arg9 : memref<128xi32, #tpu.memory_space<vmem>>) target_semaphore(%run_scoped3A : memref<!tpu.dma_semaphore, #tpu.memory_space<semaphore_mem>>)
          %dma_wait3A_275 = tpu.memref_slice %arg4[%mul3A_266] : memref<331776xi32, #tpu.memory_space<hbm>> -> memref<128xi32, #tpu.memory_space<hbm>>
          %dma_wait3A_276 = tpu.memref_slice %arg4[%mul3A_266] : memref<331776xi32, #tpu.memory_space<hbm>> -> memref<128xi32, #tpu.memory_space<hbm>>
          tpu.wait_dma2 semaphore(%run_scoped3A : memref<!tpu.dma_semaphore, #tpu.memory_space<semaphore_mem>>) src(%dma_wait3A_276 : memref<128xi32, #tpu.memory_space<hbm>>) dst(%arg9 : memref<128xi32, #tpu.memory_space<vmem>>)
          tpu.yield
        }) : () -> ()
        %dma_start3A_267 = arith.constant 0 : i32
        %dma_start3A_268 = arith.constant 0 : i32
        %dma_start3A_269 = tpu.memref_slice %arg2[%dma_start3A_267, %dma_start3A_268] : memref<10112x80xf32, #tpu.memory_space<hbm>> -> memref<10112x80xf32, #tpu.memory_space<hbm>>
        tpu.enqueue_indirect_dma source(%dma_start3A_269 : memref<10112x80xf32, #tpu.memory_space<hbm>>) target(%arg15 : memref<128x80xf32, #tpu.memory_space<vmem>>) offsets(%arg9 : memref<128xi32, #tpu.memory_space<vmem>>) semaphore(%arg29 : memref<!tpu.dma_semaphore, #tpu.memory_space<semaphore_mem>>)
        "tpu.region"() ({
          %run_scoped3A = tpu.sem_alloc : memref<!tpu.dma_semaphore, #tpu.memory_space<semaphore_mem>>
          %dma_start3A_273 = tpu.memref_slice %arg5[%mul3A_266] : memref<331776xi32, #tpu.memory_space<hbm>> -> memref<128xi32, #tpu.memory_space<hbm>>
          %dma_start3A_274 = tpu.memref_slice %arg5[%mul3A_266] : memref<331776xi32, #tpu.memory_space<hbm>> -> memref<128xi32, #tpu.memory_space<hbm>>
          tpu.enqueue_dma source(%dma_start3A_274 : memref<128xi32, #tpu.memory_space<hbm>>) target(%arg12 : memref<128xi32, #tpu.memory_space<vmem>>) target_semaphore(%run_scoped3A : memref<!tpu.dma_semaphore, #tpu.memory_space<semaphore_mem>>)
          %dma_wait3A_275 = tpu.memref_slice %arg5[%mul3A_266] : memref<331776xi32, #tpu.memory_space<hbm>> -> memref<128xi32, #tpu.memory_space<hbm>>
          %dma_wait3A_276 = tpu.memref_slice %arg5[%mul3A_266] : memref<331776xi32, #tpu.memory_space<hbm>> -> memref<128xi32, #tpu.memory_space<hbm>>
          tpu.wait_dma2 semaphore(%run_scoped3A : memref<!tpu.dma_semaphore, #tpu.memory_space<semaphore_mem>>) src(%dma_wait3A_276 : memref<128xi32, #tpu.memory_space<hbm>>) dst(%arg12 : memref<128xi32, #tpu.memory_space<vmem>>)
          tpu.yield
        }) : () -> ()
        %dma_start3A_270 = arith.constant 0 : i32
        %dma_start3A_271 = arith.constant 0 : i32
        %dma_start3A_272 = tpu.memref_slice %arg3[%dma_start3A_270, %dma_start3A_271] : memref<10112x32xf32, #tpu.memory_space<hbm>> -> memref<10112x32xf32, #tpu.memory_space<hbm>>
        tpu.enqueue_indirect_dma source(%dma_start3A_272 : memref<10112x32xf32, #tpu.memory_space<hbm>>) target(%arg18 : memref<128x32xf32, #tpu.memory_space<vmem>>) offsets(%arg12 : memref<128xi32, #tpu.memory_space<vmem>>) semaphore(%arg32 : memref<!tpu.dma_semaphore, #tpu.memory_space<semaphore_mem>>)
      } else {
      }
      %mul3A_229 = arith.constant 3 : i32
      %mul3A_230 = arith.muli %scan3A_171, %mul3A_229 : i32
      %add3A_231 = arith.constant 2 : i32
      %add3A_232 = arith.addi %mul3A_230, %add3A_231 : i32
      %dma_wait3A_233 = arith.constant 0 : i32
      %dma_wait3A_234 = arith.constant 0 : i32
      %dma_wait3A_235 = tpu.memref_slice %arg2[%dma_wait3A_233, %dma_wait3A_234] : memref<10112x80xf32, #tpu.memory_space<hbm>> -> memref<10112x80xf32, #tpu.memory_space<hbm>>
      tpu.wait_indirect_dma semaphore(%arg30 : memref<!tpu.dma_semaphore, #tpu.memory_space<semaphore_mem>>) src(%dma_wait3A_235 : memref<10112x80xf32, #tpu.memory_space<hbm>>) dst(%arg16 : memref<128x80xf32, #tpu.memory_space<vmem>>)
      %dma_wait3A_236 = arith.constant 0 : i32
      %dma_wait3A_237 = arith.constant 0 : i32
      %dma_wait3A_238 = tpu.memref_slice %arg3[%dma_wait3A_236, %dma_wait3A_237] : memref<10112x32xf32, #tpu.memory_space<hbm>> -> memref<10112x32xf32, #tpu.memory_space<hbm>>
      tpu.wait_indirect_dma semaphore(%arg33 : memref<!tpu.dma_semaphore, #tpu.memory_space<semaphore_mem>>) src(%dma_wait3A_238 : memref<10112x32xf32, #tpu.memory_space<hbm>>) dst(%arg19 : memref<128x32xf32, #tpu.memory_space<vmem>>)
      %gt3A_239 = arith.constant 0 : i32
      %gt3A_240 = arith.cmpi sgt, %scan3A_171, %gt3A_239 : i32
      %convert_element_type3A_241 = arith.extui %gt3A_240 : i1 to i32
      %cond3A_242 = arith.constant 0 : i32
      %cond3A_243 = arith.cmpi ne, %convert_element_type3A_241, %cond3A_242 : i32
      scf.if %cond3A_243 {
        %dma_wait3A_260 = arith.constant 0 : i32
        %dma_wait3A_261 = arith.constant 0 : i32
        %dma_wait3A_262 = tpu.memref_slice %arg27[%dma_wait3A_260, %dma_wait3A_261] : memref<10112x72xf32, #tpu.memory_space<vmem_shared>> -> memref<10112x72xf32, #tpu.memory_space<vmem_shared>>
        tpu.wait_indirect_dma semaphore(%arg36 : memref<!tpu.dma_semaphore, #tpu.memory_space<semaphore_mem>>) src(%arg22 : memref<128x72xf32, #tpu.memory_space<vmem>>) dst(%dma_wait3A_262 : memref<10112x72xf32, #tpu.memory_space<vmem_shared>>)
      } else {
      }
      %parallel_loop3A_244 = arith.constant 0 : i32
      %parallel_loop3A_245 = arith.constant 128 : i32
      %parallel_loop3A_246 = arith.constant 1 : i32
      scf.for %parallel_loop3A_260 = %parallel_loop3A_244 to %parallel_loop3A_245 step %parallel_loop3A_246  : i32 {
        %parallel_loop3A_261 = arith.index_cast %parallel_loop3A_260 : i32 to index
        %parallel_loop3A_262 = arith.constant 64 : index
        %parallel_loop3A_263 = tpu.vector_load %arg16[%parallel_loop3A_261, %parallel_loop3A_262] {strides = array<i32>} : memref<128x80xf32, #tpu.memory_space<vmem>>, vector<1x16xf32>,
        %parallel_loop3A_264 = vector.shape_cast %parallel_loop3A_263 : vector<1x16xf32> to vector<16xf32>
        %parallel_loop3A_265 = arith.index_cast %parallel_loop3A_260 : i32 to index
        %parallel_loop3A_266 = arith.constant 0 : index
        %parallel_loop3A_267 = tpu.vector_load %arg19[%parallel_loop3A_265, %parallel_loop3A_266] {strides = array<i32>} : memref<128x32xf32, #tpu.memory_space<vmem>>, vector<1x16xf32>,
        %parallel_loop3A_268 = vector.shape_cast %parallel_loop3A_267 : vector<1x16xf32> to vector<16xf32>
        %parallel_loop3A_269 = arith.index_cast %parallel_loop3A_260 : i32 to index
        %parallel_loop3A_270 = arith.constant 16 : index
        %parallel_loop3A_271 = tpu.vector_load %arg19[%parallel_loop3A_269, %parallel_loop3A_270] {strides = array<i32>} : memref<128x32xf32, #tpu.memory_space<vmem>>, vector<1x16xf32>,
        %parallel_loop3A_272 = vector.shape_cast %parallel_loop3A_271 : vector<1x16xf32> to vector<16xf32>
        %parallel_loop3A_273 = arith.addf %parallel_loop3A_264, %parallel_loop3A_268 : vector<16xf32>
        %parallel_loop3A_274 = arith.constant 2.000000e-01 : f32
        %parallel_loop3A_275 = vector.broadcast %parallel_loop3A_274 : f32 to vector<16xf32>
        %parallel_loop3A_276 = arith.mulf %parallel_loop3A_275, %parallel_loop3A_273 : vector<16xf32>
        %parallel_loop3A_277 = arith.maximumf %parallel_loop3A_273, %parallel_loop3A_276 : vector<16xf32>
        %parallel_loop3A_278 = arith.subf %parallel_loop3A_277, %parallel_loop3A_272 : vector<16xf32>
        %parallel_loop3A_279 = math.exp %parallel_loop3A_278 : vector<16xf32>
        %parallel_loop3A_280 = arith.constant 0 : i32
        %parallel_loop3A_281 = vector.broadcast %parallel_loop3A_280 : i32 to vector<16xi32>
        %parallel_loop3A_282 = arith.cmpi slt, %and3A_2, %parallel_loop3A_281 : vector<16xi32>
        %parallel_loop3A_283 = arith.constant 16 : i32
        %parallel_loop3A_284 = vector.broadcast %parallel_loop3A_283 : i32 to vector<16xi32>
        %parallel_loop3A_285 = arith.addi %and3A_2, %parallel_loop3A_284 : vector<16xi32>
        %parallel_loop3A_286 = arith.select %parallel_loop3A_282, %parallel_loop3A_285, %and3A_2 : vector<16xi1>, vector<16xi32>
        %parallel_loop3A_287 = vector.shape_cast %parallel_loop3A_286 : vector<16xi32> to vector<16x1xi32>
        %parallel_loop3A_288 = vector.shape_cast %parallel_loop3A_287 : vector<16x1xi32> to vector<16xi32>
        %parallel_loop3A_289 = tpu.dynamic_gather %parallel_loop3A_279[%parallel_loop3A_288] in [0] : vector<16xf32>, vector<16xi32> -> vector<16xf32>
        %parallel_loop3A_290 = arith.index_cast %parallel_loop3A_260 : i32 to index
        %parallel_loop3A_291 = arith.constant 56 : index
        %parallel_loop3A_292 = tpu.vector_load %arg22[%parallel_loop3A_290, %parallel_loop3A_291] {strides = array<i32>} : memref<128x72xf32, #tpu.memory_space<vmem>>, vector<1x16xf32>,
        %parallel_loop3A_293 = vector.shape_cast %parallel_loop3A_292 : vector<1x16xf32> to vector<16xf32>
        %parallel_loop3A_294 = vector.shape_cast %parallel_loop3A_289 : vector<16xf32> to vector<1x16xf32>
        tpu.vector_store %arg22[%parallel_loop3A_290, %parallel_loop3A_291], %parallel_loop3A_294 {strides = array<i32>} : memref<128x72xf32, #tpu.memory_space<vmem>>, vector<1x16xf32>,
        %parallel_loop3A_295 = arith.index_cast %parallel_loop3A_260 : i32 to index
        %parallel_loop3A_296 = arith.constant 0 : index
        %parallel_loop3A_297 = tpu.vector_load %arg16[%parallel_loop3A_295, %parallel_loop3A_296] {strides = array<i32>} : memref<128x80xf32, #tpu.memory_space<vmem>>, vector<1x16xf32>,
        %parallel_loop3A_298 = vector.shape_cast %parallel_loop3A_297 : vector<1x16xf32> to vector<16xf32>
        %parallel_loop3A_299 = arith.constant 0 : i32
        %parallel_loop3A_300 = vector.broadcast %parallel_loop3A_299 : i32 to vector<16xi32>
        %parallel_loop3A_301 = arith.cmpi slt, %shift_right_logical3A_7, %parallel_loop3A_300 : vector<16xi32>
        %parallel_loop3A_302 = arith.constant 16 : i32
        %parallel_loop3A_303 = vector.broadcast %parallel_loop3A_302 : i32 to vector<16xi32>
        %parallel_loop3A_304 = arith.addi %shift_right_logical3A_7, %parallel_loop3A_303 : vector<16xi32>
        %parallel_loop3A_305 = arith.select %parallel_loop3A_301, %parallel_loop3A_304, %shift_right_logical3A_7 : vector<16xi1>, vector<16xi32>
        %parallel_loop3A_306 = vector.shape_cast %parallel_loop3A_305 : vector<16xi32> to vector<16x1xi32>
        %parallel_loop3A_307 = vector.shape_cast %parallel_loop3A_306 : vector<16x1xi32> to vector<16xi32>
        %parallel_loop3A_308 = tpu.dynamic_gather %parallel_loop3A_279[%parallel_loop3A_307] in [0] : vector<16xf32>, vector<16xi32> -> vector<16xf32>
        %parallel_loop3A_309 = arith.mulf %parallel_loop3A_298, %parallel_loop3A_308 : vector<16xf32>
        %parallel_loop3A_310 = arith.index_cast %parallel_loop3A_260 : i32 to index
        %parallel_loop3A_311 = arith.constant 0 : index
        %parallel_loop3A_312 = tpu.vector_load %arg22[%parallel_loop3A_310, %parallel_loop3A_311] {strides = array<i32>} : memref<128x72xf32, #tpu.memory_space<vmem>>, vector<1x16xf32>,
        %parallel_loop3A_313 = vector.shape_cast %parallel_loop3A_312 : vector<1x16xf32> to vector<16xf32>
        %parallel_loop3A_314 = vector.shape_cast %parallel_loop3A_309 : vector<16xf32> to vector<1x16xf32>
        tpu.vector_store %arg22[%parallel_loop3A_310, %parallel_loop3A_311], %parallel_loop3A_314 {strides = array<i32>} : memref<128x72xf32, #tpu.memory_space<vmem>>, vector<1x16xf32>,
        %parallel_loop3A_315 = arith.index_cast %parallel_loop3A_260 : i32 to index
        %parallel_loop3A_316 = arith.constant 16 : index
        %parallel_loop3A_317 = tpu.vector_load %arg16[%parallel_loop3A_315, %parallel_loop3A_316] {strides = array<i32>} : memref<128x80xf32, #tpu.memory_space<vmem>>, vector<1x16xf32>,
        %parallel_loop3A_318 = vector.shape_cast %parallel_loop3A_317 : vector<1x16xf32> to vector<16xf32>
        %parallel_loop3A_319 = arith.constant 0 : i32
        %parallel_loop3A_320 = vector.broadcast %parallel_loop3A_319 : i32 to vector<16xi32>
        %parallel_loop3A_321 = arith.cmpi slt, %shift_right_logical3A_13, %parallel_loop3A_320 : vector<16xi32>
        %parallel_loop3A_322 = arith.constant 16 : i32
        %parallel_loop3A_323 = vector.broadcast %parallel_loop3A_322 : i32 to vector<16xi32>
        %parallel_loop3A_324 = arith.addi %shift_right_logical3A_13, %parallel_loop3A_323 : vector<16xi32>
        %parallel_loop3A_325 = arith.select %parallel_loop3A_321, %parallel_loop3A_324, %shift_right_logical3A_13 : vector<16xi1>, vector<16xi32>
        %parallel_loop3A_326 = vector.shape_cast %parallel_loop3A_325 : vector<16xi32> to vector<16x1xi32>
        %parallel_loop3A_327 = vector.shape_cast %parallel_loop3A_326 : vector<16x1xi32> to vector<16xi32>
        %parallel_loop3A_328 = tpu.dynamic_gather %parallel_loop3A_279[%parallel_loop3A_327] in [0] : vector<16xf32>, vector<16xi32> -> vector<16xf32>
        %parallel_loop3A_329 = arith.mulf %parallel_loop3A_318, %parallel_loop3A_328 : vector<16xf32>
        %parallel_loop3A_330 = arith.index_cast %parallel_loop3A_260 : i32 to index
        %parallel_loop3A_331 = arith.constant 16 : index
        %parallel_loop3A_332 = tpu.vector_load %arg22[%parallel_loop3A_330, %parallel_loop3A_331] {strides = array<i32>} : memref<128x72xf32, #tpu.memory_space<vmem>>, vector<1x16xf32>,
        %parallel_loop3A_333 = vector.shape_cast %parallel_loop3A_332 : vector<1x16xf32> to vector<16xf32>
        %parallel_loop3A_334 = vector.shape_cast %parallel_loop3A_329 : vector<16xf32> to vector<1x16xf32>
        tpu.vector_store %arg22[%parallel_loop3A_330, %parallel_loop3A_331], %parallel_loop3A_334 {strides = array<i32>} : memref<128x72xf32, #tpu.memory_space<vmem>>, vector<1x16xf32>,
        %parallel_loop3A_335 = arith.index_cast %parallel_loop3A_260 : i32 to index
        %parallel_loop3A_336 = arith.constant 32 : index
        %parallel_loop3A_337 = tpu.vector_load %arg16[%parallel_loop3A_335, %parallel_loop3A_336] {strides = array<i32>} : memref<128x80xf32, #tpu.memory_space<vmem>>, vector<1x16xf32>,
        %parallel_loop3A_338 = vector.shape_cast %parallel_loop3A_337 : vector<1x16xf32> to vector<16xf32>
        %parallel_loop3A_339 = arith.constant 0 : i32
        %parallel_loop3A_340 = vector.broadcast %parallel_loop3A_339 : i32 to vector<16xi32>
        %parallel_loop3A_341 = arith.cmpi slt, %shift_right_logical3A_19, %parallel_loop3A_340 : vector<16xi32>
        %parallel_loop3A_342 = arith.constant 16 : i32
        %parallel_loop3A_343 = vector.broadcast %parallel_loop3A_342 : i32 to vector<16xi32>
        %parallel_loop3A_344 = arith.addi %shift_right_logical3A_19, %parallel_loop3A_343 : vector<16xi32>
        %parallel_loop3A_345 = arith.select %parallel_loop3A_341, %parallel_loop3A_344, %shift_right_logical3A_19 : vector<16xi1>, vector<16xi32>
        %parallel_loop3A_346 = vector.shape_cast %parallel_loop3A_345 : vector<16xi32> to vector<16x1xi32>
        %parallel_loop3A_347 = vector.shape_cast %parallel_loop3A_346 : vector<16x1xi32> to vector<16xi32>
        %parallel_loop3A_348 = tpu.dynamic_gather %parallel_loop3A_279[%parallel_loop3A_347] in [0] : vector<16xf32>, vector<16xi32> -> vector<16xf32>
        %parallel_loop3A_349 = arith.mulf %parallel_loop3A_338, %parallel_loop3A_348 : vector<16xf32>
        %parallel_loop3A_350 = arith.index_cast %parallel_loop3A_260 : i32 to index
        %parallel_loop3A_351 = arith.constant 32 : index
        %parallel_loop3A_352 = tpu.vector_load %arg22[%parallel_loop3A_350, %parallel_loop3A_351] {strides = array<i32>} : memref<128x72xf32, #tpu.memory_space<vmem>>, vector<1x16xf32>,
        %parallel_loop3A_353 = vector.shape_cast %parallel_loop3A_352 : vector<1x16xf32> to vector<16xf32>
        %parallel_loop3A_354 = vector.shape_cast %parallel_loop3A_349 : vector<16xf32> to vector<1x16xf32>
        tpu.vector_store %arg22[%parallel_loop3A_350, %parallel_loop3A_351], %parallel_loop3A_354 {strides = array<i32>} : memref<128x72xf32, #tpu.memory_space<vmem>>, vector<1x16xf32>,
        %parallel_loop3A_355 = arith.index_cast %parallel_loop3A_260 : i32 to index
        %parallel_loop3A_356 = arith.constant 48 : index
        %parallel_loop3A_357 = tpu.vector_load %arg16[%parallel_loop3A_355, %parallel_loop3A_356] {strides = array<i32>} : memref<128x80xf32, #tpu.memory_space<vmem>>, vector<1x16xf32>,
        %parallel_loop3A_358 = vector.shape_cast %parallel_loop3A_357 : vector<1x16xf32> to vector<16xf32>
        %parallel_loop3A_359 = arith.constant 0 : i32
        %parallel_loop3A_360 = vector.broadcast %parallel_loop3A_359 : i32 to vector<16xi32>
        %parallel_loop3A_361 = arith.cmpi slt, %shift_right_logical3A_25, %parallel_loop3A_360 : vector<16xi32>
        %parallel_loop3A_362 = arith.constant 16 : i32
        %parallel_loop3A_363 = vector.broadcast %parallel_loop3A_362 : i32 to vector<16xi32>
        %parallel_loop3A_364 = arith.addi %shift_right_logical3A_25, %parallel_loop3A_363 : vector<16xi32>
        %parallel_loop3A_365 = arith.select %parallel_loop3A_361, %parallel_loop3A_364, %shift_right_logical3A_25 : vector<16xi1>, vector<16xi32>
        %parallel_loop3A_366 = vector.shape_cast %parallel_loop3A_365 : vector<16xi32> to vector<16x1xi32>
        %parallel_loop3A_367 = vector.shape_cast %parallel_loop3A_366 : vector<16x1xi32> to vector<16xi32>
        %parallel_loop3A_368 = tpu.dynamic_gather %parallel_loop3A_279[%parallel_loop3A_367] in [0] : vector<16xf32>, vector<16xi32> -> vector<16xf32>
        %parallel_loop3A_369 = arith.mulf %parallel_loop3A_358, %parallel_loop3A_368 : vector<16xf32>
        %parallel_loop3A_370 = arith.index_cast %parallel_loop3A_260 : i32 to index
        %parallel_loop3A_371 = arith.constant 48 : index
        %parallel_loop3A_372 = tpu.vector_load %arg22[%parallel_loop3A_370, %parallel_loop3A_371] {strides = array<i32>} : memref<128x72xf32, #tpu.memory_space<vmem>>, vector<1x16xf32>,
        %parallel_loop3A_373 = vector.shape_cast %parallel_loop3A_372 : vector<1x16xf32> to vector<16xf32>
        %parallel_loop3A_374 = vector.shape_cast %parallel_loop3A_369 : vector<16xf32> to vector<1x16xf32>
        tpu.vector_store %arg22[%parallel_loop3A_370, %parallel_loop3A_371], %parallel_loop3A_374 {strides = array<i32>} : memref<128x72xf32, #tpu.memory_space<vmem>>, vector<1x16xf32>,
      } {sc.loop_unroll_factor = 4 : i64, sc.parallel_access}
      %parallel_loop3A_247 = arith.constant 0 : i32
      %parallel_loop3A_248 = arith.constant 8 : i32
      %parallel_loop3A_249 = arith.constant 1 : i32
      scf.for %parallel_loop3A_260 = %parallel_loop3A_247 to %parallel_loop3A_248 step %parallel_loop3A_249  : i32 {
        %parallel_loop3A_261 = arith.constant 16 : i32
        %parallel_loop3A_262 = arith.muli %parallel_loop3A_260, %parallel_loop3A_261 : i32
        %parallel_loop3A_263 = arith.index_cast %parallel_loop3A_262 : i32 to index
        %parallel_loop3A_264 = tpu.vector_load %arg13[%parallel_loop3A_263] {strides = array<i32>} : memref<128xi32, #tpu.memory_space<vmem>>, vector<16xi32>,
        %parallel_loop3A_265 = vector.shape_cast %parallel_loop3A_264 : vector<16xi32> to vector<16xi32>
        %parallel_loop3A_266 = arith.constant 16 : i32
        %parallel_loop3A_267 = arith.muli %parallel_loop3A_260, %parallel_loop3A_266 : i32
        %parallel_loop3A_268 = arith.index_cast %parallel_loop3A_267 : i32 to index
        %parallel_loop3A_269 = tpu.vector_load %arg25[%parallel_loop3A_268] {strides = array<i32>} : memref<128xi32, #tpu.memory_space<vmem>>, vector<16xi32>,
        %parallel_loop3A_270 = vector.shape_cast %parallel_loop3A_269 : vector<16xi32> to vector<16xi32>
        %parallel_loop3A_271 = vector.shape_cast %parallel_loop3A_265 : vector<16xi32> to vector<16xi32>
        tpu.vector_store %arg25[%parallel_loop3A_268], %parallel_loop3A_271 {strides = array<i32>} : memref<128xi32, #tpu.memory_space<vmem>>, vector<16xi32>,
      } {sc.loop_unroll_factor = 8 : i64, sc.parallel_access}
      %dma_start3A_250 = arith.constant 0 : i32
      %dma_start3A_251 = arith.constant 0 : i32
      %dma_start3A_252 = tpu.memref_slice %arg27[%dma_start3A_250, %dma_start3A_251] : memref<10112x72xf32, #tpu.memory_space<vmem_shared>> -> memref<10112x72xf32, #tpu.memory_space<vmem_shared>>
      tpu.enqueue_indirect_dma source(%arg22 : memref<128x72xf32, #tpu.memory_space<vmem>>) target(%dma_start3A_252 : memref<10112x72xf32, #tpu.memory_space<vmem_shared>>) offsets(%arg25 : memref<128xi32, #tpu.memory_space<vmem>>) semaphore(%arg36 : memref<!tpu.dma_semaphore, #tpu.memory_space<semaphore_mem>>) {add = true}
      %add3A_253 = arith.constant 3 : i32
      %add3A_254 = arith.addi %add3A_232, %add3A_253 : i32
      %lt3A_255 = arith.constant 81 : i32
      %lt3A_256 = arith.cmpi slt, %add3A_254, %lt3A_255 : i32
      %convert_element_type3A_257 = arith.extui %lt3A_256 : i1 to i32
      %cond3A_258 = arith.constant 0 : i32
      %cond3A_259 = arith.cmpi ne, %convert_element_type3A_257, %cond3A_258 : i32
      scf.if %cond3A_259 {
        %add3A_260 = arith.constant 3 : i32
        %add3A_261 = arith.addi %add3A_232, %add3A_260 : i32
        %mul3A_262 = arith.constant 81 : i32
        %mul3A_263 = arith.muli %add3A, %mul3A_262 : i32
        %add3A_264 = arith.addi %mul3A_263, %add3A_261 : i32
        %mul3A_265 = arith.constant 128 : i32
        %mul3A_266 = arith.muli %add3A_264, %mul3A_265 : i32
        "tpu.region"() ({
          %run_scoped3A = tpu.sem_alloc : memref<!tpu.dma_semaphore, #tpu.memory_space<semaphore_mem>>
          %dma_start3A_273 = tpu.memref_slice %arg4[%mul3A_266] : memref<331776xi32, #tpu.memory_space<hbm>> -> memref<128xi32, #tpu.memory_space<hbm>>
          %dma_start3A_274 = tpu.memref_slice %arg4[%mul3A_266] : memref<331776xi32, #tpu.memory_space<hbm>> -> memref<128xi32, #tpu.memory_space<hbm>>
          tpu.enqueue_dma source(%dma_start3A_274 : memref<128xi32, #tpu.memory_space<hbm>>) target(%arg10 : memref<128xi32, #tpu.memory_space<vmem>>) target_semaphore(%run_scoped3A : memref<!tpu.dma_semaphore, #tpu.memory_space<semaphore_mem>>)
          %dma_wait3A_275 = tpu.memref_slice %arg4[%mul3A_266] : memref<331776xi32, #tpu.memory_space<hbm>> -> memref<128xi32, #tpu.memory_space<hbm>>
          %dma_wait3A_276 = tpu.memref_slice %arg4[%mul3A_266] : memref<331776xi32, #tpu.memory_space<hbm>> -> memref<128xi32, #tpu.memory_space<hbm>>
          tpu.wait_dma2 semaphore(%run_scoped3A : memref<!tpu.dma_semaphore, #tpu.memory_space<semaphore_mem>>) src(%dma_wait3A_276 : memref<128xi32, #tpu.memory_space<hbm>>) dst(%arg10 : memref<128xi32, #tpu.memory_space<vmem>>)
          tpu.yield
        }) : () -> ()
        %dma_start3A_267 = arith.constant 0 : i32
        %dma_start3A_268 = arith.constant 0 : i32
        %dma_start3A_269 = tpu.memref_slice %arg2[%dma_start3A_267, %dma_start3A_268] : memref<10112x80xf32, #tpu.memory_space<hbm>> -> memref<10112x80xf32, #tpu.memory_space<hbm>>
        tpu.enqueue_indirect_dma source(%dma_start3A_269 : memref<10112x80xf32, #tpu.memory_space<hbm>>) target(%arg16 : memref<128x80xf32, #tpu.memory_space<vmem>>) offsets(%arg10 : memref<128xi32, #tpu.memory_space<vmem>>) semaphore(%arg30 : memref<!tpu.dma_semaphore, #tpu.memory_space<semaphore_mem>>)
        "tpu.region"() ({
          %run_scoped3A = tpu.sem_alloc : memref<!tpu.dma_semaphore, #tpu.memory_space<semaphore_mem>>
          %dma_start3A_273 = tpu.memref_slice %arg5[%mul3A_266] : memref<331776xi32, #tpu.memory_space<hbm>> -> memref<128xi32, #tpu.memory_space<hbm>>
          %dma_start3A_274 = tpu.memref_slice %arg5[%mul3A_266] : memref<331776xi32, #tpu.memory_space<hbm>> -> memref<128xi32, #tpu.memory_space<hbm>>
          tpu.enqueue_dma source(%dma_start3A_274 : memref<128xi32, #tpu.memory_space<hbm>>) target(%arg13 : memref<128xi32, #tpu.memory_space<vmem>>) target_semaphore(%run_scoped3A : memref<!tpu.dma_semaphore, #tpu.memory_space<semaphore_mem>>)
          %dma_wait3A_275 = tpu.memref_slice %arg5[%mul3A_266] : memref<331776xi32, #tpu.memory_space<hbm>> -> memref<128xi32, #tpu.memory_space<hbm>>
          %dma_wait3A_276 = tpu.memref_slice %arg5[%mul3A_266] : memref<331776xi32, #tpu.memory_space<hbm>> -> memref<128xi32, #tpu.memory_space<hbm>>
          tpu.wait_dma2 semaphore(%run_scoped3A : memref<!tpu.dma_semaphore, #tpu.memory_space<semaphore_mem>>) src(%dma_wait3A_276 : memref<128xi32, #tpu.memory_space<hbm>>) dst(%arg13 : memref<128xi32, #tpu.memory_space<vmem>>)
          tpu.yield
        }) : () -> ()
        %dma_start3A_270 = arith.constant 0 : i32
        %dma_start3A_271 = arith.constant 0 : i32
        %dma_start3A_272 = tpu.memref_slice %arg3[%dma_start3A_270, %dma_start3A_271] : memref<10112x32xf32, #tpu.memory_space<hbm>> -> memref<10112x32xf32, #tpu.memory_space<hbm>>
        tpu.enqueue_indirect_dma source(%dma_start3A_272 : memref<10112x32xf32, #tpu.memory_space<hbm>>) target(%arg19 : memref<128x32xf32, #tpu.memory_space<vmem>>) offsets(%arg13 : memref<128xi32, #tpu.memory_space<vmem>>) semaphore(%arg33 : memref<!tpu.dma_semaphore, #tpu.memory_space<semaphore_mem>>)
      } else {
      }
    }
    %scan3A_97 = arith.constant 27 : i32
    %dma_wait3A = arith.constant 0 : i32
    %dma_wait3A_98 = arith.constant 0 : i32
    %dma_wait3A_99 = tpu.memref_slice %arg27[%dma_wait3A, %dma_wait3A_98] : memref<10112x72xf32, #tpu.memory_space<vmem_shared>> -> memref<10112x72xf32, #tpu.memory_space<vmem_shared>>
    tpu.wait_indirect_dma semaphore(%arg34 : memref<!tpu.dma_semaphore, #tpu.memory_space<semaphore_mem>>) src(%arg20 : memref<128x72xf32, #tpu.memory_space<vmem>>) dst(%dma_wait3A_99 : memref<10112x72xf32, #tpu.memory_space<vmem_shared>>)
    %dma_wait3A_100 = arith.constant 0 : i32
    %dma_wait3A_101 = arith.constant 0 : i32
    %dma_wait3A_102 = tpu.memref_slice %arg27[%dma_wait3A_100, %dma_wait3A_101] : memref<10112x72xf32, #tpu.memory_space<vmem_shared>> -> memref<10112x72xf32, #tpu.memory_space<vmem_shared>>
    tpu.wait_indirect_dma semaphore(%arg35 : memref<!tpu.dma_semaphore, #tpu.memory_space<semaphore_mem>>) src(%arg21 : memref<128x72xf32, #tpu.memory_space<vmem>>) dst(%dma_wait3A_102 : memref<10112x72xf32, #tpu.memory_space<vmem_shared>>)
    %dma_wait3A_103 = arith.constant 0 : i32
    %dma_wait3A_104 = arith.constant 0 : i32
    %dma_wait3A_105 = tpu.memref_slice %arg27[%dma_wait3A_103, %dma_wait3A_104] : memref<10112x72xf32, #tpu.memory_space<vmem_shared>> -> memref<10112x72xf32, #tpu.memory_space<vmem_shared>>
    tpu.wait_indirect_dma semaphore(%arg36 : memref<!tpu.dma_semaphore, #tpu.memory_space<semaphore_mem>>) src(%arg22 : memref<128x72xf32, #tpu.memory_space<vmem>>) dst(%dma_wait3A_105 : memref<10112x72xf32, #tpu.memory_space<vmem_shared>>)
    %barrier3A_106 = arith.constant 0 : index
    tpu.barrier barrier_id(%barrier3A_106)
    %mul3A_107 = arith.constant 632 : i32
    %mul3A_108 = arith.muli %arg1, %mul3A_107 : i32
    %add3A_109 = arith.constant 0 : i32
    %add3A_110 = arith.addi %mul3A_108, %add3A_109 : i32
    "tpu.region"() ({
      %run_scoped3A = tpu.sem_alloc : memref<!tpu.dma_semaphore, #tpu.memory_space<semaphore_mem>>
      %dma_start3A_171 = arith.constant 0 : i32
      %dma_start3A_172 = tpu.memref_slice %arg27[%add3A_110, %dma_start3A_171] : memref<10112x72xf32, #tpu.memory_space<vmem_shared>> -> memref<79x72xf32, #tpu.memory_space<vmem_shared>>
      %dma_start3A_173 = arith.constant 0 : i32
      %dma_start3A_174 = tpu.memref_slice %arg27[%add3A_110, %dma_start3A_173] : memref<10112x72xf32, #tpu.memory_space<vmem_shared>> -> memref<79x72xf32, #tpu.memory_space<vmem_shared>>
      tpu.enqueue_dma source(%dma_start3A_174 : memref<79x72xf32, #tpu.memory_space<vmem_shared>>) target(%arg26 : memref<79x72xf32, #tpu.memory_space<vmem>>) target_semaphore(%run_scoped3A : memref<!tpu.dma_semaphore, #tpu.memory_space<semaphore_mem>>)
      %dma_wait3A_175 = arith.constant 0 : i32
      %dma_wait3A_176 = tpu.memref_slice %arg27[%add3A_110, %dma_wait3A_175] : memref<10112x72xf32, #tpu.memory_space<vmem_shared>> -> memref<79x72xf32, #tpu.memory_space<vmem_shared>>
      %dma_wait3A_177 = arith.constant 0 : i32
      %dma_wait3A_178 = tpu.memref_slice %arg27[%add3A_110, %dma_wait3A_177] : memref<10112x72xf32, #tpu.memory_space<vmem_shared>> -> memref<79x72xf32, #tpu.memory_space<vmem_shared>>
      tpu.wait_dma2 semaphore(%run_scoped3A : memref<!tpu.dma_semaphore, #tpu.memory_space<semaphore_mem>>) src(%dma_wait3A_178 : memref<79x72xf32, #tpu.memory_space<vmem_shared>>) dst(%arg26 : memref<79x72xf32, #tpu.memory_space<vmem>>)
      tpu.yield
    }) : () -> ()
    %mul3A_111 = arith.constant 632 : i32
    %mul3A_112 = arith.muli %arg1, %mul3A_111 : i32
    %add3A_113 = arith.constant 0 : i32
    %add3A_114 = arith.addi %mul3A_112, %add3A_113 : i32
    "tpu.region"() ({
      %run_scoped3A = tpu.sem_alloc : memref<!tpu.dma_semaphore, #tpu.memory_space<semaphore_mem>>
      %dma_start3A_171 = arith.constant 0 : i32
      %dma_start3A_172 = tpu.memref_slice %arg7[%arg0, %add3A_114, %dma_start3A_171] : memref<2x10112x72xf32, #tpu.memory_space<hbm>> -> memref<1x79x72xf32, #tpu.memory_space<hbm>>
      %dma_start3A_173 = tpu.memref_squeeze %dma_start3A_172 : memref<1x79x72xf32, #tpu.memory_space<hbm>> -> memref<79x72xf32, #tpu.memory_space<hbm>>
      %dma_start3A_174 = arith.constant 0 : i32
      %dma_start3A_175 = tpu.memref_slice %arg7[%arg0, %add3A_114, %dma_start3A_174] : memref<2x10112x72xf32, #tpu.memory_space<hbm>> -> memref<1x79x72xf32, #tpu.memory_space<hbm>>
      %dma_start3A_176 = tpu.memref_squeeze %dma_start3A_175 : memref<1x79x72xf32, #tpu.memory_space<hbm>> -> memref<79x72xf32, #tpu.memory_space<hbm>>
      tpu.enqueue_dma source(%arg26 : memref<79x72xf32, #tpu.memory_space<vmem>>) target(%dma_start3A_176 : memref<79x72xf32, #tpu.memory_space<hbm>>) target_semaphore(%run_scoped3A : memref<!tpu.dma_semaphore, #tpu.memory_space<semaphore_mem>>)
      %dma_wait3A_177 = arith.constant 0 : i32
      %dma_wait3A_178 = tpu.memref_slice %arg7[%arg0, %add3A_114, %dma_wait3A_177] : memref<2x10112x72xf32, #tpu.memory_space<hbm>> -> memref<1x79x72xf32, #tpu.memory_space<hbm>>
      %dma_wait3A_179 = tpu.memref_squeeze %dma_wait3A_178 : memref<1x79x72xf32, #tpu.memory_space<hbm>> -> memref<79x72xf32, #tpu.memory_space<hbm>>
      %dma_wait3A_180 = arith.constant 0 : i32
      %dma_wait3A_181 = tpu.memref_slice %arg7[%arg0, %add3A_114, %dma_wait3A_180] : memref<2x10112x72xf32, #tpu.memory_space<hbm>> -> memref<1x79x72xf32, #tpu.memory_space<hbm>>
      %dma_wait3A_182 = tpu.memref_squeeze %dma_wait3A_181 : memref<1x79x72xf32, #tpu.memory_space<hbm>> -> memref<79x72xf32, #tpu.memory_space<hbm>>
      tpu.wait_dma2 semaphore(%run_scoped3A : memref<!tpu.dma_semaphore, #tpu.memory_space<semaphore_mem>>) src(%arg26 : memref<79x72xf32, #tpu.memory_space<vmem>>) dst(%dma_wait3A_182 : memref<79x72xf32, #tpu.memory_space<hbm>>)
      tpu.yield
    }) : () -> ()
    %mul3A_115 = arith.constant 632 : i32
    %mul3A_116 = arith.muli %arg1, %mul3A_115 : i32
    %add3A_117 = arith.constant 79 : i32
    %add3A_118 = arith.addi %mul3A_116, %add3A_117 : i32
    "tpu.region"() ({
      %run_scoped3A = tpu.sem_alloc : memref<!tpu.dma_semaphore, #tpu.memory_space<semaphore_mem>>
      %dma_start3A_171 = arith.constant 0 : i32
      %dma_start3A_172 = tpu.memref_slice %arg27[%add3A_118, %dma_start3A_171] : memref<10112x72xf32, #tpu.memory_space<vmem_shared>> -> memref<79x72xf32, #tpu.memory_space<vmem_shared>>
      %dma_start3A_173 = arith.constant 0 : i32
      %dma_start3A_174 = tpu.memref_slice %arg27[%add3A_118, %dma_start3A_173] : memref<10112x72xf32, #tpu.memory_space<vmem_shared>> -> memref<79x72xf32, #tpu.memory_space<vmem_shared>>
      tpu.enqueue_dma source(%dma_start3A_174 : memref<79x72xf32, #tpu.memory_space<vmem_shared>>) target(%arg26 : memref<79x72xf32, #tpu.memory_space<vmem>>) target_semaphore(%run_scoped3A : memref<!tpu.dma_semaphore, #tpu.memory_space<semaphore_mem>>)
      %dma_wait3A_175 = arith.constant 0 : i32
      %dma_wait3A_176 = tpu.memref_slice %arg27[%add3A_118, %dma_wait3A_175] : memref<10112x72xf32, #tpu.memory_space<vmem_shared>> -> memref<79x72xf32, #tpu.memory_space<vmem_shared>>
      %dma_wait3A_177 = arith.constant 0 : i32
      %dma_wait3A_178 = tpu.memref_slice %arg27[%add3A_118, %dma_wait3A_177] : memref<10112x72xf32, #tpu.memory_space<vmem_shared>> -> memref<79x72xf32, #tpu.memory_space<vmem_shared>>
      tpu.wait_dma2 semaphore(%run_scoped3A : memref<!tpu.dma_semaphore, #tpu.memory_space<semaphore_mem>>) src(%dma_wait3A_178 : memref<79x72xf32, #tpu.memory_space<vmem_shared>>) dst(%arg26 : memref<79x72xf32, #tpu.memory_space<vmem>>)
      tpu.yield
    }) : () -> ()
    %mul3A_119 = arith.constant 632 : i32
    %mul3A_120 = arith.muli %arg1, %mul3A_119 : i32
    %add3A_121 = arith.constant 79 : i32
    %add3A_122 = arith.addi %mul3A_120, %add3A_121 : i32
    "tpu.region"() ({
      %run_scoped3A = tpu.sem_alloc : memref<!tpu.dma_semaphore, #tpu.memory_space<semaphore_mem>>
      %dma_start3A_171 = arith.constant 0 : i32
      %dma_start3A_172 = tpu.memref_slice %arg7[%arg0, %add3A_122, %dma_start3A_171] : memref<2x10112x72xf32, #tpu.memory_space<hbm>> -> memref<1x79x72xf32, #tpu.memory_space<hbm>>
      %dma_start3A_173 = tpu.memref_squeeze %dma_start3A_172 : memref<1x79x72xf32, #tpu.memory_space<hbm>> -> memref<79x72xf32, #tpu.memory_space<hbm>>
      %dma_start3A_174 = arith.constant 0 : i32
      %dma_start3A_175 = tpu.memref_slice %arg7[%arg0, %add3A_122, %dma_start3A_174] : memref<2x10112x72xf32, #tpu.memory_space<hbm>> -> memref<1x79x72xf32, #tpu.memory_space<hbm>>
      %dma_start3A_176 = tpu.memref_squeeze %dma_start3A_175 : memref<1x79x72xf32, #tpu.memory_space<hbm>> -> memref<79x72xf32, #tpu.memory_space<hbm>>
      tpu.enqueue_dma source(%arg26 : memref<79x72xf32, #tpu.memory_space<vmem>>) target(%dma_start3A_176 : memref<79x72xf32, #tpu.memory_space<hbm>>) target_semaphore(%run_scoped3A : memref<!tpu.dma_semaphore, #tpu.memory_space<semaphore_mem>>)
      %dma_wait3A_177 = arith.constant 0 : i32
      %dma_wait3A_178 = tpu.memref_slice %arg7[%arg0, %add3A_122, %dma_wait3A_177] : memref<2x10112x72xf32, #tpu.memory_space<hbm>> -> memref<1x79x72xf32, #tpu.memory_space<hbm>>
      %dma_wait3A_179 = tpu.memref_squeeze %dma_wait3A_178 : memref<1x79x72xf32, #tpu.memory_space<hbm>> -> memref<79x72xf32, #tpu.memory_space<hbm>>
      %dma_wait3A_180 = arith.constant 0 : i32
      %dma_wait3A_181 = tpu.memref_slice %arg7[%arg0, %add3A_122, %dma_wait3A_180] : memref<2x10112x72xf32, #tpu.memory_space<hbm>> -> memref<1x79x72xf32, #tpu.memory_space<hbm>>
      %dma_wait3A_182 = tpu.memref_squeeze %dma_wait3A_181 : memref<1x79x72xf32, #tpu.memory_space<hbm>> -> memref<79x72xf32, #tpu.memory_space<hbm>>
      tpu.wait_dma2 semaphore(%run_scoped3A : memref<!tpu.dma_semaphore, #tpu.memory_space<semaphore_mem>>) src(%arg26 : memref<79x72xf32, #tpu.memory_space<vmem>>) dst(%dma_wait3A_182 : memref<79x72xf32, #tpu.memory_space<hbm>>)
      tpu.yield
    }) : () -> ()
    %mul3A_123 = arith.constant 632 : i32
    %mul3A_124 = arith.muli %arg1, %mul3A_123 : i32
    %add3A_125 = arith.constant 158 : i32
    %add3A_126 = arith.addi %mul3A_124, %add3A_125 : i32
    "tpu.region"() ({
      %run_scoped3A = tpu.sem_alloc : memref<!tpu.dma_semaphore, #tpu.memory_space<semaphore_mem>>
      %dma_start3A_171 = arith.constant 0 : i32
      %dma_start3A_172 = tpu.memref_slice %arg27[%add3A_126, %dma_start3A_171] : memref<10112x72xf32, #tpu.memory_space<vmem_shared>> -> memref<79x72xf32, #tpu.memory_space<vmem_shared>>
      %dma_start3A_173 = arith.constant 0 : i32
      %dma_start3A_174 = tpu.memref_slice %arg27[%add3A_126, %dma_start3A_173] : memref<10112x72xf32, #tpu.memory_space<vmem_shared>> -> memref<79x72xf32, #tpu.memory_space<vmem_shared>>
      tpu.enqueue_dma source(%dma_start3A_174 : memref<79x72xf32, #tpu.memory_space<vmem_shared>>) target(%arg26 : memref<79x72xf32, #tpu.memory_space<vmem>>) target_semaphore(%run_scoped3A : memref<!tpu.dma_semaphore, #tpu.memory_space<semaphore_mem>>)
      %dma_wait3A_175 = arith.constant 0 : i32
      %dma_wait3A_176 = tpu.memref_slice %arg27[%add3A_126, %dma_wait3A_175] : memref<10112x72xf32, #tpu.memory_space<vmem_shared>> -> memref<79x72xf32, #tpu.memory_space<vmem_shared>>
      %dma_wait3A_177 = arith.constant 0 : i32
      %dma_wait3A_178 = tpu.memref_slice %arg27[%add3A_126, %dma_wait3A_177] : memref<10112x72xf32, #tpu.memory_space<vmem_shared>> -> memref<79x72xf32, #tpu.memory_space<vmem_shared>>
      tpu.wait_dma2 semaphore(%run_scoped3A : memref<!tpu.dma_semaphore, #tpu.memory_space<semaphore_mem>>) src(%dma_wait3A_178 : memref<79x72xf32, #tpu.memory_space<vmem_shared>>) dst(%arg26 : memref<79x72xf32, #tpu.memory_space<vmem>>)
      tpu.yield
    }) : () -> ()
    %mul3A_127 = arith.constant 632 : i32
    %mul3A_128 = arith.muli %arg1, %mul3A_127 : i32
    %add3A_129 = arith.constant 158 : i32
    %add3A_130 = arith.addi %mul3A_128, %add3A_129 : i32
    "tpu.region"() ({
      %run_scoped3A = tpu.sem_alloc : memref<!tpu.dma_semaphore, #tpu.memory_space<semaphore_mem>>
      %dma_start3A_171 = arith.constant 0 : i32
      %dma_start3A_172 = tpu.memref_slice %arg7[%arg0, %add3A_130, %dma_start3A_171] : memref<2x10112x72xf32, #tpu.memory_space<hbm>> -> memref<1x79x72xf32, #tpu.memory_space<hbm>>
      %dma_start3A_173 = tpu.memref_squeeze %dma_start3A_172 : memref<1x79x72xf32, #tpu.memory_space<hbm>> -> memref<79x72xf32, #tpu.memory_space<hbm>>
      %dma_start3A_174 = arith.constant 0 : i32
      %dma_start3A_175 = tpu.memref_slice %arg7[%arg0, %add3A_130, %dma_start3A_174] : memref<2x10112x72xf32, #tpu.memory_space<hbm>> -> memref<1x79x72xf32, #tpu.memory_space<hbm>>
      %dma_start3A_176 = tpu.memref_squeeze %dma_start3A_175 : memref<1x79x72xf32, #tpu.memory_space<hbm>> -> memref<79x72xf32, #tpu.memory_space<hbm>>
      tpu.enqueue_dma source(%arg26 : memref<79x72xf32, #tpu.memory_space<vmem>>) target(%dma_start3A_176 : memref<79x72xf32, #tpu.memory_space<hbm>>) target_semaphore(%run_scoped3A : memref<!tpu.dma_semaphore, #tpu.memory_space<semaphore_mem>>)
      %dma_wait3A_177 = arith.constant 0 : i32
      %dma_wait3A_178 = tpu.memref_slice %arg7[%arg0, %add3A_130, %dma_wait3A_177] : memref<2x10112x72xf32, #tpu.memory_space<hbm>> -> memref<1x79x72xf32, #tpu.memory_space<hbm>>
      %dma_wait3A_179 = tpu.memref_squeeze %dma_wait3A_178 : memref<1x79x72xf32, #tpu.memory_space<hbm>> -> memref<79x72xf32, #tpu.memory_space<hbm>>
      %dma_wait3A_180 = arith.constant 0 : i32
      %dma_wait3A_181 = tpu.memref_slice %arg7[%arg0, %add3A_130, %dma_wait3A_180] : memref<2x10112x72xf32, #tpu.memory_space<hbm>> -> memref<1x79x72xf32, #tpu.memory_space<hbm>>
      %dma_wait3A_182 = tpu.memref_squeeze %dma_wait3A_181 : memref<1x79x72xf32, #tpu.memory_space<hbm>> -> memref<79x72xf32, #tpu.memory_space<hbm>>
      tpu.wait_dma2 semaphore(%run_scoped3A : memref<!tpu.dma_semaphore, #tpu.memory_space<semaphore_mem>>) src(%arg26 : memref<79x72xf32, #tpu.memory_space<vmem>>) dst(%dma_wait3A_182 : memref<79x72xf32, #tpu.memory_space<hbm>>)
      tpu.yield
    }) : () -> ()
    %mul3A_131 = arith.constant 632 : i32
    %mul3A_132 = arith.muli %arg1, %mul3A_131 : i32
    %add3A_133 = arith.constant 237 : i32
    %add3A_134 = arith.addi %mul3A_132, %add3A_133 : i32
    "tpu.region"() ({
      %run_scoped3A = tpu.sem_alloc : memref<!tpu.dma_semaphore, #tpu.memory_space<semaphore_mem>>
      %dma_start3A_171 = arith.constant 0 : i32
      %dma_start3A_172 = tpu.memref_slice %arg27[%add3A_134, %dma_start3A_171] : memref<10112x72xf32, #tpu.memory_space<vmem_shared>> -> memref<79x72xf32, #tpu.memory_space<vmem_shared>>
      %dma_start3A_173 = arith.constant 0 : i32
      %dma_start3A_174 = tpu.memref_slice %arg27[%add3A_134, %dma_start3A_173] : memref<10112x72xf32, #tpu.memory_space<vmem_shared>> -> memref<79x72xf32, #tpu.memory_space<vmem_shared>>
      tpu.enqueue_dma source(%dma_start3A_174 : memref<79x72xf32, #tpu.memory_space<vmem_shared>>) target(%arg26 : memref<79x72xf32, #tpu.memory_space<vmem>>) target_semaphore(%run_scoped3A : memref<!tpu.dma_semaphore, #tpu.memory_space<semaphore_mem>>)
      %dma_wait3A_175 = arith.constant 0 : i32
      %dma_wait3A_176 = tpu.memref_slice %arg27[%add3A_134, %dma_wait3A_175] : memref<10112x72xf32, #tpu.memory_space<vmem_shared>> -> memref<79x72xf32, #tpu.memory_space<vmem_shared>>
      %dma_wait3A_177 = arith.constant 0 : i32
      %dma_wait3A_178 = tpu.memref_slice %arg27[%add3A_134, %dma_wait3A_177] : memref<10112x72xf32, #tpu.memory_space<vmem_shared>> -> memref<79x72xf32, #tpu.memory_space<vmem_shared>>
      tpu.wait_dma2 semaphore(%run_scoped3A : memref<!tpu.dma_semaphore, #tpu.memory_space<semaphore_mem>>) src(%dma_wait3A_178 : memref<79x72xf32, #tpu.memory_space<vmem_shared>>) dst(%arg26 : memref<79x72xf32, #tpu.memory_space<vmem>>)
      tpu.yield
    }) : () -> ()
    %mul3A_135 = arith.constant 632 : i32
    %mul3A_136 = arith.muli %arg1, %mul3A_135 : i32
    %add3A_137 = arith.constant 237 : i32
    %add3A_138 = arith.addi %mul3A_136, %add3A_137 : i32
    "tpu.region"() ({
      %run_scoped3A = tpu.sem_alloc : memref<!tpu.dma_semaphore, #tpu.memory_space<semaphore_mem>>
      %dma_start3A_171 = arith.constant 0 : i32
      %dma_start3A_172 = tpu.memref_slice %arg7[%arg0, %add3A_138, %dma_start3A_171] : memref<2x10112x72xf32, #tpu.memory_space<hbm>> -> memref<1x79x72xf32, #tpu.memory_space<hbm>>
      %dma_start3A_173 = tpu.memref_squeeze %dma_start3A_172 : memref<1x79x72xf32, #tpu.memory_space<hbm>> -> memref<79x72xf32, #tpu.memory_space<hbm>>
      %dma_start3A_174 = arith.constant 0 : i32
      %dma_start3A_175 = tpu.memref_slice %arg7[%arg0, %add3A_138, %dma_start3A_174] : memref<2x10112x72xf32, #tpu.memory_space<hbm>> -> memref<1x79x72xf32, #tpu.memory_space<hbm>>
      %dma_start3A_176 = tpu.memref_squeeze %dma_start3A_175 : memref<1x79x72xf32, #tpu.memory_space<hbm>> -> memref<79x72xf32, #tpu.memory_space<hbm>>
      tpu.enqueue_dma source(%arg26 : memref<79x72xf32, #tpu.memory_space<vmem>>) target(%dma_start3A_176 : memref<79x72xf32, #tpu.memory_space<hbm>>) target_semaphore(%run_scoped3A : memref<!tpu.dma_semaphore, #tpu.memory_space<semaphore_mem>>)
      %dma_wait3A_177 = arith.constant 0 : i32
      %dma_wait3A_178 = tpu.memref_slice %arg7[%arg0, %add3A_138, %dma_wait3A_177] : memref<2x10112x72xf32, #tpu.memory_space<hbm>> -> memref<1x79x72xf32, #tpu.memory_space<hbm>>
      %dma_wait3A_179 = tpu.memref_squeeze %dma_wait3A_178 : memref<1x79x72xf32, #tpu.memory_space<hbm>> -> memref<79x72xf32, #tpu.memory_space<hbm>>
      %dma_wait3A_180 = arith.constant 0 : i32
      %dma_wait3A_181 = tpu.memref_slice %arg7[%arg0, %add3A_138, %dma_wait3A_180] : memref<2x10112x72xf32, #tpu.memory_space<hbm>> -> memref<1x79x72xf32, #tpu.memory_space<hbm>>
      %dma_wait3A_182 = tpu.memref_squeeze %dma_wait3A_181 : memref<1x79x72xf32, #tpu.memory_space<hbm>> -> memref<79x72xf32, #tpu.memory_space<hbm>>
      tpu.wait_dma2 semaphore(%run_scoped3A : memref<!tpu.dma_semaphore, #tpu.memory_space<semaphore_mem>>) src(%arg26 : memref<79x72xf32, #tpu.memory_space<vmem>>) dst(%dma_wait3A_182 : memref<79x72xf32, #tpu.memory_space<hbm>>)
      tpu.yield
    }) : () -> ()
    %mul3A_139 = arith.constant 632 : i32
    %mul3A_140 = arith.muli %arg1, %mul3A_139 : i32
    %add3A_141 = arith.constant 316 : i32
    %add3A_142 = arith.addi %mul3A_140, %add3A_141 : i32
    "tpu.region"() ({
      %run_scoped3A = tpu.sem_alloc : memref<!tpu.dma_semaphore, #tpu.memory_space<semaphore_mem>>
      %dma_start3A_171 = arith.constant 0 : i32
      %dma_start3A_172 = tpu.memref_slice %arg27[%add3A_142, %dma_start3A_171] : memref<10112x72xf32, #tpu.memory_space<vmem_shared>> -> memref<79x72xf32, #tpu.memory_space<vmem_shared>>
      %dma_start3A_173 = arith.constant 0 : i32
      %dma_start3A_174 = tpu.memref_slice %arg27[%add3A_142, %dma_start3A_173] : memref<10112x72xf32, #tpu.memory_space<vmem_shared>> -> memref<79x72xf32, #tpu.memory_space<vmem_shared>>
      tpu.enqueue_dma source(%dma_start3A_174 : memref<79x72xf32, #tpu.memory_space<vmem_shared>>) target(%arg26 : memref<79x72xf32, #tpu.memory_space<vmem>>) target_semaphore(%run_scoped3A : memref<!tpu.dma_semaphore, #tpu.memory_space<semaphore_mem>>)
      %dma_wait3A_175 = arith.constant 0 : i32
      %dma_wait3A_176 = tpu.memref_slice %arg27[%add3A_142, %dma_wait3A_175] : memref<10112x72xf32, #tpu.memory_space<vmem_shared>> -> memref<79x72xf32, #tpu.memory_space<vmem_shared>>
      %dma_wait3A_177 = arith.constant 0 : i32
      %dma_wait3A_178 = tpu.memref_slice %arg27[%add3A_142, %dma_wait3A_177] : memref<10112x72xf32, #tpu.memory_space<vmem_shared>> -> memref<79x72xf32, #tpu.memory_space<vmem_shared>>
      tpu.wait_dma2 semaphore(%run_scoped3A : memref<!tpu.dma_semaphore, #tpu.memory_space<semaphore_mem>>) src(%dma_wait3A_178 : memref<79x72xf32, #tpu.memory_space<vmem_shared>>) dst(%arg26 : memref<79x72xf32, #tpu.memory_space<vmem>>)
      tpu.yield
    }) : () -> ()
    %mul3A_143 = arith.constant 632 : i32
    %mul3A_144 = arith.muli %arg1, %mul3A_143 : i32
    %add3A_145 = arith.constant 316 : i32
    %add3A_146 = arith.addi %mul3A_144, %add3A_145 : i32
    "tpu.region"() ({
      %run_scoped3A = tpu.sem_alloc : memref<!tpu.dma_semaphore, #tpu.memory_space<semaphore_mem>>
      %dma_start3A_171 = arith.constant 0 : i32
      %dma_start3A_172 = tpu.memref_slice %arg7[%arg0, %add3A_146, %dma_start3A_171] : memref<2x10112x72xf32, #tpu.memory_space<hbm>> -> memref<1x79x72xf32, #tpu.memory_space<hbm>>
      %dma_start3A_173 = tpu.memref_squeeze %dma_start3A_172 : memref<1x79x72xf32, #tpu.memory_space<hbm>> -> memref<79x72xf32, #tpu.memory_space<hbm>>
      %dma_start3A_174 = arith.constant 0 : i32
      %dma_start3A_175 = tpu.memref_slice %arg7[%arg0, %add3A_146, %dma_start3A_174] : memref<2x10112x72xf32, #tpu.memory_space<hbm>> -> memref<1x79x72xf32, #tpu.memory_space<hbm>>
      %dma_start3A_176 = tpu.memref_squeeze %dma_start3A_175 : memref<1x79x72xf32, #tpu.memory_space<hbm>> -> memref<79x72xf32, #tpu.memory_space<hbm>>
      tpu.enqueue_dma source(%arg26 : memref<79x72xf32, #tpu.memory_space<vmem>>) target(%dma_start3A_176 : memref<79x72xf32, #tpu.memory_space<hbm>>) target_semaphore(%run_scoped3A : memref<!tpu.dma_semaphore, #tpu.memory_space<semaphore_mem>>)
      %dma_wait3A_177 = arith.constant 0 : i32
      %dma_wait3A_178 = tpu.memref_slice %arg7[%arg0, %add3A_146, %dma_wait3A_177] : memref<2x10112x72xf32, #tpu.memory_space<hbm>> -> memref<1x79x72xf32, #tpu.memory_space<hbm>>
      %dma_wait3A_179 = tpu.memref_squeeze %dma_wait3A_178 : memref<1x79x72xf32, #tpu.memory_space<hbm>> -> memref<79x72xf32, #tpu.memory_space<hbm>>
      %dma_wait3A_180 = arith.constant 0 : i32
      %dma_wait3A_181 = tpu.memref_slice %arg7[%arg0, %add3A_146, %dma_wait3A_180] : memref<2x10112x72xf32, #tpu.memory_space<hbm>> -> memref<1x79x72xf32, #tpu.memory_space<hbm>>
      %dma_wait3A_182 = tpu.memref_squeeze %dma_wait3A_181 : memref<1x79x72xf32, #tpu.memory_space<hbm>> -> memref<79x72xf32, #tpu.memory_space<hbm>>
      tpu.wait_dma2 semaphore(%run_scoped3A : memref<!tpu.dma_semaphore, #tpu.memory_space<semaphore_mem>>) src(%arg26 : memref<79x72xf32, #tpu.memory_space<vmem>>) dst(%dma_wait3A_182 : memref<79x72xf32, #tpu.memory_space<hbm>>)
      tpu.yield
    }) : () -> ()
    %mul3A_147 = arith.constant 632 : i32
    %mul3A_148 = arith.muli %arg1, %mul3A_147 : i32
    %add3A_149 = arith.constant 395 : i32
    %add3A_150 = arith.addi %mul3A_148, %add3A_149 : i32
    "tpu.region"() ({
      %run_scoped3A = tpu.sem_alloc : memref<!tpu.dma_semaphore, #tpu.memory_space<semaphore_mem>>
      %dma_start3A_171 = arith.constant 0 : i32
      %dma_start3A_172 = tpu.memref_slice %arg27[%add3A_150, %dma_start3A_171] : memref<10112x72xf32, #tpu.memory_space<vmem_shared>> -> memref<79x72xf32, #tpu.memory_space<vmem_shared>>
      %dma_start3A_173 = arith.constant 0 : i32
      %dma_start3A_174 = tpu.memref_slice %arg27[%add3A_150, %dma_start3A_173] : memref<10112x72xf32, #tpu.memory_space<vmem_shared>> -> memref<79x72xf32, #tpu.memory_space<vmem_shared>>
      tpu.enqueue_dma source(%dma_start3A_174 : memref<79x72xf32, #tpu.memory_space<vmem_shared>>) target(%arg26 : memref<79x72xf32, #tpu.memory_space<vmem>>) target_semaphore(%run_scoped3A : memref<!tpu.dma_semaphore, #tpu.memory_space<semaphore_mem>>)
      %dma_wait3A_175 = arith.constant 0 : i32
      %dma_wait3A_176 = tpu.memref_slice %arg27[%add3A_150, %dma_wait3A_175] : memref<10112x72xf32, #tpu.memory_space<vmem_shared>> -> memref<79x72xf32, #tpu.memory_space<vmem_shared>>
      %dma_wait3A_177 = arith.constant 0 : i32
      %dma_wait3A_178 = tpu.memref_slice %arg27[%add3A_150, %dma_wait3A_177] : memref<10112x72xf32, #tpu.memory_space<vmem_shared>> -> memref<79x72xf32, #tpu.memory_space<vmem_shared>>
      tpu.wait_dma2 semaphore(%run_scoped3A : memref<!tpu.dma_semaphore, #tpu.memory_space<semaphore_mem>>) src(%dma_wait3A_178 : memref<79x72xf32, #tpu.memory_space<vmem_shared>>) dst(%arg26 : memref<79x72xf32, #tpu.memory_space<vmem>>)
      tpu.yield
    }) : () -> ()
    %mul3A_151 = arith.constant 632 : i32
    %mul3A_152 = arith.muli %arg1, %mul3A_151 : i32
    %add3A_153 = arith.constant 395 : i32
    %add3A_154 = arith.addi %mul3A_152, %add3A_153 : i32
    "tpu.region"() ({
      %run_scoped3A = tpu.sem_alloc : memref<!tpu.dma_semaphore, #tpu.memory_space<semaphore_mem>>
      %dma_start3A_171 = arith.constant 0 : i32
      %dma_start3A_172 = tpu.memref_slice %arg7[%arg0, %add3A_154, %dma_start3A_171] : memref<2x10112x72xf32, #tpu.memory_space<hbm>> -> memref<1x79x72xf32, #tpu.memory_space<hbm>>
      %dma_start3A_173 = tpu.memref_squeeze %dma_start3A_172 : memref<1x79x72xf32, #tpu.memory_space<hbm>> -> memref<79x72xf32, #tpu.memory_space<hbm>>
      %dma_start3A_174 = arith.constant 0 : i32
      %dma_start3A_175 = tpu.memref_slice %arg7[%arg0, %add3A_154, %dma_start3A_174] : memref<2x10112x72xf32, #tpu.memory_space<hbm>> -> memref<1x79x72xf32, #tpu.memory_space<hbm>>
      %dma_start3A_176 = tpu.memref_squeeze %dma_start3A_175 : memref<1x79x72xf32, #tpu.memory_space<hbm>> -> memref<79x72xf32, #tpu.memory_space<hbm>>
      tpu.enqueue_dma source(%arg26 : memref<79x72xf32, #tpu.memory_space<vmem>>) target(%dma_start3A_176 : memref<79x72xf32, #tpu.memory_space<hbm>>) target_semaphore(%run_scoped3A : memref<!tpu.dma_semaphore, #tpu.memory_space<semaphore_mem>>)
      %dma_wait3A_177 = arith.constant 0 : i32
      %dma_wait3A_178 = tpu.memref_slice %arg7[%arg0, %add3A_154, %dma_wait3A_177] : memref<2x10112x72xf32, #tpu.memory_space<hbm>> -> memref<1x79x72xf32, #tpu.memory_space<hbm>>
      %dma_wait3A_179 = tpu.memref_squeeze %dma_wait3A_178 : memref<1x79x72xf32, #tpu.memory_space<hbm>> -> memref<79x72xf32, #tpu.memory_space<hbm>>
      %dma_wait3A_180 = arith.constant 0 : i32
      %dma_wait3A_181 = tpu.memref_slice %arg7[%arg0, %add3A_154, %dma_wait3A_180] : memref<2x10112x72xf32, #tpu.memory_space<hbm>> -> memref<1x79x72xf32, #tpu.memory_space<hbm>>
      %dma_wait3A_182 = tpu.memref_squeeze %dma_wait3A_181 : memref<1x79x72xf32, #tpu.memory_space<hbm>> -> memref<79x72xf32, #tpu.memory_space<hbm>>
      tpu.wait_dma2 semaphore(%run_scoped3A : memref<!tpu.dma_semaphore, #tpu.memory_space<semaphore_mem>>) src(%arg26 : memref<79x72xf32, #tpu.memory_space<vmem>>) dst(%dma_wait3A_182 : memref<79x72xf32, #tpu.memory_space<hbm>>)
      tpu.yield
    }) : () -> ()
    %mul3A_155 = arith.constant 632 : i32
    %mul3A_156 = arith.muli %arg1, %mul3A_155 : i32
    %add3A_157 = arith.constant 474 : i32
    %add3A_158 = arith.addi %mul3A_156, %add3A_157 : i32
    "tpu.region"() ({
      %run_scoped3A = tpu.sem_alloc : memref<!tpu.dma_semaphore, #tpu.memory_space<semaphore_mem>>
      %dma_start3A_171 = arith.constant 0 : i32
      %dma_start3A_172 = tpu.memref_slice %arg27[%add3A_158, %dma_start3A_171] : memref<10112x72xf32, #tpu.memory_space<vmem_shared>> -> memref<79x72xf32, #tpu.memory_space<vmem_shared>>
      %dma_start3A_173 = arith.constant 0 : i32
      %dma_start3A_174 = tpu.memref_slice %arg27[%add3A_158, %dma_start3A_173] : memref<10112x72xf32, #tpu.memory_space<vmem_shared>> -> memref<79x72xf32, #tpu.memory_space<vmem_shared>>
      tpu.enqueue_dma source(%dma_start3A_174 : memref<79x72xf32, #tpu.memory_space<vmem_shared>>) target(%arg26 : memref<79x72xf32, #tpu.memory_space<vmem>>) target_semaphore(%run_scoped3A : memref<!tpu.dma_semaphore, #tpu.memory_space<semaphore_mem>>)
      %dma_wait3A_175 = arith.constant 0 : i32
      %dma_wait3A_176 = tpu.memref_slice %arg27[%add3A_158, %dma_wait3A_175] : memref<10112x72xf32, #tpu.memory_space<vmem_shared>> -> memref<79x72xf32, #tpu.memory_space<vmem_shared>>
      %dma_wait3A_177 = arith.constant 0 : i32
      %dma_wait3A_178 = tpu.memref_slice %arg27[%add3A_158, %dma_wait3A_177] : memref<10112x72xf32, #tpu.memory_space<vmem_shared>> -> memref<79x72xf32, #tpu.memory_space<vmem_shared>>
      tpu.wait_dma2 semaphore(%run_scoped3A : memref<!tpu.dma_semaphore, #tpu.memory_space<semaphore_mem>>) src(%dma_wait3A_178 : memref<79x72xf32, #tpu.memory_space<vmem_shared>>) dst(%arg26 : memref<79x72xf32, #tpu.memory_space<vmem>>)
      tpu.yield
    }) : () -> ()
    %mul3A_159 = arith.constant 632 : i32
    %mul3A_160 = arith.muli %arg1, %mul3A_159 : i32
    %add3A_161 = arith.constant 474 : i32
    %add3A_162 = arith.addi %mul3A_160, %add3A_161 : i32
    "tpu.region"() ({
      %run_scoped3A = tpu.sem_alloc : memref<!tpu.dma_semaphore, #tpu.memory_space<semaphore_mem>>
      %dma_start3A_171 = arith.constant 0 : i32
      %dma_start3A_172 = tpu.memref_slice %arg7[%arg0, %add3A_162, %dma_start3A_171] : memref<2x10112x72xf32, #tpu.memory_space<hbm>> -> memref<1x79x72xf32, #tpu.memory_space<hbm>>
      %dma_start3A_173 = tpu.memref_squeeze %dma_start3A_172 : memref<1x79x72xf32, #tpu.memory_space<hbm>> -> memref<79x72xf32, #tpu.memory_space<hbm>>
      %dma_start3A_174 = arith.constant 0 : i32
      %dma_start3A_175 = tpu.memref_slice %arg7[%arg0, %add3A_162, %dma_start3A_174] : memref<2x10112x72xf32, #tpu.memory_space<hbm>> -> memref<1x79x72xf32, #tpu.memory_space<hbm>>
      %dma_start3A_176 = tpu.memref_squeeze %dma_start3A_175 : memref<1x79x72xf32, #tpu.memory_space<hbm>> -> memref<79x72xf32, #tpu.memory_space<hbm>>
      tpu.enqueue_dma source(%arg26 : memref<79x72xf32, #tpu.memory_space<vmem>>) target(%dma_start3A_176 : memref<79x72xf32, #tpu.memory_space<hbm>>) target_semaphore(%run_scoped3A : memref<!tpu.dma_semaphore, #tpu.memory_space<semaphore_mem>>)
      %dma_wait3A_177 = arith.constant 0 : i32
      %dma_wait3A_178 = tpu.memref_slice %arg7[%arg0, %add3A_162, %dma_wait3A_177] : memref<2x10112x72xf32, #tpu.memory_space<hbm>> -> memref<1x79x72xf32, #tpu.memory_space<hbm>>
      %dma_wait3A_179 = tpu.memref_squeeze %dma_wait3A_178 : memref<1x79x72xf32, #tpu.memory_space<hbm>> -> memref<79x72xf32, #tpu.memory_space<hbm>>
      %dma_wait3A_180 = arith.constant 0 : i32
      %dma_wait3A_181 = tpu.memref_slice %arg7[%arg0, %add3A_162, %dma_wait3A_180] : memref<2x10112x72xf32, #tpu.memory_space<hbm>> -> memref<1x79x72xf32, #tpu.memory_space<hbm>>
      %dma_wait3A_182 = tpu.memref_squeeze %dma_wait3A_181 : memref<1x79x72xf32, #tpu.memory_space<hbm>> -> memref<79x72xf32, #tpu.memory_space<hbm>>
      tpu.wait_dma2 semaphore(%run_scoped3A : memref<!tpu.dma_semaphore, #tpu.memory_space<semaphore_mem>>) src(%arg26 : memref<79x72xf32, #tpu.memory_space<vmem>>) dst(%dma_wait3A_182 : memref<79x72xf32, #tpu.memory_space<hbm>>)
      tpu.yield
    }) : () -> ()
    %mul3A_163 = arith.constant 632 : i32
    %mul3A_164 = arith.muli %arg1, %mul3A_163 : i32
    %add3A_165 = arith.constant 553 : i32
    %add3A_166 = arith.addi %mul3A_164, %add3A_165 : i32
    "tpu.region"() ({
      %run_scoped3A = tpu.sem_alloc : memref<!tpu.dma_semaphore, #tpu.memory_space<semaphore_mem>>
      %dma_start3A_171 = arith.constant 0 : i32
      %dma_start3A_172 = tpu.memref_slice %arg27[%add3A_166, %dma_start3A_171] : memref<10112x72xf32, #tpu.memory_space<vmem_shared>> -> memref<79x72xf32, #tpu.memory_space<vmem_shared>>
      %dma_start3A_173 = arith.constant 0 : i32
      %dma_start3A_174 = tpu.memref_slice %arg27[%add3A_166, %dma_start3A_173] : memref<10112x72xf32, #tpu.memory_space<vmem_shared>> -> memref<79x72xf32, #tpu.memory_space<vmem_shared>>
      tpu.enqueue_dma source(%dma_start3A_174 : memref<79x72xf32, #tpu.memory_space<vmem_shared>>) target(%arg26 : memref<79x72xf32, #tpu.memory_space<vmem>>) target_semaphore(%run_scoped3A : memref<!tpu.dma_semaphore, #tpu.memory_space<semaphore_mem>>)
      %dma_wait3A_175 = arith.constant 0 : i32
      %dma_wait3A_176 = tpu.memref_slice %arg27[%add3A_166, %dma_wait3A_175] : memref<10112x72xf32, #tpu.memory_space<vmem_shared>> -> memref<79x72xf32, #tpu.memory_space<vmem_shared>>
      %dma_wait3A_177 = arith.constant 0 : i32
      %dma_wait3A_178 = tpu.memref_slice %arg27[%add3A_166, %dma_wait3A_177] : memref<10112x72xf32, #tpu.memory_space<vmem_shared>> -> memref<79x72xf32, #tpu.memory_space<vmem_shared>>
      tpu.wait_dma2 semaphore(%run_scoped3A : memref<!tpu.dma_semaphore, #tpu.memory_space<semaphore_mem>>) src(%dma_wait3A_178 : memref<79x72xf32, #tpu.memory_space<vmem_shared>>) dst(%arg26 : memref<79x72xf32, #tpu.memory_space<vmem>>)
      tpu.yield
    }) : () -> ()
    %mul3A_167 = arith.constant 632 : i32
    %mul3A_168 = arith.muli %arg1, %mul3A_167 : i32
    %add3A_169 = arith.constant 553 : i32
    %add3A_170 = arith.addi %mul3A_168, %add3A_169 : i32
    "tpu.region"() ({
      %run_scoped3A = tpu.sem_alloc : memref<!tpu.dma_semaphore, #tpu.memory_space<semaphore_mem>>
      %dma_start3A_171 = arith.constant 0 : i32
      %dma_start3A_172 = tpu.memref_slice %arg7[%arg0, %add3A_170, %dma_start3A_171] : memref<2x10112x72xf32, #tpu.memory_space<hbm>> -> memref<1x79x72xf32, #tpu.memory_space<hbm>>
      %dma_start3A_173 = tpu.memref_squeeze %dma_start3A_172 : memref<1x79x72xf32, #tpu.memory_space<hbm>> -> memref<79x72xf32, #tpu.memory_space<hbm>>
      %dma_start3A_174 = arith.constant 0 : i32
      %dma_start3A_175 = tpu.memref_slice %arg7[%arg0, %add3A_170, %dma_start3A_174] : memref<2x10112x72xf32, #tpu.memory_space<hbm>> -> memref<1x79x72xf32, #tpu.memory_space<hbm>>
      %dma_start3A_176 = tpu.memref_squeeze %dma_start3A_175 : memref<1x79x72xf32, #tpu.memory_space<hbm>> -> memref<79x72xf32, #tpu.memory_space<hbm>>
      tpu.enqueue_dma source(%arg26 : memref<79x72xf32, #tpu.memory_space<vmem>>) target(%dma_start3A_176 : memref<79x72xf32, #tpu.memory_space<hbm>>) target_semaphore(%run_scoped3A : memref<!tpu.dma_semaphore, #tpu.memory_space<semaphore_mem>>)
      %dma_wait3A_177 = arith.constant 0 : i32
      %dma_wait3A_178 = tpu.memref_slice %arg7[%arg0, %add3A_170, %dma_wait3A_177] : memref<2x10112x72xf32, #tpu.memory_space<hbm>> -> memref<1x79x72xf32, #tpu.memory_space<hbm>>
      %dma_wait3A_179 = tpu.memref_squeeze %dma_wait3A_178 : memref<1x79x72xf32, #tpu.memory_space<hbm>> -> memref<79x72xf32, #tpu.memory_space<hbm>>
      %dma_wait3A_180 = arith.constant 0 : i32
      %dma_wait3A_181 = tpu.memref_slice %arg7[%arg0, %add3A_170, %dma_wait3A_180] : memref<2x10112x72xf32, #tpu.memory_space<hbm>> -> memref<1x79x72xf32, #tpu.memory_space<hbm>>
      %dma_wait3A_182 = tpu.memref_squeeze %dma_wait3A_181 : memref<1x79x72xf32, #tpu.memory_space<hbm>> -> memref<79x72xf32, #tpu.memory_space<hbm>>
      tpu.wait_dma2 semaphore(%run_scoped3A : memref<!tpu.dma_semaphore, #tpu.memory_space<semaphore_mem>>) src(%arg26 : memref<79x72xf32, #tpu.memory_space<vmem>>) dst(%dma_wait3A_182 : memref<79x72xf32, #tpu.memory_space<hbm>>)
      tpu.yield
    }) : () -> ()
    return
  }
}

#map = affine_map<(d0, d1) -> (0, 0)>
#map1 = affine_map<(d0, d1) -> (0)>
#map2 = affine_map<(d0, d1) -> (0, 0, 0)>
module attributes {stable_mosaic.version = 14 : i64} {
  func.func @edge_kernel(%arg0: i32, %arg1: i32, %arg2: memref<10112x80xf32, #tpu.memory_space<hbm>>, %arg3: memref<10112x32xf32, #tpu.memory_space<hbm>>, %arg4: memref<331776xi32, #tpu.memory_space<hbm>>, %arg5: memref<331776xi32, #tpu.memory_space<hbm>>, %arg6: memref<10112x72xf32, #tpu.memory_space<hbm>>, %arg7: memref<2x10112x72xf32, #tpu.memory_space<hbm>>, %arg8: memref<128xi32, #tpu.memory_space<vmem>>, %arg9: memref<128xi32, #tpu.memory_space<vmem>>, %arg10: memref<128xi32, #tpu.memory_space<vmem>>, %arg11: memref<128xi32, #tpu.memory_space<vmem>>, %arg12: memref<128xi32, #tpu.memory_space<vmem>>, %arg13: memref<128xi32, #tpu.memory_space<vmem>>, %arg14: memref<128x80xf32, #tpu.memory_space<vmem>>, %arg15: memref<128x80xf32, #tpu.memory_space<vmem>>, %arg16: memref<128x80xf32, #tpu.memory_space<vmem>>, %arg17: memref<128x32xf32, #tpu.memory_space<vmem>>, %arg18: memref<128x32xf32, #tpu.memory_space<vmem>>, %arg19: memref<128x32xf32, #tpu.memory_space<vmem>>, %arg20: memref<128x72xf32, #tpu.memory_space<vmem>>, %arg21: memref<128x72xf32, #tpu.memory_space<vmem>>, %arg22: memref<128x72xf32, #tpu.memory_space<vmem>>, %arg23: memref<128xi32, #tpu.memory_space<vmem>>, %arg24: memref<128xi32, #tpu.memory_space<vmem>>, %arg25: memref<128xi32, #tpu.memory_space<vmem>>, %arg26: memref<79x72xf32, #tpu.memory_space<vmem>>, %arg27: memref<10112x72xf32, #tpu.memory_space<vmem_shared>>, %arg28: memref<!tpu.dma_semaphore, #tpu.memory_space<semaphore_mem>>, %arg29: memref<!tpu.dma_semaphore, #tpu.memory_space<semaphore_mem>>, %arg30: memref<!tpu.dma_semaphore, #tpu.memory_space<semaphore_mem>>, %arg31: memref<!tpu.dma_semaphore, #tpu.memory_space<semaphore_mem>>, %arg32: memref<!tpu.dma_semaphore, #tpu.memory_space<semaphore_mem>>, %arg33: memref<!tpu.dma_semaphore, #tpu.memory_space<semaphore_mem>>, %arg34: memref<!tpu.dma_semaphore, #tpu.memory_space<semaphore_mem>>, %arg35: memref<!tpu.dma_semaphore, #tpu.memory_space<semaphore_mem>>, %arg36: memref<!tpu.dma_semaphore, #tpu.memory_space<semaphore_mem>>) attributes {dimension_semantics = [#tpu.dimension_semantics<core_parallel>, #tpu.dimension_semantics<subcore_parallel>], iteration_bounds = array<i64: 2, 16>, scalar_prefetch = 0 : i64, scratch_operands = 29 : i64, tpu.core_type = #tpu.core_type<sc_vector_subcore>, window_params = [{transform_indices = #map}, {transform_indices = #map}, {transform_indices = #map1}, {transform_indices = #map1}, {transform_indices = #map}, {transform_indices = #map2}]} {
    %mul3A = arith.constant 2 : i32
    %mul3A_0 = arith.muli %arg1, %mul3A : i32
    %add3A = arith.addi %mul3A_0, %arg0 : i32
    %iota3A = tpu.iota {dimensions = array<i32: 0>} : vector<16xi32>
    %and3A = arith.constant 0 : i32
    %and3A_1 = vector.broadcast %and3A : i32 to vector<16xi32>
    %and3A_2 = arith.andi %iota3A, %and3A_1 : vector<16xi32>
    %add3A_3 = arith.constant 0 : i32
    %add3A_4 = vector.broadcast %add3A_3 : i32 to vector<16xi32>
    %add3A_5 = arith.addi %add3A_4, %iota3A : vector<16xi32>
    %shift_right_logical3A = arith.constant 6 : i32
    %shift_right_logical3A_6 = vector.broadcast %shift_right_logical3A : i32 to vector<16xi32>
    %shift_right_logical3A_7 = arith.shrui %add3A_5, %shift_right_logical3A_6 : vector<16xi32>
    %add3A_8 = arith.constant 16 : i32
    %add3A_9 = vector.broadcast %add3A_8 : i32 to vector<16xi32>
    %add3A_10 = arith.addi %add3A_9, %iota3A : vector<16xi32>
    %shift_right_logical3A_11 = arith.constant 6 : i32
    %shift_right_logical3A_12 = vector.broadcast %shift_right_logical3A_11 : i32 to vector<16xi32>
    %shift_right_logical3A_13 = arith.shrui %add3A_10, %shift_right_logical3A_12 : vector<16xi32>
    %add3A_14 = arith.constant 32 : i32
    %add3A_15 = vector.broadcast %add3A_14 : i32 to vector<16xi32>
    %add3A_16 = arith.addi %add3A_15, %iota3A : vector<16xi32>
    %shift_right_logical3A_17 = arith.constant 6 : i32
    %shift_right_logical3A_18 = vector.broadcast %shift_right_logical3A_17 : i32 to vector<16xi32>
    %shift_right_logical3A_19 = arith.shrui %add3A_16, %shift_right_logical3A_18 : vector<16xi32>
    %add3A_20 = arith.constant 48 : i32
    %add3A_21 = vector.broadcast %add3A_20 : i32 to vector<16xi32>
    %add3A_22 = arith.addi %add3A_21, %iota3A : vector<16xi32>
    %shift_right_logical3A_23 = arith.constant 6 : i32
    %shift_right_logical3A_24 = vector.broadcast %shift_right_logical3A_23 : i32 to vector<16xi32>
    %shift_right_logical3A_25 = arith.shrui %add3A_22, %shift_right_logical3A_24 : vector<16xi32>
    "tpu.region"() ({
      %run_scoped3A = tpu.sem_alloc : memref<!tpu.dma_semaphore, #tpu.memory_space<semaphore_mem>>
      %dma_start3A_171 = arith.constant 0 : i32
      %dma_start3A_172 = arith.constant 0 : i32
      %dma_start3A_173 = tpu.memref_slice %arg6[%dma_start3A_171, %dma_start3A_172] : memref<10112x72xf32, #tpu.memory_space<hbm>> -> memref<79x72xf32, #tpu.memory_space<hbm>>
      %dma_start3A_174 = arith.constant 0 : i32
      %dma_start3A_175 = arith.constant 0 : i32
      %dma_start3A_176 = tpu.memref_slice %arg6[%dma_start3A_174, %dma_start3A_175] : memref<10112x72xf32, #tpu.memory_space<hbm>> -> memref<79x72xf32, #tpu.memory_space<hbm>>
      tpu.enqueue_dma source(%dma_start3A_176 : memref<79x72xf32, #tpu.memory_space<hbm>>) target(%arg26 : memref<79x72xf32, #tpu.memory_space<vmem>>) target_semaphore(%run_scoped3A : memref<!tpu.dma_semaphore, #tpu.memory_space<semaphore_mem>>)
      %dma_wait3A_177 = arith.constant 0 : i32
      %dma_wait3A_178 = arith.constant 0 : i32
      %dma_wait3A_179 = tpu.memref_slice %arg6[%dma_wait3A_177, %dma_wait3A_178] : memref<10112x72xf32, #tpu.memory_space<hbm>> -> memref<79x72xf32, #tpu.memory_space<hbm>>
      %dma_wait3A_180 = arith.constant 0 : i32
      %dma_wait3A_181 = arith.constant 0 : i32
      %dma_wait3A_182 = tpu.memref_slice %arg6[%dma_wait3A_180, %dma_wait3A_181] : memref<10112x72xf32, #tpu.memory_space<hbm>> -> memref<79x72xf32, #tpu.memory_space<hbm>>
      tpu.wait_dma2 semaphore(%run_scoped3A : memref<!tpu.dma_semaphore, #tpu.memory_space<semaphore_mem>>) src(%dma_wait3A_182 : memref<79x72xf32, #tpu.memory_space<hbm>>) dst(%arg26 : memref<79x72xf32, #tpu.memory_space<vmem>>)
      tpu.yield
    }) : () -> ()
    %mul3A_26 = arith.constant 632 : i32
    %mul3A_27 = arith.muli %arg1, %mul3A_26 : i32
    %add3A_28 = arith.constant 0 : i32
    %add3A_29 = arith.addi %mul3A_27, %add3A_28 : i32
    "tpu.region"() ({
      %run_scoped3A = tpu.sem_alloc : memref<!tpu.dma_semaphore, #tpu.memory_space<semaphore_mem>>
      %dma_start3A_171 = arith.constant 0 : i32
      %dma_start3A_172 = tpu.memref_slice %arg27[%add3A_29, %dma_start3A_171] : memref<10112x72xf32, #tpu.memory_space<vmem_shared>> -> memref<79x72xf32, #tpu.memory_space<vmem_shared>>
      %dma_start3A_173 = arith.constant 0 : i32
      %dma_start3A_174 = tpu.memref_slice %arg27[%add3A_29, %dma_start3A_173] : memref<10112x72xf32, #tpu.memory_space<vmem_shared>> -> memref<79x72xf32, #tpu.memory_space<vmem_shared>>
      tpu.enqueue_dma source(%arg26 : memref<79x72xf32, #tpu.memory_space<vmem>>) target(%dma_start3A_174 : memref<79x72xf32, #tpu.memory_space<vmem_shared>>) target_semaphore(%run_scoped3A : memref<!tpu.dma_semaphore, #tpu.memory_space<semaphore_mem>>)
      %dma_wait3A_175 = arith.constant 0 : i32
      %dma_wait3A_176 = tpu.memref_slice %arg27[%add3A_29, %dma_wait3A_175] : memref<10112x72xf32, #tpu.memory_space<vmem_shared>> -> memref<79x72xf32, #tpu.memory_space<vmem_shared>>
      %dma_wait3A_177 = arith.constant 0 : i32
      %dma_wait3A_178 = tpu.memref_slice %arg27[%add3A_29, %dma_wait3A_177] : memref<10112x72xf32, #tpu.memory_space<vmem_shared>> -> memref<79x72xf32, #tpu.memory_space<vmem_shared>>
      tpu.wait_dma2 semaphore(%run_scoped3A : memref<!tpu.dma_semaphore, #tpu.memory_space<semaphore_mem>>) src(%arg26 : memref<79x72xf32, #tpu.memory_space<vmem>>) dst(%dma_wait3A_178 : memref<79x72xf32, #tpu.memory_space<vmem_shared>>)
      tpu.yield
    }) : () -> ()
    %mul3A_30 = arith.constant 632 : i32
    %mul3A_31 = arith.muli %arg1, %mul3A_30 : i32
    %add3A_32 = arith.constant 79 : i32
    %add3A_33 = arith.addi %mul3A_31, %add3A_32 : i32
    "tpu.region"() ({
      %run_scoped3A = tpu.sem_alloc : memref<!tpu.dma_semaphore, #tpu.memory_space<semaphore_mem>>
      %dma_start3A_171 = arith.constant 0 : i32
      %dma_start3A_172 = tpu.memref_slice %arg27[%add3A_33, %dma_start3A_171] : memref<10112x72xf32, #tpu.memory_space<vmem_shared>> -> memref<79x72xf32, #tpu.memory_space<vmem_shared>>
      %dma_start3A_173 = arith.constant 0 : i32
      %dma_start3A_174 = tpu.memref_slice %arg27[%add3A_33, %dma_start3A_173] : memref<10112x72xf32, #tpu.memory_space<vmem_shared>> -> memref<79x72xf32, #tpu.memory_space<vmem_shared>>
      tpu.enqueue_dma source(%arg26 : memref<79x72xf32, #tpu.memory_space<vmem>>) target(%dma_start3A_174 : memref<79x72xf32, #tpu.memory_space<vmem_shared>>) target_semaphore(%run_scoped3A : memref<!tpu.dma_semaphore, #tpu.memory_space<semaphore_mem>>)
      %dma_wait3A_175 = arith.constant 0 : i32
      %dma_wait3A_176 = tpu.memref_slice %arg27[%add3A_33, %dma_wait3A_175] : memref<10112x72xf32, #tpu.memory_space<vmem_shared>> -> memref<79x72xf32, #tpu.memory_space<vmem_shared>>
      %dma_wait3A_177 = arith.constant 0 : i32
      %dma_wait3A_178 = tpu.memref_slice %arg27[%add3A_33, %dma_wait3A_177] : memref<10112x72xf32, #tpu.memory_space<vmem_shared>> -> memref<79x72xf32, #tpu.memory_space<vmem_shared>>
      tpu.wait_dma2 semaphore(%run_scoped3A : memref<!tpu.dma_semaphore, #tpu.memory_space<semaphore_mem>>) src(%arg26 : memref<79x72xf32, #tpu.memory_space<vmem>>) dst(%dma_wait3A_178 : memref<79x72xf32, #tpu.memory_space<vmem_shared>>)
      tpu.yield
    }) : () -> ()
    %mul3A_34 = arith.constant 632 : i32
    %mul3A_35 = arith.muli %arg1, %mul3A_34 : i32
    %add3A_36 = arith.constant 158 : i32
    %add3A_37 = arith.addi %mul3A_35, %add3A_36 : i32
    "tpu.region"() ({
      %run_scoped3A = tpu.sem_alloc : memref<!tpu.dma_semaphore, #tpu.memory_space<semaphore_mem>>
      %dma_start3A_171 = arith.constant 0 : i32
      %dma_start3A_172 = tpu.memref_slice %arg27[%add3A_37, %dma_start3A_171] : memref<10112x72xf32, #tpu.memory_space<vmem_shared>> -> memref<79x72xf32, #tpu.memory_space<vmem_shared>>
      %dma_start3A_173 = arith.constant 0 : i32
      %dma_start3A_174 = tpu.memref_slice %arg27[%add3A_37, %dma_start3A_173] : memref<10112x72xf32, #tpu.memory_space<vmem_shared>> -> memref<79x72xf32, #tpu.memory_space<vmem_shared>>
      tpu.enqueue_dma source(%arg26 : memref<79x72xf32, #tpu.memory_space<vmem>>) target(%dma_start3A_174 : memref<79x72xf32, #tpu.memory_space<vmem_shared>>) target_semaphore(%run_scoped3A : memref<!tpu.dma_semaphore, #tpu.memory_space<semaphore_mem>>)
      %dma_wait3A_175 = arith.constant 0 : i32
      %dma_wait3A_176 = tpu.memref_slice %arg27[%add3A_37, %dma_wait3A_175] : memref<10112x72xf32, #tpu.memory_space<vmem_shared>> -> memref<79x72xf32, #tpu.memory_space<vmem_shared>>
      %dma_wait3A_177 = arith.constant 0 : i32
      %dma_wait3A_178 = tpu.memref_slice %arg27[%add3A_37, %dma_wait3A_177] : memref<10112x72xf32, #tpu.memory_space<vmem_shared>> -> memref<79x72xf32, #tpu.memory_space<vmem_shared>>
      tpu.wait_dma2 semaphore(%run_scoped3A : memref<!tpu.dma_semaphore, #tpu.memory_space<semaphore_mem>>) src(%arg26 : memref<79x72xf32, #tpu.memory_space<vmem>>) dst(%dma_wait3A_178 : memref<79x72xf32, #tpu.memory_space<vmem_shared>>)
      tpu.yield
    }) : () -> ()
    %mul3A_38 = arith.constant 632 : i32
    %mul3A_39 = arith.muli %arg1, %mul3A_38 : i32
    %add3A_40 = arith.constant 237 : i32
    %add3A_41 = arith.addi %mul3A_39, %add3A_40 : i32
    "tpu.region"() ({
      %run_scoped3A = tpu.sem_alloc : memref<!tpu.dma_semaphore, #tpu.memory_space<semaphore_mem>>
      %dma_start3A_171 = arith.constant 0 : i32
      %dma_start3A_172 = tpu.memref_slice %arg27[%add3A_41, %dma_start3A_171] : memref<10112x72xf32, #tpu.memory_space<vmem_shared>> -> memref<79x72xf32, #tpu.memory_space<vmem_shared>>
      %dma_start3A_173 = arith.constant 0 : i32
      %dma_start3A_174 = tpu.memref_slice %arg27[%add3A_41, %dma_start3A_173] : memref<10112x72xf32, #tpu.memory_space<vmem_shared>> -> memref<79x72xf32, #tpu.memory_space<vmem_shared>>
      tpu.enqueue_dma source(%arg26 : memref<79x72xf32, #tpu.memory_space<vmem>>) target(%dma_start3A_174 : memref<79x72xf32, #tpu.memory_space<vmem_shared>>) target_semaphore(%run_scoped3A : memref<!tpu.dma_semaphore, #tpu.memory_space<semaphore_mem>>)
      %dma_wait3A_175 = arith.constant 0 : i32
      %dma_wait3A_176 = tpu.memref_slice %arg27[%add3A_41, %dma_wait3A_175] : memref<10112x72xf32, #tpu.memory_space<vmem_shared>> -> memref<79x72xf32, #tpu.memory_space<vmem_shared>>
      %dma_wait3A_177 = arith.constant 0 : i32
      %dma_wait3A_178 = tpu.memref_slice %arg27[%add3A_41, %dma_wait3A_177] : memref<10112x72xf32, #tpu.memory_space<vmem_shared>> -> memref<79x72xf32, #tpu.memory_space<vmem_shared>>
      tpu.wait_dma2 semaphore(%run_scoped3A : memref<!tpu.dma_semaphore, #tpu.memory_space<semaphore_mem>>) src(%arg26 : memref<79x72xf32, #tpu.memory_space<vmem>>) dst(%dma_wait3A_178 : memref<79x72xf32, #tpu.memory_space<vmem_shared>>)
      tpu.yield
    }) : () -> ()
    %mul3A_42 = arith.constant 632 : i32
    %mul3A_43 = arith.muli %arg1, %mul3A_42 : i32
    %add3A_44 = arith.constant 316 : i32
    %add3A_45 = arith.addi %mul3A_43, %add3A_44 : i32
    "tpu.region"() ({
      %run_scoped3A = tpu.sem_alloc : memref<!tpu.dma_semaphore, #tpu.memory_space<semaphore_mem>>
      %dma_start3A_171 = arith.constant 0 : i32
      %dma_start3A_172 = tpu.memref_slice %arg27[%add3A_45, %dma_start3A_171] : memref<10112x72xf32, #tpu.memory_space<vmem_shared>> -> memref<79x72xf32, #tpu.memory_space<vmem_shared>>
      %dma_start3A_173 = arith.constant 0 : i32
      %dma_start3A_174 = tpu.memref_slice %arg27[%add3A_45, %dma_start3A_173] : memref<10112x72xf32, #tpu.memory_space<vmem_shared>> -> memref<79x72xf32, #tpu.memory_space<vmem_shared>>
      tpu.enqueue_dma source(%arg26 : memref<79x72xf32, #tpu.memory_space<vmem>>) target(%dma_start3A_174 : memref<79x72xf32, #tpu.memory_space<vmem_shared>>) target_semaphore(%run_scoped3A : memref<!tpu.dma_semaphore, #tpu.memory_space<semaphore_mem>>)
      %dma_wait3A_175 = arith.constant 0 : i32
      %dma_wait3A_176 = tpu.memref_slice %arg27[%add3A_45, %dma_wait3A_175] : memref<10112x72xf32, #tpu.memory_space<vmem_shared>> -> memref<79x72xf32, #tpu.memory_space<vmem_shared>>
      %dma_wait3A_177 = arith.constant 0 : i32
      %dma_wait3A_178 = tpu.memref_slice %arg27[%add3A_45, %dma_wait3A_177] : memref<10112x72xf32, #tpu.memory_space<vmem_shared>> -> memref<79x72xf32, #tpu.memory_space<vmem_shared>>
      tpu.wait_dma2 semaphore(%run_scoped3A : memref<!tpu.dma_semaphore, #tpu.memory_space<semaphore_mem>>) src(%arg26 : memref<79x72xf32, #tpu.memory_space<vmem>>) dst(%dma_wait3A_178 : memref<79x72xf32, #tpu.memory_space<vmem_shared>>)
      tpu.yield
    }) : () -> ()
    %mul3A_46 = arith.constant 632 : i32
    %mul3A_47 = arith.muli %arg1, %mul3A_46 : i32
    %add3A_48 = arith.constant 395 : i32
    %add3A_49 = arith.addi %mul3A_47, %add3A_48 : i32
    "tpu.region"() ({
      %run_scoped3A = tpu.sem_alloc : memref<!tpu.dma_semaphore, #tpu.memory_space<semaphore_mem>>
      %dma_start3A_171 = arith.constant 0 : i32
      %dma_start3A_172 = tpu.memref_slice %arg27[%add3A_49, %dma_start3A_171] : memref<10112x72xf32, #tpu.memory_space<vmem_shared>> -> memref<79x72xf32, #tpu.memory_space<vmem_shared>>
      %dma_start3A_173 = arith.constant 0 : i32
      %dma_start3A_174 = tpu.memref_slice %arg27[%add3A_49, %dma_start3A_173] : memref<10112x72xf32, #tpu.memory_space<vmem_shared>> -> memref<79x72xf32, #tpu.memory_space<vmem_shared>>
      tpu.enqueue_dma source(%arg26 : memref<79x72xf32, #tpu.memory_space<vmem>>) target(%dma_start3A_174 : memref<79x72xf32, #tpu.memory_space<vmem_shared>>) target_semaphore(%run_scoped3A : memref<!tpu.dma_semaphore, #tpu.memory_space<semaphore_mem>>)
      %dma_wait3A_175 = arith.constant 0 : i32
      %dma_wait3A_176 = tpu.memref_slice %arg27[%add3A_49, %dma_wait3A_175] : memref<10112x72xf32, #tpu.memory_space<vmem_shared>> -> memref<79x72xf32, #tpu.memory_space<vmem_shared>>
      %dma_wait3A_177 = arith.constant 0 : i32
      %dma_wait3A_178 = tpu.memref_slice %arg27[%add3A_49, %dma_wait3A_177] : memref<10112x72xf32, #tpu.memory_space<vmem_shared>> -> memref<79x72xf32, #tpu.memory_space<vmem_shared>>
      tpu.wait_dma2 semaphore(%run_scoped3A : memref<!tpu.dma_semaphore, #tpu.memory_space<semaphore_mem>>) src(%arg26 : memref<79x72xf32, #tpu.memory_space<vmem>>) dst(%dma_wait3A_178 : memref<79x72xf32, #tpu.memory_space<vmem_shared>>)
      tpu.yield
    }) : () -> ()
    %mul3A_50 = arith.constant 632 : i32
    %mul3A_51 = arith.muli %arg1, %mul3A_50 : i32
    %add3A_52 = arith.constant 474 : i32
    %add3A_53 = arith.addi %mul3A_51, %add3A_52 : i32
    "tpu.region"() ({
      %run_scoped3A = tpu.sem_alloc : memref<!tpu.dma_semaphore, #tpu.memory_space<semaphore_mem>>
      %dma_start3A_171 = arith.constant 0 : i32
      %dma_start3A_172 = tpu.memref_slice %arg27[%add3A_53, %dma_start3A_171] : memref<10112x72xf32, #tpu.memory_space<vmem_shared>> -> memref<79x72xf32, #tpu.memory_space<vmem_shared>>
      %dma_start3A_173 = arith.constant 0 : i32
      %dma_start3A_174 = tpu.memref_slice %arg27[%add3A_53, %dma_start3A_173] : memref<10112x72xf32, #tpu.memory_space<vmem_shared>> -> memref<79x72xf32, #tpu.memory_space<vmem_shared>>
      tpu.enqueue_dma source(%arg26 : memref<79x72xf32, #tpu.memory_space<vmem>>) target(%dma_start3A_174 : memref<79x72xf32, #tpu.memory_space<vmem_shared>>) target_semaphore(%run_scoped3A : memref<!tpu.dma_semaphore, #tpu.memory_space<semaphore_mem>>)
      %dma_wait3A_175 = arith.constant 0 : i32
      %dma_wait3A_176 = tpu.memref_slice %arg27[%add3A_53, %dma_wait3A_175] : memref<10112x72xf32, #tpu.memory_space<vmem_shared>> -> memref<79x72xf32, #tpu.memory_space<vmem_shared>>
      %dma_wait3A_177 = arith.constant 0 : i32
      %dma_wait3A_178 = tpu.memref_slice %arg27[%add3A_53, %dma_wait3A_177] : memref<10112x72xf32, #tpu.memory_space<vmem_shared>> -> memref<79x72xf32, #tpu.memory_space<vmem_shared>>
      tpu.wait_dma2 semaphore(%run_scoped3A : memref<!tpu.dma_semaphore, #tpu.memory_space<semaphore_mem>>) src(%arg26 : memref<79x72xf32, #tpu.memory_space<vmem>>) dst(%dma_wait3A_178 : memref<79x72xf32, #tpu.memory_space<vmem_shared>>)
      tpu.yield
    }) : () -> ()
    %mul3A_54 = arith.constant 632 : i32
    %mul3A_55 = arith.muli %arg1, %mul3A_54 : i32
    %add3A_56 = arith.constant 553 : i32
    %add3A_57 = arith.addi %mul3A_55, %add3A_56 : i32
    "tpu.region"() ({
      %run_scoped3A = tpu.sem_alloc : memref<!tpu.dma_semaphore, #tpu.memory_space<semaphore_mem>>
      %dma_start3A_171 = arith.constant 0 : i32
      %dma_start3A_172 = tpu.memref_slice %arg27[%add3A_57, %dma_start3A_171] : memref<10112x72xf32, #tpu.memory_space<vmem_shared>> -> memref<79x72xf32, #tpu.memory_space<vmem_shared>>
      %dma_start3A_173 = arith.constant 0 : i32
      %dma_start3A_174 = tpu.memref_slice %arg27[%add3A_57, %dma_start3A_173] : memref<10112x72xf32, #tpu.memory_space<vmem_shared>> -> memref<79x72xf32, #tpu.memory_space<vmem_shared>>
      tpu.enqueue_dma source(%arg26 : memref<79x72xf32, #tpu.memory_space<vmem>>) target(%dma_start3A_174 : memref<79x72xf32, #tpu.memory_space<vmem_shared>>) target_semaphore(%run_scoped3A : memref<!tpu.dma_semaphore, #tpu.memory_space<semaphore_mem>>)
      %dma_wait3A_175 = arith.constant 0 : i32
      %dma_wait3A_176 = tpu.memref_slice %arg27[%add3A_57, %dma_wait3A_175] : memref<10112x72xf32, #tpu.memory_space<vmem_shared>> -> memref<79x72xf32, #tpu.memory_space<vmem_shared>>
      %dma_wait3A_177 = arith.constant 0 : i32
      %dma_wait3A_178 = tpu.memref_slice %arg27[%add3A_57, %dma_wait3A_177] : memref<10112x72xf32, #tpu.memory_space<vmem_shared>> -> memref<79x72xf32, #tpu.memory_space<vmem_shared>>
      tpu.wait_dma2 semaphore(%run_scoped3A : memref<!tpu.dma_semaphore, #tpu.memory_space<semaphore_mem>>) src(%arg26 : memref<79x72xf32, #tpu.memory_space<vmem>>) dst(%dma_wait3A_178 : memref<79x72xf32, #tpu.memory_space<vmem_shared>>)
      tpu.yield
    }) : () -> ()
    %barrier3A = arith.constant 0 : index
    tpu.barrier barrier_id(%barrier3A)
    %mul3A_58 = arith.constant 81 : i32
    %mul3A_59 = arith.muli %add3A, %mul3A_58 : i32
    %add3A_60 = arith.constant 0 : i32
    %add3A_61 = arith.addi %mul3A_59, %add3A_60 : i32
    %mul3A_62 = arith.constant 128 : i32
    %mul3A_63 = arith.muli %add3A_61, %mul3A_62 : i32
    "tpu.region"() ({
      %run_scoped3A = tpu.sem_alloc : memref<!tpu.dma_semaphore, #tpu.memory_space<semaphore_mem>>
      %dma_start3A_171 = tpu.memref_slice %arg4[%mul3A_63] : memref<331776xi32, #tpu.memory_space<hbm>> -> memref<128xi32, #tpu.memory_space<hbm>>
      %dma_start3A_172 = tpu.memref_slice %arg4[%mul3A_63] : memref<331776xi32, #tpu.memory_space<hbm>> -> memref<128xi32, #tpu.memory_space<hbm>>
      tpu.enqueue_dma source(%dma_start3A_172 : memref<128xi32, #tpu.memory_space<hbm>>) target(%arg8 : memref<128xi32, #tpu.memory_space<vmem>>) target_semaphore(%run_scoped3A : memref<!tpu.dma_semaphore, #tpu.memory_space<semaphore_mem>>)
      %dma_wait3A_173 = tpu.memref_slice %arg4[%mul3A_63] : memref<331776xi32, #tpu.memory_space<hbm>> -> memref<128xi32, #tpu.memory_space<hbm>>
      %dma_wait3A_174 = tpu.memref_slice %arg4[%mul3A_63] : memref<331776xi32, #tpu.memory_space<hbm>> -> memref<128xi32, #tpu.memory_space<hbm>>
      tpu.wait_dma2 semaphore(%run_scoped3A : memref<!tpu.dma_semaphore, #tpu.memory_space<semaphore_mem>>) src(%dma_wait3A_174 : memref<128xi32, #tpu.memory_space<hbm>>) dst(%arg8 : memref<128xi32, #tpu.memory_space<vmem>>)
      tpu.yield
    }) : () -> ()
    %dma_start3A = arith.constant 0 : i32
    %dma_start3A_64 = arith.constant 0 : i32
    %dma_start3A_65 = tpu.memref_slice %arg2[%dma_start3A, %dma_start3A_64] : memref<10112x80xf32, #tpu.memory_space<hbm>> -> memref<10112x80xf32, #tpu.memory_space<hbm>>
    tpu.enqueue_indirect_dma source(%dma_start3A_65 : memref<10112x80xf32, #tpu.memory_space<hbm>>) target(%arg14 : memref<128x80xf32, #tpu.memory_space<vmem>>) offsets(%arg8 : memref<128xi32, #tpu.memory_space<vmem>>) semaphore(%arg28 : memref<!tpu.dma_semaphore, #tpu.memory_space<semaphore_mem>>)
    "tpu.region"() ({
      %run_scoped3A = tpu.sem_alloc : memref<!tpu.dma_semaphore, #tpu.memory_space<semaphore_mem>>
      %dma_start3A_171 = tpu.memref_slice %arg5[%mul3A_63] : memref<331776xi32, #tpu.memory_space<hbm>> -> memref<128xi32, #tpu.memory_space<hbm>>
      %dma_start3A_172 = tpu.memref_slice %arg5[%mul3A_63] : memref<331776xi32, #tpu.memory_space<hbm>> -> memref<128xi32, #tpu.memory_space<hbm>>
      tpu.enqueue_dma source(%dma_start3A_172 : memref<128xi32, #tpu.memory_space<hbm>>) target(%arg11 : memref<128xi32, #tpu.memory_space<vmem>>) target_semaphore(%run_scoped3A : memref<!tpu.dma_semaphore, #tpu.memory_space<semaphore_mem>>)
      %dma_wait3A_173 = tpu.memref_slice %arg5[%mul3A_63] : memref<331776xi32, #tpu.memory_space<hbm>> -> memref<128xi32, #tpu.memory_space<hbm>>
      %dma_wait3A_174 = tpu.memref_slice %arg5[%mul3A_63] : memref<331776xi32, #tpu.memory_space<hbm>> -> memref<128xi32, #tpu.memory_space<hbm>>
      tpu.wait_dma2 semaphore(%run_scoped3A : memref<!tpu.dma_semaphore, #tpu.memory_space<semaphore_mem>>) src(%dma_wait3A_174 : memref<128xi32, #tpu.memory_space<hbm>>) dst(%arg11 : memref<128xi32, #tpu.memory_space<vmem>>)
      tpu.yield
    }) : () -> ()
    %dma_start3A_66 = arith.constant 0 : i32
    %dma_start3A_67 = arith.constant 0 : i32
    %dma_start3A_68 = tpu.memref_slice %arg3[%dma_start3A_66, %dma_start3A_67] : memref<10112x32xf32, #tpu.memory_space<hbm>> -> memref<10112x32xf32, #tpu.memory_space<hbm>>
    tpu.enqueue_indirect_dma source(%dma_start3A_68 : memref<10112x32xf32, #tpu.memory_space<hbm>>) target(%arg17 : memref<128x32xf32, #tpu.memory_space<vmem>>) offsets(%arg11 : memref<128xi32, #tpu.memory_space<vmem>>) semaphore(%arg31 : memref<!tpu.dma_semaphore, #tpu.memory_space<semaphore_mem>>)
    %mul3A_69 = arith.constant 81 : i32
    %mul3A_70 = arith.muli %add3A, %mul3A_69 : i32
    %add3A_71 = arith.constant 1 : i32
    %add3A_72 = arith.addi %mul3A_70, %add3A_71 : i32
    %mul3A_73 = arith.constant 128 : i32
    %mul3A_74 = arith.muli %add3A_72, %mul3A_73 : i32
    "tpu.region"() ({
      %run_scoped3A = tpu.sem_alloc : memref<!tpu.dma_semaphore, #tpu.memory_space<semaphore_mem>>
      %dma_start3A_171 = tpu.memref_slice %arg4[%mul3A_74] : memref<331776xi32, #tpu.memory_space<hbm>> -> memref<128xi32, #tpu.memory_space<hbm>>
      %dma_start3A_172 = tpu.memref_slice %arg4[%mul3A_74] : memref<331776xi32, #tpu.memory_space<hbm>> -> memref<128xi32, #tpu.memory_space<hbm>>
      tpu.enqueue_dma source(%dma_start3A_172 : memref<128xi32, #tpu.memory_space<hbm>>) target(%arg9 : memref<128xi32, #tpu.memory_space<vmem>>) target_semaphore(%run_scoped3A : memref<!tpu.dma_semaphore, #tpu.memory_space<semaphore_mem>>)
      %dma_wait3A_173 = tpu.memref_slice %arg4[%mul3A_74] : memref<331776xi32, #tpu.memory_space<hbm>> -> memref<128xi32, #tpu.memory_space<hbm>>
      %dma_wait3A_174 = tpu.memref_slice %arg4[%mul3A_74] : memref<331776xi32, #tpu.memory_space<hbm>> -> memref<128xi32, #tpu.memory_space<hbm>>
      tpu.wait_dma2 semaphore(%run_scoped3A : memref<!tpu.dma_semaphore, #tpu.memory_space<semaphore_mem>>) src(%dma_wait3A_174 : memref<128xi32, #tpu.memory_space<hbm>>) dst(%arg9 : memref<128xi32, #tpu.memory_space<vmem>>)
      tpu.yield
    }) : () -> ()
    %dma_start3A_75 = arith.constant 0 : i32
    %dma_start3A_76 = arith.constant 0 : i32
    %dma_start3A_77 = tpu.memref_slice %arg2[%dma_start3A_75, %dma_start3A_76] : memref<10112x80xf32, #tpu.memory_space<hbm>> -> memref<10112x80xf32, #tpu.memory_space<hbm>>
    tpu.enqueue_indirect_dma source(%dma_start3A_77 : memref<10112x80xf32, #tpu.memory_space<hbm>>) target(%arg15 : memref<128x80xf32, #tpu.memory_space<vmem>>) offsets(%arg9 : memref<128xi32, #tpu.memory_space<vmem>>) semaphore(%arg29 : memref<!tpu.dma_semaphore, #tpu.memory_space<semaphore_mem>>)
    "tpu.region"() ({
      %run_scoped3A = tpu.sem_alloc : memref<!tpu.dma_semaphore, #tpu.memory_space<semaphore_mem>>
      %dma_start3A_171 = tpu.memref_slice %arg5[%mul3A_74] : memref<331776xi32, #tpu.memory_space<hbm>> -> memref<128xi32, #tpu.memory_space<hbm>>
      %dma_start3A_172 = tpu.memref_slice %arg5[%mul3A_74] : memref<331776xi32, #tpu.memory_space<hbm>> -> memref<128xi32, #tpu.memory_space<hbm>>
      tpu.enqueue_dma source(%dma_start3A_172 : memref<128xi32, #tpu.memory_space<hbm>>) target(%arg12 : memref<128xi32, #tpu.memory_space<vmem>>) target_semaphore(%run_scoped3A : memref<!tpu.dma_semaphore, #tpu.memory_space<semaphore_mem>>)
      %dma_wait3A_173 = tpu.memref_slice %arg5[%mul3A_74] : memref<331776xi32, #tpu.memory_space<hbm>> -> memref<128xi32, #tpu.memory_space<hbm>>
      %dma_wait3A_174 = tpu.memref_slice %arg5[%mul3A_74] : memref<331776xi32, #tpu.memory_space<hbm>> -> memref<128xi32, #tpu.memory_space<hbm>>
      tpu.wait_dma2 semaphore(%run_scoped3A : memref<!tpu.dma_semaphore, #tpu.memory_space<semaphore_mem>>) src(%dma_wait3A_174 : memref<128xi32, #tpu.memory_space<hbm>>) dst(%arg12 : memref<128xi32, #tpu.memory_space<vmem>>)
      tpu.yield
    }) : () -> ()
    %dma_start3A_78 = arith.constant 0 : i32
    %dma_start3A_79 = arith.constant 0 : i32
    %dma_start3A_80 = tpu.memref_slice %arg3[%dma_start3A_78, %dma_start3A_79] : memref<10112x32xf32, #tpu.memory_space<hbm>> -> memref<10112x32xf32, #tpu.memory_space<hbm>>
    tpu.enqueue_indirect_dma source(%dma_start3A_80 : memref<10112x32xf32, #tpu.memory_space<hbm>>) target(%arg18 : memref<128x32xf32, #tpu.memory_space<vmem>>) offsets(%arg12 : memref<128xi32, #tpu.memory_space<vmem>>) semaphore(%arg32 : memref<!tpu.dma_semaphore, #tpu.memory_space<semaphore_mem>>)
    %mul3A_81 = arith.constant 81 : i32
    %mul3A_82 = arith.muli %add3A, %mul3A_81 : i32
    %add3A_83 = arith.constant 2 : i32
    %add3A_84 = arith.addi %mul3A_82, %add3A_83 : i32
    %mul3A_85 = arith.constant 128 : i32
    %mul3A_86 = arith.muli %add3A_84, %mul3A_85 : i32
    "tpu.region"() ({
      %run_scoped3A = tpu.sem_alloc : memref<!tpu.dma_semaphore, #tpu.memory_space<semaphore_mem>>
      %dma_start3A_171 = tpu.memref_slice %arg4[%mul3A_86] : memref<331776xi32, #tpu.memory_space<hbm>> -> memref<128xi32, #tpu.memory_space<hbm>>
      %dma_start3A_172 = tpu.memref_slice %arg4[%mul3A_86] : memref<331776xi32, #tpu.memory_space<hbm>> -> memref<128xi32, #tpu.memory_space<hbm>>
      tpu.enqueue_dma source(%dma_start3A_172 : memref<128xi32, #tpu.memory_space<hbm>>) target(%arg10 : memref<128xi32, #tpu.memory_space<vmem>>) target_semaphore(%run_scoped3A : memref<!tpu.dma_semaphore, #tpu.memory_space<semaphore_mem>>)
      %dma_wait3A_173 = tpu.memref_slice %arg4[%mul3A_86] : memref<331776xi32, #tpu.memory_space<hbm>> -> memref<128xi32, #tpu.memory_space<hbm>>
      %dma_wait3A_174 = tpu.memref_slice %arg4[%mul3A_86] : memref<331776xi32, #tpu.memory_space<hbm>> -> memref<128xi32, #tpu.memory_space<hbm>>
      tpu.wait_dma2 semaphore(%run_scoped3A : memref<!tpu.dma_semaphore, #tpu.memory_space<semaphore_mem>>) src(%dma_wait3A_174 : memref<128xi32, #tpu.memory_space<hbm>>) dst(%arg10 : memref<128xi32, #tpu.memory_space<vmem>>)
      tpu.yield
    }) : () -> ()
    %dma_start3A_87 = arith.constant 0 : i32
    %dma_start3A_88 = arith.constant 0 : i32
    %dma_start3A_89 = tpu.memref_slice %arg2[%dma_start3A_87, %dma_start3A_88] : memref<10112x80xf32, #tpu.memory_space<hbm>> -> memref<10112x80xf32, #tpu.memory_space<hbm>>
    tpu.enqueue_indirect_dma source(%dma_start3A_89 : memref<10112x80xf32, #tpu.memory_space<hbm>>) target(%arg16 : memref<128x80xf32, #tpu.memory_space<vmem>>) offsets(%arg10 : memref<128xi32, #tpu.memory_space<vmem>>) semaphore(%arg30 : memref<!tpu.dma_semaphore, #tpu.memory_space<semaphore_mem>>)
    "tpu.region"() ({
      %run_scoped3A = tpu.sem_alloc : memref<!tpu.dma_semaphore, #tpu.memory_space<semaphore_mem>>
      %dma_start3A_171 = tpu.memref_slice %arg5[%mul3A_86] : memref<331776xi32, #tpu.memory_space<hbm>> -> memref<128xi32, #tpu.memory_space<hbm>>
      %dma_start3A_172 = tpu.memref_slice %arg5[%mul3A_86] : memref<331776xi32, #tpu.memory_space<hbm>> -> memref<128xi32, #tpu.memory_space<hbm>>
      tpu.enqueue_dma source(%dma_start3A_172 : memref<128xi32, #tpu.memory_space<hbm>>) target(%arg13 : memref<128xi32, #tpu.memory_space<vmem>>) target_semaphore(%run_scoped3A : memref<!tpu.dma_semaphore, #tpu.memory_space<semaphore_mem>>)
      %dma_wait3A_173 = tpu.memref_slice %arg5[%mul3A_86] : memref<331776xi32, #tpu.memory_space<hbm>> -> memref<128xi32, #tpu.memory_space<hbm>>
      %dma_wait3A_174 = tpu.memref_slice %arg5[%mul3A_86] : memref<331776xi32, #tpu.memory_space<hbm>> -> memref<128xi32, #tpu.memory_space<hbm>>
      tpu.wait_dma2 semaphore(%run_scoped3A : memref<!tpu.dma_semaphore, #tpu.memory_space<semaphore_mem>>) src(%dma_wait3A_174 : memref<128xi32, #tpu.memory_space<hbm>>) dst(%arg13 : memref<128xi32, #tpu.memory_space<vmem>>)
      tpu.yield
    }) : () -> ()
    %dma_start3A_90 = arith.constant 0 : i32
    %dma_start3A_91 = arith.constant 0 : i32
    %dma_start3A_92 = tpu.memref_slice %arg3[%dma_start3A_90, %dma_start3A_91] : memref<10112x32xf32, #tpu.memory_space<hbm>> -> memref<10112x32xf32, #tpu.memory_space<hbm>>
    tpu.enqueue_indirect_dma source(%dma_start3A_92 : memref<10112x32xf32, #tpu.memory_space<hbm>>) target(%arg19 : memref<128x32xf32, #tpu.memory_space<vmem>>) offsets(%arg13 : memref<128xi32, #tpu.memory_space<vmem>>) semaphore(%arg33 : memref<!tpu.dma_semaphore, #tpu.memory_space<semaphore_mem>>)
    %scan3A = arith.constant 0 : i32
    %scan3A_93 = arith.constant 0 : i32
    %scan3A_94 = arith.constant 27 : i32
    %scan3A_95 = arith.addi %scan3A_93, %scan3A_94 : i32
    %scan3A_96 = arith.constant 1 : i32
    scf.for %scan3A_171 = %scan3A_93 to %scan3A_95 step %scan3A_96  : i32 {
      %mul3A_172 = arith.constant 3 : i32
      %mul3A_173 = arith.muli %scan3A_171, %mul3A_172 : i32
      %add3A_174 = arith.constant 0 : i32
      %add3A_175 = arith.addi %mul3A_173, %add3A_174 : i32
      %dma_wait3A_176 = arith.constant 0 : i32
      %dma_wait3A_177 = arith.constant 0 : i32
      %dma_wait3A_178 = tpu.memref_slice %arg2[%dma_wait3A_176, %dma_wait3A_177] : memref<10112x80xf32, #tpu.memory_space<hbm>> -> memref<10112x80xf32, #tpu.memory_space<hbm>>
      tpu.wait_indirect_dma semaphore(%arg28 : memref<!tpu.dma_semaphore, #tpu.memory_space<semaphore_mem>>) src(%dma_wait3A_178 : memref<10112x80xf32, #tpu.memory_space<hbm>>) dst(%arg14 : memref<128x80xf32, #tpu.memory_space<vmem>>)
      %dma_wait3A_179 = arith.constant 0 : i32
      %dma_wait3A_180 = arith.constant 0 : i32
      %dma_wait3A_181 = tpu.memref_slice %arg3[%dma_wait3A_179, %dma_wait3A_180] : memref<10112x32xf32, #tpu.memory_space<hbm>> -> memref<10112x32xf32, #tpu.memory_space<hbm>>
      tpu.wait_indirect_dma semaphore(%arg31 : memref<!tpu.dma_semaphore, #tpu.memory_space<semaphore_mem>>) src(%dma_wait3A_181 : memref<10112x32xf32, #tpu.memory_space<hbm>>) dst(%arg17 : memref<128x32xf32, #tpu.memory_space<vmem>>)
      %gt3A = arith.constant 0 : i32
      %gt3A_182 = arith.cmpi sgt, %scan3A_171, %gt3A : i32
      %convert_element_type3A = arith.extui %gt3A_182 : i1 to i32
      %cond3A = arith.constant 0 : i32
      %cond3A_183 = arith.cmpi ne, %convert_element_type3A, %cond3A : i32
      scf.if %cond3A_183 {
        %dma_wait3A_260 = arith.constant 0 : i32
        %dma_wait3A_261 = arith.constant 0 : i32
        %dma_wait3A_262 = tpu.memref_slice %arg27[%dma_wait3A_260, %dma_wait3A_261] : memref<10112x72xf32, #tpu.memory_space<vmem_shared>> -> memref<10112x72xf32, #tpu.memory_space<vmem_shared>>
        tpu.wait_indirect_dma semaphore(%arg34 : memref<!tpu.dma_semaphore, #tpu.memory_space<semaphore_mem>>) src(%arg20 : memref<128x72xf32, #tpu.memory_space<vmem>>) dst(%dma_wait3A_262 : memref<10112x72xf32, #tpu.memory_space<vmem_shared>>)
      } else {
      }
      %parallel_loop3A = arith.constant 0 : i32
      %parallel_loop3A_184 = arith.constant 128 : i32
      %parallel_loop3A_185 = arith.constant 1 : i32
      scf.for %parallel_loop3A_260 = %parallel_loop3A to %parallel_loop3A_184 step %parallel_loop3A_185  : i32 {
        %parallel_loop3A_261 = arith.index_cast %parallel_loop3A_260 : i32 to index
        %parallel_loop3A_262 = arith.constant 64 : index
        %parallel_loop3A_263 = tpu.vector_load %arg14[%parallel_loop3A_261, %parallel_loop3A_262] {strides = array<i32>} : memref<128x80xf32, #tpu.memory_space<vmem>>, vector<1x16xf32>,
        %parallel_loop3A_264 = vector.shape_cast %parallel_loop3A_263 : vector<1x16xf32> to vector<16xf32>
        %parallel_loop3A_265 = arith.index_cast %parallel_loop3A_260 : i32 to index
        %parallel_loop3A_266 = arith.constant 0 : index
        %parallel_loop3A_267 = tpu.vector_load %arg17[%parallel_loop3A_265, %parallel_loop3A_266] {strides = array<i32>} : memref<128x32xf32, #tpu.memory_space<vmem>>, vector<1x16xf32>,
        %parallel_loop3A_268 = vector.shape_cast %parallel_loop3A_267 : vector<1x16xf32> to vector<16xf32>
        %parallel_loop3A_269 = arith.index_cast %parallel_loop3A_260 : i32 to index
        %parallel_loop3A_270 = arith.constant 16 : index
        %parallel_loop3A_271 = tpu.vector_load %arg17[%parallel_loop3A_269, %parallel_loop3A_270] {strides = array<i32>} : memref<128x32xf32, #tpu.memory_space<vmem>>, vector<1x16xf32>,
        %parallel_loop3A_272 = vector.shape_cast %parallel_loop3A_271 : vector<1x16xf32> to vector<16xf32>
        %parallel_loop3A_273 = arith.addf %parallel_loop3A_264, %parallel_loop3A_268 : vector<16xf32>
        %parallel_loop3A_274 = arith.constant 2.000000e-01 : f32
        %parallel_loop3A_275 = vector.broadcast %parallel_loop3A_274 : f32 to vector<16xf32>
        %parallel_loop3A_276 = arith.mulf %parallel_loop3A_275, %parallel_loop3A_273 : vector<16xf32>
        %parallel_loop3A_277 = arith.maximumf %parallel_loop3A_273, %parallel_loop3A_276 : vector<16xf32>
        %parallel_loop3A_278 = arith.subf %parallel_loop3A_277, %parallel_loop3A_272 : vector<16xf32>
        %parallel_loop3A_279 = math.exp %parallel_loop3A_278 : vector<16xf32>
        %parallel_loop3A_280 = arith.index_cast %parallel_loop3A_260 : i32 to index
        %parallel_loop3A_281 = arith.constant 56 : index
        %parallel_loop3A_282 = tpu.vector_load %arg20[%parallel_loop3A_280, %parallel_loop3A_281] {strides = array<i32>} : memref<128x72xf32, #tpu.memory_space<vmem>>, vector<1x16xf32>,
        %parallel_loop3A_283 = vector.shape_cast %parallel_loop3A_282 : vector<1x16xf32> to vector<16xf32>
        %parallel_loop3A_284 = vector.shape_cast %parallel_loop3A_279 : vector<16xf32> to vector<1x16xf32>
        tpu.vector_store %arg20[%parallel_loop3A_280, %parallel_loop3A_281], %parallel_loop3A_284 {strides = array<i32>} : memref<128x72xf32, #tpu.memory_space<vmem>>, vector<1x16xf32>,
        %parallel_loop3A_285 = arith.index_cast %parallel_loop3A_260 : i32 to index
        %parallel_loop3A_286 = arith.constant 0 : index
        %parallel_loop3A_287 = tpu.vector_load %arg14[%parallel_loop3A_285, %parallel_loop3A_286] {strides = array<i32>} : memref<128x80xf32, #tpu.memory_space<vmem>>, vector<1x16xf32>,
        %parallel_loop3A_288 = vector.shape_cast %parallel_loop3A_287 : vector<1x16xf32> to vector<16xf32>
        %parallel_loop3A_289 = arith.mulf %parallel_loop3A_288, %parallel_loop3A_279 : vector<16xf32>
        %parallel_loop3A_290 = arith.index_cast %parallel_loop3A_260 : i32 to index
        %parallel_loop3A_291 = arith.constant 0 : index
        %parallel_loop3A_292 = tpu.vector_load %arg20[%parallel_loop3A_290, %parallel_loop3A_291] {strides = array<i32>} : memref<128x72xf32, #tpu.memory_space<vmem>>, vector<1x16xf32>,
        %parallel_loop3A_293 = vector.shape_cast %parallel_loop3A_292 : vector<1x16xf32> to vector<16xf32>
        %parallel_loop3A_294 = vector.shape_cast %parallel_loop3A_289 : vector<16xf32> to vector<1x16xf32>
        tpu.vector_store %arg20[%parallel_loop3A_290, %parallel_loop3A_291], %parallel_loop3A_294 {strides = array<i32>} : memref<128x72xf32, #tpu.memory_space<vmem>>, vector<1x16xf32>,
        %parallel_loop3A_295 = arith.index_cast %parallel_loop3A_260 : i32 to index
        %parallel_loop3A_296 = arith.constant 16 : index
        %parallel_loop3A_297 = tpu.vector_load %arg14[%parallel_loop3A_295, %parallel_loop3A_296] {strides = array<i32>} : memref<128x80xf32, #tpu.memory_space<vmem>>, vector<1x16xf32>,
        %parallel_loop3A_298 = vector.shape_cast %parallel_loop3A_297 : vector<1x16xf32> to vector<16xf32>
        %parallel_loop3A_299 = arith.mulf %parallel_loop3A_298, %parallel_loop3A_279 : vector<16xf32>
        %parallel_loop3A_300 = arith.index_cast %parallel_loop3A_260 : i32 to index
        %parallel_loop3A_301 = arith.constant 16 : index
        %parallel_loop3A_302 = tpu.vector_load %arg20[%parallel_loop3A_300, %parallel_loop3A_301] {strides = array<i32>} : memref<128x72xf32, #tpu.memory_space<vmem>>, vector<1x16xf32>,
        %parallel_loop3A_303 = vector.shape_cast %parallel_loop3A_302 : vector<1x16xf32> to vector<16xf32>
        %parallel_loop3A_304 = vector.shape_cast %parallel_loop3A_299 : vector<16xf32> to vector<1x16xf32>
        tpu.vector_store %arg20[%parallel_loop3A_300, %parallel_loop3A_301], %parallel_loop3A_304 {strides = array<i32>} : memref<128x72xf32, #tpu.memory_space<vmem>>, vector<1x16xf32>,
        %parallel_loop3A_305 = arith.index_cast %parallel_loop3A_260 : i32 to index
        %parallel_loop3A_306 = arith.constant 32 : index
        %parallel_loop3A_307 = tpu.vector_load %arg14[%parallel_loop3A_305, %parallel_loop3A_306] {strides = array<i32>} : memref<128x80xf32, #tpu.memory_space<vmem>>, vector<1x16xf32>,
        %parallel_loop3A_308 = vector.shape_cast %parallel_loop3A_307 : vector<1x16xf32> to vector<16xf32>
        %parallel_loop3A_309 = arith.mulf %parallel_loop3A_308, %parallel_loop3A_279 : vector<16xf32>
        %parallel_loop3A_310 = arith.index_cast %parallel_loop3A_260 : i32 to index
        %parallel_loop3A_311 = arith.constant 32 : index
        %parallel_loop3A_312 = tpu.vector_load %arg20[%parallel_loop3A_310, %parallel_loop3A_311] {strides = array<i32>} : memref<128x72xf32, #tpu.memory_space<vmem>>, vector<1x16xf32>,
        %parallel_loop3A_313 = vector.shape_cast %parallel_loop3A_312 : vector<1x16xf32> to vector<16xf32>
        %parallel_loop3A_314 = vector.shape_cast %parallel_loop3A_309 : vector<16xf32> to vector<1x16xf32>
        tpu.vector_store %arg20[%parallel_loop3A_310, %parallel_loop3A_311], %parallel_loop3A_314 {strides = array<i32>} : memref<128x72xf32, #tpu.memory_space<vmem>>, vector<1x16xf32>,
        %parallel_loop3A_315 = arith.index_cast %parallel_loop3A_260 : i32 to index
        %parallel_loop3A_316 = arith.constant 48 : index
        %parallel_loop3A_317 = tpu.vector_load %arg14[%parallel_loop3A_315, %parallel_loop3A_316] {strides = array<i32>} : memref<128x80xf32, #tpu.memory_space<vmem>>, vector<1x16xf32>,
        %parallel_loop3A_318 = vector.shape_cast %parallel_loop3A_317 : vector<1x16xf32> to vector<16xf32>
        %parallel_loop3A_319 = arith.mulf %parallel_loop3A_318, %parallel_loop3A_279 : vector<16xf32>
        %parallel_loop3A_320 = arith.index_cast %parallel_loop3A_260 : i32 to index
        %parallel_loop3A_321 = arith.constant 48 : index
        %parallel_loop3A_322 = tpu.vector_load %arg20[%parallel_loop3A_320, %parallel_loop3A_321] {strides = array<i32>} : memref<128x72xf32, #tpu.memory_space<vmem>>, vector<1x16xf32>,
        %parallel_loop3A_323 = vector.shape_cast %parallel_loop3A_322 : vector<1x16xf32> to vector<16xf32>
        %parallel_loop3A_324 = vector.shape_cast %parallel_loop3A_319 : vector<16xf32> to vector<1x16xf32>
        tpu.vector_store %arg20[%parallel_loop3A_320, %parallel_loop3A_321], %parallel_loop3A_324 {strides = array<i32>} : memref<128x72xf32, #tpu.memory_space<vmem>>, vector<1x16xf32>,
      } {sc.loop_unroll_factor = 4 : i64, sc.parallel_access}
      %parallel_loop3A_186 = arith.constant 0 : i32
      %parallel_loop3A_187 = arith.constant 8 : i32
      %parallel_loop3A_188 = arith.constant 1 : i32
      scf.for %parallel_loop3A_260 = %parallel_loop3A_186 to %parallel_loop3A_187 step %parallel_loop3A_188  : i32 {
        %parallel_loop3A_261 = arith.constant 16 : i32
        %parallel_loop3A_262 = arith.muli %parallel_loop3A_260, %parallel_loop3A_261 : i32
        %parallel_loop3A_263 = arith.index_cast %parallel_loop3A_262 : i32 to index
        %parallel_loop3A_264 = tpu.vector_load %arg11[%parallel_loop3A_263] {strides = array<i32>} : memref<128xi32, #tpu.memory_space<vmem>>, vector<16xi32>,
        %parallel_loop3A_265 = vector.shape_cast %parallel_loop3A_264 : vector<16xi32> to vector<16xi32>
        %parallel_loop3A_266 = arith.constant 16 : i32
        %parallel_loop3A_267 = arith.muli %parallel_loop3A_260, %parallel_loop3A_266 : i32
        %parallel_loop3A_268 = arith.index_cast %parallel_loop3A_267 : i32 to index
        %parallel_loop3A_269 = tpu.vector_load %arg23[%parallel_loop3A_268] {strides = array<i32>} : memref<128xi32, #tpu.memory_space<vmem>>, vector<16xi32>,
        %parallel_loop3A_270 = vector.shape_cast %parallel_loop3A_269 : vector<16xi32> to vector<16xi32>
        %parallel_loop3A_271 = vector.shape_cast %parallel_loop3A_265 : vector<16xi32> to vector<16xi32>
        tpu.vector_store %arg23[%parallel_loop3A_268], %parallel_loop3A_271 {strides = array<i32>} : memref<128xi32, #tpu.memory_space<vmem>>, vector<16xi32>,
      } {sc.loop_unroll_factor = 8 : i64, sc.parallel_access}
      %dma_start3A_189 = arith.constant 0 : i32
      %dma_start3A_190 = arith.constant 0 : i32
      %dma_start3A_191 = tpu.memref_slice %arg27[%dma_start3A_189, %dma_start3A_190] : memref<10112x72xf32, #tpu.memory_space<vmem_shared>> -> memref<10112x72xf32, #tpu.memory_space<vmem_shared>>
      tpu.enqueue_indirect_dma source(%arg20 : memref<128x72xf32, #tpu.memory_space<vmem>>) target(%dma_start3A_191 : memref<10112x72xf32, #tpu.memory_space<vmem_shared>>) offsets(%arg23 : memref<128xi32, #tpu.memory_space<vmem>>) semaphore(%arg34 : memref<!tpu.dma_semaphore, #tpu.memory_space<semaphore_mem>>) {add = true}
      %add3A_192 = arith.constant 3 : i32
      %add3A_193 = arith.addi %add3A_175, %add3A_192 : i32
      %lt3A = arith.constant 81 : i32
      %lt3A_194 = arith.cmpi slt, %add3A_193, %lt3A : i32
      %convert_element_type3A_195 = arith.extui %lt3A_194 : i1 to i32
      %cond3A_196 = arith.constant 0 : i32
      %cond3A_197 = arith.cmpi ne, %convert_element_type3A_195, %cond3A_196 : i32
      scf.if %cond3A_197 {
        %add3A_260 = arith.constant 3 : i32
        %add3A_261 = arith.addi %add3A_175, %add3A_260 : i32
        %mul3A_262 = arith.constant 81 : i32
        %mul3A_263 = arith.muli %add3A, %mul3A_262 : i32
        %add3A_264 = arith.addi %mul3A_263, %add3A_261 : i32
        %mul3A_265 = arith.constant 128 : i32
        %mul3A_266 = arith.muli %add3A_264, %mul3A_265 : i32
        "tpu.region"() ({
          %run_scoped3A = tpu.sem_alloc : memref<!tpu.dma_semaphore, #tpu.memory_space<semaphore_mem>>
          %dma_start3A_273 = tpu.memref_slice %arg4[%mul3A_266] : memref<331776xi32, #tpu.memory_space<hbm>> -> memref<128xi32, #tpu.memory_space<hbm>>
          %dma_start3A_274 = tpu.memref_slice %arg4[%mul3A_266] : memref<331776xi32, #tpu.memory_space<hbm>> -> memref<128xi32, #tpu.memory_space<hbm>>
          tpu.enqueue_dma source(%dma_start3A_274 : memref<128xi32, #tpu.memory_space<hbm>>) target(%arg8 : memref<128xi32, #tpu.memory_space<vmem>>) target_semaphore(%run_scoped3A : memref<!tpu.dma_semaphore, #tpu.memory_space<semaphore_mem>>)
          %dma_wait3A_275 = tpu.memref_slice %arg4[%mul3A_266] : memref<331776xi32, #tpu.memory_space<hbm>> -> memref<128xi32, #tpu.memory_space<hbm>>
          %dma_wait3A_276 = tpu.memref_slice %arg4[%mul3A_266] : memref<331776xi32, #tpu.memory_space<hbm>> -> memref<128xi32, #tpu.memory_space<hbm>>
          tpu.wait_dma2 semaphore(%run_scoped3A : memref<!tpu.dma_semaphore, #tpu.memory_space<semaphore_mem>>) src(%dma_wait3A_276 : memref<128xi32, #tpu.memory_space<hbm>>) dst(%arg8 : memref<128xi32, #tpu.memory_space<vmem>>)
          tpu.yield
        }) : () -> ()
        %dma_start3A_267 = arith.constant 0 : i32
        %dma_start3A_268 = arith.constant 0 : i32
        %dma_start3A_269 = tpu.memref_slice %arg2[%dma_start3A_267, %dma_start3A_268] : memref<10112x80xf32, #tpu.memory_space<hbm>> -> memref<10112x80xf32, #tpu.memory_space<hbm>>
        tpu.enqueue_indirect_dma source(%dma_start3A_269 : memref<10112x80xf32, #tpu.memory_space<hbm>>) target(%arg14 : memref<128x80xf32, #tpu.memory_space<vmem>>) offsets(%arg8 : memref<128xi32, #tpu.memory_space<vmem>>) semaphore(%arg28 : memref<!tpu.dma_semaphore, #tpu.memory_space<semaphore_mem>>)
        "tpu.region"() ({
          %run_scoped3A = tpu.sem_alloc : memref<!tpu.dma_semaphore, #tpu.memory_space<semaphore_mem>>
          %dma_start3A_273 = tpu.memref_slice %arg5[%mul3A_266] : memref<331776xi32, #tpu.memory_space<hbm>> -> memref<128xi32, #tpu.memory_space<hbm>>
          %dma_start3A_274 = tpu.memref_slice %arg5[%mul3A_266] : memref<331776xi32, #tpu.memory_space<hbm>> -> memref<128xi32, #tpu.memory_space<hbm>>
          tpu.enqueue_dma source(%dma_start3A_274 : memref<128xi32, #tpu.memory_space<hbm>>) target(%arg11 : memref<128xi32, #tpu.memory_space<vmem>>) target_semaphore(%run_scoped3A : memref<!tpu.dma_semaphore, #tpu.memory_space<semaphore_mem>>)
          %dma_wait3A_275 = tpu.memref_slice %arg5[%mul3A_266] : memref<331776xi32, #tpu.memory_space<hbm>> -> memref<128xi32, #tpu.memory_space<hbm>>
          %dma_wait3A_276 = tpu.memref_slice %arg5[%mul3A_266] : memref<331776xi32, #tpu.memory_space<hbm>> -> memref<128xi32, #tpu.memory_space<hbm>>
          tpu.wait_dma2 semaphore(%run_scoped3A : memref<!tpu.dma_semaphore, #tpu.memory_space<semaphore_mem>>) src(%dma_wait3A_276 : memref<128xi32, #tpu.memory_space<hbm>>) dst(%arg11 : memref<128xi32, #tpu.memory_space<vmem>>)
          tpu.yield
        }) : () -> ()
        %dma_start3A_270 = arith.constant 0 : i32
        %dma_start3A_271 = arith.constant 0 : i32
        %dma_start3A_272 = tpu.memref_slice %arg3[%dma_start3A_270, %dma_start3A_271] : memref<10112x32xf32, #tpu.memory_space<hbm>> -> memref<10112x32xf32, #tpu.memory_space<hbm>>
        tpu.enqueue_indirect_dma source(%dma_start3A_272 : memref<10112x32xf32, #tpu.memory_space<hbm>>) target(%arg17 : memref<128x32xf32, #tpu.memory_space<vmem>>) offsets(%arg11 : memref<128xi32, #tpu.memory_space<vmem>>) semaphore(%arg31 : memref<!tpu.dma_semaphore, #tpu.memory_space<semaphore_mem>>)
      } else {
      }
      %mul3A_198 = arith.constant 3 : i32
      %mul3A_199 = arith.muli %scan3A_171, %mul3A_198 : i32
      %add3A_200 = arith.constant 1 : i32
      %add3A_201 = arith.addi %mul3A_199, %add3A_200 : i32
      %dma_wait3A_202 = arith.constant 0 : i32
      %dma_wait3A_203 = arith.constant 0 : i32
      %dma_wait3A_204 = tpu.memref_slice %arg2[%dma_wait3A_202, %dma_wait3A_203] : memref<10112x80xf32, #tpu.memory_space<hbm>> -> memref<10112x80xf32, #tpu.memory_space<hbm>>
      tpu.wait_indirect_dma semaphore(%arg29 : memref<!tpu.dma_semaphore, #tpu.memory_space<semaphore_mem>>) src(%dma_wait3A_204 : memref<10112x80xf32, #tpu.memory_space<hbm>>) dst(%arg15 : memref<128x80xf32, #tpu.memory_space<vmem>>)
      %dma_wait3A_205 = arith.constant 0 : i32
      %dma_wait3A_206 = arith.constant 0 : i32
      %dma_wait3A_207 = tpu.memref_slice %arg3[%dma_wait3A_205, %dma_wait3A_206] : memref<10112x32xf32, #tpu.memory_space<hbm>> -> memref<10112x32xf32, #tpu.memory_space<hbm>>
      tpu.wait_indirect_dma semaphore(%arg32 : memref<!tpu.dma_semaphore, #tpu.memory_space<semaphore_mem>>) src(%dma_wait3A_207 : memref<10112x32xf32, #tpu.memory_space<hbm>>) dst(%arg18 : memref<128x32xf32, #tpu.memory_space<vmem>>)
      %gt3A_208 = arith.constant 0 : i32
      %gt3A_209 = arith.cmpi sgt, %scan3A_171, %gt3A_208 : i32
      %convert_element_type3A_210 = arith.extui %gt3A_209 : i1 to i32
      %cond3A_211 = arith.constant 0 : i32
      %cond3A_212 = arith.cmpi ne, %convert_element_type3A_210, %cond3A_211 : i32
      scf.if %cond3A_212 {
        %dma_wait3A_260 = arith.constant 0 : i32
        %dma_wait3A_261 = arith.constant 0 : i32
        %dma_wait3A_262 = tpu.memref_slice %arg27[%dma_wait3A_260, %dma_wait3A_261] : memref<10112x72xf32, #tpu.memory_space<vmem_shared>> -> memref<10112x72xf32, #tpu.memory_space<vmem_shared>>
        tpu.wait_indirect_dma semaphore(%arg35 : memref<!tpu.dma_semaphore, #tpu.memory_space<semaphore_mem>>) src(%arg21 : memref<128x72xf32, #tpu.memory_space<vmem>>) dst(%dma_wait3A_262 : memref<10112x72xf32, #tpu.memory_space<vmem_shared>>)
      } else {
      }
      %parallel_loop3A_213 = arith.constant 0 : i32
      %parallel_loop3A_214 = arith.constant 128 : i32
      %parallel_loop3A_215 = arith.constant 1 : i32
      scf.for %parallel_loop3A_260 = %parallel_loop3A_213 to %parallel_loop3A_214 step %parallel_loop3A_215  : i32 {
        %parallel_loop3A_261 = arith.index_cast %parallel_loop3A_260 : i32 to index
        %parallel_loop3A_262 = arith.constant 64 : index
        %parallel_loop3A_263 = tpu.vector_load %arg15[%parallel_loop3A_261, %parallel_loop3A_262] {strides = array<i32>} : memref<128x80xf32, #tpu.memory_space<vmem>>, vector<1x16xf32>,
        %parallel_loop3A_264 = vector.shape_cast %parallel_loop3A_263 : vector<1x16xf32> to vector<16xf32>
        %parallel_loop3A_265 = arith.index_cast %parallel_loop3A_260 : i32 to index
        %parallel_loop3A_266 = arith.constant 0 : index
        %parallel_loop3A_267 = tpu.vector_load %arg18[%parallel_loop3A_265, %parallel_loop3A_266] {strides = array<i32>} : memref<128x32xf32, #tpu.memory_space<vmem>>, vector<1x16xf32>,
        %parallel_loop3A_268 = vector.shape_cast %parallel_loop3A_267 : vector<1x16xf32> to vector<16xf32>
        %parallel_loop3A_269 = arith.index_cast %parallel_loop3A_260 : i32 to index
        %parallel_loop3A_270 = arith.constant 16 : index
        %parallel_loop3A_271 = tpu.vector_load %arg18[%parallel_loop3A_269, %parallel_loop3A_270] {strides = array<i32>} : memref<128x32xf32, #tpu.memory_space<vmem>>, vector<1x16xf32>,
        %parallel_loop3A_272 = vector.shape_cast %parallel_loop3A_271 : vector<1x16xf32> to vector<16xf32>
        %parallel_loop3A_273 = arith.addf %parallel_loop3A_264, %parallel_loop3A_268 : vector<16xf32>
        %parallel_loop3A_274 = arith.constant 2.000000e-01 : f32
        %parallel_loop3A_275 = vector.broadcast %parallel_loop3A_274 : f32 to vector<16xf32>
        %parallel_loop3A_276 = arith.mulf %parallel_loop3A_275, %parallel_loop3A_273 : vector<16xf32>
        %parallel_loop3A_277 = arith.maximumf %parallel_loop3A_273, %parallel_loop3A_276 : vector<16xf32>
        %parallel_loop3A_278 = arith.subf %parallel_loop3A_277, %parallel_loop3A_272 : vector<16xf32>
        %parallel_loop3A_279 = math.exp %parallel_loop3A_278 : vector<16xf32>
        %parallel_loop3A_280 = arith.index_cast %parallel_loop3A_260 : i32 to index
        %parallel_loop3A_281 = arith.constant 56 : index
        %parallel_loop3A_282 = tpu.vector_load %arg21[%parallel_loop3A_280, %parallel_loop3A_281] {strides = array<i32>} : memref<128x72xf32, #tpu.memory_space<vmem>>, vector<1x16xf32>,
        %parallel_loop3A_283 = vector.shape_cast %parallel_loop3A_282 : vector<1x16xf32> to vector<16xf32>
        %parallel_loop3A_284 = vector.shape_cast %parallel_loop3A_279 : vector<16xf32> to vector<1x16xf32>
        tpu.vector_store %arg21[%parallel_loop3A_280, %parallel_loop3A_281], %parallel_loop3A_284 {strides = array<i32>} : memref<128x72xf32, #tpu.memory_space<vmem>>, vector<1x16xf32>,
        %parallel_loop3A_285 = arith.index_cast %parallel_loop3A_260 : i32 to index
        %parallel_loop3A_286 = arith.constant 0 : index
        %parallel_loop3A_287 = tpu.vector_load %arg15[%parallel_loop3A_285, %parallel_loop3A_286] {strides = array<i32>} : memref<128x80xf32, #tpu.memory_space<vmem>>, vector<1x16xf32>,
        %parallel_loop3A_288 = vector.shape_cast %parallel_loop3A_287 : vector<1x16xf32> to vector<16xf32>
        %parallel_loop3A_289 = arith.mulf %parallel_loop3A_288, %parallel_loop3A_279 : vector<16xf32>
        %parallel_loop3A_290 = arith.index_cast %parallel_loop3A_260 : i32 to index
        %parallel_loop3A_291 = arith.constant 0 : index
        %parallel_loop3A_292 = tpu.vector_load %arg21[%parallel_loop3A_290, %parallel_loop3A_291] {strides = array<i32>} : memref<128x72xf32, #tpu.memory_space<vmem>>, vector<1x16xf32>,
        %parallel_loop3A_293 = vector.shape_cast %parallel_loop3A_292 : vector<1x16xf32> to vector<16xf32>
        %parallel_loop3A_294 = vector.shape_cast %parallel_loop3A_289 : vector<16xf32> to vector<1x16xf32>
        tpu.vector_store %arg21[%parallel_loop3A_290, %parallel_loop3A_291], %parallel_loop3A_294 {strides = array<i32>} : memref<128x72xf32, #tpu.memory_space<vmem>>, vector<1x16xf32>,
        %parallel_loop3A_295 = arith.index_cast %parallel_loop3A_260 : i32 to index
        %parallel_loop3A_296 = arith.constant 16 : index
        %parallel_loop3A_297 = tpu.vector_load %arg15[%parallel_loop3A_295, %parallel_loop3A_296] {strides = array<i32>} : memref<128x80xf32, #tpu.memory_space<vmem>>, vector<1x16xf32>,
        %parallel_loop3A_298 = vector.shape_cast %parallel_loop3A_297 : vector<1x16xf32> to vector<16xf32>
        %parallel_loop3A_299 = arith.mulf %parallel_loop3A_298, %parallel_loop3A_279 : vector<16xf32>
        %parallel_loop3A_300 = arith.index_cast %parallel_loop3A_260 : i32 to index
        %parallel_loop3A_301 = arith.constant 16 : index
        %parallel_loop3A_302 = tpu.vector_load %arg21[%parallel_loop3A_300, %parallel_loop3A_301] {strides = array<i32>} : memref<128x72xf32, #tpu.memory_space<vmem>>, vector<1x16xf32>,
        %parallel_loop3A_303 = vector.shape_cast %parallel_loop3A_302 : vector<1x16xf32> to vector<16xf32>
        %parallel_loop3A_304 = vector.shape_cast %parallel_loop3A_299 : vector<16xf32> to vector<1x16xf32>
        tpu.vector_store %arg21[%parallel_loop3A_300, %parallel_loop3A_301], %parallel_loop3A_304 {strides = array<i32>} : memref<128x72xf32, #tpu.memory_space<vmem>>, vector<1x16xf32>,
        %parallel_loop3A_305 = arith.index_cast %parallel_loop3A_260 : i32 to index
        %parallel_loop3A_306 = arith.constant 32 : index
        %parallel_loop3A_307 = tpu.vector_load %arg15[%parallel_loop3A_305, %parallel_loop3A_306] {strides = array<i32>} : memref<128x80xf32, #tpu.memory_space<vmem>>, vector<1x16xf32>,
        %parallel_loop3A_308 = vector.shape_cast %parallel_loop3A_307 : vector<1x16xf32> to vector<16xf32>
        %parallel_loop3A_309 = arith.mulf %parallel_loop3A_308, %parallel_loop3A_279 : vector<16xf32>
        %parallel_loop3A_310 = arith.index_cast %parallel_loop3A_260 : i32 to index
        %parallel_loop3A_311 = arith.constant 32 : index
        %parallel_loop3A_312 = tpu.vector_load %arg21[%parallel_loop3A_310, %parallel_loop3A_311] {strides = array<i32>} : memref<128x72xf32, #tpu.memory_space<vmem>>, vector<1x16xf32>,
        %parallel_loop3A_313 = vector.shape_cast %parallel_loop3A_312 : vector<1x16xf32> to vector<16xf32>
        %parallel_loop3A_314 = vector.shape_cast %parallel_loop3A_309 : vector<16xf32> to vector<1x16xf32>
        tpu.vector_store %arg21[%parallel_loop3A_310, %parallel_loop3A_311], %parallel_loop3A_314 {strides = array<i32>} : memref<128x72xf32, #tpu.memory_space<vmem>>, vector<1x16xf32>,
        %parallel_loop3A_315 = arith.index_cast %parallel_loop3A_260 : i32 to index
        %parallel_loop3A_316 = arith.constant 48 : index
        %parallel_loop3A_317 = tpu.vector_load %arg15[%parallel_loop3A_315, %parallel_loop3A_316] {strides = array<i32>} : memref<128x80xf32, #tpu.memory_space<vmem>>, vector<1x16xf32>,
        %parallel_loop3A_318 = vector.shape_cast %parallel_loop3A_317 : vector<1x16xf32> to vector<16xf32>
        %parallel_loop3A_319 = arith.mulf %parallel_loop3A_318, %parallel_loop3A_279 : vector<16xf32>
        %parallel_loop3A_320 = arith.index_cast %parallel_loop3A_260 : i32 to index
        %parallel_loop3A_321 = arith.constant 48 : index
        %parallel_loop3A_322 = tpu.vector_load %arg21[%parallel_loop3A_320, %parallel_loop3A_321] {strides = array<i32>} : memref<128x72xf32, #tpu.memory_space<vmem>>, vector<1x16xf32>,
        %parallel_loop3A_323 = vector.shape_cast %parallel_loop3A_322 : vector<1x16xf32> to vector<16xf32>
        %parallel_loop3A_324 = vector.shape_cast %parallel_loop3A_319 : vector<16xf32> to vector<1x16xf32>
        tpu.vector_store %arg21[%parallel_loop3A_320, %parallel_loop3A_321], %parallel_loop3A_324 {strides = array<i32>} : memref<128x72xf32, #tpu.memory_space<vmem>>, vector<1x16xf32>,
      } {sc.loop_unroll_factor = 4 : i64, sc.parallel_access}
      %parallel_loop3A_216 = arith.constant 0 : i32
      %parallel_loop3A_217 = arith.constant 8 : i32
      %parallel_loop3A_218 = arith.constant 1 : i32
      scf.for %parallel_loop3A_260 = %parallel_loop3A_216 to %parallel_loop3A_217 step %parallel_loop3A_218  : i32 {
        %parallel_loop3A_261 = arith.constant 16 : i32
        %parallel_loop3A_262 = arith.muli %parallel_loop3A_260, %parallel_loop3A_261 : i32
        %parallel_loop3A_263 = arith.index_cast %parallel_loop3A_262 : i32 to index
        %parallel_loop3A_264 = tpu.vector_load %arg12[%parallel_loop3A_263] {strides = array<i32>} : memref<128xi32, #tpu.memory_space<vmem>>, vector<16xi32>,
        %parallel_loop3A_265 = vector.shape_cast %parallel_loop3A_264 : vector<16xi32> to vector<16xi32>
        %parallel_loop3A_266 = arith.constant 16 : i32
        %parallel_loop3A_267 = arith.muli %parallel_loop3A_260, %parallel_loop3A_266 : i32
        %parallel_loop3A_268 = arith.index_cast %parallel_loop3A_267 : i32 to index
        %parallel_loop3A_269 = tpu.vector_load %arg24[%parallel_loop3A_268] {strides = array<i32>} : memref<128xi32, #tpu.memory_space<vmem>>, vector<16xi32>,
        %parallel_loop3A_270 = vector.shape_cast %parallel_loop3A_269 : vector<16xi32> to vector<16xi32>
        %parallel_loop3A_271 = vector.shape_cast %parallel_loop3A_265 : vector<16xi32> to vector<16xi32>
        tpu.vector_store %arg24[%parallel_loop3A_268], %parallel_loop3A_271 {strides = array<i32>} : memref<128xi32, #tpu.memory_space<vmem>>, vector<16xi32>,
      } {sc.loop_unroll_factor = 8 : i64, sc.parallel_access}
      %dma_start3A_219 = arith.constant 0 : i32
      %dma_start3A_220 = arith.constant 0 : i32
      %dma_start3A_221 = tpu.memref_slice %arg27[%dma_start3A_219, %dma_start3A_220] : memref<10112x72xf32, #tpu.memory_space<vmem_shared>> -> memref<10112x72xf32, #tpu.memory_space<vmem_shared>>
      tpu.enqueue_indirect_dma source(%arg21 : memref<128x72xf32, #tpu.memory_space<vmem>>) target(%dma_start3A_221 : memref<10112x72xf32, #tpu.memory_space<vmem_shared>>) offsets(%arg24 : memref<128xi32, #tpu.memory_space<vmem>>) semaphore(%arg35 : memref<!tpu.dma_semaphore, #tpu.memory_space<semaphore_mem>>) {add = true}
      %add3A_222 = arith.constant 3 : i32
      %add3A_223 = arith.addi %add3A_201, %add3A_222 : i32
      %lt3A_224 = arith.constant 81 : i32
      %lt3A_225 = arith.cmpi slt, %add3A_223, %lt3A_224 : i32
      %convert_element_type3A_226 = arith.extui %lt3A_225 : i1 to i32
      %cond3A_227 = arith.constant 0 : i32
      %cond3A_228 = arith.cmpi ne, %convert_element_type3A_226, %cond3A_227 : i32
      scf.if %cond3A_228 {
        %add3A_260 = arith.constant 3 : i32
        %add3A_261 = arith.addi %add3A_201, %add3A_260 : i32
        %mul3A_262 = arith.constant 81 : i32
        %mul3A_263 = arith.muli %add3A, %mul3A_262 : i32
        %add3A_264 = arith.addi %mul3A_263, %add3A_261 : i32
        %mul3A_265 = arith.constant 128 : i32
        %mul3A_266 = arith.muli %add3A_264, %mul3A_265 : i32
        "tpu.region"() ({
          %run_scoped3A = tpu.sem_alloc : memref<!tpu.dma_semaphore, #tpu.memory_space<semaphore_mem>>
          %dma_start3A_273 = tpu.memref_slice %arg4[%mul3A_266] : memref<331776xi32, #tpu.memory_space<hbm>> -> memref<128xi32, #tpu.memory_space<hbm>>
          %dma_start3A_274 = tpu.memref_slice %arg4[%mul3A_266] : memref<331776xi32, #tpu.memory_space<hbm>> -> memref<128xi32, #tpu.memory_space<hbm>>
          tpu.enqueue_dma source(%dma_start3A_274 : memref<128xi32, #tpu.memory_space<hbm>>) target(%arg9 : memref<128xi32, #tpu.memory_space<vmem>>) target_semaphore(%run_scoped3A : memref<!tpu.dma_semaphore, #tpu.memory_space<semaphore_mem>>)
          %dma_wait3A_275 = tpu.memref_slice %arg4[%mul3A_266] : memref<331776xi32, #tpu.memory_space<hbm>> -> memref<128xi32, #tpu.memory_space<hbm>>
          %dma_wait3A_276 = tpu.memref_slice %arg4[%mul3A_266] : memref<331776xi32, #tpu.memory_space<hbm>> -> memref<128xi32, #tpu.memory_space<hbm>>
          tpu.wait_dma2 semaphore(%run_scoped3A : memref<!tpu.dma_semaphore, #tpu.memory_space<semaphore_mem>>) src(%dma_wait3A_276 : memref<128xi32, #tpu.memory_space<hbm>>) dst(%arg9 : memref<128xi32, #tpu.memory_space<vmem>>)
          tpu.yield
        }) : () -> ()
        %dma_start3A_267 = arith.constant 0 : i32
        %dma_start3A_268 = arith.constant 0 : i32
        %dma_start3A_269 = tpu.memref_slice %arg2[%dma_start3A_267, %dma_start3A_268] : memref<10112x80xf32, #tpu.memory_space<hbm>> -> memref<10112x80xf32, #tpu.memory_space<hbm>>
        tpu.enqueue_indirect_dma source(%dma_start3A_269 : memref<10112x80xf32, #tpu.memory_space<hbm>>) target(%arg15 : memref<128x80xf32, #tpu.memory_space<vmem>>) offsets(%arg9 : memref<128xi32, #tpu.memory_space<vmem>>) semaphore(%arg29 : memref<!tpu.dma_semaphore, #tpu.memory_space<semaphore_mem>>)
        "tpu.region"() ({
          %run_scoped3A = tpu.sem_alloc : memref<!tpu.dma_semaphore, #tpu.memory_space<semaphore_mem>>
          %dma_start3A_273 = tpu.memref_slice %arg5[%mul3A_266] : memref<331776xi32, #tpu.memory_space<hbm>> -> memref<128xi32, #tpu.memory_space<hbm>>
          %dma_start3A_274 = tpu.memref_slice %arg5[%mul3A_266] : memref<331776xi32, #tpu.memory_space<hbm>> -> memref<128xi32, #tpu.memory_space<hbm>>
          tpu.enqueue_dma source(%dma_start3A_274 : memref<128xi32, #tpu.memory_space<hbm>>) target(%arg12 : memref<128xi32, #tpu.memory_space<vmem>>) target_semaphore(%run_scoped3A : memref<!tpu.dma_semaphore, #tpu.memory_space<semaphore_mem>>)
          %dma_wait3A_275 = tpu.memref_slice %arg5[%mul3A_266] : memref<331776xi32, #tpu.memory_space<hbm>> -> memref<128xi32, #tpu.memory_space<hbm>>
          %dma_wait3A_276 = tpu.memref_slice %arg5[%mul3A_266] : memref<331776xi32, #tpu.memory_space<hbm>> -> memref<128xi32, #tpu.memory_space<hbm>>
          tpu.wait_dma2 semaphore(%run_scoped3A : memref<!tpu.dma_semaphore, #tpu.memory_space<semaphore_mem>>) src(%dma_wait3A_276 : memref<128xi32, #tpu.memory_space<hbm>>) dst(%arg12 : memref<128xi32, #tpu.memory_space<vmem>>)
          tpu.yield
        }) : () -> ()
        %dma_start3A_270 = arith.constant 0 : i32
        %dma_start3A_271 = arith.constant 0 : i32
        %dma_start3A_272 = tpu.memref_slice %arg3[%dma_start3A_270, %dma_start3A_271] : memref<10112x32xf32, #tpu.memory_space<hbm>> -> memref<10112x32xf32, #tpu.memory_space<hbm>>
        tpu.enqueue_indirect_dma source(%dma_start3A_272 : memref<10112x32xf32, #tpu.memory_space<hbm>>) target(%arg18 : memref<128x32xf32, #tpu.memory_space<vmem>>) offsets(%arg12 : memref<128xi32, #tpu.memory_space<vmem>>) semaphore(%arg32 : memref<!tpu.dma_semaphore, #tpu.memory_space<semaphore_mem>>)
      } else {
      }
      %mul3A_229 = arith.constant 3 : i32
      %mul3A_230 = arith.muli %scan3A_171, %mul3A_229 : i32
      %add3A_231 = arith.constant 2 : i32
      %add3A_232 = arith.addi %mul3A_230, %add3A_231 : i32
      %dma_wait3A_233 = arith.constant 0 : i32
      %dma_wait3A_234 = arith.constant 0 : i32
      %dma_wait3A_235 = tpu.memref_slice %arg2[%dma_wait3A_233, %dma_wait3A_234] : memref<10112x80xf32, #tpu.memory_space<hbm>> -> memref<10112x80xf32, #tpu.memory_space<hbm>>
      tpu.wait_indirect_dma semaphore(%arg30 : memref<!tpu.dma_semaphore, #tpu.memory_space<semaphore_mem>>) src(%dma_wait3A_235 : memref<10112x80xf32, #tpu.memory_space<hbm>>) dst(%arg16 : memref<128x80xf32, #tpu.memory_space<vmem>>)
      %dma_wait3A_236 = arith.constant 0 : i32
      %dma_wait3A_237 = arith.constant 0 : i32
      %dma_wait3A_238 = tpu.memref_slice %arg3[%dma_wait3A_236, %dma_wait3A_237] : memref<10112x32xf32, #tpu.memory_space<hbm>> -> memref<10112x32xf32, #tpu.memory_space<hbm>>
      tpu.wait_indirect_dma semaphore(%arg33 : memref<!tpu.dma_semaphore, #tpu.memory_space<semaphore_mem>>) src(%dma_wait3A_238 : memref<10112x32xf32, #tpu.memory_space<hbm>>) dst(%arg19 : memref<128x32xf32, #tpu.memory_space<vmem>>)
      %gt3A_239 = arith.constant 0 : i32
      %gt3A_240 = arith.cmpi sgt, %scan3A_171, %gt3A_239 : i32
      %convert_element_type3A_241 = arith.extui %gt3A_240 : i1 to i32
      %cond3A_242 = arith.constant 0 : i32
      %cond3A_243 = arith.cmpi ne, %convert_element_type3A_241, %cond3A_242 : i32
      scf.if %cond3A_243 {
        %dma_wait3A_260 = arith.constant 0 : i32
        %dma_wait3A_261 = arith.constant 0 : i32
        %dma_wait3A_262 = tpu.memref_slice %arg27[%dma_wait3A_260, %dma_wait3A_261] : memref<10112x72xf32, #tpu.memory_space<vmem_shared>> -> memref<10112x72xf32, #tpu.memory_space<vmem_shared>>
        tpu.wait_indirect_dma semaphore(%arg36 : memref<!tpu.dma_semaphore, #tpu.memory_space<semaphore_mem>>) src(%arg22 : memref<128x72xf32, #tpu.memory_space<vmem>>) dst(%dma_wait3A_262 : memref<10112x72xf32, #tpu.memory_space<vmem_shared>>)
      } else {
      }
      %parallel_loop3A_244 = arith.constant 0 : i32
      %parallel_loop3A_245 = arith.constant 128 : i32
      %parallel_loop3A_246 = arith.constant 1 : i32
      scf.for %parallel_loop3A_260 = %parallel_loop3A_244 to %parallel_loop3A_245 step %parallel_loop3A_246  : i32 {
        %parallel_loop3A_261 = arith.index_cast %parallel_loop3A_260 : i32 to index
        %parallel_loop3A_262 = arith.constant 64 : index
        %parallel_loop3A_263 = tpu.vector_load %arg16[%parallel_loop3A_261, %parallel_loop3A_262] {strides = array<i32>} : memref<128x80xf32, #tpu.memory_space<vmem>>, vector<1x16xf32>,
        %parallel_loop3A_264 = vector.shape_cast %parallel_loop3A_263 : vector<1x16xf32> to vector<16xf32>
        %parallel_loop3A_265 = arith.index_cast %parallel_loop3A_260 : i32 to index
        %parallel_loop3A_266 = arith.constant 0 : index
        %parallel_loop3A_267 = tpu.vector_load %arg19[%parallel_loop3A_265, %parallel_loop3A_266] {strides = array<i32>} : memref<128x32xf32, #tpu.memory_space<vmem>>, vector<1x16xf32>,
        %parallel_loop3A_268 = vector.shape_cast %parallel_loop3A_267 : vector<1x16xf32> to vector<16xf32>
        %parallel_loop3A_269 = arith.index_cast %parallel_loop3A_260 : i32 to index
        %parallel_loop3A_270 = arith.constant 16 : index
        %parallel_loop3A_271 = tpu.vector_load %arg19[%parallel_loop3A_269, %parallel_loop3A_270] {strides = array<i32>} : memref<128x32xf32, #tpu.memory_space<vmem>>, vector<1x16xf32>,
        %parallel_loop3A_272 = vector.shape_cast %parallel_loop3A_271 : vector<1x16xf32> to vector<16xf32>
        %parallel_loop3A_273 = arith.addf %parallel_loop3A_264, %parallel_loop3A_268 : vector<16xf32>
        %parallel_loop3A_274 = arith.constant 2.000000e-01 : f32
        %parallel_loop3A_275 = vector.broadcast %parallel_loop3A_274 : f32 to vector<16xf32>
        %parallel_loop3A_276 = arith.mulf %parallel_loop3A_275, %parallel_loop3A_273 : vector<16xf32>
        %parallel_loop3A_277 = arith.maximumf %parallel_loop3A_273, %parallel_loop3A_276 : vector<16xf32>
        %parallel_loop3A_278 = arith.subf %parallel_loop3A_277, %parallel_loop3A_272 : vector<16xf32>
        %parallel_loop3A_279 = math.exp %parallel_loop3A_278 : vector<16xf32>
        %parallel_loop3A_280 = arith.index_cast %parallel_loop3A_260 : i32 to index
        %parallel_loop3A_281 = arith.constant 56 : index
        %parallel_loop3A_282 = tpu.vector_load %arg22[%parallel_loop3A_280, %parallel_loop3A_281] {strides = array<i32>} : memref<128x72xf32, #tpu.memory_space<vmem>>, vector<1x16xf32>,
        %parallel_loop3A_283 = vector.shape_cast %parallel_loop3A_282 : vector<1x16xf32> to vector<16xf32>
        %parallel_loop3A_284 = vector.shape_cast %parallel_loop3A_279 : vector<16xf32> to vector<1x16xf32>
        tpu.vector_store %arg22[%parallel_loop3A_280, %parallel_loop3A_281], %parallel_loop3A_284 {strides = array<i32>} : memref<128x72xf32, #tpu.memory_space<vmem>>, vector<1x16xf32>,
        %parallel_loop3A_285 = arith.index_cast %parallel_loop3A_260 : i32 to index
        %parallel_loop3A_286 = arith.constant 0 : index
        %parallel_loop3A_287 = tpu.vector_load %arg16[%parallel_loop3A_285, %parallel_loop3A_286] {strides = array<i32>} : memref<128x80xf32, #tpu.memory_space<vmem>>, vector<1x16xf32>,
        %parallel_loop3A_288 = vector.shape_cast %parallel_loop3A_287 : vector<1x16xf32> to vector<16xf32>
        %parallel_loop3A_289 = arith.mulf %parallel_loop3A_288, %parallel_loop3A_279 : vector<16xf32>
        %parallel_loop3A_290 = arith.index_cast %parallel_loop3A_260 : i32 to index
        %parallel_loop3A_291 = arith.constant 0 : index
        %parallel_loop3A_292 = tpu.vector_load %arg22[%parallel_loop3A_290, %parallel_loop3A_291] {strides = array<i32>} : memref<128x72xf32, #tpu.memory_space<vmem>>, vector<1x16xf32>,
        %parallel_loop3A_293 = vector.shape_cast %parallel_loop3A_292 : vector<1x16xf32> to vector<16xf32>
        %parallel_loop3A_294 = vector.shape_cast %parallel_loop3A_289 : vector<16xf32> to vector<1x16xf32>
        tpu.vector_store %arg22[%parallel_loop3A_290, %parallel_loop3A_291], %parallel_loop3A_294 {strides = array<i32>} : memref<128x72xf32, #tpu.memory_space<vmem>>, vector<1x16xf32>,
        %parallel_loop3A_295 = arith.index_cast %parallel_loop3A_260 : i32 to index
        %parallel_loop3A_296 = arith.constant 16 : index
        %parallel_loop3A_297 = tpu.vector_load %arg16[%parallel_loop3A_295, %parallel_loop3A_296] {strides = array<i32>} : memref<128x80xf32, #tpu.memory_space<vmem>>, vector<1x16xf32>,
        %parallel_loop3A_298 = vector.shape_cast %parallel_loop3A_297 : vector<1x16xf32> to vector<16xf32>
        %parallel_loop3A_299 = arith.mulf %parallel_loop3A_298, %parallel_loop3A_279 : vector<16xf32>
        %parallel_loop3A_300 = arith.index_cast %parallel_loop3A_260 : i32 to index
        %parallel_loop3A_301 = arith.constant 16 : index
        %parallel_loop3A_302 = tpu.vector_load %arg22[%parallel_loop3A_300, %parallel_loop3A_301] {strides = array<i32>} : memref<128x72xf32, #tpu.memory_space<vmem>>, vector<1x16xf32>,
        %parallel_loop3A_303 = vector.shape_cast %parallel_loop3A_302 : vector<1x16xf32> to vector<16xf32>
        %parallel_loop3A_304 = vector.shape_cast %parallel_loop3A_299 : vector<16xf32> to vector<1x16xf32>
        tpu.vector_store %arg22[%parallel_loop3A_300, %parallel_loop3A_301], %parallel_loop3A_304 {strides = array<i32>} : memref<128x72xf32, #tpu.memory_space<vmem>>, vector<1x16xf32>,
        %parallel_loop3A_305 = arith.index_cast %parallel_loop3A_260 : i32 to index
        %parallel_loop3A_306 = arith.constant 32 : index
        %parallel_loop3A_307 = tpu.vector_load %arg16[%parallel_loop3A_305, %parallel_loop3A_306] {strides = array<i32>} : memref<128x80xf32, #tpu.memory_space<vmem>>, vector<1x16xf32>,
        %parallel_loop3A_308 = vector.shape_cast %parallel_loop3A_307 : vector<1x16xf32> to vector<16xf32>
        %parallel_loop3A_309 = arith.mulf %parallel_loop3A_308, %parallel_loop3A_279 : vector<16xf32>
        %parallel_loop3A_310 = arith.index_cast %parallel_loop3A_260 : i32 to index
        %parallel_loop3A_311 = arith.constant 32 : index
        %parallel_loop3A_312 = tpu.vector_load %arg22[%parallel_loop3A_310, %parallel_loop3A_311] {strides = array<i32>} : memref<128x72xf32, #tpu.memory_space<vmem>>, vector<1x16xf32>,
        %parallel_loop3A_313 = vector.shape_cast %parallel_loop3A_312 : vector<1x16xf32> to vector<16xf32>
        %parallel_loop3A_314 = vector.shape_cast %parallel_loop3A_309 : vector<16xf32> to vector<1x16xf32>
        tpu.vector_store %arg22[%parallel_loop3A_310, %parallel_loop3A_311], %parallel_loop3A_314 {strides = array<i32>} : memref<128x72xf32, #tpu.memory_space<vmem>>, vector<1x16xf32>,
        %parallel_loop3A_315 = arith.index_cast %parallel_loop3A_260 : i32 to index
        %parallel_loop3A_316 = arith.constant 48 : index
        %parallel_loop3A_317 = tpu.vector_load %arg16[%parallel_loop3A_315, %parallel_loop3A_316] {strides = array<i32>} : memref<128x80xf32, #tpu.memory_space<vmem>>, vector<1x16xf32>,
        %parallel_loop3A_318 = vector.shape_cast %parallel_loop3A_317 : vector<1x16xf32> to vector<16xf32>
        %parallel_loop3A_319 = arith.mulf %parallel_loop3A_318, %parallel_loop3A_279 : vector<16xf32>
        %parallel_loop3A_320 = arith.index_cast %parallel_loop3A_260 : i32 to index
        %parallel_loop3A_321 = arith.constant 48 : index
        %parallel_loop3A_322 = tpu.vector_load %arg22[%parallel_loop3A_320, %parallel_loop3A_321] {strides = array<i32>} : memref<128x72xf32, #tpu.memory_space<vmem>>, vector<1x16xf32>,
        %parallel_loop3A_323 = vector.shape_cast %parallel_loop3A_322 : vector<1x16xf32> to vector<16xf32>
        %parallel_loop3A_324 = vector.shape_cast %parallel_loop3A_319 : vector<16xf32> to vector<1x16xf32>
        tpu.vector_store %arg22[%parallel_loop3A_320, %parallel_loop3A_321], %parallel_loop3A_324 {strides = array<i32>} : memref<128x72xf32, #tpu.memory_space<vmem>>, vector<1x16xf32>,
      } {sc.loop_unroll_factor = 4 : i64, sc.parallel_access}
      %parallel_loop3A_247 = arith.constant 0 : i32
      %parallel_loop3A_248 = arith.constant 8 : i32
      %parallel_loop3A_249 = arith.constant 1 : i32
      scf.for %parallel_loop3A_260 = %parallel_loop3A_247 to %parallel_loop3A_248 step %parallel_loop3A_249  : i32 {
        %parallel_loop3A_261 = arith.constant 16 : i32
        %parallel_loop3A_262 = arith.muli %parallel_loop3A_260, %parallel_loop3A_261 : i32
        %parallel_loop3A_263 = arith.index_cast %parallel_loop3A_262 : i32 to index
        %parallel_loop3A_264 = tpu.vector_load %arg13[%parallel_loop3A_263] {strides = array<i32>} : memref<128xi32, #tpu.memory_space<vmem>>, vector<16xi32>,
        %parallel_loop3A_265 = vector.shape_cast %parallel_loop3A_264 : vector<16xi32> to vector<16xi32>
        %parallel_loop3A_266 = arith.constant 16 : i32
        %parallel_loop3A_267 = arith.muli %parallel_loop3A_260, %parallel_loop3A_266 : i32
        %parallel_loop3A_268 = arith.index_cast %parallel_loop3A_267 : i32 to index
        %parallel_loop3A_269 = tpu.vector_load %arg25[%parallel_loop3A_268] {strides = array<i32>} : memref<128xi32, #tpu.memory_space<vmem>>, vector<16xi32>,
        %parallel_loop3A_270 = vector.shape_cast %parallel_loop3A_269 : vector<16xi32> to vector<16xi32>
        %parallel_loop3A_271 = vector.shape_cast %parallel_loop3A_265 : vector<16xi32> to vector<16xi32>
        tpu.vector_store %arg25[%parallel_loop3A_268], %parallel_loop3A_271 {strides = array<i32>} : memref<128xi32, #tpu.memory_space<vmem>>, vector<16xi32>,
      } {sc.loop_unroll_factor = 8 : i64, sc.parallel_access}
      %dma_start3A_250 = arith.constant 0 : i32
      %dma_start3A_251 = arith.constant 0 : i32
      %dma_start3A_252 = tpu.memref_slice %arg27[%dma_start3A_250, %dma_start3A_251] : memref<10112x72xf32, #tpu.memory_space<vmem_shared>> -> memref<10112x72xf32, #tpu.memory_space<vmem_shared>>
      tpu.enqueue_indirect_dma source(%arg22 : memref<128x72xf32, #tpu.memory_space<vmem>>) target(%dma_start3A_252 : memref<10112x72xf32, #tpu.memory_space<vmem_shared>>) offsets(%arg25 : memref<128xi32, #tpu.memory_space<vmem>>) semaphore(%arg36 : memref<!tpu.dma_semaphore, #tpu.memory_space<semaphore_mem>>) {add = true}
      %add3A_253 = arith.constant 3 : i32
      %add3A_254 = arith.addi %add3A_232, %add3A_253 : i32
      %lt3A_255 = arith.constant 81 : i32
      %lt3A_256 = arith.cmpi slt, %add3A_254, %lt3A_255 : i32
      %convert_element_type3A_257 = arith.extui %lt3A_256 : i1 to i32
      %cond3A_258 = arith.constant 0 : i32
      %cond3A_259 = arith.cmpi ne, %convert_element_type3A_257, %cond3A_258 : i32
      scf.if %cond3A_259 {
        %add3A_260 = arith.constant 3 : i32
        %add3A_261 = arith.addi %add3A_232, %add3A_260 : i32
        %mul3A_262 = arith.constant 81 : i32
        %mul3A_263 = arith.muli %add3A, %mul3A_262 : i32
        %add3A_264 = arith.addi %mul3A_263, %add3A_261 : i32
        %mul3A_265 = arith.constant 128 : i32
        %mul3A_266 = arith.muli %add3A_264, %mul3A_265 : i32
        "tpu.region"() ({
          %run_scoped3A = tpu.sem_alloc : memref<!tpu.dma_semaphore, #tpu.memory_space<semaphore_mem>>
          %dma_start3A_273 = tpu.memref_slice %arg4[%mul3A_266] : memref<331776xi32, #tpu.memory_space<hbm>> -> memref<128xi32, #tpu.memory_space<hbm>>
          %dma_start3A_274 = tpu.memref_slice %arg4[%mul3A_266] : memref<331776xi32, #tpu.memory_space<hbm>> -> memref<128xi32, #tpu.memory_space<hbm>>
          tpu.enqueue_dma source(%dma_start3A_274 : memref<128xi32, #tpu.memory_space<hbm>>) target(%arg10 : memref<128xi32, #tpu.memory_space<vmem>>) target_semaphore(%run_scoped3A : memref<!tpu.dma_semaphore, #tpu.memory_space<semaphore_mem>>)
          %dma_wait3A_275 = tpu.memref_slice %arg4[%mul3A_266] : memref<331776xi32, #tpu.memory_space<hbm>> -> memref<128xi32, #tpu.memory_space<hbm>>
          %dma_wait3A_276 = tpu.memref_slice %arg4[%mul3A_266] : memref<331776xi32, #tpu.memory_space<hbm>> -> memref<128xi32, #tpu.memory_space<hbm>>
          tpu.wait_dma2 semaphore(%run_scoped3A : memref<!tpu.dma_semaphore, #tpu.memory_space<semaphore_mem>>) src(%dma_wait3A_276 : memref<128xi32, #tpu.memory_space<hbm>>) dst(%arg10 : memref<128xi32, #tpu.memory_space<vmem>>)
          tpu.yield
        }) : () -> ()
        %dma_start3A_267 = arith.constant 0 : i32
        %dma_start3A_268 = arith.constant 0 : i32
        %dma_start3A_269 = tpu.memref_slice %arg2[%dma_start3A_267, %dma_start3A_268] : memref<10112x80xf32, #tpu.memory_space<hbm>> -> memref<10112x80xf32, #tpu.memory_space<hbm>>
        tpu.enqueue_indirect_dma source(%dma_start3A_269 : memref<10112x80xf32, #tpu.memory_space<hbm>>) target(%arg16 : memref<128x80xf32, #tpu.memory_space<vmem>>) offsets(%arg10 : memref<128xi32, #tpu.memory_space<vmem>>) semaphore(%arg30 : memref<!tpu.dma_semaphore, #tpu.memory_space<semaphore_mem>>)
        "tpu.region"() ({
          %run_scoped3A = tpu.sem_alloc : memref<!tpu.dma_semaphore, #tpu.memory_space<semaphore_mem>>
          %dma_start3A_273 = tpu.memref_slice %arg5[%mul3A_266] : memref<331776xi32, #tpu.memory_space<hbm>> -> memref<128xi32, #tpu.memory_space<hbm>>
          %dma_start3A_274 = tpu.memref_slice %arg5[%mul3A_266] : memref<331776xi32, #tpu.memory_space<hbm>> -> memref<128xi32, #tpu.memory_space<hbm>>
          tpu.enqueue_dma source(%dma_start3A_274 : memref<128xi32, #tpu.memory_space<hbm>>) target(%arg13 : memref<128xi32, #tpu.memory_space<vmem>>) target_semaphore(%run_scoped3A : memref<!tpu.dma_semaphore, #tpu.memory_space<semaphore_mem>>)
          %dma_wait3A_275 = tpu.memref_slice %arg5[%mul3A_266] : memref<331776xi32, #tpu.memory_space<hbm>> -> memref<128xi32, #tpu.memory_space<hbm>>
          %dma_wait3A_276 = tpu.memref_slice %arg5[%mul3A_266] : memref<331776xi32, #tpu.memory_space<hbm>> -> memref<128xi32, #tpu.memory_space<hbm>>
          tpu.wait_dma2 semaphore(%run_scoped3A : memref<!tpu.dma_semaphore, #tpu.memory_space<semaphore_mem>>) src(%dma_wait3A_276 : memref<128xi32, #tpu.memory_space<hbm>>) dst(%arg13 : memref<128xi32, #tpu.memory_space<vmem>>)
          tpu.yield
        }) : () -> ()
        %dma_start3A_270 = arith.constant 0 : i32
        %dma_start3A_271 = arith.constant 0 : i32
        %dma_start3A_272 = tpu.memref_slice %arg3[%dma_start3A_270, %dma_start3A_271] : memref<10112x32xf32, #tpu.memory_space<hbm>> -> memref<10112x32xf32, #tpu.memory_space<hbm>>
        tpu.enqueue_indirect_dma source(%dma_start3A_272 : memref<10112x32xf32, #tpu.memory_space<hbm>>) target(%arg19 : memref<128x32xf32, #tpu.memory_space<vmem>>) offsets(%arg13 : memref<128xi32, #tpu.memory_space<vmem>>) semaphore(%arg33 : memref<!tpu.dma_semaphore, #tpu.memory_space<semaphore_mem>>)
      } else {
      }
    }
    %scan3A_97 = arith.constant 27 : i32
    %dma_wait3A = arith.constant 0 : i32
    %dma_wait3A_98 = arith.constant 0 : i32
    %dma_wait3A_99 = tpu.memref_slice %arg27[%dma_wait3A, %dma_wait3A_98] : memref<10112x72xf32, #tpu.memory_space<vmem_shared>> -> memref<10112x72xf32, #tpu.memory_space<vmem_shared>>
    tpu.wait_indirect_dma semaphore(%arg34 : memref<!tpu.dma_semaphore, #tpu.memory_space<semaphore_mem>>) src(%arg20 : memref<128x72xf32, #tpu.memory_space<vmem>>) dst(%dma_wait3A_99 : memref<10112x72xf32, #tpu.memory_space<vmem_shared>>)
    %dma_wait3A_100 = arith.constant 0 : i32
    %dma_wait3A_101 = arith.constant 0 : i32
    %dma_wait3A_102 = tpu.memref_slice %arg27[%dma_wait3A_100, %dma_wait3A_101] : memref<10112x72xf32, #tpu.memory_space<vmem_shared>> -> memref<10112x72xf32, #tpu.memory_space<vmem_shared>>
    tpu.wait_indirect_dma semaphore(%arg35 : memref<!tpu.dma_semaphore, #tpu.memory_space<semaphore_mem>>) src(%arg21 : memref<128x72xf32, #tpu.memory_space<vmem>>) dst(%dma_wait3A_102 : memref<10112x72xf32, #tpu.memory_space<vmem_shared>>)
    %dma_wait3A_103 = arith.constant 0 : i32
    %dma_wait3A_104 = arith.constant 0 : i32
    %dma_wait3A_105 = tpu.memref_slice %arg27[%dma_wait3A_103, %dma_wait3A_104] : memref<10112x72xf32, #tpu.memory_space<vmem_shared>> -> memref<10112x72xf32, #tpu.memory_space<vmem_shared>>
    tpu.wait_indirect_dma semaphore(%arg36 : memref<!tpu.dma_semaphore, #tpu.memory_space<semaphore_mem>>) src(%arg22 : memref<128x72xf32, #tpu.memory_space<vmem>>) dst(%dma_wait3A_105 : memref<10112x72xf32, #tpu.memory_space<vmem_shared>>)
    %barrier3A_106 = arith.constant 0 : index
    tpu.barrier barrier_id(%barrier3A_106)
    %mul3A_107 = arith.constant 632 : i32
    %mul3A_108 = arith.muli %arg1, %mul3A_107 : i32
    %add3A_109 = arith.constant 0 : i32
    %add3A_110 = arith.addi %mul3A_108, %add3A_109 : i32
    "tpu.region"() ({
      %run_scoped3A = tpu.sem_alloc : memref<!tpu.dma_semaphore, #tpu.memory_space<semaphore_mem>>
      %dma_start3A_171 = arith.constant 0 : i32
      %dma_start3A_172 = tpu.memref_slice %arg27[%add3A_110, %dma_start3A_171] : memref<10112x72xf32, #tpu.memory_space<vmem_shared>> -> memref<79x72xf32, #tpu.memory_space<vmem_shared>>
      %dma_start3A_173 = arith.constant 0 : i32
      %dma_start3A_174 = tpu.memref_slice %arg27[%add3A_110, %dma_start3A_173] : memref<10112x72xf32, #tpu.memory_space<vmem_shared>> -> memref<79x72xf32, #tpu.memory_space<vmem_shared>>
      tpu.enqueue_dma source(%dma_start3A_174 : memref<79x72xf32, #tpu.memory_space<vmem_shared>>) target(%arg26 : memref<79x72xf32, #tpu.memory_space<vmem>>) target_semaphore(%run_scoped3A : memref<!tpu.dma_semaphore, #tpu.memory_space<semaphore_mem>>)
      %dma_wait3A_175 = arith.constant 0 : i32
      %dma_wait3A_176 = tpu.memref_slice %arg27[%add3A_110, %dma_wait3A_175] : memref<10112x72xf32, #tpu.memory_space<vmem_shared>> -> memref<79x72xf32, #tpu.memory_space<vmem_shared>>
      %dma_wait3A_177 = arith.constant 0 : i32
      %dma_wait3A_178 = tpu.memref_slice %arg27[%add3A_110, %dma_wait3A_177] : memref<10112x72xf32, #tpu.memory_space<vmem_shared>> -> memref<79x72xf32, #tpu.memory_space<vmem_shared>>
      tpu.wait_dma2 semaphore(%run_scoped3A : memref<!tpu.dma_semaphore, #tpu.memory_space<semaphore_mem>>) src(%dma_wait3A_178 : memref<79x72xf32, #tpu.memory_space<vmem_shared>>) dst(%arg26 : memref<79x72xf32, #tpu.memory_space<vmem>>)
      tpu.yield
    }) : () -> ()
    %mul3A_111 = arith.constant 632 : i32
    %mul3A_112 = arith.muli %arg1, %mul3A_111 : i32
    %add3A_113 = arith.constant 0 : i32
    %add3A_114 = arith.addi %mul3A_112, %add3A_113 : i32
    "tpu.region"() ({
      %run_scoped3A = tpu.sem_alloc : memref<!tpu.dma_semaphore, #tpu.memory_space<semaphore_mem>>
      %dma_start3A_171 = arith.constant 0 : i32
      %dma_start3A_172 = tpu.memref_slice %arg7[%arg0, %add3A_114, %dma_start3A_171] : memref<2x10112x72xf32, #tpu.memory_space<hbm>> -> memref<1x79x72xf32, #tpu.memory_space<hbm>>
      %dma_start3A_173 = tpu.memref_squeeze %dma_start3A_172 : memref<1x79x72xf32, #tpu.memory_space<hbm>> -> memref<79x72xf32, #tpu.memory_space<hbm>>
      %dma_start3A_174 = arith.constant 0 : i32
      %dma_start3A_175 = tpu.memref_slice %arg7[%arg0, %add3A_114, %dma_start3A_174] : memref<2x10112x72xf32, #tpu.memory_space<hbm>> -> memref<1x79x72xf32, #tpu.memory_space<hbm>>
      %dma_start3A_176 = tpu.memref_squeeze %dma_start3A_175 : memref<1x79x72xf32, #tpu.memory_space<hbm>> -> memref<79x72xf32, #tpu.memory_space<hbm>>
      tpu.enqueue_dma source(%arg26 : memref<79x72xf32, #tpu.memory_space<vmem>>) target(%dma_start3A_176 : memref<79x72xf32, #tpu.memory_space<hbm>>) target_semaphore(%run_scoped3A : memref<!tpu.dma_semaphore, #tpu.memory_space<semaphore_mem>>)
      %dma_wait3A_177 = arith.constant 0 : i32
      %dma_wait3A_178 = tpu.memref_slice %arg7[%arg0, %add3A_114, %dma_wait3A_177] : memref<2x10112x72xf32, #tpu.memory_space<hbm>> -> memref<1x79x72xf32, #tpu.memory_space<hbm>>
      %dma_wait3A_179 = tpu.memref_squeeze %dma_wait3A_178 : memref<1x79x72xf32, #tpu.memory_space<hbm>> -> memref<79x72xf32, #tpu.memory_space<hbm>>
      %dma_wait3A_180 = arith.constant 0 : i32
      %dma_wait3A_181 = tpu.memref_slice %arg7[%arg0, %add3A_114, %dma_wait3A_180] : memref<2x10112x72xf32, #tpu.memory_space<hbm>> -> memref<1x79x72xf32, #tpu.memory_space<hbm>>
      %dma_wait3A_182 = tpu.memref_squeeze %dma_wait3A_181 : memref<1x79x72xf32, #tpu.memory_space<hbm>> -> memref<79x72xf32, #tpu.memory_space<hbm>>
      tpu.wait_dma2 semaphore(%run_scoped3A : memref<!tpu.dma_semaphore, #tpu.memory_space<semaphore_mem>>) src(%arg26 : memref<79x72xf32, #tpu.memory_space<vmem>>) dst(%dma_wait3A_182 : memref<79x72xf32, #tpu.memory_space<hbm>>)
      tpu.yield
    }) : () -> ()
    %mul3A_115 = arith.constant 632 : i32
    %mul3A_116 = arith.muli %arg1, %mul3A_115 : i32
    %add3A_117 = arith.constant 79 : i32
    %add3A_118 = arith.addi %mul3A_116, %add3A_117 : i32
    "tpu.region"() ({
      %run_scoped3A = tpu.sem_alloc : memref<!tpu.dma_semaphore, #tpu.memory_space<semaphore_mem>>
      %dma_start3A_171 = arith.constant 0 : i32
      %dma_start3A_172 = tpu.memref_slice %arg27[%add3A_118, %dma_start3A_171] : memref<10112x72xf32, #tpu.memory_space<vmem_shared>> -> memref<79x72xf32, #tpu.memory_space<vmem_shared>>
      %dma_start3A_173 = arith.constant 0 : i32
      %dma_start3A_174 = tpu.memref_slice %arg27[%add3A_118, %dma_start3A_173] : memref<10112x72xf32, #tpu.memory_space<vmem_shared>> -> memref<79x72xf32, #tpu.memory_space<vmem_shared>>
      tpu.enqueue_dma source(%dma_start3A_174 : memref<79x72xf32, #tpu.memory_space<vmem_shared>>) target(%arg26 : memref<79x72xf32, #tpu.memory_space<vmem>>) target_semaphore(%run_scoped3A : memref<!tpu.dma_semaphore, #tpu.memory_space<semaphore_mem>>)
      %dma_wait3A_175 = arith.constant 0 : i32
      %dma_wait3A_176 = tpu.memref_slice %arg27[%add3A_118, %dma_wait3A_175] : memref<10112x72xf32, #tpu.memory_space<vmem_shared>> -> memref<79x72xf32, #tpu.memory_space<vmem_shared>>
      %dma_wait3A_177 = arith.constant 0 : i32
      %dma_wait3A_178 = tpu.memref_slice %arg27[%add3A_118, %dma_wait3A_177] : memref<10112x72xf32, #tpu.memory_space<vmem_shared>> -> memref<79x72xf32, #tpu.memory_space<vmem_shared>>
      tpu.wait_dma2 semaphore(%run_scoped3A : memref<!tpu.dma_semaphore, #tpu.memory_space<semaphore_mem>>) src(%dma_wait3A_178 : memref<79x72xf32, #tpu.memory_space<vmem_shared>>) dst(%arg26 : memref<79x72xf32, #tpu.memory_space<vmem>>)
      tpu.yield
    }) : () -> ()
    %mul3A_119 = arith.constant 632 : i32
    %mul3A_120 = arith.muli %arg1, %mul3A_119 : i32
    %add3A_121 = arith.constant 79 : i32
    %add3A_122 = arith.addi %mul3A_120, %add3A_121 : i32
    "tpu.region"() ({
      %run_scoped3A = tpu.sem_alloc : memref<!tpu.dma_semaphore, #tpu.memory_space<semaphore_mem>>
      %dma_start3A_171 = arith.constant 0 : i32
      %dma_start3A_172 = tpu.memref_slice %arg7[%arg0, %add3A_122, %dma_start3A_171] : memref<2x10112x72xf32, #tpu.memory_space<hbm>> -> memref<1x79x72xf32, #tpu.memory_space<hbm>>
      %dma_start3A_173 = tpu.memref_squeeze %dma_start3A_172 : memref<1x79x72xf32, #tpu.memory_space<hbm>> -> memref<79x72xf32, #tpu.memory_space<hbm>>
      %dma_start3A_174 = arith.constant 0 : i32
      %dma_start3A_175 = tpu.memref_slice %arg7[%arg0, %add3A_122, %dma_start3A_174] : memref<2x10112x72xf32, #tpu.memory_space<hbm>> -> memref<1x79x72xf32, #tpu.memory_space<hbm>>
      %dma_start3A_176 = tpu.memref_squeeze %dma_start3A_175 : memref<1x79x72xf32, #tpu.memory_space<hbm>> -> memref<79x72xf32, #tpu.memory_space<hbm>>
      tpu.enqueue_dma source(%arg26 : memref<79x72xf32, #tpu.memory_space<vmem>>) target(%dma_start3A_176 : memref<79x72xf32, #tpu.memory_space<hbm>>) target_semaphore(%run_scoped3A : memref<!tpu.dma_semaphore, #tpu.memory_space<semaphore_mem>>)
      %dma_wait3A_177 = arith.constant 0 : i32
      %dma_wait3A_178 = tpu.memref_slice %arg7[%arg0, %add3A_122, %dma_wait3A_177] : memref<2x10112x72xf32, #tpu.memory_space<hbm>> -> memref<1x79x72xf32, #tpu.memory_space<hbm>>
      %dma_wait3A_179 = tpu.memref_squeeze %dma_wait3A_178 : memref<1x79x72xf32, #tpu.memory_space<hbm>> -> memref<79x72xf32, #tpu.memory_space<hbm>>
      %dma_wait3A_180 = arith.constant 0 : i32
      %dma_wait3A_181 = tpu.memref_slice %arg7[%arg0, %add3A_122, %dma_wait3A_180] : memref<2x10112x72xf32, #tpu.memory_space<hbm>> -> memref<1x79x72xf32, #tpu.memory_space<hbm>>
      %dma_wait3A_182 = tpu.memref_squeeze %dma_wait3A_181 : memref<1x79x72xf32, #tpu.memory_space<hbm>> -> memref<79x72xf32, #tpu.memory_space<hbm>>
      tpu.wait_dma2 semaphore(%run_scoped3A : memref<!tpu.dma_semaphore, #tpu.memory_space<semaphore_mem>>) src(%arg26 : memref<79x72xf32, #tpu.memory_space<vmem>>) dst(%dma_wait3A_182 : memref<79x72xf32, #tpu.memory_space<hbm>>)
      tpu.yield
    }) : () -> ()
    %mul3A_123 = arith.constant 632 : i32
    %mul3A_124 = arith.muli %arg1, %mul3A_123 : i32
    %add3A_125 = arith.constant 158 : i32
    %add3A_126 = arith.addi %mul3A_124, %add3A_125 : i32
    "tpu.region"() ({
      %run_scoped3A = tpu.sem_alloc : memref<!tpu.dma_semaphore, #tpu.memory_space<semaphore_mem>>
      %dma_start3A_171 = arith.constant 0 : i32
      %dma_start3A_172 = tpu.memref_slice %arg27[%add3A_126, %dma_start3A_171] : memref<10112x72xf32, #tpu.memory_space<vmem_shared>> -> memref<79x72xf32, #tpu.memory_space<vmem_shared>>
      %dma_start3A_173 = arith.constant 0 : i32
      %dma_start3A_174 = tpu.memref_slice %arg27[%add3A_126, %dma_start3A_173] : memref<10112x72xf32, #tpu.memory_space<vmem_shared>> -> memref<79x72xf32, #tpu.memory_space<vmem_shared>>
      tpu.enqueue_dma source(%dma_start3A_174 : memref<79x72xf32, #tpu.memory_space<vmem_shared>>) target(%arg26 : memref<79x72xf32, #tpu.memory_space<vmem>>) target_semaphore(%run_scoped3A : memref<!tpu.dma_semaphore, #tpu.memory_space<semaphore_mem>>)
      %dma_wait3A_175 = arith.constant 0 : i32
      %dma_wait3A_176 = tpu.memref_slice %arg27[%add3A_126, %dma_wait3A_175] : memref<10112x72xf32, #tpu.memory_space<vmem_shared>> -> memref<79x72xf32, #tpu.memory_space<vmem_shared>>
      %dma_wait3A_177 = arith.constant 0 : i32
      %dma_wait3A_178 = tpu.memref_slice %arg27[%add3A_126, %dma_wait3A_177] : memref<10112x72xf32, #tpu.memory_space<vmem_shared>> -> memref<79x72xf32, #tpu.memory_space<vmem_shared>>
      tpu.wait_dma2 semaphore(%run_scoped3A : memref<!tpu.dma_semaphore, #tpu.memory_space<semaphore_mem>>) src(%dma_wait3A_178 : memref<79x72xf32, #tpu.memory_space<vmem_shared>>) dst(%arg26 : memref<79x72xf32, #tpu.memory_space<vmem>>)
      tpu.yield
    }) : () -> ()
    %mul3A_127 = arith.constant 632 : i32
    %mul3A_128 = arith.muli %arg1, %mul3A_127 : i32
    %add3A_129 = arith.constant 158 : i32
    %add3A_130 = arith.addi %mul3A_128, %add3A_129 : i32
    "tpu.region"() ({
      %run_scoped3A = tpu.sem_alloc : memref<!tpu.dma_semaphore, #tpu.memory_space<semaphore_mem>>
      %dma_start3A_171 = arith.constant 0 : i32
      %dma_start3A_172 = tpu.memref_slice %arg7[%arg0, %add3A_130, %dma_start3A_171] : memref<2x10112x72xf32, #tpu.memory_space<hbm>> -> memref<1x79x72xf32, #tpu.memory_space<hbm>>
      %dma_start3A_173 = tpu.memref_squeeze %dma_start3A_172 : memref<1x79x72xf32, #tpu.memory_space<hbm>> -> memref<79x72xf32, #tpu.memory_space<hbm>>
      %dma_start3A_174 = arith.constant 0 : i32
      %dma_start3A_175 = tpu.memref_slice %arg7[%arg0, %add3A_130, %dma_start3A_174] : memref<2x10112x72xf32, #tpu.memory_space<hbm>> -> memref<1x79x72xf32, #tpu.memory_space<hbm>>
      %dma_start3A_176 = tpu.memref_squeeze %dma_start3A_175 : memref<1x79x72xf32, #tpu.memory_space<hbm>> -> memref<79x72xf32, #tpu.memory_space<hbm>>
      tpu.enqueue_dma source(%arg26 : memref<79x72xf32, #tpu.memory_space<vmem>>) target(%dma_start3A_176 : memref<79x72xf32, #tpu.memory_space<hbm>>) target_semaphore(%run_scoped3A : memref<!tpu.dma_semaphore, #tpu.memory_space<semaphore_mem>>)
      %dma_wait3A_177 = arith.constant 0 : i32
      %dma_wait3A_178 = tpu.memref_slice %arg7[%arg0, %add3A_130, %dma_wait3A_177] : memref<2x10112x72xf32, #tpu.memory_space<hbm>> -> memref<1x79x72xf32, #tpu.memory_space<hbm>>
      %dma_wait3A_179 = tpu.memref_squeeze %dma_wait3A_178 : memref<1x79x72xf32, #tpu.memory_space<hbm>> -> memref<79x72xf32, #tpu.memory_space<hbm>>
      %dma_wait3A_180 = arith.constant 0 : i32
      %dma_wait3A_181 = tpu.memref_slice %arg7[%arg0, %add3A_130, %dma_wait3A_180] : memref<2x10112x72xf32, #tpu.memory_space<hbm>> -> memref<1x79x72xf32, #tpu.memory_space<hbm>>
      %dma_wait3A_182 = tpu.memref_squeeze %dma_wait3A_181 : memref<1x79x72xf32, #tpu.memory_space<hbm>> -> memref<79x72xf32, #tpu.memory_space<hbm>>
      tpu.wait_dma2 semaphore(%run_scoped3A : memref<!tpu.dma_semaphore, #tpu.memory_space<semaphore_mem>>) src(%arg26 : memref<79x72xf32, #tpu.memory_space<vmem>>) dst(%dma_wait3A_182 : memref<79x72xf32, #tpu.memory_space<hbm>>)
      tpu.yield
    }) : () -> ()
    %mul3A_131 = arith.constant 632 : i32
    %mul3A_132 = arith.muli %arg1, %mul3A_131 : i32
    %add3A_133 = arith.constant 237 : i32
    %add3A_134 = arith.addi %mul3A_132, %add3A_133 : i32
    "tpu.region"() ({
      %run_scoped3A = tpu.sem_alloc : memref<!tpu.dma_semaphore, #tpu.memory_space<semaphore_mem>>
      %dma_start3A_171 = arith.constant 0 : i32
      %dma_start3A_172 = tpu.memref_slice %arg27[%add3A_134, %dma_start3A_171] : memref<10112x72xf32, #tpu.memory_space<vmem_shared>> -> memref<79x72xf32, #tpu.memory_space<vmem_shared>>
      %dma_start3A_173 = arith.constant 0 : i32
      %dma_start3A_174 = tpu.memref_slice %arg27[%add3A_134, %dma_start3A_173] : memref<10112x72xf32, #tpu.memory_space<vmem_shared>> -> memref<79x72xf32, #tpu.memory_space<vmem_shared>>
      tpu.enqueue_dma source(%dma_start3A_174 : memref<79x72xf32, #tpu.memory_space<vmem_shared>>) target(%arg26 : memref<79x72xf32, #tpu.memory_space<vmem>>) target_semaphore(%run_scoped3A : memref<!tpu.dma_semaphore, #tpu.memory_space<semaphore_mem>>)
      %dma_wait3A_175 = arith.constant 0 : i32
      %dma_wait3A_176 = tpu.memref_slice %arg27[%add3A_134, %dma_wait3A_175] : memref<10112x72xf32, #tpu.memory_space<vmem_shared>> -> memref<79x72xf32, #tpu.memory_space<vmem_shared>>
      %dma_wait3A_177 = arith.constant 0 : i32
      %dma_wait3A_178 = tpu.memref_slice %arg27[%add3A_134, %dma_wait3A_177] : memref<10112x72xf32, #tpu.memory_space<vmem_shared>> -> memref<79x72xf32, #tpu.memory_space<vmem_shared>>
      tpu.wait_dma2 semaphore(%run_scoped3A : memref<!tpu.dma_semaphore, #tpu.memory_space<semaphore_mem>>) src(%dma_wait3A_178 : memref<79x72xf32, #tpu.memory_space<vmem_shared>>) dst(%arg26 : memref<79x72xf32, #tpu.memory_space<vmem>>)
      tpu.yield
    }) : () -> ()
    %mul3A_135 = arith.constant 632 : i32
    %mul3A_136 = arith.muli %arg1, %mul3A_135 : i32
    %add3A_137 = arith.constant 237 : i32
    %add3A_138 = arith.addi %mul3A_136, %add3A_137 : i32
    "tpu.region"() ({
      %run_scoped3A = tpu.sem_alloc : memref<!tpu.dma_semaphore, #tpu.memory_space<semaphore_mem>>
      %dma_start3A_171 = arith.constant 0 : i32
      %dma_start3A_172 = tpu.memref_slice %arg7[%arg0, %add3A_138, %dma_start3A_171] : memref<2x10112x72xf32, #tpu.memory_space<hbm>> -> memref<1x79x72xf32, #tpu.memory_space<hbm>>
      %dma_start3A_173 = tpu.memref_squeeze %dma_start3A_172 : memref<1x79x72xf32, #tpu.memory_space<hbm>> -> memref<79x72xf32, #tpu.memory_space<hbm>>
      %dma_start3A_174 = arith.constant 0 : i32
      %dma_start3A_175 = tpu.memref_slice %arg7[%arg0, %add3A_138, %dma_start3A_174] : memref<2x10112x72xf32, #tpu.memory_space<hbm>> -> memref<1x79x72xf32, #tpu.memory_space<hbm>>
      %dma_start3A_176 = tpu.memref_squeeze %dma_start3A_175 : memref<1x79x72xf32, #tpu.memory_space<hbm>> -> memref<79x72xf32, #tpu.memory_space<hbm>>
      tpu.enqueue_dma source(%arg26 : memref<79x72xf32, #tpu.memory_space<vmem>>) target(%dma_start3A_176 : memref<79x72xf32, #tpu.memory_space<hbm>>) target_semaphore(%run_scoped3A : memref<!tpu.dma_semaphore, #tpu.memory_space<semaphore_mem>>)
      %dma_wait3A_177 = arith.constant 0 : i32
      %dma_wait3A_178 = tpu.memref_slice %arg7[%arg0, %add3A_138, %dma_wait3A_177] : memref<2x10112x72xf32, #tpu.memory_space<hbm>> -> memref<1x79x72xf32, #tpu.memory_space<hbm>>
      %dma_wait3A_179 = tpu.memref_squeeze %dma_wait3A_178 : memref<1x79x72xf32, #tpu.memory_space<hbm>> -> memref<79x72xf32, #tpu.memory_space<hbm>>
      %dma_wait3A_180 = arith.constant 0 : i32
      %dma_wait3A_181 = tpu.memref_slice %arg7[%arg0, %add3A_138, %dma_wait3A_180] : memref<2x10112x72xf32, #tpu.memory_space<hbm>> -> memref<1x79x72xf32, #tpu.memory_space<hbm>>
      %dma_wait3A_182 = tpu.memref_squeeze %dma_wait3A_181 : memref<1x79x72xf32, #tpu.memory_space<hbm>> -> memref<79x72xf32, #tpu.memory_space<hbm>>
      tpu.wait_dma2 semaphore(%run_scoped3A : memref<!tpu.dma_semaphore, #tpu.memory_space<semaphore_mem>>) src(%arg26 : memref<79x72xf32, #tpu.memory_space<vmem>>) dst(%dma_wait3A_182 : memref<79x72xf32, #tpu.memory_space<hbm>>)
      tpu.yield
    }) : () -> ()
    %mul3A_139 = arith.constant 632 : i32
    %mul3A_140 = arith.muli %arg1, %mul3A_139 : i32
    %add3A_141 = arith.constant 316 : i32
    %add3A_142 = arith.addi %mul3A_140, %add3A_141 : i32
    "tpu.region"() ({
      %run_scoped3A = tpu.sem_alloc : memref<!tpu.dma_semaphore, #tpu.memory_space<semaphore_mem>>
      %dma_start3A_171 = arith.constant 0 : i32
      %dma_start3A_172 = tpu.memref_slice %arg27[%add3A_142, %dma_start3A_171] : memref<10112x72xf32, #tpu.memory_space<vmem_shared>> -> memref<79x72xf32, #tpu.memory_space<vmem_shared>>
      %dma_start3A_173 = arith.constant 0 : i32
      %dma_start3A_174 = tpu.memref_slice %arg27[%add3A_142, %dma_start3A_173] : memref<10112x72xf32, #tpu.memory_space<vmem_shared>> -> memref<79x72xf32, #tpu.memory_space<vmem_shared>>
      tpu.enqueue_dma source(%dma_start3A_174 : memref<79x72xf32, #tpu.memory_space<vmem_shared>>) target(%arg26 : memref<79x72xf32, #tpu.memory_space<vmem>>) target_semaphore(%run_scoped3A : memref<!tpu.dma_semaphore, #tpu.memory_space<semaphore_mem>>)
      %dma_wait3A_175 = arith.constant 0 : i32
      %dma_wait3A_176 = tpu.memref_slice %arg27[%add3A_142, %dma_wait3A_175] : memref<10112x72xf32, #tpu.memory_space<vmem_shared>> -> memref<79x72xf32, #tpu.memory_space<vmem_shared>>
      %dma_wait3A_177 = arith.constant 0 : i32
      %dma_wait3A_178 = tpu.memref_slice %arg27[%add3A_142, %dma_wait3A_177] : memref<10112x72xf32, #tpu.memory_space<vmem_shared>> -> memref<79x72xf32, #tpu.memory_space<vmem_shared>>
      tpu.wait_dma2 semaphore(%run_scoped3A : memref<!tpu.dma_semaphore, #tpu.memory_space<semaphore_mem>>) src(%dma_wait3A_178 : memref<79x72xf32, #tpu.memory_space<vmem_shared>>) dst(%arg26 : memref<79x72xf32, #tpu.memory_space<vmem>>)
      tpu.yield
    }) : () -> ()
    %mul3A_143 = arith.constant 632 : i32
    %mul3A_144 = arith.muli %arg1, %mul3A_143 : i32
    %add3A_145 = arith.constant 316 : i32
    %add3A_146 = arith.addi %mul3A_144, %add3A_145 : i32
    "tpu.region"() ({
      %run_scoped3A = tpu.sem_alloc : memref<!tpu.dma_semaphore, #tpu.memory_space<semaphore_mem>>
      %dma_start3A_171 = arith.constant 0 : i32
      %dma_start3A_172 = tpu.memref_slice %arg7[%arg0, %add3A_146, %dma_start3A_171] : memref<2x10112x72xf32, #tpu.memory_space<hbm>> -> memref<1x79x72xf32, #tpu.memory_space<hbm>>
      %dma_start3A_173 = tpu.memref_squeeze %dma_start3A_172 : memref<1x79x72xf32, #tpu.memory_space<hbm>> -> memref<79x72xf32, #tpu.memory_space<hbm>>
      %dma_start3A_174 = arith.constant 0 : i32
      %dma_start3A_175 = tpu.memref_slice %arg7[%arg0, %add3A_146, %dma_start3A_174] : memref<2x10112x72xf32, #tpu.memory_space<hbm>> -> memref<1x79x72xf32, #tpu.memory_space<hbm>>
      %dma_start3A_176 = tpu.memref_squeeze %dma_start3A_175 : memref<1x79x72xf32, #tpu.memory_space<hbm>> -> memref<79x72xf32, #tpu.memory_space<hbm>>
      tpu.enqueue_dma source(%arg26 : memref<79x72xf32, #tpu.memory_space<vmem>>) target(%dma_start3A_176 : memref<79x72xf32, #tpu.memory_space<hbm>>) target_semaphore(%run_scoped3A : memref<!tpu.dma_semaphore, #tpu.memory_space<semaphore_mem>>)
      %dma_wait3A_177 = arith.constant 0 : i32
      %dma_wait3A_178 = tpu.memref_slice %arg7[%arg0, %add3A_146, %dma_wait3A_177] : memref<2x10112x72xf32, #tpu.memory_space<hbm>> -> memref<1x79x72xf32, #tpu.memory_space<hbm>>
      %dma_wait3A_179 = tpu.memref_squeeze %dma_wait3A_178 : memref<1x79x72xf32, #tpu.memory_space<hbm>> -> memref<79x72xf32, #tpu.memory_space<hbm>>
      %dma_wait3A_180 = arith.constant 0 : i32
      %dma_wait3A_181 = tpu.memref_slice %arg7[%arg0, %add3A_146, %dma_wait3A_180] : memref<2x10112x72xf32, #tpu.memory_space<hbm>> -> memref<1x79x72xf32, #tpu.memory_space<hbm>>
      %dma_wait3A_182 = tpu.memref_squeeze %dma_wait3A_181 : memref<1x79x72xf32, #tpu.memory_space<hbm>> -> memref<79x72xf32, #tpu.memory_space<hbm>>
      tpu.wait_dma2 semaphore(%run_scoped3A : memref<!tpu.dma_semaphore, #tpu.memory_space<semaphore_mem>>) src(%arg26 : memref<79x72xf32, #tpu.memory_space<vmem>>) dst(%dma_wait3A_182 : memref<79x72xf32, #tpu.memory_space<hbm>>)
      tpu.yield
    }) : () -> ()
    %mul3A_147 = arith.constant 632 : i32
    %mul3A_148 = arith.muli %arg1, %mul3A_147 : i32
    %add3A_149 = arith.constant 395 : i32
    %add3A_150 = arith.addi %mul3A_148, %add3A_149 : i32
    "tpu.region"() ({
      %run_scoped3A = tpu.sem_alloc : memref<!tpu.dma_semaphore, #tpu.memory_space<semaphore_mem>>
      %dma_start3A_171 = arith.constant 0 : i32
      %dma_start3A_172 = tpu.memref_slice %arg27[%add3A_150, %dma_start3A_171] : memref<10112x72xf32, #tpu.memory_space<vmem_shared>> -> memref<79x72xf32, #tpu.memory_space<vmem_shared>>
      %dma_start3A_173 = arith.constant 0 : i32
      %dma_start3A_174 = tpu.memref_slice %arg27[%add3A_150, %dma_start3A_173] : memref<10112x72xf32, #tpu.memory_space<vmem_shared>> -> memref<79x72xf32, #tpu.memory_space<vmem_shared>>
      tpu.enqueue_dma source(%dma_start3A_174 : memref<79x72xf32, #tpu.memory_space<vmem_shared>>) target(%arg26 : memref<79x72xf32, #tpu.memory_space<vmem>>) target_semaphore(%run_scoped3A : memref<!tpu.dma_semaphore, #tpu.memory_space<semaphore_mem>>)
      %dma_wait3A_175 = arith.constant 0 : i32
      %dma_wait3A_176 = tpu.memref_slice %arg27[%add3A_150, %dma_wait3A_175] : memref<10112x72xf32, #tpu.memory_space<vmem_shared>> -> memref<79x72xf32, #tpu.memory_space<vmem_shared>>
      %dma_wait3A_177 = arith.constant 0 : i32
      %dma_wait3A_178 = tpu.memref_slice %arg27[%add3A_150, %dma_wait3A_177] : memref<10112x72xf32, #tpu.memory_space<vmem_shared>> -> memref<79x72xf32, #tpu.memory_space<vmem_shared>>
      tpu.wait_dma2 semaphore(%run_scoped3A : memref<!tpu.dma_semaphore, #tpu.memory_space<semaphore_mem>>) src(%dma_wait3A_178 : memref<79x72xf32, #tpu.memory_space<vmem_shared>>) dst(%arg26 : memref<79x72xf32, #tpu.memory_space<vmem>>)
      tpu.yield
    }) : () -> ()
    %mul3A_151 = arith.constant 632 : i32
    %mul3A_152 = arith.muli %arg1, %mul3A_151 : i32
    %add3A_153 = arith.constant 395 : i32
    %add3A_154 = arith.addi %mul3A_152, %add3A_153 : i32
    "tpu.region"() ({
      %run_scoped3A = tpu.sem_alloc : memref<!tpu.dma_semaphore, #tpu.memory_space<semaphore_mem>>
      %dma_start3A_171 = arith.constant 0 : i32
      %dma_start3A_172 = tpu.memref_slice %arg7[%arg0, %add3A_154, %dma_start3A_171] : memref<2x10112x72xf32, #tpu.memory_space<hbm>> -> memref<1x79x72xf32, #tpu.memory_space<hbm>>
      %dma_start3A_173 = tpu.memref_squeeze %dma_start3A_172 : memref<1x79x72xf32, #tpu.memory_space<hbm>> -> memref<79x72xf32, #tpu.memory_space<hbm>>
      %dma_start3A_174 = arith.constant 0 : i32
      %dma_start3A_175 = tpu.memref_slice %arg7[%arg0, %add3A_154, %dma_start3A_174] : memref<2x10112x72xf32, #tpu.memory_space<hbm>> -> memref<1x79x72xf32, #tpu.memory_space<hbm>>
      %dma_start3A_176 = tpu.memref_squeeze %dma_start3A_175 : memref<1x79x72xf32, #tpu.memory_space<hbm>> -> memref<79x72xf32, #tpu.memory_space<hbm>>
      tpu.enqueue_dma source(%arg26 : memref<79x72xf32, #tpu.memory_space<vmem>>) target(%dma_start3A_176 : memref<79x72xf32, #tpu.memory_space<hbm>>) target_semaphore(%run_scoped3A : memref<!tpu.dma_semaphore, #tpu.memory_space<semaphore_mem>>)
      %dma_wait3A_177 = arith.constant 0 : i32
      %dma_wait3A_178 = tpu.memref_slice %arg7[%arg0, %add3A_154, %dma_wait3A_177] : memref<2x10112x72xf32, #tpu.memory_space<hbm>> -> memref<1x79x72xf32, #tpu.memory_space<hbm>>
      %dma_wait3A_179 = tpu.memref_squeeze %dma_wait3A_178 : memref<1x79x72xf32, #tpu.memory_space<hbm>> -> memref<79x72xf32, #tpu.memory_space<hbm>>
      %dma_wait3A_180 = arith.constant 0 : i32
      %dma_wait3A_181 = tpu.memref_slice %arg7[%arg0, %add3A_154, %dma_wait3A_180] : memref<2x10112x72xf32, #tpu.memory_space<hbm>> -> memref<1x79x72xf32, #tpu.memory_space<hbm>>
      %dma_wait3A_182 = tpu.memref_squeeze %dma_wait3A_181 : memref<1x79x72xf32, #tpu.memory_space<hbm>> -> memref<79x72xf32, #tpu.memory_space<hbm>>
      tpu.wait_dma2 semaphore(%run_scoped3A : memref<!tpu.dma_semaphore, #tpu.memory_space<semaphore_mem>>) src(%arg26 : memref<79x72xf32, #tpu.memory_space<vmem>>) dst(%dma_wait3A_182 : memref<79x72xf32, #tpu.memory_space<hbm>>)
      tpu.yield
    }) : () -> ()
    %mul3A_155 = arith.constant 632 : i32
    %mul3A_156 = arith.muli %arg1, %mul3A_155 : i32
    %add3A_157 = arith.constant 474 : i32
    %add3A_158 = arith.addi %mul3A_156, %add3A_157 : i32
    "tpu.region"() ({
      %run_scoped3A = tpu.sem_alloc : memref<!tpu.dma_semaphore, #tpu.memory_space<semaphore_mem>>
      %dma_start3A_171 = arith.constant 0 : i32
      %dma_start3A_172 = tpu.memref_slice %arg27[%add3A_158, %dma_start3A_171] : memref<10112x72xf32, #tpu.memory_space<vmem_shared>> -> memref<79x72xf32, #tpu.memory_space<vmem_shared>>
      %dma_start3A_173 = arith.constant 0 : i32
      %dma_start3A_174 = tpu.memref_slice %arg27[%add3A_158, %dma_start3A_173] : memref<10112x72xf32, #tpu.memory_space<vmem_shared>> -> memref<79x72xf32, #tpu.memory_space<vmem_shared>>
      tpu.enqueue_dma source(%dma_start3A_174 : memref<79x72xf32, #tpu.memory_space<vmem_shared>>) target(%arg26 : memref<79x72xf32, #tpu.memory_space<vmem>>) target_semaphore(%run_scoped3A : memref<!tpu.dma_semaphore, #tpu.memory_space<semaphore_mem>>)
      %dma_wait3A_175 = arith.constant 0 : i32
      %dma_wait3A_176 = tpu.memref_slice %arg27[%add3A_158, %dma_wait3A_175] : memref<10112x72xf32, #tpu.memory_space<vmem_shared>> -> memref<79x72xf32, #tpu.memory_space<vmem_shared>>
      %dma_wait3A_177 = arith.constant 0 : i32
      %dma_wait3A_178 = tpu.memref_slice %arg27[%add3A_158, %dma_wait3A_177] : memref<10112x72xf32, #tpu.memory_space<vmem_shared>> -> memref<79x72xf32, #tpu.memory_space<vmem_shared>>
      tpu.wait_dma2 semaphore(%run_scoped3A : memref<!tpu.dma_semaphore, #tpu.memory_space<semaphore_mem>>) src(%dma_wait3A_178 : memref<79x72xf32, #tpu.memory_space<vmem_shared>>) dst(%arg26 : memref<79x72xf32, #tpu.memory_space<vmem>>)
      tpu.yield
    }) : () -> ()
    %mul3A_159 = arith.constant 632 : i32
    %mul3A_160 = arith.muli %arg1, %mul3A_159 : i32
    %add3A_161 = arith.constant 474 : i32
    %add3A_162 = arith.addi %mul3A_160, %add3A_161 : i32
    "tpu.region"() ({
      %run_scoped3A = tpu.sem_alloc : memref<!tpu.dma_semaphore, #tpu.memory_space<semaphore_mem>>
      %dma_start3A_171 = arith.constant 0 : i32
      %dma_start3A_172 = tpu.memref_slice %arg7[%arg0, %add3A_162, %dma_start3A_171] : memref<2x10112x72xf32, #tpu.memory_space<hbm>> -> memref<1x79x72xf32, #tpu.memory_space<hbm>>
      %dma_start3A_173 = tpu.memref_squeeze %dma_start3A_172 : memref<1x79x72xf32, #tpu.memory_space<hbm>> -> memref<79x72xf32, #tpu.memory_space<hbm>>
      %dma_start3A_174 = arith.constant 0 : i32
      %dma_start3A_175 = tpu.memref_slice %arg7[%arg0, %add3A_162, %dma_start3A_174] : memref<2x10112x72xf32, #tpu.memory_space<hbm>> -> memref<1x79x72xf32, #tpu.memory_space<hbm>>
      %dma_start3A_176 = tpu.memref_squeeze %dma_start3A_175 : memref<1x79x72xf32, #tpu.memory_space<hbm>> -> memref<79x72xf32, #tpu.memory_space<hbm>>
      tpu.enqueue_dma source(%arg26 : memref<79x72xf32, #tpu.memory_space<vmem>>) target(%dma_start3A_176 : memref<79x72xf32, #tpu.memory_space<hbm>>) target_semaphore(%run_scoped3A : memref<!tpu.dma_semaphore, #tpu.memory_space<semaphore_mem>>)
      %dma_wait3A_177 = arith.constant 0 : i32
      %dma_wait3A_178 = tpu.memref_slice %arg7[%arg0, %add3A_162, %dma_wait3A_177] : memref<2x10112x72xf32, #tpu.memory_space<hbm>> -> memref<1x79x72xf32, #tpu.memory_space<hbm>>
      %dma_wait3A_179 = tpu.memref_squeeze %dma_wait3A_178 : memref<1x79x72xf32, #tpu.memory_space<hbm>> -> memref<79x72xf32, #tpu.memory_space<hbm>>
      %dma_wait3A_180 = arith.constant 0 : i32
      %dma_wait3A_181 = tpu.memref_slice %arg7[%arg0, %add3A_162, %dma_wait3A_180] : memref<2x10112x72xf32, #tpu.memory_space<hbm>> -> memref<1x79x72xf32, #tpu.memory_space<hbm>>
      %dma_wait3A_182 = tpu.memref_squeeze %dma_wait3A_181 : memref<1x79x72xf32, #tpu.memory_space<hbm>> -> memref<79x72xf32, #tpu.memory_space<hbm>>
      tpu.wait_dma2 semaphore(%run_scoped3A : memref<!tpu.dma_semaphore, #tpu.memory_space<semaphore_mem>>) src(%arg26 : memref<79x72xf32, #tpu.memory_space<vmem>>) dst(%dma_wait3A_182 : memref<79x72xf32, #tpu.memory_space<hbm>>)
      tpu.yield
    }) : () -> ()
    %mul3A_163 = arith.constant 632 : i32
    %mul3A_164 = arith.muli %arg1, %mul3A_163 : i32
    %add3A_165 = arith.constant 553 : i32
    %add3A_166 = arith.addi %mul3A_164, %add3A_165 : i32
    "tpu.region"() ({
      %run_scoped3A = tpu.sem_alloc : memref<!tpu.dma_semaphore, #tpu.memory_space<semaphore_mem>>
      %dma_start3A_171 = arith.constant 0 : i32
      %dma_start3A_172 = tpu.memref_slice %arg27[%add3A_166, %dma_start3A_171] : memref<10112x72xf32, #tpu.memory_space<vmem_shared>> -> memref<79x72xf32, #tpu.memory_space<vmem_shared>>
      %dma_start3A_173 = arith.constant 0 : i32
      %dma_start3A_174 = tpu.memref_slice %arg27[%add3A_166, %dma_start3A_173] : memref<10112x72xf32, #tpu.memory_space<vmem_shared>> -> memref<79x72xf32, #tpu.memory_space<vmem_shared>>
      tpu.enqueue_dma source(%dma_start3A_174 : memref<79x72xf32, #tpu.memory_space<vmem_shared>>) target(%arg26 : memref<79x72xf32, #tpu.memory_space<vmem>>) target_semaphore(%run_scoped3A : memref<!tpu.dma_semaphore, #tpu.memory_space<semaphore_mem>>)
      %dma_wait3A_175 = arith.constant 0 : i32
      %dma_wait3A_176 = tpu.memref_slice %arg27[%add3A_166, %dma_wait3A_175] : memref<10112x72xf32, #tpu.memory_space<vmem_shared>> -> memref<79x72xf32, #tpu.memory_space<vmem_shared>>
      %dma_wait3A_177 = arith.constant 0 : i32
      %dma_wait3A_178 = tpu.memref_slice %arg27[%add3A_166, %dma_wait3A_177] : memref<10112x72xf32, #tpu.memory_space<vmem_shared>> -> memref<79x72xf32, #tpu.memory_space<vmem_shared>>
      tpu.wait_dma2 semaphore(%run_scoped3A : memref<!tpu.dma_semaphore, #tpu.memory_space<semaphore_mem>>) src(%dma_wait3A_178 : memref<79x72xf32, #tpu.memory_space<vmem_shared>>) dst(%arg26 : memref<79x72xf32, #tpu.memory_space<vmem>>)
      tpu.yield
    }) : () -> ()
    %mul3A_167 = arith.constant 632 : i32
    %mul3A_168 = arith.muli %arg1, %mul3A_167 : i32
    %add3A_169 = arith.constant 553 : i32
    %add3A_170 = arith.addi %mul3A_168, %add3A_169 : i32
    "tpu.region"() ({
      %run_scoped3A = tpu.sem_alloc : memref<!tpu.dma_semaphore, #tpu.memory_space<semaphore_mem>>
      %dma_start3A_171 = arith.constant 0 : i32
      %dma_start3A_172 = tpu.memref_slice %arg7[%arg0, %add3A_170, %dma_start3A_171] : memref<2x10112x72xf32, #tpu.memory_space<hbm>> -> memref<1x79x72xf32, #tpu.memory_space<hbm>>
      %dma_start3A_173 = tpu.memref_squeeze %dma_start3A_172 : memref<1x79x72xf32, #tpu.memory_space<hbm>> -> memref<79x72xf32, #tpu.memory_space<hbm>>
      %dma_start3A_174 = arith.constant 0 : i32
      %dma_start3A_175 = tpu.memref_slice %arg7[%arg0, %add3A_170, %dma_start3A_174] : memref<2x10112x72xf32, #tpu.memory_space<hbm>> -> memref<1x79x72xf32, #tpu.memory_space<hbm>>
      %dma_start3A_176 = tpu.memref_squeeze %dma_start3A_175 : memref<1x79x72xf32, #tpu.memory_space<hbm>> -> memref<79x72xf32, #tpu.memory_space<hbm>>
      tpu.enqueue_dma source(%arg26 : memref<79x72xf32, #tpu.memory_space<vmem>>) target(%dma_start3A_176 : memref<79x72xf32, #tpu.memory_space<hbm>>) target_semaphore(%run_scoped3A : memref<!tpu.dma_semaphore, #tpu.memory_space<semaphore_mem>>)
      %dma_wait3A_177 = arith.constant 0 : i32
      %dma_wait3A_178 = tpu.memref_slice %arg7[%arg0, %add3A_170, %dma_wait3A_177] : memref<2x10112x72xf32, #tpu.memory_space<hbm>> -> memref<1x79x72xf32, #tpu.memory_space<hbm>>
      %dma_wait3A_179 = tpu.memref_squeeze %dma_wait3A_178 : memref<1x79x72xf32, #tpu.memory_space<hbm>> -> memref<79x72xf32, #tpu.memory_space<hbm>>
      %dma_wait3A_180 = arith.constant 0 : i32
      %dma_wait3A_181 = tpu.memref_slice %arg7[%arg0, %add3A_170, %dma_wait3A_180] : memref<2x10112x72xf32, #tpu.memory_space<hbm>> -> memref<1x79x72xf32, #tpu.memory_space<hbm>>
      %dma_wait3A_182 = tpu.memref_squeeze %dma_wait3A_181 : memref<1x79x72xf32, #tpu.memory_space<hbm>> -> memref<79x72xf32, #tpu.memory_space<hbm>>
      tpu.wait_dma2 semaphore(%run_scoped3A : memref<!tpu.dma_semaphore, #tpu.memory_space<semaphore_mem>>) src(%arg26 : memref<79x72xf32, #tpu.memory_space<vmem>>) dst(%dma_wait3A_182 : memref<79x72xf32, #tpu.memory_space<hbm>>)
      tpu.yield
    }) : () -> ()
    return
  }
}

module attributes {stable_mosaic.version = 14 : i64} {
  func.func @_tc_pre1(%arg0: memref<10112x128xf32, #tpu.memory_space<vmem>>, %arg1: memref<128x64xf32, #tpu.memory_space<vmem>>, %arg2: memref<64x8xf32, #tpu.memory_space<vmem>>, %arg3: memref<64x8xf32, #tpu.memory_space<vmem>>, %arg4: memref<8x16xf32, #tpu.memory_space<vmem>>, %arg5: memref<10112x80xf32, #tpu.memory_space<vmem>>, %arg6: memref<10112x32xf32, #tpu.memory_space<vmem>>) attributes {dimension_semantics = [], scalar_prefetch = 0 : i64, scratch_operands = 0 : i64, tpu.core_type = #tpu.core_type<tc>} {
    %get3A = arith.constant 0 : index
    %get3A_0 = arith.constant 0 : index
    %get3A_1 = vector.load %arg0[%get3A, %get3A_0] : memref<10112x128xf32, #tpu.memory_space<vmem>>, vector<10112x128xf32>
    %get3A_2 = arith.constant 0 : index
    %get3A_3 = arith.constant 0 : index
    %get3A_4 = vector.load %arg1[%get3A_2, %get3A_3] : memref<128x64xf32, #tpu.memory_space<vmem>>, vector<128x64xf32>
    %dot_general3A = arith.constant dense<0.000000e+00> : vector<10112x64xf32>
    %dot_general3A_5 = tpu.matmul %get3A_1, %get3A_4, %dot_general3A {dimension_numbers = #tpu.dot_dimension_numbers<[1], [0], [0], [1], [0, 0, 1, 1], [], []>, transpose_lhs_hint = false} : vector<10112x128xf32>, vector<128x64xf32>, vector<10112x64xf32> -> vector<10112x64xf32>
    %get3A_6 = arith.constant 0 : index
    %get3A_7 = arith.constant 0 : index
    %get3A_8 = vector.load %arg2[%get3A_6, %get3A_7] : memref<64x8xf32, #tpu.memory_space<vmem>>, vector<64x8xf32>
    %dot_general3A_9 = arith.constant dense<0.000000e+00> : vector<10112x8xf32>
    %dot_general3A_10 = tpu.matmul %dot_general3A_5, %get3A_8, %dot_general3A_9 {dimension_numbers = #tpu.dot_dimension_numbers<[1], [0], [0], [1], [0, 0, 1, 1], [], []>, transpose_lhs_hint = false} : vector<10112x64xf32>, vector<64x8xf32>, vector<10112x8xf32> -> vector<10112x8xf32>
    %get3A_11 = arith.constant 0 : index
    %get3A_12 = arith.constant 0 : index
    %get3A_13 = vector.load %arg3[%get3A_11, %get3A_12] : memref<64x8xf32, #tpu.memory_space<vmem>>, vector<64x8xf32>
    %dot_general3A_14 = arith.constant dense<0.000000e+00> : vector<10112x8xf32>
    %dot_general3A_15 = tpu.matmul %dot_general3A_5, %get3A_13, %dot_general3A_14 {dimension_numbers = #tpu.dot_dimension_numbers<[1], [0], [0], [1], [0, 0, 1, 1], [], []>, transpose_lhs_hint = false} : vector<10112x64xf32>, vector<64x8xf32>, vector<10112x8xf32> -> vector<10112x8xf32>
    %reduce_max3A = arith.constant dense<0xFF800000> : vector<8xf32>
    %reduce_max3A_16 = vector.multi_reduction <maximumf>, %dot_general3A_10, %reduce_max3A [0] : vector<10112x8xf32> to vector<8xf32>
    %broadcast_in_dim3A = vector.shape_cast %reduce_max3A_16 : vector<8xf32> to vector<1x8xf32>
    %get3A_17 = arith.constant 0 : index
    %get3A_18 = arith.constant 0 : index
    %get3A_19 = vector.load %arg4[%get3A_17, %get3A_18] : memref<8x16xf32, #tpu.memory_space<vmem>>, vector<8x16xf32>
    %swap3A = arith.constant 0 : index
    %swap3A_20 = arith.constant 0 : index
    %swap3A_21 = vector.load %arg5[%swap3A, %swap3A_20] : memref<10112x80xf32, #tpu.memory_space<vmem>>, vector<10112x64xf32>
    tpu.vector_store %arg5[%swap3A, %swap3A_20], %dot_general3A_5 {strides = array<i32>} : memref<10112x80xf32, #tpu.memory_space<vmem>>, vector<10112x64xf32>,
    %dot_general3A_22 = arith.constant dense<0.000000e+00> : vector<10112x16xf32>
    %dot_general3A_23 = tpu.matmul %dot_general3A_10, %get3A_19, %dot_general3A_22 {dimension_numbers = #tpu.dot_dimension_numbers<[1], [0], [0], [1], [0, 0, 1, 1], [], []>, transpose_lhs_hint = false} : vector<10112x8xf32>, vector<8x16xf32>, vector<10112x16xf32> -> vector<10112x16xf32>
    %swap3A_24 = arith.constant 0 : index
    %swap3A_25 = arith.constant 64 : index
    %swap3A_26 = vector.load %arg5[%swap3A_24, %swap3A_25] : memref<10112x80xf32, #tpu.memory_space<vmem>>, vector<10112x16xf32>
    tpu.vector_store %arg5[%swap3A_24, %swap3A_25], %dot_general3A_23 {strides = array<i32>} : memref<10112x80xf32, #tpu.memory_space<vmem>>, vector<10112x16xf32>,
    %dot_general3A_27 = arith.constant dense<0.000000e+00> : vector<10112x16xf32>
    %dot_general3A_28 = tpu.matmul %dot_general3A_15, %get3A_19, %dot_general3A_27 {dimension_numbers = #tpu.dot_dimension_numbers<[1], [0], [0], [1], [0, 0, 1, 1], [], []>, transpose_lhs_hint = false} : vector<10112x8xf32>, vector<8x16xf32>, vector<10112x16xf32> -> vector<10112x16xf32>
    %swap3A_29 = arith.constant 0 : index
    %swap3A_30 = arith.constant 0 : index
    %swap3A_31 = vector.load %arg6[%swap3A_29, %swap3A_30] : memref<10112x32xf32, #tpu.memory_space<vmem>>, vector<10112x16xf32>
    tpu.vector_store %arg6[%swap3A_29, %swap3A_30], %dot_general3A_28 {strides = array<i32>} : memref<10112x32xf32, #tpu.memory_space<vmem>>, vector<10112x16xf32>,
    %add3A = vector.broadcast %broadcast_in_dim3A : vector<1x8xf32> to vector<10112x8xf32>
    %add3A_32 = arith.addf %add3A, %dot_general3A_15 : vector<10112x8xf32>
    %mul3A = arith.constant 2.000000e-01 : f32
    %mul3A_33 = vector.broadcast %mul3A : f32 to vector<10112x8xf32>
    %mul3A_34 = arith.mulf %mul3A_33, %add3A_32 : vector<10112x8xf32>
    %max3A = arith.maximumf %add3A_32, %mul3A_34 : vector<10112x8xf32>
    %dot_general3A_35 = arith.constant dense<0.000000e+00> : vector<10112x16xf32>
    %dot_general3A_36 = tpu.matmul %max3A, %get3A_19, %dot_general3A_35 {dimension_numbers = #tpu.dot_dimension_numbers<[1], [0], [0], [1], [0, 0, 1, 1], [], []>, transpose_lhs_hint = false} : vector<10112x8xf32>, vector<8x16xf32>, vector<10112x16xf32> -> vector<10112x16xf32>
    %swap3A_37 = arith.constant 0 : index
    %swap3A_38 = arith.constant 16 : index
    %swap3A_39 = vector.load %arg6[%swap3A_37, %swap3A_38] : memref<10112x32xf32, #tpu.memory_space<vmem>>, vector<10112x16xf32>
    tpu.vector_store %arg6[%swap3A_37, %swap3A_38], %dot_general3A_36 {strides = array<i32>} : memref<10112x32xf32, #tpu.memory_space<vmem>>, vector<10112x16xf32>,
    return
  }
}

module attributes {stable_mosaic.version = 14 : i64} {
  func.func @_tc_mid(%arg0: memref<2x10112x72xf32, #tpu.memory_space<vmem>>, %arg1: memref<1x64xf32, #tpu.memory_space<vmem>>, %arg2: memref<64x64xf32, #tpu.memory_space<vmem>>, %arg3: memref<64x8xf32, #tpu.memory_space<vmem>>, %arg4: memref<64x8xf32, #tpu.memory_space<vmem>>, %arg5: memref<8x64xf32, #tpu.memory_space<vmem>>, %arg6: memref<8x16xf32, #tpu.memory_space<vmem>>, %arg7: memref<10112x80xf32, #tpu.memory_space<vmem>>, %arg8: memref<10112x32xf32, #tpu.memory_space<vmem>>) attributes {dimension_semantics = [], scalar_prefetch = 0 : i64, scratch_operands = 0 : i64, tpu.core_type = #tpu.core_type<tc>} {
    %get3A = arith.constant 0 : index
    %get3A_0 = arith.constant 0 : index
    %get3A_1 = arith.constant 0 : index
    %get3A_2 = vector.load %arg0[%get3A, %get3A_0, %get3A_1] : memref<2x10112x72xf32, #tpu.memory_space<vmem>>, vector<1x10112x72xf32>
    %get3A_3 = vector.shape_cast %get3A_2 : vector<1x10112x72xf32> to vector<10112x72xf32>
    %get3A_4 = arith.constant 1 : index
    %get3A_5 = arith.constant 0 : index
    %get3A_6 = arith.constant 0 : index
    %get3A_7 = vector.load %arg0[%get3A_4, %get3A_5, %get3A_6] : memref<2x10112x72xf32, #tpu.memory_space<vmem>>, vector<1x10112x72xf32>
    %get3A_8 = vector.shape_cast %get3A_7 : vector<1x10112x72xf32> to vector<10112x72xf32>
    %add3A = arith.addf %get3A_3, %get3A_8 : vector<10112x72xf32>
    %slice3A = vector.extract_strided_slice %add3A {offsets = [0, 64], sizes = [10112, 8], strides = [1, 1]} : vector<10112x72xf32> to vector<10112x8xf32>
    %get3A_9 = arith.constant 0 : index
    %get3A_10 = arith.constant 0 : index
    %get3A_11 = vector.load %arg5[%get3A_9, %get3A_10] : memref<8x64xf32, #tpu.memory_space<vmem>>, vector<8x64xf32>
    %dot_general3A = arith.constant dense<0.000000e+00> : vector<10112x64xf32>
    %dot_general3A_12 = tpu.matmul %slice3A, %get3A_11, %dot_general3A {dimension_numbers = #tpu.dot_dimension_numbers<[1], [0], [0], [1], [0, 0, 1, 1], [], []>, transpose_lhs_hint = false} : vector<10112x8xf32>, vector<8x64xf32>, vector<10112x64xf32> -> vector<10112x64xf32>
    %slice3A_13 = vector.extract_strided_slice %add3A {offsets = [0, 0], sizes = [10112, 64], strides = [1, 1]} : vector<10112x72xf32> to vector<10112x64xf32>
    %add3A_14 = arith.constant 1.000000e-16 : f32
    %add3A_15 = vector.broadcast %add3A_14 : f32 to vector<10112x64xf32>
    %add3A_16 = arith.addf %dot_general3A_12, %add3A_15 : vector<10112x64xf32>
    %div3A = arith.divf %slice3A_13, %add3A_16 : vector<10112x64xf32>
    %get3A_17 = arith.constant 0 : index
    %get3A_18 = arith.constant 0 : index
    %get3A_19 = vector.load %arg1[%get3A_17, %get3A_18] : memref<1x64xf32, #tpu.memory_space<vmem>>, vector<1x64xf32>
    %add3A_20 = vector.broadcast %get3A_19 : vector<1x64xf32> to vector<10112x64xf32>
    %add3A_21 = arith.addf %div3A, %add3A_20 : vector<10112x64xf32>
    %get3A_22 = arith.constant 0 : index
    %get3A_23 = arith.constant 0 : index
    %get3A_24 = vector.load %arg2[%get3A_22, %get3A_23] : memref<64x64xf32, #tpu.memory_space<vmem>>, vector<64x64xf32>
    %dot_general3A_25 = arith.constant dense<0.000000e+00> : vector<10112x64xf32>
    %dot_general3A_26 = tpu.matmul %add3A_21, %get3A_24, %dot_general3A_25 {dimension_numbers = #tpu.dot_dimension_numbers<[1], [0], [0], [1], [0, 0, 1, 1], [], []>, transpose_lhs_hint = false} : vector<10112x64xf32>, vector<64x64xf32>, vector<10112x64xf32> -> vector<10112x64xf32>
    %get3A_27 = arith.constant 0 : index
    %get3A_28 = arith.constant 0 : index
    %get3A_29 = vector.load %arg3[%get3A_27, %get3A_28] : memref<64x8xf32, #tpu.memory_space<vmem>>, vector<64x8xf32>
    %dot_general3A_30 = arith.constant dense<0.000000e+00> : vector<10112x8xf32>
    %dot_general3A_31 = tpu.matmul %dot_general3A_26, %get3A_29, %dot_general3A_30 {dimension_numbers = #tpu.dot_dimension_numbers<[1], [0], [0], [1], [0, 0, 1, 1], [], []>, transpose_lhs_hint = false} : vector<10112x64xf32>, vector<64x8xf32>, vector<10112x8xf32> -> vector<10112x8xf32>
    %get3A_32 = arith.constant 0 : index
    %get3A_33 = arith.constant 0 : index
    %get3A_34 = vector.load %arg4[%get3A_32, %get3A_33] : memref<64x8xf32, #tpu.memory_space<vmem>>, vector<64x8xf32>
    %dot_general3A_35 = arith.constant dense<0.000000e+00> : vector<10112x8xf32>
    %dot_general3A_36 = tpu.matmul %dot_general3A_26, %get3A_34, %dot_general3A_35 {dimension_numbers = #tpu.dot_dimension_numbers<[1], [0], [0], [1], [0, 0, 1, 1], [], []>, transpose_lhs_hint = false} : vector<10112x64xf32>, vector<64x8xf32>, vector<10112x8xf32> -> vector<10112x8xf32>
    %reduce_max3A = arith.constant dense<0xFF800000> : vector<8xf32>
    %reduce_max3A_37 = vector.multi_reduction <maximumf>, %dot_general3A_31, %reduce_max3A [0] : vector<10112x8xf32> to vector<8xf32>
    %broadcast_in_dim3A = vector.shape_cast %reduce_max3A_37 : vector<8xf32> to vector<1x8xf32>
    %get3A_38 = arith.constant 0 : index
    %get3A_39 = arith.constant 0 : index
    %get3A_40 = vector.load %arg6[%get3A_38, %get3A_39] : memref<8x16xf32, #tpu.memory_space<vmem>>, vector<8x16xf32>
    %swap3A = arith.constant 0 : index
    %swap3A_41 = arith.constant 0 : index
    %swap3A_42 = vector.load %arg7[%swap3A, %swap3A_41] : memref<10112x80xf32, #tpu.memory_space<vmem>>, vector<10112x64xf32>
    tpu.vector_store %arg7[%swap3A, %swap3A_41], %dot_general3A_26 {strides = array<i32>} : memref<10112x80xf32, #tpu.memory_space<vmem>>, vector<10112x64xf32>,
    %dot_general3A_43 = arith.constant dense<0.000000e+00> : vector<10112x16xf32>
    %dot_general3A_44 = tpu.matmul %dot_general3A_31, %get3A_40, %dot_general3A_43 {dimension_numbers = #tpu.dot_dimension_numbers<[1], [0], [0], [1], [0, 0, 1, 1], [], []>, transpose_lhs_hint = false} : vector<10112x8xf32>, vector<8x16xf32>, vector<10112x16xf32> -> vector<10112x16xf32>
    %swap3A_45 = arith.constant 0 : index
    %swap3A_46 = arith.constant 64 : index
    %swap3A_47 = vector.load %arg7[%swap3A_45, %swap3A_46] : memref<10112x80xf32, #tpu.memory_space<vmem>>, vector<10112x16xf32>
    tpu.vector_store %arg7[%swap3A_45, %swap3A_46], %dot_general3A_44 {strides = array<i32>} : memref<10112x80xf32, #tpu.memory_space<vmem>>, vector<10112x16xf32>,
    %dot_general3A_48 = arith.constant dense<0.000000e+00> : vector<10112x16xf32>
    %dot_general3A_49 = tpu.matmul %dot_general3A_36, %get3A_40, %dot_general3A_48 {dimension_numbers = #tpu.dot_dimension_numbers<[1], [0], [0], [1], [0, 0, 1, 1], [], []>, transpose_lhs_hint = false} : vector<10112x8xf32>, vector<8x16xf32>, vector<10112x16xf32> -> vector<10112x16xf32>
    %swap3A_50 = arith.constant 0 : index
    %swap3A_51 = arith.constant 0 : index
    %swap3A_52 = vector.load %arg8[%swap3A_50, %swap3A_51] : memref<10112x32xf32, #tpu.memory_space<vmem>>, vector<10112x16xf32>
    tpu.vector_store %arg8[%swap3A_50, %swap3A_51], %dot_general3A_49 {strides = array<i32>} : memref<10112x32xf32, #tpu.memory_space<vmem>>, vector<10112x16xf32>,
    %add3A_53 = vector.broadcast %broadcast_in_dim3A : vector<1x8xf32> to vector<10112x8xf32>
    %add3A_54 = arith.addf %add3A_53, %dot_general3A_36 : vector<10112x8xf32>
    %mul3A = arith.constant 2.000000e-01 : f32
    %mul3A_55 = vector.broadcast %mul3A : f32 to vector<10112x8xf32>
    %mul3A_56 = arith.mulf %mul3A_55, %add3A_54 : vector<10112x8xf32>
    %max3A = arith.maximumf %add3A_54, %mul3A_56 : vector<10112x8xf32>
    %dot_general3A_57 = arith.constant dense<0.000000e+00> : vector<10112x16xf32>
    %dot_general3A_58 = tpu.matmul %max3A, %get3A_40, %dot_general3A_57 {dimension_numbers = #tpu.dot_dimension_numbers<[1], [0], [0], [1], [0, 0, 1, 1], [], []>, transpose_lhs_hint = false} : vector<10112x8xf32>, vector<8x16xf32>, vector<10112x16xf32> -> vector<10112x16xf32>
    %swap3A_59 = arith.constant 0 : index
    %swap3A_60 = arith.constant 16 : index
    %swap3A_61 = vector.load %arg8[%swap3A_59, %swap3A_60] : memref<10112x32xf32, #tpu.memory_space<vmem>>, vector<10112x16xf32>
    tpu.vector_store %arg8[%swap3A_59, %swap3A_60], %dot_general3A_58 {strides = array<i32>} : memref<10112x32xf32, #tpu.memory_space<vmem>>, vector<10112x16xf32>,
    return
  }
}

module attributes {stable_mosaic.version = 14 : i64} {
  func.func @_tc_post(%arg0: memref<2x10112x72xf32, #tpu.memory_space<vmem>>, %arg1: memref<1x64xf32, #tpu.memory_space<vmem>>, %arg2: memref<8x64xf32, #tpu.memory_space<vmem>>, %arg3: memref<10112x64xf32, #tpu.memory_space<vmem>>) attributes {dimension_semantics = [], scalar_prefetch = 0 : i64, scratch_operands = 0 : i64, tpu.core_type = #tpu.core_type<tc>} {
    %get3A = arith.constant 0 : index
    %get3A_0 = arith.constant 0 : index
    %get3A_1 = arith.constant 0 : index
    %get3A_2 = vector.load %arg0[%get3A, %get3A_0, %get3A_1] : memref<2x10112x72xf32, #tpu.memory_space<vmem>>, vector<1x10112x72xf32>
    %get3A_3 = vector.shape_cast %get3A_2 : vector<1x10112x72xf32> to vector<10112x72xf32>
    %get3A_4 = arith.constant 1 : index
    %get3A_5 = arith.constant 0 : index
    %get3A_6 = arith.constant 0 : index
    %get3A_7 = vector.load %arg0[%get3A_4, %get3A_5, %get3A_6] : memref<2x10112x72xf32, #tpu.memory_space<vmem>>, vector<1x10112x72xf32>
    %get3A_8 = vector.shape_cast %get3A_7 : vector<1x10112x72xf32> to vector<10112x72xf32>
    %add3A = arith.addf %get3A_3, %get3A_8 : vector<10112x72xf32>
    %slice3A = vector.extract_strided_slice %add3A {offsets = [0, 64], sizes = [10112, 8], strides = [1, 1]} : vector<10112x72xf32> to vector<10112x8xf32>
    %get3A_9 = arith.constant 0 : index
    %get3A_10 = arith.constant 0 : index
    %get3A_11 = vector.load %arg2[%get3A_9, %get3A_10] : memref<8x64xf32, #tpu.memory_space<vmem>>, vector<8x64xf32>
    %dot_general3A = arith.constant dense<0.000000e+00> : vector<10112x64xf32>
    %dot_general3A_12 = tpu.matmul %slice3A, %get3A_11, %dot_general3A {dimension_numbers = #tpu.dot_dimension_numbers<[1], [0], [0], [1], [0, 0, 1, 1], [], []>, transpose_lhs_hint = false} : vector<10112x8xf32>, vector<8x64xf32>, vector<10112x64xf32> -> vector<10112x64xf32>
    %slice3A_13 = vector.extract_strided_slice %add3A {offsets = [0, 0], sizes = [10112, 64], strides = [1, 1]} : vector<10112x72xf32> to vector<10112x64xf32>
    %add3A_14 = arith.constant 1.000000e-16 : f32
    %add3A_15 = vector.broadcast %add3A_14 : f32 to vector<10112x64xf32>
    %add3A_16 = arith.addf %dot_general3A_12, %add3A_15 : vector<10112x64xf32>
    %div3A = arith.divf %slice3A_13, %add3A_16 : vector<10112x64xf32>
    %get3A_17 = arith.constant 0 : index
    %get3A_18 = arith.constant 0 : index
    %get3A_19 = vector.load %arg1[%get3A_17, %get3A_18] : memref<1x64xf32, #tpu.memory_space<vmem>>, vector<1x64xf32>
    %add3A_20 = vector.broadcast %get3A_19 : vector<1x64xf32> to vector<10112x64xf32>
    %add3A_21 = arith.addf %div3A, %add3A_20 : vector<10112x64xf32>
    %swap3A = arith.constant 0 : index
    %swap3A_22 = arith.constant 0 : index
    %swap3A_23 = vector.load %arg3[%swap3A, %swap3A_22] : memref<10112x64xf32, #tpu.memory_space<vmem>>, vector<10112x64xf32>
    tpu.vector_store %arg3[%swap3A, %swap3A_22], %add3A_21 {strides = array<i32>} : memref<10112x64xf32, #tpu.memory_space<vmem>>, vector<10112x64xf32>,
    return
  }
}

</mosaic_0001>

<sc_bundles>
// kernel: kernel.10.cloned.1.call-start
scs
__scs_entry_jumppad:
0x0: {  	(pc) =	sbr.rel $0x88, $3  }
0x1: {  	(tag) =	ssettag $0x0;
	lr =	simm.s32 $0x1  }
0x2: {  	[smem:$0x3F97] =	sst lr;
	_ =	strace $0xD0000000  }
0x3: {  	_ = 	snop  }
0x4: {  	_ = 	snop  }
0x5: {  	_ = 	snop  }
0x6: {  	_ = 	snop  }
0x7: {  	_ = 	snop  }
__scs_overlays_trampoline_lowered:
0x8: {  	[smem:$0x3FA6] =	sst s0  }
0x9: {  	[smem:$0x3FA7] =	sst s1  }
0xa: {  	[smem:$0x3FA8] =	sst s2  }
0xb: {  	[smem:$0x3FA9] =	sst s3  }
0xc: {  	[smem:$0x3FAA] =	sst s4  }
0xd: {  	[smem:$0x3FAB] =	sst s5  }
0xe: {  	[smem:$0x3FAC] =	sst s6  }
0xf: {  	[smem:$0x3FAD] =	sst s7  }
0x10: {  	[smem:$0x3FAE] =	sst s8  }
0x11: {  	[smem:$0x3FAF] =	sst s9;
	s0 =	simm.s32 @!p0 $0x0  }
0x12: {  	s1 =	sld [smem:$0x3F95];
	s0 =	simm.s32 @p0 $0x1  }
0x13: {  	[smem:$0x3FB0] =	sst s0;
	s0 =	simm.s32 @!p1 $0x0  }
0x14: {  	s2 =	sld [smem:$0x3F94];
	s0 =	simm.s32 @p1 $0x1  }
0x15: {  	[smem:$0x3FB1] =	sst s0;
	s0 =	simm.s32 @!p2 $0x0  }
0x16: {  	s3 =	sld [smem:$0x3FDB];
	s0 =	simm.s32 @p2 $0x1  }
0x17: {  	s4 =	simm.s32 $0x1BF5;
	[smem:$0x3FB3] =	sst s0  }
0x18: {  	s0 =	sld [smem:$0x3F96];
	_ =	swait.ge [sflag:s4], $0x0  }
0x19: {  	s7 =	sld [smem:$0x3F97]  }
0x1a: {  	s8 =	sadd.s32 $0xFFFFE003, lr  }
0x1b: {  	s9 =	sadd.s32 $0xFFFFFEF7, lr;
	s5 =	simm.s32 $0xFFFFFFFF;
	p2 =	slt.u32 s8, $0xFFFFF086  }
0x1c: {  	p1 =	slt.u32 s9, $0xF7A;
	s5 =	simm.s32 @!p2 $0x0  }
0x1d: {  	s5 =	simm.s32 @p1 $0x1;
	p0 =	seq.s32 s7, s2  }
0x1e: {  	s7 =	smul.u32 @!p0 $0xF7A, s2;
	p2 =	seq.s32 @!p0 s5, $0x0  }
0x1f: {  	s9 =	smul.u32 $0xF7A, s1;
	s8 =	simm.s32 @!p0 $0x1BF5;
	p2 =	por !p2, p0  }
0x20: {  	[sflag:s8] =	ssyncset.s32 @!p0 $0xFFFFF086;
	s6 =	sadd.s32 @!p0 s3, s7;
	s7 =	simm.s32 @!p0 $0x108  }
0x21: {  	s3 =	sadd.s32 s3, s9;
	s6 =	sadd.s32 @!p0 $0x88, s6;
	s7 =	simm.s32 @p2 $0x1082  }
0x22: {  	[simem:s7], [sflag:s8] =	dma.local @!p0 [hbm:s6], $0xF7A  }
0x23: {  	s9 =	sor.u32 $0xD0000000, s2;
	s6 =	simm.s32 $0x108;
	_ =	swait.ge @!p0 [sflag:s8], $0x0  }
0x24: {  	s3 =	sadd.s32 $0x88, s3;
	s6 =	simm.s32 @!p1 $0x1082;
	[sflag:s4] =	ssyncset.s32 $0xFFFFF086  }
0x25: {  	[simem:s6], [sflag:s4] =	dma.local [hbm:s3], $0xF7A  }
0x26: {  	[smem:$0x3F97] =	sst s1;
	(tag) =	ssettag s2;
	_ =	strace s9  }
0x27: {  	s1 =	sld [smem:$0x3FA7]  }
0x28: {  	s2 =	sld [smem:$0x3FA8]  }
0x29: {  	s4 =	sld [smem:$0x3FAA]  }
0x2a: {  	p0 =	seq.s32 s5, $0x0;
	s5 =	sld [smem:$0x3FAB]  }
0x2b: {  	s6 =	sld [smem:$0x3FAC]  }
0x2c: {  	s7 =	sld [smem:$0x3FAD]  }
0x2d: {  	s3 =	simm.s32 $0x108;
	s8 =	sld [smem:$0x3FAE]  }
0x2e: {  	s3 =	simm.s32 @!p0 $0x1082;
	s9 =	sld [smem:$0x3FAF]  }
0x2f: {  	lr =	sadd.s32 s0, s3;
	s0 =	sld [smem:$0x3FA6]  }
0x30: {  	s3 =	sld [smem:$0x3FA9]  }
0x31: {  	[smem:$0x3FB2] =	sst s10  }
0x32: {  	s10 =	sld [smem:$0x3FB0];
	_ =	sdelay $0x3  }
0x33: {  	p0 =	seq.s32 s10, $0x1;
	s10 =	sld [smem:$0x3FB2];
	_ =	sdelay $0x3  }
0x34: {  	[smem:$0x3FB2] =	sst s10  }
0x35: {  	s10 =	sld [smem:$0x3FB1];
	_ =	sdelay $0x3  }
0x36: {  	p1 =	seq.s32 s10, $0x1;
	s10 =	sld [smem:$0x3FB2];
	_ =	sdelay $0x3  }
0x37: {  	[smem:$0x3FB2] =	sst s10  }
0x38: {  	s10 =	sld [smem:$0x3FB3]  }
0x39: {  	_ = 	snop;
	(pc) =	sbr.ind lr, $3  }
0x3a: {  	_ = 	snop  }
0x3b: {  	_ = 	snop  }
0x3c: {  	p2 =	seq.s32 s10, $0x1;
	s10 =	sld [smem:$0x3FB2]  }
0x3d: {  	_ =	shalt  }
0x3e: {  	_ =	shalt  }
0x3f: {  	_ =	shalt  }
0x40: {  	_ =	shalt  }
0x41: {  	_ =	shalt  }
0x42: {  	_ =	shalt  }
0x43: {  	_ =	shalt  }
0x44: {  	_ =	shalt  }
0x45: {  	_ =	shalt  }
0x46: {  	_ =	shalt  }
0x47: {  	_ =	shalt  }
0x48: {  	_ =	shalt  }
0x49: {  	_ =	shalt  }
0x4a: {  	_ =	shalt  }
0x4b: {  	_ =	shalt  }
0x4c: {  	_ =	shalt  }
0x4d: {  	_ =	shalt  }
0x4e: {  	_ =	shalt  }
0x4f: {  	_ =	shalt  }
0x50: {  	_ =	shalt  }
0x51: {  	_ =	shalt  }
0x52: {  	_ =	shalt  }
0x53: {  	_ =	shalt  }
0x54: {  	_ =	shalt  }
0x55: {  	_ =	shalt  }
0x56: {  	_ =	shalt  }
0x57: {  	_ =	shalt  }
0x58: {  	_ =	shalt  }
0x59: {  	_ =	shalt  }
0x5a: {  	_ =	shalt  }
0x5b: {  	_ =	shalt  }
0x5c: {  	_ =	shalt  }
0x5d: {  	_ =	shalt  }
0x5e: {  	_ =	shalt  }
0x5f: {  	_ =	shalt  }
0x60: {  	_ =	shalt  }
0x61: {  	_ =	shalt  }
0x62: {  	_ =	shalt  }
0x63: {  	_ =	shalt  }
0x64: {  	_ =	shalt  }
0x65: {  	_ =	shalt  }
0x66: {  	_ =	shalt  }
0x67: {  	_ =	shalt  }
0x68: {  	_ =	shalt  }
0x69: {  	_ =	shalt  }
0x6a: {  	_ =	shalt  }
0x6b: {  	_ =	shalt  }
0x6c: {  	_ =	shalt  }
0x6d: {  	_ =	shalt  }
0x6e: {  	_ =	shalt  }
0x6f: {  	_ =	shalt  }
0x70: {  	_ =	shalt  }
0x71: {  	_ =	shalt  }
0x72: {  	_ =	shalt  }
0x73: {  	_ =	shalt  }
0x74: {  	_ =	shalt  }
0x75: {  	_ =	shalt  }
0x76: {  	_ =	shalt  }
0x77: {  	_ =	shalt  }
0x78: {  	_ =	shalt  }
0x79: {  	_ =	shalt  }
0x7a: {  	_ =	shalt  }
0x7b: {  	_ =	shalt  }
0x7c: {  	_ =	shalt  }
0x7d: {  	_ =	shalt  }
0x7e: {  	_ =	shalt  }
0x7f: {  	_ =	shalt  }
0x80: {  	_ =	shalt  }
0x81: {  	_ =	shalt  }
0x82: {  	_ =	shalt  }
0x83: {  	_ =	shalt  }
0x84: {  	_ =	shalt  }
0x85: {  	_ =	shalt  }
0x86: {  	_ =	shalt  }
0x87: {  	_ =	shalt  }
.Lfunc_end0:
.L_simem_size_0:
called_computation.1_lowered:
.L_overlay_start_0:
0x88: {  	s2 =	sld [smem:$0x3FD9]  }
0x89: {  	s3 =	sld [smem:$0x3FFE];
	_ =	sdelay $0x1  }
0x8a: {  	s1 =	srdreg.scid  }
0x8b: {  	s0 =	sand.u32 $0x1, s1  }
0x8c: {  	s17 =	sshll.u32 s0, $0xA;
	s2 =	sadd.s32 s3, s2  }
0x8d: {  	s2 =	sadd.s32 s2, s17  }
0x8e: {  	[smem:$0x3FBE] =	sst s2  }
0x8f: {  	_ = 	snop  }
0x90: {  	s2 =	sld [smem:$0x3FD0];
	(tm) =	ssettm $0x1  }
0x91: {  	s18 =	sld [smem:$0x3FFB];
	_ =	sdelay $0x3  }
0x92: {  	_ =	strace s18  }
0x93: {  	s3 =	sld [smem:$0x3FFC];
	_ =	sdelay $0x3  }
0x94: {  	_ =	strace s3  }
0x95: {  	s3 =	sld [smem:$0x3FFD];
	_ =	sdelay $0x3  }
0x96: {  	_ =	strace s3  }
0x97: {  	_ =	strace $0x8FFFFFFF  }
0x98: {  	s19 =	sld [smem:$0x3FDB];
	_ =	sdelay $0x1  }
0x99: {  	s4 =	simm.s32 $_scs_section_size  }
0x9a: {  	s5 =	simm.s32 $_size__tile_overlayer_lowered;
	s6 =	simm.s32 $_tile_overlayer_lowered  }
0x9b: {  	s22 =	simm.s32 $0x1BFF;
	s21 =	sshll.u32 s6, $0x1;
	s3 =	sadd.s32 s4, s19  }
0x9c: {  	s7 =	simm.s32 $0x0;
	s20 =	sshll.u32 s5, $0x1;
	s5 =	sadd.s32 s21, s3  }
0x9d: {  	[timem:s7], [sflag:s22] =	dma.local [hbm:s5], s20  }
0x9e: {  	_ =	swait.ge [sflag:s22], s20  }
0x9f: {  	s4 =	ssub.s32 $0x0, s20;
	[sflag:s22] =	ssyncset.done $0x0  }
0xa0: {  	[sflag:s22] =	ssyncadd.s32 s4;
	_ =	sdelay $0x1  }
0xa1: {  	s23 =	simm.s32 $0x1B8B  }
0xa2: {  	_ =	swait.ge [sflag:s23], $0x1  }
0xa3: {  	[sflag:s23] =	ssyncset.done $0x0  }
0xa4: {  	s25 =	simm.s32 $0x1B8E;
	s24 =	sld [smem:$0x3FFE];
	[sflag:s23] =	ssyncadd.s32 $0xFFFFFFFF  }
0xa5: {  	s26 =	simm.s32 $execute0_lowered;
	[smem:$0x3FD2] =	sst s25  }
0xa6: {  	s5 =	sshll.u32 s26, $0x1;
	_ =	strace $0x80000049;
	[dreg:$0x1] =	wrdreg $0xFFFFFFFF  }
0xa7: {  	s28 =	simm.s32 $_size_execute0_lowered;
	s3 =	sadd.s32 s3, s5;
	[dreg:$0x0] =	wrdreg $0x0  }
0xa8: {  	s5 =	sshll.u32 s28, $0x1;
	[dreg:$0x2] =	wrdreg s3  }
0xa9: {  	[dreg:$0x3] =	wrdreg s5  }
0xaa: {  	[dreg:$0x4] =	wrdreg $0xC0  }
0xab: {  	_ =	task [dreg:s7], $0x5FFFF  }
0xac: {  	[dreg:$0x1] =	wrdreg $0xFFFFFFFF  }
0xad: {  	[dreg:$0x0] =	wrdreg $0x60  }
0xae: {  	[dreg:$0x2] =	wrdreg s24  }
0xaf: {  	[dreg:$0x3] =	wrdreg s2  }
0xb0: {  	[dreg:$0x4] =	wrdreg $0x12EB80  }
0xb1: {  	[dreg:$0x5] =	wrdreg $0x9  }
0xb2: {  	_ =	task.clear_ibuf [dreg:s7], $0x6FFFF;
	_ =	strace $0x90000049  }
0xb3: {  	s29 =	simm.s32 $0x9;
	_ =	strace $0x8000004B  }
0xb4: {  	_ =	swait.ge [sflag:s29], $0x1  }
0xb5: {  	[sflag:s29] =	ssyncadd.s32 $0xFFFFFFFF  }
0xb6: {  	_ =	strace $0x9000004B  }
0xb7: {  	_ =	sfence  }
0xb8: {  	s30 =	sld [smem:$0x0];
	_ =	sdelay $0x2  }
0xb9: {  	s31 =	sshll.u32 s1, $0xD;
	s1 =	sshrl.u32 s1, $0x2  }
0xba: {  	s3 =	sand.u32 $0x4000, s31;
	s1 =	sadd.s32 s1, s30  }
0xbb: {  	s0 =	sor.u32 s3, s0;
	s1 =	sshll.u32 s1, $0x11  }
0xbc: {  	s0 =	sor.u32 s1, s0  }
0xbd: {  	s0 =	sadd.s32 $0x8F2B, s0  }
0xbe: {  	[sflag:s0] =	ssyncadd.remote.s32 $0x1  }
0xbf: {  	_ =	sfence.sel $0xFFFF  }
0xc0: {  	[dreg:$0x0] =	wrdreg $0xFFFFFFFF;
	(pc) =	sbr.abs _section_cstart, $3  }
0xc1: {  	[dreg:$0x1] =	wrdreg $0xFFFFFFFF  }
0xc2: {  	_ =	task.clear_ibuf [dreg:s7], $0x2FFFF;
	_ =	strace $0x9FFFFFFF  }
0xc3: {  	(tm) =	ssettm $0x7FFFFFFF  }
tec
execute0_lowered:
.L_overlay_start_1:
0x0: {  	(tag) =	ssettag $0x1  }
0x1: {  	s0 =	rddreg [dreg:$0x0]  }
0x2: {  	s1 =	rddreg [dreg:$0x1]  }
0x3: {  	s2 =	rddreg [dreg:$0x2];
	s3 =	simm.s32 $0x0;
	s4 =	srdreg.scid  }
0x4: {  	s10 =	stileid.u32;
	s30 =	simm.s32 $0x2;
	s31 =	simm.s32 $0x5  }
0x5: {  	s28 =	simm.s32 $0x0;
	[smem:$0x7FF] =	sst s3;
	s5 =	sadd.s32 $0xB600, s0  }
0x6: {  	s4 =	sand.u32 $0x1, s4;
	s9 =	sshll.u32 s10, $0x1;
	s10 =	smul.u32 $0xB1C0, s10  }
0x7: {  	s6 =	sadd.s32 $0x44400, s0;
	_ =	strace $0x8000004A;
	s7 =	ssub.s32 $0x2, s4  }
0x8: {  	s8 =	sshrl.u32 s7, $0x1;
	s11 =	sadd.s32 $0x2C70, s10;
	s12 =	sadd.s32 $0x42A8, s10  }
0x9: {  	s13 =	sadd.s32 $0x58E0, s10;
	s16 =	sadd.s32 $0x6F18, s10;
	s17 =	sadd.s32 $0x8550, s10  }
0xa: {  	s7 =	ssub.s32 s7, s8;
	s8 =	sor.u32 s4, s9;
	s4 =	smul.u32 $0xB1C00, s4  }
0xb: {  	s18 =	sadd.s32 $0x9B88, s10;
	s9 =	sadd.s32 $0x1638, s10;
	s7 =	smax.u32 s7, $0x1  }
0xc: {  	s14 =	sadd.s32 s10, s4;
	s15 =	sadd.s32 s4, s9;
	s21 =	sadd.s32 s4, s11  }
0xd: {  	s22 =	sadd.s32 s4, s12;
	s19 =	sadd.s32 s4, s13;
	s25 =	sadd.s32 s4, s16  }
0xe: {  	s26 =	sadd.s32 s4, s17;
	s11 =	sadd.s32 s11, s2;
	[dreg:$0x1b] =	wrdreg s7  }
0xf: {  	s12 =	sadd.s32 s12, s2;
	s17 =	sadd.s32 s17, s2;
	[dreg:$0xf] =	wrdreg s11  }
0x10: {  	s14 =	sshrl.u32 s14, $0x3;
	s20 =	sshrl.u32 s15, $0x3;
	[dreg:$0x10] =	wrdreg s12  }
0x11: {  	s15 =	sshrl.u32 s22, $0x3;
	s22 =	sadd.s32 s13, s2;
	[dreg:$0x13] =	wrdreg s17  }
0x12: {  	s4 =	sadd.s32 s4, s18;
	s14 =	sadd.s32 s6, s14;
	[dreg:$0x11] =	wrdreg s22  }
0x13: {  	s4 =	sshrl.u32 s4, $0x3;
	s23 =	sadd.s32 s6, s15;
	[dreg:$0x4] =	wrdreg s14  }
0x14: {  	s24 =	sshrl.u32 s19, $0x3;
	s4 =	sadd.s32 s6, s4;
	[dreg:$0x7] =	wrdreg s23  }
0x15: {  	s15 =	sshrl.u32 s26, $0x3;
	s14 =	sadd.s32 s6, s20;
	[dreg:$0xb] =	wrdreg s4  }
0x16: {  	s13 =	simm.s32 $0x100;
	s29 =	sadd.s32 s6, s15;
	[dreg:$0x5] =	wrdreg s14  }
0x17: {  	s15 =	sadd.s32 $0x1400, s0;
	s20 =	sadd.s32 s10, s2;
	[dreg:$0xa] =	wrdreg s29  }
0x18: {  	s23 =	sadd.s32 s16, s2;
	s16 =	smul.u32 $0x510, s8;
	[dreg:$0xd] =	wrdreg s20  }
0x19: {  	s14 =	sshrl.u32 s21, $0x3;
	s21 =	sadd.s32 s9, s2;
	[dreg:$0x12] =	wrdreg s23  }
0x1a: {  	s10 =	smul.u32 $0x2880, s8;
	s14 =	sadd.s32 s6, s14;
	[dreg:$0xe] =	wrdreg s21  }
0x1b: {  	s9 =	simm.s32 $0xA;
	s4 =	sadd.s32 s15, s16;
	[dreg:$0x6] =	wrdreg s14  }
0x1c: {  	s14 =	sadd.s32 s6, s24;
	s24 =	sadd.s32 s18, s2;
	[dreg:$0x16] =	wrdreg s4  }
0x1d: {  	s18 =	sadd.s32 s1, s16;
	[dreg:$0x8] =	wrdreg s14;
	s14 =	sshrl.u32 s25, $0x3  }
0x1e: {  	s16 =	simm.s32 $0x280;
	[dreg:$0x15] =	wrdreg s18;
	s14 =	sadd.s32 s6, s14  }
0x1f: {  	[dreg:$0x9] =	wrdreg s14;
	s14 =	sadd.s32 $0x24200, s0;
	s0 =	sadd.s32 $0x2E000, s0  }
0x20: {  	s25 =	smul.u32 $0x51, s8;
	[dreg:$0xc] =	wrdreg s0;
	s0 =	sshrl.u32 s10, $0x3  }
0x21: {  	s8 =	simm.s32 $0x11880;
	s18 =	simm.s32 $0x3;
	s19 =	sadd.s32 $0x10, s0  }
0x22: {  	[dreg:$0x14] =	wrdreg s24;
	s0 =	sadd.s32 $0x20, s0;
	s26 =	sadd.s32 s1, s19  }
.Ltmp0:
0x23: {  	s4 =	sadd.s32 s15, s19;
	[dreg:$0x17] =	wrdreg s26;
	(pc) =	sbr.rel .LBB2_1-.Ltmp0, $4  }
0x24: {  	s6 =	sadd.s32 $0x5, s25;
	s29 =	sadd.s32 s1, s0;
	[dreg:$0x18] =	wrdreg s4  }
0x25: {  	s10 =	simm.s32 $0x80;
	s0 =	sadd.s32 s15, s0;
	[dreg:$0x19] =	wrdreg s29  }
0x26: {  	s19 =	simm.s32 $0x6;
	[dreg:$0x1a] =	wrdreg s0;
	s0 =	sadd.s32 $0x3, s25  }
0x27: {  	s4 =	sadd.s32 $0x4, s25;
	s25 =	simm.s32 $0x1;
	s26 =	simm.s32 $0x4  }
.LBB2_10:
0x28: {  	s7 =	simm.s32 $0x7  }
0x29: {  	_ =	swait.ge [sflag:s7], $0x2400  }
0x2a: {  	[sflag:s7] =	ssyncset.done $0x0  }
0x2b: {  	s17 =	simm.s32 $0x8;
	[sflag:s7] =	ssyncadd.s32 $0xFFFFDC00  }
0x2c: {  	_ =	swait.ge [sflag:s17], $0x2400  }
0x2d: {  	[sflag:s17] =	ssyncset.done $0x0  }
0x2e: {  	s20 =	simm.s32 $0x9;
	[sflag:s17] =	ssyncadd.s32 $0xFFFFDC00  }
0x2f: {  	_ =	swait.ge [sflag:s20], $0x2400  }
0x30: {  	[sflag:s20] =	ssyncset.done $0x0  }
0x31: {  	[sflag:s20] =	ssyncadd.s32 $0xFFFFDC00  }
0x32: {  	[bflag:$0x0] =	sbarrier.arrive $0xFFFF  }
0x33: {  	s8 =	simm.s32 $0x11880;
	s20 =	rddreg [dreg:$0xd]  }
0x34: {  	[tilespmem:s8], [sflag:$0xA] =	stream.linear.gather [spmem:s20], $0x1638, $0x38;
	[tilespmem:$0x1E078] =	vst v63  }
0x35: {  	_ =	swait.ge [sflag:s9], $0x1638  }
0x36: {  	[sflag:s9] =	ssyncset.done $0x0  }
0x37: {  	s21 =	rddreg [dreg:$0x4];
	[sflag:s9] =	ssyncadd.s32 $0xFFFFE9C8  }
0x38: {  	[hbm4b:s21+s3] =	stream.linear.scatter [tilespmem:s8], [sflag:$0xA], $0x1638, $0x38;
	[tilespmem:$0x1E078] =	vst v63  }
0x39: {  	_ =	swait.ge [sflag:s9], $0x1638  }
0x3a: {  	[sflag:s9] =	ssyncset.done $0x0  }
0x3b: {  	s21 =	rddreg [dreg:$0xe];
	[sflag:s9] =	ssyncadd.s32 $0xFFFFE9C8  }
0x3c: {  	[tilespmem:s8], [sflag:$0xA] =	stream.linear.gather [spmem:s21], $0x1638, $0x38;
	[tilespmem:$0x1E078] =	vst v63  }
0x3d: {  	_ =	swait.ge [sflag:s9], $0x1638  }
0x3e: {  	[sflag:s9] =	ssyncset.done $0x0  }
0x3f: {  	s22 =	rddreg [dreg:$0x5];
	[sflag:s9] =	ssyncadd.s32 $0xFFFFE9C8  }
0x40: {  	[hbm4b:s22+s3] =	stream.linear.scatter [tilespmem:s8], [sflag:$0xA], $0x1638, $0x38;
	[tilespmem:$0x1E078] =	vst v63  }
0x41: {  	_ =	swait.ge [sflag:s9], $0x1638  }
0x42: {  	[sflag:s9] =	ssyncset.done $0x0  }
0x43: {  	s11 =	rddreg [dreg:$0xf];
	[sflag:s9] =	ssyncadd.s32 $0xFFFFE9C8  }
0x44: {  	[tilespmem:s8], [sflag:$0xA] =	stream.linear.gather [spmem:s11], $0x1638, $0x38;
	[tilespmem:$0x1E078] =	vst v63  }
0x45: {  	_ =	swait.ge [sflag:s9], $0x1638  }
0x46: {  	[sflag:s9] =	ssyncset.done $0x0  }
0x47: {  	s23 =	rddreg [dreg:$0x6];
	[sflag:s9] =	ssyncadd.s32 $0xFFFFE9C8  }
0x48: {  	[hbm4b:s23+s3] =	stream.linear.scatter [tilespmem:s8], [sflag:$0xA], $0x1638, $0x38;
	[tilespmem:$0x1E078] =	vst v63  }
0x49: {  	_ =	swait.ge [sflag:s9], $0x1638  }
0x4a: {  	[sflag:s9] =	ssyncset.done $0x0  }
0x4b: {  	s12 =	rddreg [dreg:$0x10];
	[sflag:s9] =	ssyncadd.s32 $0xFFFFE9C8  }
0x4c: {  	[tilespmem:s8], [sflag:$0xA] =	stream.linear.gather [spmem:s12], $0x1638, $0x38;
	[tilespmem:$0x1E078] =	vst v63  }
0x4d: {  	_ =	swait.ge [sflag:s9], $0x1638  }
0x4e: {  	[sflag:s9] =	ssyncset.done $0x0  }
0x4f: {  	s24 =	rddreg [dreg:$0x7];
	[sflag:s9] =	ssyncadd.s32 $0xFFFFE9C8  }
0x50: {  	[hbm4b:s24+s3] =	stream.linear.scatter [tilespmem:s8], [sflag:$0xA], $0x1638, $0x38;
	[tilespmem:$0x1E078] =	vst v63  }
0x51: {  	_ =	swait.ge [sflag:s9], $0x1638  }
0x52: {  	[sflag:s9] =	ssyncset.done $0x0  }
0x53: {  	s22 =	rddreg [dreg:$0x11];
	[sflag:s9] =	ssyncadd.s32 $0xFFFFE9C8  }
0x54: {  	[tilespmem:s8], [sflag:$0xA] =	stream.linear.gather [spmem:s22], $0x1638, $0x38;
	[tilespmem:$0x1E078] =	vst v63  }
0x55: {  	_ =	swait.ge [sflag:s9], $0x1638  }
0x56: {  	[sflag:s9] =	ssyncset.done $0x0  }
0x57: {  	s29 =	rddreg [dreg:$0x8];
	[sflag:s9] =	ssyncadd.s32 $0xFFFFE9C8  }
0x58: {  	[hbm4b:s29+s3] =	stream.linear.scatter [tilespmem:s8], [sflag:$0xA], $0x1638, $0x38;
	[tilespmem:$0x1E078] =	vst v63  }
0x59: {  	_ =	swait.ge [sflag:s9], $0x1638  }
0x5a: {  	[sflag:s9] =	ssyncset.done $0x0  }
0x5b: {  	s23 =	rddreg [dreg:$0x12];
	[sflag:s9] =	ssyncadd.s32 $0xFFFFE9C8  }
0x5c: {  	[tilespmem:s8], [sflag:$0xA] =	stream.linear.gather [spmem:s23], $0x1638, $0x38;
	[tilespmem:$0x1E078] =	vst v63  }
0x5d: {  	_ =	swait.ge [sflag:s9], $0x1638  }
0x5e: {  	[sflag:s9] =	ssyncset.done $0x0  }
0x5f: {  	s17 =	rddreg [dreg:$0x9];
	[sflag:s9] =	ssyncadd.s32 $0xFFFFE9C8  }
0x60: {  	[hbm4b:s17+s3] =	stream.linear.scatter [tilespmem:s8], [sflag:$0xA], $0x1638, $0x38;
	[tilespmem:$0x1E078] =	vst v63  }
0x61: {  	_ =	swait.ge [sflag:s9], $0x1638  }
0x62: {  	[sflag:s9] =	ssyncset.done $0x0  }
0x63: {  	s17 =	rddreg [dreg:$0x13];
	[sflag:s9] =	ssyncadd.s32 $0xFFFFE9C8  }
0x64: {  	[tilespmem:s8], [sflag:$0xA] =	stream.linear.gather [spmem:s17], $0x1638, $0x38;
	[tilespmem:$0x1E078] =	vst v63  }
0x65: {  	_ =	swait.ge [sflag:s9], $0x1638  }
0x66: {  	[sflag:s9] =	ssyncset.done $0x0  }
0x67: {  	s24 =	rddreg [dreg:$0xa];
	[sflag:s9] =	ssyncadd.s32 $0xFFFFE9C8  }
0x68: {  	[hbm4b:s24+s3] =	stream.linear.scatter [tilespmem:s8], [sflag:$0xA], $0x1638, $0x38;
	[tilespmem:$0x1E078] =	vst v63  }
0x69: {  	_ =	swait.ge [sflag:s9], $0x1638  }
0x6a: {  	[sflag:s9] =	ssyncset.done $0x0  }
0x6b: {  	s24 =	rddreg [dreg:$0x14];
	[sflag:s9] =	ssyncadd.s32 $0xFFFFE9C8  }
0x6c: {  	[tilespmem:s8], [sflag:$0xA] =	stream.linear.gather [spmem:s24], $0x1638, $0x38;
	[tilespmem:$0x1E078] =	vst v63  }
0x6d: {  	_ =	swait.ge [sflag:s9], $0x1638  }
0x6e: {  	[sflag:s9] =	ssyncset.done $0x0  }
0x6f: {  	s29 =	rddreg [dreg:$0xb];
	[sflag:s9] =	ssyncadd.s32 $0xFFFFE9C8  }
0x70: {  	[hbm4b:s29+s3] =	stream.linear.scatter [tilespmem:s8], [sflag:$0xA], $0x1638, $0x38;
	[tilespmem:$0x1E078] =	vst v63  }
0x71: {  	_ =	swait.ge [sflag:s9], $0x1638  }
0x72: {  	s28 =	rddreg [dreg:$0x1c]  }
0x73: {  	s29 =	rddreg [dreg:$0x1b];
	s28 =	sadd.s32 $0x1, s28  }
0x74: {  	p0 =	sne.s32 s28, s29  }
.Ltmp1:
0x75: {  	_ = 	snop;
	(pc) =	sbr.rel @!p0 .LBB2_11-.Ltmp1, $3  }
0x76: {  	_ =	sdelay $0x1  }
0x77: {  	[sflag:s9] =	ssyncset.done $0x0  }
0x78: {  	[sflag:s9] =	ssyncadd.s32 $0xFFFFE9C8  }
.LBB2_1:
0x79: {  	[dreg:$0x1c] =	wrdreg s28  }
0x7a: {  	s7 =	rddreg [dreg:$0xc]  }
0x7b: {  	[tilespmem:s8], [sflag:$0xA] =	stream.linear.gather [hbm4b:s7+s3], $0x1638, $0x38;
	[tilespmem:$0x1E078] =	vst v63  }
0x7c: {  	_ =	swait.ge [sflag:s9], $0x1638  }
0x7d: {  	[sflag:s9] =	ssyncset.done $0x0  }
0x7e: {  	[sflag:s9] =	ssyncadd.s32 $0xFFFFE9C8  }
0x7f: {  	[spmem:s20] =	stream.linear.scatter [tilespmem:s8], [sflag:$0xA], $0x1638, $0x38;
	[tilespmem:$0x1E078] =	vst v63  }
0x80: {  	_ =	swait.ge [sflag:s9], $0x1638  }
0x81: {  	[sflag:s9] =	ssyncset.done $0x0  }
0x82: {  	[sflag:s9] =	ssyncadd.s32 $0xFFFFE9C8  }
0x83: {  	[spmem:s21] =	stream.linear.scatter [tilespmem:s8], [sflag:$0xA], $0x1638, $0x38;
	[tilespmem:$0x1E078] =	vst v63  }
0x84: {  	_ =	swait.ge [sflag:s9], $0x1638  }
0x85: {  	[sflag:s9] =	ssyncset.done $0x0  }
0x86: {  	[sflag:s9] =	ssyncadd.s32 $0xFFFFE9C8  }
0x87: {  	[spmem:s11] =	stream.linear.scatter [tilespmem:s8], [sflag:$0xA], $0x1638, $0x38;
	[tilespmem:$0x1E078] =	vst v63  }
0x88: {  	_ =	swait.ge [sflag:s9], $0x1638  }
0x89: {  	[sflag:s9] =	ssyncset.done $0x0  }
0x8a: {  	[sflag:s9] =	ssyncadd.s32 $0xFFFFE9C8  }
0x8b: {  	[spmem:s12] =	stream.linear.scatter [tilespmem:s8], [sflag:$0xA], $0x1638, $0x38;
	[tilespmem:$0x1E078] =	vst v63  }
0x8c: {  	_ =	swait.ge [sflag:s9], $0x1638  }
0x8d: {  	[sflag:s9] =	ssyncset.done $0x0  }
0x8e: {  	[sflag:s9] =	ssyncadd.s32 $0xFFFFE9C8  }
0x8f: {  	[spmem:s22] =	stream.linear.scatter [tilespmem:s8], [sflag:$0xA], $0x1638, $0x38;
	[tilespmem:$0x1E078] =	vst v63  }
0x90: {  	_ =	swait.ge [sflag:s9], $0x1638  }
0x91: {  	[sflag:s9] =	ssyncset.done $0x0  }
0x92: {  	[sflag:s9] =	ssyncadd.s32 $0xFFFFE9C8  }
0x93: {  	[spmem:s23] =	stream.linear.scatter [tilespmem:s8], [sflag:$0xA], $0x1638, $0x38;
	[tilespmem:$0x1E078] =	vst v63  }
0x94: {  	_ =	swait.ge [sflag:s9], $0x1638  }
0x95: {  	[sflag:s9] =	ssyncset.done $0x0  }
0x96: {  	[sflag:s9] =	ssyncadd.s32 $0xFFFFE9C8  }
0x97: {  	[spmem:s17] =	stream.linear.scatter [tilespmem:s8], [sflag:$0xA], $0x1638, $0x38;
	[tilespmem:$0x1E078] =	vst v63  }
0x98: {  	_ =	swait.ge [sflag:s9], $0x1638  }
0x99: {  	[sflag:s9] =	ssyncset.done $0x0  }
0x9a: {  	[sflag:s9] =	ssyncadd.s32 $0xFFFFE9C8  }
0x9b: {  	[spmem:s24] =	stream.linear.scatter [tilespmem:s8], [sflag:$0xA], $0x1638, $0x38;
	[tilespmem:$0x1E078] =	vst v63  }
0x9c: {  	_ =	swait.ge [sflag:s9], $0x1638  }
0x9d: {  	[sflag:s9] =	ssyncset.done $0x0  }
0x9e: {  	[sflag:s9] =	ssyncadd.s32 $0xFFFFE9C8  }
0x9f: {  	[bflag:$0x0] =	sbarrier.arrive $0xFFFF  }
0xa0: {  	s23 =	rddreg [dreg:$0x15]  }
0xa1: {  	[tilespmem:s3], [sflag:$0xA] =	stream.linear.gather [hbm4b:s23+s3], $0x80, $0x38;
	[tilespmem:$0x1E078] =	vst v63  }
0xa2: {  	_ =	swait.ge [sflag:s9], $0x80  }
0xa3: {  	[sflag:s9] =	ssyncset.done $0x0  }
0xa4: {  	s24 =	simm.s32 $0x300;
	[sflag:s9] =	ssyncadd.s32 $0xFFFFFF80  }
0xa5: {  	[tilespmem:s24], [sflag:$0x1] =	stream.indirect.gather [hbm4b:s5+s10], $0x50, s3, s10, $0xb8;
	[tilespmem:$0x1E078] =	vst v63  }
0xa6: {  	s29 =	simm.s32 $0x180;
	s28 =	rddreg [dreg:$0x16]  }
0xa7: {  	[tilespmem:s29], [sflag:$0xA] =	stream.linear.gather [hbm4b:s28+s3], $0x80, $0x38;
	[tilespmem:$0x1E078] =	vst v63  }
0xa8: {  	_ =	swait.ge [sflag:s9], $0x80  }
0xa9: {  	[sflag:s9] =	ssyncset.done $0x0  }
0xaa: {  	s11 =	simm.s32 $0x7B00;
	[sflag:s9] =	ssyncadd.s32 $0xFFFFFF80  }
0xab: {  	[tilespmem:s11], [sflag:$0x4] =	stream.indirect.gather [hbm4b:s14+s10], $0x20, s29, s10, $0xb8;
	[tilespmem:$0x1E078] =	vst v63  }
0xac: {  	s12 =	rddreg [dreg:$0x17]  }
0xad: {  	[tilespmem:s10], [sflag:$0xA] =	stream.linear.gather [hbm4b:s12+s3], $0x80, $0x38;
	[tilespmem:$0x1E078] =	vst v63  }
0xae: {  	_ =	swait.ge [sflag:s9], $0x80  }
0xaf: {  	[sflag:s9] =	ssyncset.done $0x0  }
0xb0: {  	s17 =	simm.s32 $0x2B00;
	[sflag:s9] =	ssyncadd.s32 $0xFFFFFF80  }
0xb1: {  	[tilespmem:s17], [sflag:$0x2] =	stream.indirect.gather [hbm4b:s5+s10], $0x50, s10, s10, $0xb8;
	[tilespmem:$0x1E078] =	vst v63  }
0xb2: {  	s21 =	simm.s32 $0x200;
	s20 =	rddreg [dreg:$0x18]  }
0xb3: {  	[tilespmem:s21], [sflag:$0xA] =	stream.linear.gather [hbm4b:s20+s3], $0x80, $0x38;
	[tilespmem:$0x1E078] =	vst v63  }
0xb4: {  	_ =	swait.ge [sflag:s9], $0x80  }
0xb5: {  	[sflag:s9] =	ssyncset.done $0x0  }
0xb6: {  	s22 =	simm.s32 $0x8B00;
	[sflag:s9] =	ssyncadd.s32 $0xFFFFFF80  }
0xb7: {  	[tilespmem:s22], [sflag:$0x5] =	stream.indirect.gather [hbm4b:s14+s10], $0x20, s21, s10, $0xb8;
	[tilespmem:$0x1E078] =	vst v63  }
0xb8: {  	s23 =	rddreg [dreg:$0x19]  }
0xb9: {  	[tilespmem:s13], [sflag:$0xA] =	stream.linear.gather [hbm4b:s23+s3], $0x80, $0x38;
	[tilespmem:$0x1E078] =	vst v63  }
0xba: {  	_ =	swait.ge [sflag:s9], $0x80  }
0xbb: {  	[sflag:s9] =	ssyncset.done $0x0  }
0xbc: {  	s24 =	simm.s32 $0x5300;
	[sflag:s9] =	ssyncadd.s32 $0xFFFFFF80  }
0xbd: {  	[tilespmem:s24], [sflag:$0x3] =	stream.indirect.gather [hbm4b:s5+s10], $0x50, s13, s10, $0xb8;
	[tilespmem:$0x1E078] =	vst v63  }
0xbe: {  	s28 =	rddreg [dreg:$0x1a]  }
0xbf: {  	[tilespmem:s16], [sflag:$0xA] =	stream.linear.gather [hbm4b:s28+s3], $0x80, $0x38;
	[tilespmem:$0x1E078] =	vst v63  }
0xc0: {  	_ =	swait.ge [sflag:s9], $0x80  }
0xc1: {  	[sflag:s9] =	ssyncset.done $0x0  }
0xc2: {  	s29 =	simm.s32 $0x9B00;
	s23 =	simm.s32 $0x0;
	[sflag:s9] =	ssyncadd.s32 $0xFFFFFF80  }
0xc3: {  	[tilespmem:s29], [sflag:$0x6] =	stream.indirect.gather [hbm4b:s14+s10], $0x20, s16, s10, $0xb8;
	[tilespmem:$0x1E078] =	vst v63  }
.LBB2_2:
0xc4: {  	_ =	swait.ge [sflag:s25], $0x2800  }
0xc5: {  	[sflag:s25] =	ssyncset.done $0x0  }
0xc6: {  	[sflag:s25] =	ssyncadd.s32 $0xFFFFD800  }
0xc7: {  	_ =	swait.ge [sflag:s26], $0x1000  }
0xc8: {  	p0 =	seq.s32 s23, $0x0;
	[sflag:s26] =	ssyncset.done $0x0  }
0xc9: {  	s7 =	simm.s32 @!p0 $0x7;
	[sflag:s26] =	ssyncadd.s32 $0xFFFFF000  }
0xca: {  	_ =	swait.ge @!p0 [sflag:s7], $0x2400  }
0xcb: {  	[sflag:s7] =	ssyncset.done @!p0 $0x0  }
0xcc: {  	s24 =	simm.s32 $0x3A0;
	[sflag:s7] =	ssyncadd.s32 @!p0 $0xFFFFDC00  }
0xcd: {  	s17 =	simm.s32 $0x7B40;
	v0 =	vld [tilespmem:s24+$0x90]  }
0xce: {  	v1 =	vld [tilespmem:s17+$0x20];
	_ =	sdelay $0x4  }
0xcf: {  	v2 =	vld [tilespmem:s17+$0x30];
	v0 =	vadd.f32 v1, v0;
	_ =	sdelay $0x1  }
0xd0: {  	v1 =	vmul.f32 $2.000000030e-01, v0;
	_ =	sdelay $0x1  }
0xd1: {  	v0 =	vmax.f32 v0, v1  }
0xd2: {  	v0 =	vsub.f32 v0, v2;
	_ =	sdelay $0x1  }
0xd3: {  	v0 =	vmul.f32 $1.442695020e+00, v0  }
0xd4: {  	v1 =	vld [tilespmem:s24+$0xFFFFFFF0]  }
0xd5: {  	v2 =	vld [tilespmem:s17+$0xFFFFFFE0];
	(erf) = vpow2.f32 v0  }
0xd6: {  	v4 =	vld [tilespmem:s24+$0x40]  }
0xd7: {  	v5 =	vld [tilespmem:s17+$0x0]  }
0xd8: {  	v6 =	vld [tilespmem:s24+$0xFFFFFFA0]  }
0xd9: {  	v0 =	vld [tilespmem:s17+$0xFFFFFFC0]  }
0xda: {  	v1 =	vadd.f32 v2, v1;
	v2 =	vld [tilespmem:s17+$0xFFFFFFF0];
	_ =	sdelay $0x1  }
0xdb: {  	v7 =	vld [tilespmem:s17+$0xFFFFFFD0];
	v8 =	vmul.f32 $2.000000030e-01, v1  }
0xdc: {  	s8 =	simm.s32 $0x4E0;
	v9 =	vld [tilespmem:s17+$0x10];
	v4 =	vadd.f32 v5, v4  }
0xdd: {  	s22 =	simm.s32 $0xAB90;
	s20 =	simm.s32 $0x7BC0;
	v0 =	vadd.f32 v0, v6;
	v1 =	vmax.f32 v1, v8;
	v8 =	vld [tilespmem:s8+$0x90];
	v3 =	vpop (erf)  }
0xde: {  	v6 =	vmul.f32 $2.000000030e-01, v4;
	v1 =	vsub.f32 v1, v2;
	v2 =	vld [tilespmem:s20+$0x20];
	[tilespmem:s22+$0x80] =	vst v3  }
0xdf: {  	v10 =	vmul.f32 $2.000000030e-01, v0;
	v5 =	vld [tilespmem:s24+$0x50]  }
0xe0: {  	v4 =	vmax.f32 v4, v6  }
0xe1: {  	v1 =	vmul.f32 $1.442695020e+00, v1;
	v4 =	vsub.f32 v4, v9;
	v0 =	vmax.f32 v0, v10  }
0xe2: {  	v0 =	vsub.f32 v0, v7  }
0xe3: {  	v4 =	vmul.f32 $1.442695020e+00, v4;
	(erf) = vpow2.f32 v1  }
0xe4: {  	v2 =	vadd.f32 v2, v8;
	v0 =	vmul.f32 $1.442695020e+00, v0;
	v1 =	vmul.f32 v3, v5;
	v5 =	vld [tilespmem:s20+$0x30]  }
0xe5: {  	(erf) = vpow2.f32 v4  }
0xe6: {  	(erf) = vpow2.f32 v0;
	v0 =	vmul.f32 $2.000000030e-01, v2;
	[tilespmem:s22+$0x48] =	vst v1  }
0xe7: {  	v1 =	vld [tilespmem:s24+$0x60]  }
0xe8: {  	v0 =	vmax.f32 v2, v0  }
0xe9: {  	v0 =	vsub.f32 v0, v5  }
0xea: {  	v9 =	vld [tilespmem:s8+$0x40]  }
0xeb: {  	v10 =	vld [tilespmem:s20+$0x0];
	v0 =	vmul.f32 $1.442695020e+00, v0  }
0xec: {  	v4 =	vld [tilespmem:s8+$0xFFFFFFF0];
	v1 =	vmul.f32 v3, v1  }
0xed: {  	v2 =	vld [tilespmem:s20+$0xFFFFFFC0];
	v7 =	vpop (erf);
	(erf) = vpow2.f32 v0  }
0xee: {  	v5 =	vld [tilespmem:s20+$0xFFFFFFE0];
	v6 =	vpop (erf);
	[tilespmem:s22+$0x58] =	vst v1  }
0xef: {  	v8 =	vpop (erf);
	v1 =	vld [tilespmem:s24+$0x70]  }
0xf0: {  	[tilespmem:s22+$0xFFFFFFA8] =	vst v8;
	v0 =	vld [tilespmem:s8+$0xFFFFFFA0]  }
0xf1: {  	v12 =	vld [tilespmem:s24+$0xFFFFFF60]  }
0xf2: {  	v13 =	vld [tilespmem:s20+$0xFFFFFFF0];
	[tilespmem:s22+$0xFFFFFFF0] =	vst v7  }
0xf3: {  	v14 =	vld [tilespmem:s24+$0xFFFFFFB0];
	v4 =	vadd.f32 v5, v4  }
0xf4: {  	v10 =	vadd.f32 v10, v9;
	v5 =	vld [tilespmem:s20+$0x10];
	v1 =	vmul.f32 v1, v3  }
0xf5: {  	s21 =	simm.s32 $0x7C40;
	v11 =	vld [tilespmem:s20+$0xFFFFFFD0];
	[tilespmem:s22+$0x38] =	vst v6;
	v15 =	vmul.f32 $2.000000030e-01, v4;
	v0 =	vadd.f32 v2, v0  }
0xf6: {  	s11 =	simm.s32 $0xACB0;
	v17 =	vld [tilespmem:s21+$0x0];
	v16 =	vmul.f32 $2.000000030e-01, v10;
	v12 =	vmul.f32 v8, v12;
	[tilespmem:s22+$0x68] =	vst v1;
	v9 =	vpop (erf)  }
0xf7: {  	v2 =	vld [tilespmem:s24+$0x0];
	v1 =	vmax.f32 v4, v15;
	v4 =	vmul.f32 $2.000000030e-01, v0;
	[tilespmem:s11+$0x80] =	vst v9  }
0xf8: {  	s12 =	simm.s32 $0x620;
	v10 =	vmax.f32 v10, v16;
	[tilespmem:s22+$0xFFFFFF70] =	vst v12;
	v1 =	vsub.f32 v1, v13;
	v12 =	vld [tilespmem:s8+$0x50]  }
0xf9: {  	v18 =	vld [tilespmem:s12+$0xFFFFFFA0];
	v0 =	vmax.f32 v0, v4;
	v4 =	vsub.f32 v10, v5;
	v5 =	vmul.f32 v7, v14  }
0xfa: {  	v0 =	vsub.f32 v0, v11;
	v11 =	vld [tilespmem:s12+$0x90]  }
0xfb: {  	v1 =	vmul.f32 $1.442695020e+00, v1;
	[tilespmem:s22+$0xFFFFFFB8] =	vst v5;
	v5 =	vld [tilespmem:s21+$0x20]  }
0xfc: {  	v20 =	vld [tilespmem:s21+$0xFFFFFFD0];
	v2 =	vmul.f32 v6, v2;
	v4 =	vmul.f32 $1.442695020e+00, v4  }
0xfd: {  	s29 =	simm.s32 $0x760;
	v21 =	vld [tilespmem:s21+$0xFFFFFFF0];
	(erf) = vpow2.f32 v1;
	v1 =	vmul.f32 v9, v12  }
0xfe: {  	v53 =	vld [tilespmem:s29+$0xFFFFFFF0];
	[tilespmem:s22+$0x0] =	vst v2;
	v0 =	vmul.f32 $1.442695020e+00, v0  }
0xff: {  	v2 =	vld [tilespmem:s21+$0x30];
	(erf) = vpow2.f32 v4;
	[tilespmem:s11+$0x48] =	vst v1  }
0x100: {  	(erf) = vpow2.f32 v0;
	v0 =	vadd.f32 v5, v11;
	v1 =	vld [tilespmem:s8+$0x60]  }
0x101: {  	v16 =	vld [tilespmem:s12+$0x40]  }
0x102: {  	v10 =	vld [tilespmem:s24+$0xFFFFFF70];
	v14 =	vmul.f32 $2.000000030e-01, v0  }
0x103: {  	v13 =	vld [tilespmem:s24+$0xFFFFFFC0]  }
0x104: {  	v4 =	vld [tilespmem:s24+$0x10];
	v14 =	vmax.f32 v0, v14  }
0x105: {  	v5 =	vld [tilespmem:s12+$0xFFFFFFF0];
	v14 =	vsub.f32 v14, v2;
	v19 =	vmul.f32 v9, v1  }
0x106: {  	v11 =	vld [tilespmem:s21+$0xFFFFFFE0]  }
0x107: {  	v12 =	vld [tilespmem:s21+$0xFFFFFFC0];
	v0 =	vpop (erf);
	v14 =	vmul.f32 $1.442695020e+00, v14;
	[tilespmem:s11+$0x58] =	vst v19  }
0x108: {  	v10 =	vmul.f32 v8, v10;
	v1 =	vpop (erf);
	v19 =	vld [tilespmem:s8+$0x70]  }
0x109: {  	v25 =	vld [tilespmem:s29+$0xFFFFFFA0];
	s17 =	simm.s32 $0x7CC0;
	v13 =	vmul.f32 v7, v13;
	v2 =	vpop (erf);
	(erf) = vpow2.f32 v14  }
0x10a: {  	v54 =	vld [tilespmem:s17+$0x30];
	[tilespmem:s22+$0xFFFFFF80] =	vst v10  }
0x10b: {  	v15 =	vld [tilespmem:s24+$0x80];
	v4 =	vmul.f32 v6, v4;
	[tilespmem:s22+$0xFFFFFFC8] =	vst v13;
	v5 =	vadd.f32 v11, v5  }
0x10c: {  	v10 =	vld [tilespmem:s21+$0x10];
	v12 =	vadd.f32 v12, v18;
	[tilespmem:s11+$0xFFFFFFF0] =	vst v0  }
0x10d: {  	[tilespmem:s22+$0x10] =	vst v4;
	v4 =	vadd.f32 v17, v16;
	v47 =	vmul.f32 $2.000000030e-01, v5;
	v14 =	vld [tilespmem:s8+$0xFFFFFFB0];
	v13 =	vmul.f32 v19, v9  }
0x10e: {  	v26 =	vld [tilespmem:s17+$0xFFFFFFD0];
	[tilespmem:s11+$0xFFFFFFA8] =	vst v2  }
0x10f: {  	v55 =	vld [tilespmem:s17+$0xFFFFFFF0];
	v50 =	vmul.f32 $2.000000030e-01, v12;
	v5 =	vmax.f32 v5, v47;
	[tilespmem:s11+$0x68] =	vst v13;
	v13 =	vmul.f32 $2.000000030e-01, v4  }
0x110: {  	v22 =	vld [tilespmem:s8+$0xFFFFFF60];
	v5 =	vsub.f32 v5, v21  }
0x111: {  	v3 =	vmul.f32 v15, v3;
	v15 =	vld [tilespmem:s29+$0x40];
	[tilespmem:s11+$0x38] =	vst v1;
	v12 =	vmax.f32 v12, v50;
	v4 =	vmax.f32 v4, v13  }
0x112: {  	s28 =	simm.s32 $0xADD0;
	v23 =	vld [tilespmem:s8+$0x0];
	v5 =	vmul.f32 $1.442695020e+00, v5;
	v14 =	vmul.f32 v0, v14;
	v52 =	vpop (erf);
	v4 =	vsub.f32 v4, v10  }
0x113: {  	v11 =	vld [tilespmem:s24+$0xFFFFFF80];
	v12 =	vsub.f32 v12, v20;
	[tilespmem:s28+$0x80] =	vst v52  }
0x114: {  	(erf) = vpow2.f32 v5;
	[tilespmem:s11+$0xFFFFFFB8] =	vst v14;
	v14 =	vld [tilespmem:s12+$0x50];
	v4 =	vmul.f32 $1.442695020e+00, v4  }
0x115: {  	v17 =	vmul.f32 v2, v22;
	v5 =	vmul.f32 $1.442695020e+00, v12;
	v12 =	vld [tilespmem:s29+$0x90]  }
0x116: {  	(erf) = vpow2.f32 v4;
	v4 =	vld [tilespmem:s17+$0x20]  }
0x117: {  	v16 =	vld [tilespmem:s24+$0xFFFFFFD0];
	[tilespmem:s11+$0xFFFFFF70] =	vst v17;
	v17 =	vmul.f32 v1, v23  }
0x118: {  	v51 =	vld [tilespmem:s8+$0xFFFFFF70]  }
0x119: {  	v49 =	vld [tilespmem:s8+$0x80];
	[tilespmem:s11+$0x0] =	vst v17;
	(erf) = vpow2.f32 v5;
	v5 =	vmul.f32 v52, v14  }
0x11a: {  	v10 =	vld [tilespmem:s8+$0x10]  }
0x11b: {  	v11 =	vmul.f32 v11, v8;
	v14 =	vld [tilespmem:s17+$0xFFFFFFE0];
	[tilespmem:s28+$0x48] =	vst v5;
	v5 =	vadd.f32 v4, v12  }
0x11c: {  	[tilespmem:s22+$0x78] =	vst v3;
	v12 =	vld [tilespmem:s12+$0x60]  }
0x11d: {  	[tilespmem:s22+$0xFFFFFF90] =	vst v11;
	v13 =	vld [tilespmem:s8+$0xFFFFFFC0];
	v23 =	vmul.f32 v2, v51;
	v3 =	vpop (erf);
	v24 =	vmul.f32 $2.000000030e-01, v5  }
0x11e: {  	v9 =	vmul.f32 v49, v9;
	[tilespmem:s28+$0xFFFFFFF0] =	vst v3;
	v4 =	vmul.f32 v16, v7;
	v16 =	vld [tilespmem:s17+$0x0]  }
0x11f: {  	v17 =	vld [tilespmem:s17+$0xFFFFFFC0];
	v10 =	vmul.f32 v1, v10;
	[tilespmem:s11+$0xFFFFFF80] =	vst v23;
	v24 =	vmax.f32 v5, v24  }
0x120: {  	v48 =	vld [tilespmem:s24+$0x20];
	[tilespmem:s11+$0x78] =	vst v9;
	v14 =	vadd.f32 v14, v53;
	v20 =	vsub.f32 v24, v54  }
0x121: {  	v11 =	vld [tilespmem:s24+$0xFFFFFF90];
	[tilespmem:s11+$0x10] =	vst v10;
	v12 =	vmul.f32 v52, v12  }
0x122: {  	v56 =	vld [tilespmem:s17+$0x10];
	[tilespmem:s22+$0xFFFFFFD8] =	vst v4;
	v4 =	vpop (erf);
	v58 =	vmul.f32 $2.000000030e-01, v14;
	v20 =	vmul.f32 $1.442695020e+00, v20  }
0x123: {  	v13 =	vmul.f32 v0, v13;
	v60 =	vld [tilespmem:s8+$0xFFFFFF80];
	v5 =	vpop (erf);
	v15 =	vadd.f32 v16, v15;
	[tilespmem:s28+$0x58] =	vst v12  }
0x124: {  	v17 =	vadd.f32 v17, v25;
	[tilespmem:s28+$0xFFFFFFA8] =	vst v5;
	v10 =	vmax.f32 v14, v58;
	v57 =	vld [tilespmem:s12+$0x70];
	(erf) = vpow2.f32 v20  }
0x125: {  	v18 =	vmul.f32 v48, v6;
	[tilespmem:s11+$0xFFFFFFC8] =	vst v13;
	v12 =	vld [tilespmem:s12+$0xFFFFFF60];
	v13 =	vmul.f32 $2.000000030e-01, v15;
	v9 =	vsub.f32 v10, v55  }
0x126: {  	v8 =	vmul.f32 v11, v8;
	v11 =	vmul.f32 $2.000000030e-01, v17;
	[tilespmem:s28+$0x38] =	vst v4;
	v16 =	vld [tilespmem:s12+$0xFFFFFFB0]  }
0x127: {  	[tilespmem:s22+$0x20] =	vst v18;
	v59 =	vld [tilespmem:s12+$0x0];
	v10 =	vmax.f32 v15, v13;
	v9 =	vmul.f32 $1.442695020e+00, v9  }
0x128: {  	[tilespmem:s22+$0xFFFFFFA0] =	vst v8;
	v8 =	vmax.f32 v17, v11;
	v17 =	vld [tilespmem:s24+$0x30];
	v10 =	vsub.f32 v10, v56  }
0x129: {  	v8 =	vsub.f32 v8, v26;
	v14 =	vld [tilespmem:s8+$0xFFFFFFD0];
	(erf) = vpow2.f32 v9;
	v13 =	vmul.f32 v57, v52  }
0x12a: {  	v15 =	vld [tilespmem:s8+$0x20];
	v11 =	vmul.f32 v5, v12;
	v10 =	vmul.f32 $1.442695020e+00, v10  }
0x12b: {  	v62 =	vmul.f32 $1.442695020e+00, v8;
	v16 =	vmul.f32 v3, v16;
	v12 =	vld [tilespmem:s24+$0xFFFFFFE0];
	[tilespmem:s28+$0x68] =	vst v13  }
0x12c: {  	[tilespmem:s28+$0xFFFFFF70] =	vst v11;
	(erf) = vpow2.f32 v10;
	v13 =	vmul.f32 v4, v59;
	v61 =	vld [tilespmem:s12+$0x80]  }
0x12d: {  	[tilespmem:s28+$0xFFFFFFB8] =	vst v16;
	v11 =	vld [tilespmem:s12+$0xFFFFFF70];
	v8 =	vpop (erf);
	(erf) = vpow2.f32 v62  }
0x12e: {  	s7 =	simm.s32 $0xAEF0;
	v16 =	vmul.f32 v60, v2;
	v9 =	vld [tilespmem:s12+$0xFFFFFFC0];
	[tilespmem:s28+$0x0] =	vst v13  }
0x12f: {  	v63 =	vmul.f32 v14, v0;
	v10 =	vld [tilespmem:s12+$0x10];
	[tilespmem:s7+$0x80] =	vst v8  }
0x130: {  	v6 =	vmul.f32 v17, v6;
	[tilespmem:s11+$0xFFFFFF90] =	vst v16;
	v13 =	vmul.f32 v15, v1;
	v14 =	vld [tilespmem:s29+$0x50]  }
0x131: {  	s20 =	simm.s32 $0xC;
	s21 =	simm.s32 $0x8A0;
	s24 =	smul.u32 $0x3, s23;
	[tilespmem:s11+$0xFFFFFFD8] =	vst v63;
	v7 =	vmul.f32 v12, v7;
	v12 =	vld [tilespmem:s8+$0xFFFFFF90];
	v15 =	vmul.f32 v61, v52  }
.LBB2_3:
0x132: {  	v16 =	vld [tilespmem:s21+$0x90];
	s17 =	sadd.s32 $0x80, s17;
	v11 =	vmul.f32 v5, v11;
	[tilespmem:s11+$0x20] =	vst v13  }
0x133: {  	s20 =	sadd.s32 $0x4, s20;
	v13 =	vld [tilespmem:s17+$0x20];
	v17 =	vpop (erf);
	v9 =	vmul.f32 v3, v9;
	[tilespmem:s28+$0x78] =	vst v15  }
0x134: {  	p1 =	slt.u32 s20, $0x7C;
	v15 =	vld [tilespmem:s17+$0xFFFFFFC0];
	[tilespmem:s7+$0xFFFFFFF0] =	vst v17;
	v10 =	vmul.f32 v4, v10  }
0x135: {  	v18 =	vld [tilespmem:s21+$0xFFFFFFF0];
	v14 =	vmul.f32 v8, v14;
	v19 =	vpop (erf);
	[tilespmem:s28+$0xFFFFFF80] =	vst v11  }
0x136: {  	v11 =	vld [tilespmem:s17+$0xFFFFFFE0];
	[tilespmem:s7+$0x38] =	vst v19;
	v12 =	vmul.f32 v12, v2;
	v2 =	vmov v5;
	v5 =	vpop (erf)  }
0x137: {  	v20 =	vld [tilespmem:s17+$0x30];
	[tilespmem:s7+$0x48] =	vst v14  }
0x138: {  	v13 =	vadd.f32 v13, v16;
	[tilespmem:s7+$0xFFFFFFA8] =	vst v5;
	v14 =	vld [tilespmem:s29+$0x60]  }
0x139: {  	v16 =	vld [tilespmem:s21+$0x40];
	[tilespmem:s28+$0xFFFFFFC8] =	vst v9  }
0x13a: {  	v9 =	vld [tilespmem:s17+$0x0];
	v21 =	vmul.f32 $2.000000030e-01, v13;
	[tilespmem:s28+$0x10] =	vst v10  }
0x13b: {  	v10 =	vld [tilespmem:s21+$0xFFFFFFA0];
	v11 =	vadd.f32 v11, v18;
	[tilespmem:s11+$0xFFFFFFA0] =	vst v12  }
0x13c: {  	v12 =	vld [tilespmem:s17+$0xFFFFFFD0];
	v13 =	vmax.f32 v13, v21;
	[tilespmem:s22+$0xFFFFFFE8] =	vst v7  }
0x13d: {  	v7 =	vld [tilespmem:s17+$0xFFFFFFF0];
	v18 =	vmul.f32 $2.000000030e-01, v11;
	v13 =	vsub.f32 v13, v20;
	v14 =	vmul.f32 v8, v14;
	[tilespmem:s22+$0x30] =	vst v6;
	s22 =	smov.u32 s11;
	s11 =	smov.u32 s28;
	s28 =	smov.u32 s7  }
0x13e: {  	v6 =	vld [tilespmem:s17+$0x10]  }
0x13f: {  	v11 =	vmax.f32 v11, v18;
	v9 =	vadd.f32 v9, v16;
	v13 =	vmul.f32 $1.442695020e+00, v13;
	v16 =	vld [tilespmem:s29+$0xFFFFFF60];
	[tilespmem:s7+$0x58] =	vst v14  }
0x140: {  	v10 =	vadd.f32 v15, v10;
	v14 =	vld [tilespmem:s29+$0x70]  }
0x141: {  	v15 =	vmul.f32 $2.000000030e-01, v9;
	(erf) = vpow2.f32 v13;
	v13 =	vld [tilespmem:s29+$0xFFFFFFB0]  }
0x142: {  	v18 =	vmul.f32 $2.000000030e-01, v10;
	v7 =	vsub.f32 v11, v7;
	v11 =	vld [tilespmem:s29+$0x0]  }
0x143: {  	v9 =	vmax.f32 v9, v15;
	v15 =	vld [tilespmem:s12+$0xFFFFFF80]  }
0x144: {  	v10 =	vmax.f32 v10, v18;
	v7 =	vmul.f32 $1.442695020e+00, v7;
	v6 =	vsub.f32 v9, v6;
	v18 =	vld [tilespmem:s12+$0xFFFFFFD0]  }
0x145: {  	v9 =	vsub.f32 v10, v12;
	v10 =	vmul.f32 v5, v16;
	v12 =	vmul.f32 v14, v8;
	v14 =	vld [tilespmem:s12+$0x20]  }
0x146: {  	v6 =	vmul.f32 $1.442695020e+00, v6;
	(erf) = vpow2.f32 v7;
	v7 =	vld [tilespmem:s8+$0xFFFFFFE0]  }
0x147: {  	v13 =	vmul.f32 v17, v13;
	v9 =	vmul.f32 $1.442695020e+00, v9;
	[tilespmem:s7+$0x68] =	vst v12;
	v12 =	vld [tilespmem:s8+$0x30];
	s8 =	smov.u32 s12;
	s12 =	smov.u32 s29;
	s29 =	smov.u32 s21  }
0x148: {  	(erf) = vpow2.f32 v6;
	[tilespmem:s7+$0xFFFFFF70] =	vst v10;
	v6 =	vmul.f32 v19, v11;
	v16 =	vld [tilespmem:s12+$0x80]  }
.Ltmp2:
0x149: {  	v15 =	vmul.f32 v15, v2;
	(erf) = vpow2.f32 v9;
	v11 =	vld [tilespmem:s12+$0xFFFFFF70];
	[tilespmem:s7+$0xFFFFFFB8] =	vst v13;
	(pc) =	sbr.rel @p1 .LBB2_3-.Ltmp2, $4  }
0x14a: {  	s7 =	sadd.s32 $0x120, s7;
	v18 =	vmul.f32 v18, v3;
	v20 =	vpop (erf);
	v9 =	vld [tilespmem:s12+$0xFFFFFFC0];
	[tilespmem:s28+$0x0] =	vst v6;
	v13 =	vmul.f32 v14, v4  }
0x14b: {  	[tilespmem:s7+$0x80] =	vst v20;
	v10 =	vld [tilespmem:s12+$0x10];
	v7 =	vmul.f32 v7, v0;
	v0 =	vmov v3;
	v3 =	vmov v17  }
0x14c: {  	v14 =	vld [tilespmem:s21+$0x50];
	[tilespmem:s11+$0xFFFFFF90] =	vst v15;
	v6 =	vmul.f32 v12, v1;
	v1 =	vmov v4;
	v4 =	vmov v19  }
0x14d: {  	s21 =	sadd.s32 $0x140, s21;
	v15 =	vmul.f32 v16, v8;
	v12 =	vld [tilespmem:s8+$0xFFFFFF90];
	[tilespmem:s11+$0xFFFFFFD8] =	vst v18;
	v8 =	vmov v20  }
0x14e: {  	_ =	sdelay $0x1  }
0x14f: {  	v16 =	vpop (erf)  }
0x150: {  	v17 =	vpop (erf)  }
0x151: {  	v14 =	vmul.f32 v8, v14;
	v18 =	vpop (erf)  }
0x152: {  	[tilespmem:s7+$0xFFFFFFA8] =	vst v18  }
0x153: {  	[tilespmem:s7+$0x48] =	vst v14;
	v19 =	vld [tilespmem:s29+$0xFFFFFF60]  }
0x154: {  	v14 =	vld [tilespmem:s29+$0x60]  }
0x155: {  	[tilespmem:s7+$0xFFFFFFF0] =	vst v16  }
0x156: {  	v20 =	vld [tilespmem:s29+$0xFFFFFFB0];
	[tilespmem:s7+$0x38] =	vst v17  }
0x157: {  	[tilespmem:s11+$0x20] =	vst v13;
	v11 =	vmul.f32 v5, v11;
	v21 =	vld [tilespmem:s29+$0x0]  }
0x158: {  	[tilespmem:s22+$0xFFFFFFE8] =	vst v7;
	v13 =	vmul.f32 v18, v19  }
0x159: {  	[tilespmem:s28+$0xFFFFFF80] =	vst v11;
	v14 =	vmul.f32 v8, v14  }
0x15a: {  	[tilespmem:s7+$0xFFFFFF70] =	vst v13  }
0x15b: {  	v11 =	vmul.f32 v16, v20;
	[tilespmem:s7+$0x58] =	vst v14;
	v13 =	vld [tilespmem:s29+$0xFFFFFF70]  }
0x15c: {  	[tilespmem:s28+$0x78] =	vst v15;
	v14 =	vmul.f32 v17, v21;
	v15 =	vld [tilespmem:s29+$0x70]  }
0x15d: {  	v9 =	vmul.f32 v3, v9;
	[tilespmem:s7+$0xFFFFFFB8] =	vst v11  }
0x15e: {  	v10 =	vmul.f32 v4, v10;
	v11 =	vld [tilespmem:s29+$0xFFFFFFC0];
	[tilespmem:s7+$0x0] =	vst v14  }
0x15f: {  	[tilespmem:s28+$0xFFFFFFC8] =	vst v9;
	v2 =	vmul.f32 v12, v2;
	v9 =	vld [tilespmem:s29+$0x10]  }
0x160: {  	[tilespmem:s28+$0x10] =	vst v10;
	v10 =	vld [tilespmem:s12+$0xFFFFFF80];
	v12 =	vmul.f32 v18, v13  }
0x161: {  	[tilespmem:s11+$0xFFFFFFA0] =	vst v2;
	v13 =	vmul.f32 v15, v8  }
0x162: {  	v2 =	vld [tilespmem:s12+$0xFFFFFFD0];
	[tilespmem:s7+$0xFFFFFF80] =	vst v12  }
0x163: {  	v7 =	vmul.f32 v16, v11;
	[tilespmem:s7+$0x68] =	vst v13;
	v11 =	vld [tilespmem:s29+$0xFFFFFF80]  }
0x164: {  	v9 =	vmul.f32 v17, v9;
	v13 =	vld [tilespmem:s29+$0x80]  }
0x165: {  	v10 =	vmul.f32 v10, v5;
	[tilespmem:s7+$0xFFFFFFC8] =	vst v7;
	v12 =	vld [tilespmem:s12+$0x20]  }
0x166: {  	v7 =	vld [tilespmem:s29+$0xFFFFFFD0];
	[tilespmem:s7+$0x10] =	vst v9  }
0x167: {  	v2 =	vmul.f32 v2, v3;
	[tilespmem:s28+$0xFFFFFF90] =	vst v10;
	v9 =	vld [tilespmem:s29+$0x20]  }
0x168: {  	[tilespmem:s22+$0x30] =	vst v6;
	v6 =	vld [tilespmem:s12+$0xFFFFFF90];
	v10 =	vmul.f32 v11, v18  }
0x169: {  	[tilespmem:s28+$0xFFFFFFD8] =	vst v2;
	v2 =	vld [tilespmem:s8+$0x30];
	v8 =	vmul.f32 v13, v8  }
0x16a: {  	v12 =	vmul.f32 v12, v4;
	v11 =	vld [tilespmem:s8+$0xFFFFFFE0];
	[tilespmem:s7+$0xFFFFFF90] =	vst v10  }
0x16b: {  	v7 =	vmul.f32 v7, v16;
	[tilespmem:s7+$0x78] =	vst v8;
	v8 =	vld [tilespmem:s12+$0xFFFFFFE0]  }
0x16c: {  	[tilespmem:s28+$0x20] =	vst v12;
	v9 =	vmul.f32 v9, v17;
	v10 =	vld [tilespmem:s29+$0xFFFFFF90]  }
0x16d: {  	v5 =	vmul.f32 v6, v5;
	[tilespmem:s7+$0xFFFFFFD8] =	vst v7;
	v6 =	vld [tilespmem:s12+$0x30]  }
0x16e: {  	v1 =	vmul.f32 v2, v1;
	v7 =	vld [tilespmem:s29+$0xFFFFFFE0];
	[tilespmem:s7+$0x20] =	vst v9  }
0x16f: {  	[tilespmem:s28+$0xFFFFFFA0] =	vst v5;
	v0 =	vmul.f32 v11, v0;
	v2 =	vld [tilespmem:s29+$0x30]  }
0x170: {  	[tilespmem:s11+$0x30] =	vst v1;
	v1 =	vmul.f32 v8, v3  }
0x171: {  	[tilespmem:s11+$0xFFFFFFE8] =	vst v0;
	v0 =	vmul.f32 v10, v18  }
0x172: {  	v3 =	vmul.f32 v6, v4;
	[tilespmem:s28+$0xFFFFFFE8] =	vst v1  }
0x173: {  	[tilespmem:s7+$0xFFFFFFA0] =	vst v0;
	v0 =	vmul.f32 v7, v16  }
0x174: {  	[tilespmem:s28+$0x30] =	vst v3;
	v1 =	vmul.f32 v2, v17  }
0x175: {  	[tilespmem:s7+$0xFFFFFFE8] =	vst v0  }
0x176: {  	[tilespmem:s7+$0x30] =	vst v1  }
0x177: {  	v0 =	vld [tilespmem:$0x180]  }
0x178: {  	v1 =	vld [tilespmem:$0x190]  }
0x179: {  	v2 =	vld [tilespmem:$0x1A0]  }
0x17a: {  	v3 =	vld [tilespmem:$0x1B0]  }
0x17b: {  	v4 =	vld [tilespmem:$0x1C0]  }
0x17c: {  	[tilespmem:$0x11700] =	vst v0;
	v0 =	vld [tilespmem:$0x1D0]  }
0x17d: {  	[tilespmem:$0x11710] =	vst v1;
	v1 =	vld [tilespmem:$0x1E0]  }
0x17e: {  	[tilespmem:$0x11720] =	vst v2;
	v2 =	vld [tilespmem:$0x1F0]  }
0x17f: {  	[tilespmem:$0x11730] =	vst v3  }
0x180: {  	p1 =	seq.s32 s23, $0x1A;
	[tilespmem:$0x11740] =	vst v4  }
0x181: {  	s7 =	sadd.s32 @!p1 s24, s0;
	[tilespmem:$0x11750] =	vst v0  }
0x182: {  	s7 =	sshll.u32 @!p1 s7, $0x4;
	[tilespmem:$0x11760] =	vst v1  }
0x183: {  	s12 =	simm.s32 $0xAB00;
	s11 =	simm.s32 $0x11700;
	s7 =	sand.u32 @!p1 $0x1FFFFFF0, s7;
	[tilespmem:$0x11770] =	vst v2  }
0x184: {  	[spmem:s2] =	stream.indirect.scatter.add.f32 [tilespmem:s12], [sflag:$0x7], $0x48, s11, s10, $0xb8;
	[tilespmem:$0x1E078] =	vst v63  }
0x185: {  	s8 =	sadd.s32 @!p1 s1, s7;
	s11 =	simm.s32 @!p1 $0x0  }
0x186: {  	[tilespmem:s11], [sflag:$0xA] =	stream.linear.gather @!p1 [hbm4b:s8+s11], $0x80, $0x38;
	[tilespmem:$0x1E078] =	vst v63  }
0x187: {  	s8 =	simm.s32 @!p1 $0xA  }
0x188: {  	_ =	swait.ge @!p1 [sflag:s8], $0x80  }
0x189: {  	[sflag:s8] =	ssyncset.done @!p1 $0x0  }
0x18a: {  	s17 =	simm.s32 @!p1 $0x300;
	s12 =	simm.s32 @!p1 $0x80;
	[sflag:s8] =	ssyncadd.s32 @!p1 $0xFFFFFF80  }
0x18b: {  	[tilespmem:s17], [sflag:$0x1] =	stream.indirect.gather @!p1 [hbm4b:s5+s12], $0x50, s11, s12, $0xb8;
	[tilespmem:$0x1E078] =	vst v63  }
0x18c: {  	s7 =	sadd.s32 @!p1 s15, s7;
	s17 =	simm.s32 @!p1 $0x180  }
0x18d: {  	[tilespmem:s17], [sflag:$0xA] =	stream.linear.gather @!p1 [hbm4b:s7+s11], $0x80, $0x38;
	[tilespmem:$0x1E078] =	vst v63  }
0x18e: {  	_ =	swait.ge @!p1 [sflag:s8], $0x80  }
0x18f: {  	[sflag:s8] =	ssyncset.done @!p1 $0x0  }
0x190: {  	s7 =	simm.s32 @!p1 $0x7B00;
	[sflag:s8] =	ssyncadd.s32 @!p1 $0xFFFFFF80  }
0x191: {  	[tilespmem:s7], [sflag:$0x4] =	stream.indirect.gather @!p1 [hbm4b:s14+s12], $0x20, s17, s12, $0xb8;
	[tilespmem:$0x1E078] =	vst v63  }
0x192: {  	_ =	swait.ge [sflag:s30], $0x2800  }
0x193: {  	[sflag:s30] =	ssyncset.done $0x0  }
0x194: {  	[sflag:s30] =	ssyncadd.s32 $0xFFFFD800  }
0x195: {  	_ =	swait.ge [sflag:s31], $0x1000  }
0x196: {  	[sflag:s31] =	ssyncset.done $0x0  }
0x197: {  	s7 =	simm.s32 @!p0 $0x8;
	[sflag:s31] =	ssyncadd.s32 $0xFFFFF000  }
0x198: {  	_ =	swait.ge @!p0 [sflag:s7], $0x2400  }
0x199: {  	[sflag:s7] =	ssyncset.done @!p0 $0x0  }
0x19a: {  	[sflag:s7] =	ssyncadd.s32 @!p0 $0xFFFFDC00;
	s7 =	simm.s32 $0x2BA0  }
0x19b: {  	s17 =	simm.s32 $0x8B40;
	v0 =	vld [tilespmem:s7+$0x90]  }
0x19c: {  	v1 =	vld [tilespmem:s17+$0x20];
	_ =	sdelay $0x4  }
0x19d: {  	v2 =	vld [tilespmem:s17+$0x30];
	v0 =	vadd.f32 v1, v0;
	_ =	sdelay $0x1  }
0x19e: {  	v1 =	vmul.f32 $2.000000030e-01, v0;
	_ =	sdelay $0x1  }
0x19f: {  	v0 =	vmax.f32 v0, v1  }
0x1a0: {  	v0 =	vsub.f32 v0, v2;
	_ =	sdelay $0x1  }
0x1a1: {  	v0 =	vmul.f32 $1.442695020e+00, v0  }
0x1a2: {  	v1 =	vld [tilespmem:s7+$0xFFFFFFF0]  }
0x1a3: {  	v2 =	vld [tilespmem:s17+$0xFFFFFFE0];
	(erf) = vpow2.f32 v0  }
0x1a4: {  	v4 =	vld [tilespmem:s7+$0x40]  }
0x1a5: {  	v5 =	vld [tilespmem:s17+$0x0]  }
0x1a6: {  	v6 =	vld [tilespmem:s7+$0xFFFFFFA0]  }
0x1a7: {  	v0 =	vld [tilespmem:s17+$0xFFFFFFC0]  }
0x1a8: {  	v1 =	vadd.f32 v2, v1;
	v2 =	vld [tilespmem:s17+$0xFFFFFFF0];
	_ =	sdelay $0x1  }
0x1a9: {  	v7 =	vld [tilespmem:s17+$0xFFFFFFD0];
	v8 =	vmul.f32 $2.000000030e-01, v1  }
0x1aa: {  	s8 =	simm.s32 $0x2CE0;
	v9 =	vld [tilespmem:s17+$0x10];
	v4 =	vadd.f32 v5, v4  }
0x1ab: {  	s22 =	simm.s32 $0xCF90;
	s20 =	simm.s32 $0x8BC0;
	v0 =	vadd.f32 v0, v6;
	v1 =	vmax.f32 v1, v8;
	v8 =	vld [tilespmem:s8+$0x90];
	v3 =	vpop (erf)  }
0x1ac: {  	v6 =	vmul.f32 $2.000000030e-01, v4;
	v1 =	vsub.f32 v1, v2;
	v2 =	vld [tilespmem:s20+$0x20];
	[tilespmem:s22+$0x80] =	vst v3  }
0x1ad: {  	v10 =	vmul.f32 $2.000000030e-01, v0;
	v5 =	vld [tilespmem:s7+$0x50]  }
0x1ae: {  	v4 =	vmax.f32 v4, v6  }
0x1af: {  	v1 =	vmul.f32 $1.442695020e+00, v1;
	v4 =	vsub.f32 v4, v9;
	v0 =	vmax.f32 v0, v10  }
0x1b0: {  	v0 =	vsub.f32 v0, v7  }
0x1b1: {  	v4 =	vmul.f32 $1.442695020e+00, v4;
	(erf) = vpow2.f32 v1  }
0x1b2: {  	v2 =	vadd.f32 v2, v8;
	v0 =	vmul.f32 $1.442695020e+00, v0;
	v1 =	vmul.f32 v3, v5;
	v5 =	vld [tilespmem:s20+$0x30]  }
0x1b3: {  	(erf) = vpow2.f32 v4  }
0x1b4: {  	(erf) = vpow2.f32 v0;
	v0 =	vmul.f32 $2.000000030e-01, v2;
	[tilespmem:s22+$0x48] =	vst v1  }
0x1b5: {  	v1 =	vld [tilespmem:s7+$0x60]  }
0x1b6: {  	v0 =	vmax.f32 v2, v0  }
0x1b7: {  	v0 =	vsub.f32 v0, v5  }
0x1b8: {  	v9 =	vld [tilespmem:s8+$0x40]  }
0x1b9: {  	v10 =	vld [tilespmem:s20+$0x0];
	v0 =	vmul.f32 $1.442695020e+00, v0  }
0x1ba: {  	v4 =	vld [tilespmem:s8+$0xFFFFFFF0];
	v1 =	vmul.f32 v3, v1  }
0x1bb: {  	v2 =	vld [tilespmem:s20+$0xFFFFFFC0];
	v7 =	vpop (erf);
	(erf) = vpow2.f32 v0  }
0x1bc: {  	v5 =	vld [tilespmem:s20+$0xFFFFFFE0];
	v6 =	vpop (erf);
	[tilespmem:s22+$0x58] =	vst v1  }
0x1bd: {  	v8 =	vpop (erf);
	v1 =	vld [tilespmem:s7+$0x70]  }
0x1be: {  	[tilespmem:s22+$0xFFFFFFA8] =	vst v8;
	v0 =	vld [tilespmem:s8+$0xFFFFFFA0]  }
0x1bf: {  	v12 =	vld [tilespmem:s7+$0xFFFFFF60]  }
0x1c0: {  	v13 =	vld [tilespmem:s20+$0xFFFFFFF0];
	[tilespmem:s22+$0xFFFFFFF0] =	vst v7  }
0x1c1: {  	v14 =	vld [tilespmem:s7+$0xFFFFFFB0];
	v4 =	vadd.f32 v5, v4  }
0x1c2: {  	v10 =	vadd.f32 v10, v9;
	v5 =	vld [tilespmem:s20+$0x10];
	v1 =	vmul.f32 v1, v3  }
0x1c3: {  	s21 =	simm.s32 $0x8C40;
	v11 =	vld [tilespmem:s20+$0xFFFFFFD0];
	[tilespmem:s22+$0x38] =	vst v6;
	v15 =	vmul.f32 $2.000000030e-01, v4;
	v0 =	vadd.f32 v2, v0  }
0x1c4: {  	s11 =	simm.s32 $0xD0B0;
	v17 =	vld [tilespmem:s21+$0x0];
	v16 =	vmul.f32 $2.000000030e-01, v10;
	v12 =	vmul.f32 v8, v12;
	[tilespmem:s22+$0x68] =	vst v1;
	v9 =	vpop (erf)  }
0x1c5: {  	v2 =	vld [tilespmem:s7+$0x0];
	v1 =	vmax.f32 v4, v15;
	v4 =	vmul.f32 $2.000000030e-01, v0;
	[tilespmem:s11+$0x80] =	vst v9  }
0x1c6: {  	s12 =	simm.s32 $0x2E20;
	v10 =	vmax.f32 v10, v16;
	[tilespmem:s22+$0xFFFFFF70] =	vst v12;
	v1 =	vsub.f32 v1, v13;
	v12 =	vld [tilespmem:s8+$0x50]  }
0x1c7: {  	v43 =	vld [tilespmem:s12+$0xFFFFFFA0];
	v0 =	vmax.f32 v0, v4;
	v4 =	vsub.f32 v10, v5;
	v5 =	vmul.f32 v7, v14  }
0x1c8: {  	v0 =	vsub.f32 v0, v11;
	v11 =	vld [tilespmem:s12+$0x90]  }
0x1c9: {  	v1 =	vmul.f32 $1.442695020e+00, v1;
	[tilespmem:s22+$0xFFFFFFB8] =	vst v5;
	v5 =	vld [tilespmem:s21+$0x20]  }
0x1ca: {  	v45 =	vld [tilespmem:s21+$0xFFFFFFD0];
	v2 =	vmul.f32 v6, v2;
	v4 =	vmul.f32 $1.442695020e+00, v4  }
0x1cb: {  	s29 =	simm.s32 $0x2F60;
	v46 =	vld [tilespmem:s21+$0xFFFFFFF0];
	(erf) = vpow2.f32 v1;
	v1 =	vmul.f32 v9, v12  }
0x1cc: {  	v53 =	vld [tilespmem:s29+$0xFFFFFFF0];
	[tilespmem:s22+$0x0] =	vst v2;
	v0 =	vmul.f32 $1.442695020e+00, v0  }
0x1cd: {  	v2 =	vld [tilespmem:s21+$0x30];
	(erf) = vpow2.f32 v4;
	[tilespmem:s11+$0x48] =	vst v1  }
0x1ce: {  	(erf) = vpow2.f32 v0;
	v0 =	vadd.f32 v5, v11;
	v1 =	vld [tilespmem:s8+$0x60]  }
0x1cf: {  	v16 =	vld [tilespmem:s12+$0x40]  }
0x1d0: {  	v10 =	vld [tilespmem:s7+$0xFFFFFF70];
	v14 =	vmul.f32 $2.000000030e-01, v0  }
0x1d1: {  	v13 =	vld [tilespmem:s7+$0xFFFFFFC0]  }
0x1d2: {  	v4 =	vld [tilespmem:s7+$0x10];
	v14 =	vmax.f32 v0, v14  }
0x1d3: {  	v5 =	vld [tilespmem:s12+$0xFFFFFFF0];
	v14 =	vsub.f32 v14, v2;
	v44 =	vmul.f32 v9, v1  }
0x1d4: {  	v11 =	vld [tilespmem:s21+$0xFFFFFFE0]  }
0x1d5: {  	v12 =	vld [tilespmem:s21+$0xFFFFFFC0];
	v0 =	vpop (erf);
	v14 =	vmul.f32 $1.442695020e+00, v14;
	[tilespmem:s11+$0x58] =	vst v44  }
0x1d6: {  	v10 =	vmul.f32 v8, v10;
	v1 =	vpop (erf);
	v19 =	vld [tilespmem:s8+$0x70]  }
0x1d7: {  	v25 =	vld [tilespmem:s29+$0xFFFFFFA0];
	s17 =	simm.s32 $0x8CC0;
	v13 =	vmul.f32 v7, v13;
	v2 =	vpop (erf);
	(erf) = vpow2.f32 v14  }
0x1d8: {  	v54 =	vld [tilespmem:s17+$0x30];
	[tilespmem:s22+$0xFFFFFF80] =	vst v10  }
0x1d9: {  	v15 =	vld [tilespmem:s7+$0x80];
	v4 =	vmul.f32 v6, v4;
	[tilespmem:s22+$0xFFFFFFC8] =	vst v13;
	v5 =	vadd.f32 v11, v5  }
0x1da: {  	v10 =	vld [tilespmem:s21+$0x10];
	v12 =	vadd.f32 v12, v43;
	[tilespmem:s11+$0xFFFFFFF0] =	vst v0  }
0x1db: {  	[tilespmem:s22+$0x10] =	vst v4;
	v4 =	vadd.f32 v17, v16;
	v47 =	vmul.f32 $2.000000030e-01, v5;
	v14 =	vld [tilespmem:s8+$0xFFFFFFB0];
	v13 =	vmul.f32 v19, v9  }
0x1dc: {  	v26 =	vld [tilespmem:s17+$0xFFFFFFD0];
	[tilespmem:s11+$0xFFFFFFA8] =	vst v2  }
0x1dd: {  	v55 =	vld [tilespmem:s17+$0xFFFFFFF0];
	v50 =	vmul.f32 $2.000000030e-01, v12;
	v5 =	vmax.f32 v5, v47;
	[tilespmem:s11+$0x68] =	vst v13;
	v13 =	vmul.f32 $2.000000030e-01, v4  }
0x1de: {  	v22 =	vld [tilespmem:s8+$0xFFFFFF60];
	v5 =	vsub.f32 v5, v46  }
0x1df: {  	v3 =	vmul.f32 v15, v3;
	v15 =	vld [tilespmem:s29+$0x40];
	[tilespmem:s11+$0x38] =	vst v1;
	v12 =	vmax.f32 v12, v50;
	v4 =	vmax.f32 v4, v13  }
0x1e0: {  	s28 =	simm.s32 $0xD1D0;
	v23 =	vld [tilespmem:s8+$0x0];
	v5 =	vmul.f32 $1.442695020e+00, v5;
	v14 =	vmul.f32 v0, v14;
	v52 =	vpop (erf);
	v4 =	vsub.f32 v4, v10  }
0x1e1: {  	v11 =	vld [tilespmem:s7+$0xFFFFFF80];
	v12 =	vsub.f32 v12, v45;
	[tilespmem:s28+$0x80] =	vst v52  }
0x1e2: {  	(erf) = vpow2.f32 v5;
	[tilespmem:s11+$0xFFFFFFB8] =	vst v14;
	v14 =	vld [tilespmem:s12+$0x50];
	v4 =	vmul.f32 $1.442695020e+00, v4  }
0x1e3: {  	v17 =	vmul.f32 v2, v22;
	v5 =	vmul.f32 $1.442695020e+00, v12;
	v12 =	vld [tilespmem:s29+$0x90]  }
0x1e4: {  	(erf) = vpow2.f32 v4;
	v4 =	vld [tilespmem:s17+$0x20]  }
0x1e5: {  	v16 =	vld [tilespmem:s7+$0xFFFFFFD0];
	[tilespmem:s11+$0xFFFFFF70] =	vst v17;
	v17 =	vmul.f32 v1, v23  }
0x1e6: {  	v51 =	vld [tilespmem:s8+$0xFFFFFF70]  }
0x1e7: {  	v49 =	vld [tilespmem:s8+$0x80];
	[tilespmem:s11+$0x0] =	vst v17;
	(erf) = vpow2.f32 v5;
	v5 =	vmul.f32 v52, v14  }
0x1e8: {  	v10 =	vld [tilespmem:s8+$0x10]  }
0x1e9: {  	v11 =	vmul.f32 v11, v8;
	v14 =	vld [tilespmem:s17+$0xFFFFFFE0];
	[tilespmem:s28+$0x48] =	vst v5;
	v5 =	vadd.f32 v4, v12  }
0x1ea: {  	[tilespmem:s22+$0x78] =	vst v3;
	v12 =	vld [tilespmem:s12+$0x60]  }
0x1eb: {  	[tilespmem:s22+$0xFFFFFF90] =	vst v11;
	v13 =	vld [tilespmem:s8+$0xFFFFFFC0];
	v23 =	vmul.f32 v2, v51;
	v3 =	vpop (erf);
	v24 =	vmul.f32 $2.000000030e-01, v5  }
0x1ec: {  	v9 =	vmul.f32 v49, v9;
	[tilespmem:s28+$0xFFFFFFF0] =	vst v3;
	v4 =	vmul.f32 v16, v7;
	v16 =	vld [tilespmem:s17+$0x0]  }
0x1ed: {  	v17 =	vld [tilespmem:s17+$0xFFFFFFC0];
	v10 =	vmul.f32 v1, v10;
	[tilespmem:s11+$0xFFFFFF80] =	vst v23;
	v24 =	vmax.f32 v5, v24  }
0x1ee: {  	v48 =	vld [tilespmem:s7+$0x20];
	[tilespmem:s11+$0x78] =	vst v9;
	v14 =	vadd.f32 v14, v53;
	v20 =	vsub.f32 v24, v54  }
0x1ef: {  	v11 =	vld [tilespmem:s7+$0xFFFFFF90];
	[tilespmem:s11+$0x10] =	vst v10;
	v12 =	vmul.f32 v52, v12  }
0x1f0: {  	v56 =	vld [tilespmem:s17+$0x10];
	[tilespmem:s22+$0xFFFFFFD8] =	vst v4;
	v4 =	vpop (erf);
	v58 =	vmul.f32 $2.000000030e-01, v14;
	v20 =	vmul.f32 $1.442695020e+00, v20  }
0x1f1: {  	v13 =	vmul.f32 v0, v13;
	v60 =	vld [tilespmem:s8+$0xFFFFFF80];
	v5 =	vpop (erf);
	v15 =	vadd.f32 v16, v15;
	[tilespmem:s28+$0x58] =	vst v12  }
0x1f2: {  	v17 =	vadd.f32 v17, v25;
	[tilespmem:s28+$0xFFFFFFA8] =	vst v5;
	v10 =	vmax.f32 v14, v58;
	v57 =	vld [tilespmem:s12+$0x70];
	(erf) = vpow2.f32 v20  }
0x1f3: {  	v18 =	vmul.f32 v48, v6;
	[tilespmem:s11+$0xFFFFFFC8] =	vst v13;
	v12 =	vld [tilespmem:s12+$0xFFFFFF60];
	v13 =	vmul.f32 $2.000000030e-01, v15;
	v9 =	vsub.f32 v10, v55  }
0x1f4: {  	v8 =	vmul.f32 v11, v8;
	v11 =	vmul.f32 $2.000000030e-01, v17;
	[tilespmem:s28+$0x38] =	vst v4;
	v16 =	vld [tilespmem:s12+$0xFFFFFFB0]  }
0x1f5: {  	[tilespmem:s22+$0x20] =	vst v18;
	v59 =	vld [tilespmem:s12+$0x0];
	v10 =	vmax.f32 v15, v13;
	v9 =	vmul.f32 $1.442695020e+00, v9  }
0x1f6: {  	[tilespmem:s22+$0xFFFFFFA0] =	vst v8;
	v8 =	vmax.f32 v17, v11;
	v17 =	vld [tilespmem:s7+$0x30];
	v10 =	vsub.f32 v10, v56  }
0x1f7: {  	v8 =	vsub.f32 v8, v26;
	v14 =	vld [tilespmem:s8+$0xFFFFFFD0];
	(erf) = vpow2.f32 v9;
	v13 =	vmul.f32 v57, v52  }
0x1f8: {  	v15 =	vld [tilespmem:s8+$0x20];
	v11 =	vmul.f32 v5, v12;
	v10 =	vmul.f32 $1.442695020e+00, v10  }
0x1f9: {  	v62 =	vmul.f32 $1.442695020e+00, v8;
	v16 =	vmul.f32 v3, v16;
	v12 =	vld [tilespmem:s7+$0xFFFFFFE0];
	[tilespmem:s28+$0x68] =	vst v13  }
0x1fa: {  	[tilespmem:s28+$0xFFFFFF70] =	vst v11;
	(erf) = vpow2.f32 v10;
	v13 =	vmul.f32 v4, v59;
	v61 =	vld [tilespmem:s12+$0x80]  }
0x1fb: {  	[tilespmem:s28+$0xFFFFFFB8] =	vst v16;
	v11 =	vld [tilespmem:s12+$0xFFFFFF70];
	v8 =	vpop (erf);
	(erf) = vpow2.f32 v62  }
0x1fc: {  	v16 =	vmul.f32 v60, v2;
	s7 =	simm.s32 $0xD2F0;
	v9 =	vld [tilespmem:s12+$0xFFFFFFC0];
	[tilespmem:s28+$0x0] =	vst v13  }
0x1fd: {  	v63 =	vmul.f32 v14, v0;
	v10 =	vld [tilespmem:s12+$0x10];
	[tilespmem:s7+$0x80] =	vst v8  }
0x1fe: {  	v6 =	vmul.f32 v17, v6;
	[tilespmem:s11+$0xFFFFFF90] =	vst v16;
	v13 =	vmul.f32 v15, v1;
	v14 =	vld [tilespmem:s29+$0x50]  }
0x1ff: {  	s20 =	simm.s32 $0xC;
	s21 =	simm.s32 $0x30A0;
	[tilespmem:s11+$0xFFFFFFD8] =	vst v63;
	v7 =	vmul.f32 v12, v7;
	v12 =	vld [tilespmem:s8+$0xFFFFFF90];
	v15 =	vmul.f32 v61, v52  }
.LBB2_5:
0x200: {  	v16 =	vld [tilespmem:s21+$0x90];
	s17 =	sadd.s32 $0x80, s17;
	v11 =	vmul.f32 v5, v11;
	[tilespmem:s11+$0x20] =	vst v13  }
0x201: {  	s20 =	sadd.s32 $0x4, s20;
	v13 =	vld [tilespmem:s17+$0x20];
	v17 =	vpop (erf);
	v9 =	vmul.f32 v3, v9;
	[tilespmem:s28+$0x78] =	vst v15  }
0x202: {  	p2 =	slt.u32 s20, $0x7C;
	v15 =	vld [tilespmem:s17+$0xFFFFFFC0];
	[tilespmem:s7+$0xFFFFFFF0] =	vst v17;
	v10 =	vmul.f32 v4, v10  }
0x203: {  	v18 =	vld [tilespmem:s21+$0xFFFFFFF0];
	v14 =	vmul.f32 v8, v14;
	v19 =	vpop (erf);
	[tilespmem:s28+$0xFFFFFF80] =	vst v11  }
0x204: {  	v11 =	vld [tilespmem:s17+$0xFFFFFFE0];
	[tilespmem:s7+$0x38] =	vst v19;
	v12 =	vmul.f32 v12, v2;
	v2 =	vmov v5;
	v5 =	vpop (erf)  }
0x205: {  	v20 =	vld [tilespmem:s17+$0x30];
	[tilespmem:s7+$0x48] =	vst v14  }
0x206: {  	v13 =	vadd.f32 v13, v16;
	[tilespmem:s7+$0xFFFFFFA8] =	vst v5;
	v14 =	vld [tilespmem:s29+$0x60]  }
0x207: {  	v16 =	vld [tilespmem:s21+$0x40];
	[tilespmem:s28+$0xFFFFFFC8] =	vst v9  }
0x208: {  	v9 =	vld [tilespmem:s17+$0x0];
	v21 =	vmul.f32 $2.000000030e-01, v13;
	[tilespmem:s28+$0x10] =	vst v10  }
0x209: {  	v10 =	vld [tilespmem:s21+$0xFFFFFFA0];
	v11 =	vadd.f32 v11, v18;
	[tilespmem:s11+$0xFFFFFFA0] =	vst v12  }
0x20a: {  	v12 =	vld [tilespmem:s17+$0xFFFFFFD0];
	v13 =	vmax.f32 v13, v21;
	[tilespmem:s22+$0xFFFFFFE8] =	vst v7  }
0x20b: {  	v7 =	vld [tilespmem:s17+$0xFFFFFFF0];
	v18 =	vmul.f32 $2.000000030e-01, v11;
	v13 =	vsub.f32 v13, v20;
	v14 =	vmul.f32 v8, v14;
	[tilespmem:s22+$0x30] =	vst v6;
	s22 =	smov.u32 s11;
	s11 =	smov.u32 s28;
	s28 =	smov.u32 s7  }
0x20c: {  	v6 =	vld [tilespmem:s17+$0x10]  }
0x20d: {  	v11 =	vmax.f32 v11, v18;
	v9 =	vadd.f32 v9, v16;
	v13 =	vmul.f32 $1.442695020e+00, v13;
	v16 =	vld [tilespmem:s29+$0xFFFFFF60];
	[tilespmem:s7+$0x58] =	vst v14  }
0x20e: {  	v10 =	vadd.f32 v15, v10;
	v14 =	vld [tilespmem:s29+$0x70]  }
0x20f: {  	v15 =	vmul.f32 $2.000000030e-01, v9;
	(erf) = vpow2.f32 v13;
	v13 =	vld [tilespmem:s29+$0xFFFFFFB0]  }
0x210: {  	v18 =	vmul.f32 $2.000000030e-01, v10;
	v7 =	vsub.f32 v11, v7;
	v11 =	vld [tilespmem:s29+$0x0]  }
0x211: {  	v9 =	vmax.f32 v9, v15;
	v15 =	vld [tilespmem:s12+$0xFFFFFF80]  }
0x212: {  	v10 =	vmax.f32 v10, v18;
	v7 =	vmul.f32 $1.442695020e+00, v7;
	v6 =	vsub.f32 v9, v6;
	v18 =	vld [tilespmem:s12+$0xFFFFFFD0]  }
0x213: {  	v9 =	vsub.f32 v10, v12;
	v10 =	vmul.f32 v5, v16;
	v12 =	vmul.f32 v14, v8;
	v14 =	vld [tilespmem:s12+$0x20]  }
0x214: {  	v6 =	vmul.f32 $1.442695020e+00, v6;
	(erf) = vpow2.f32 v7;
	v7 =	vld [tilespmem:s8+$0xFFFFFFE0]  }
0x215: {  	v13 =	vmul.f32 v17, v13;
	v9 =	vmul.f32 $1.442695020e+00, v9;
	[tilespmem:s7+$0x68] =	vst v12;
	v12 =	vld [tilespmem:s8+$0x30];
	s8 =	smov.u32 s12;
	s12 =	smov.u32 s29;
	s29 =	smov.u32 s21  }
0x216: {  	(erf) = vpow2.f32 v6;
	[tilespmem:s7+$0xFFFFFF70] =	vst v10;
	v6 =	vmul.f32 v19, v11;
	v16 =	vld [tilespmem:s12+$0x80]  }
.Ltmp3:
0x217: {  	v15 =	vmul.f32 v15, v2;
	(erf) = vpow2.f32 v9;
	v11 =	vld [tilespmem:s12+$0xFFFFFF70];
	[tilespmem:s7+$0xFFFFFFB8] =	vst v13;
	(pc) =	sbr.rel @p2 .LBB2_5-.Ltmp3, $4  }
0x218: {  	s7 =	sadd.s32 $0x120, s7;
	v18 =	vmul.f32 v18, v3;
	v20 =	vpop (erf);
	v9 =	vld [tilespmem:s12+$0xFFFFFFC0];
	[tilespmem:s28+$0x0] =	vst v6;
	v13 =	vmul.f32 v14, v4  }
0x219: {  	[tilespmem:s7+$0x80] =	vst v20;
	v10 =	vld [tilespmem:s12+$0x10];
	v7 =	vmul.f32 v7, v0;
	v0 =	vmov v3;
	v3 =	vmov v17  }
0x21a: {  	v14 =	vld [tilespmem:s21+$0x50];
	[tilespmem:s11+$0xFFFFFF90] =	vst v15;
	v6 =	vmul.f32 v12, v1;
	v1 =	vmov v4;
	v4 =	vmov v19  }
0x21b: {  	s21 =	sadd.s32 $0x140, s21;
	v15 =	vmul.f32 v16, v8;
	v12 =	vld [tilespmem:s8+$0xFFFFFF90];
	[tilespmem:s11+$0xFFFFFFD8] =	vst v18;
	v8 =	vmov v20  }
0x21c: {  	_ =	sdelay $0x1  }
0x21d: {  	v16 =	vpop (erf)  }
0x21e: {  	v17 =	vpop (erf)  }
0x21f: {  	v14 =	vmul.f32 v8, v14;
	v18 =	vpop (erf)  }
0x220: {  	[tilespmem:s7+$0xFFFFFFA8] =	vst v18  }
0x221: {  	[tilespmem:s7+$0x48] =	vst v14;
	v19 =	vld [tilespmem:s29+$0xFFFFFF60]  }
0x222: {  	v14 =	vld [tilespmem:s29+$0x60]  }
0x223: {  	[tilespmem:s7+$0xFFFFFFF0] =	vst v16  }
0x224: {  	v20 =	vld [tilespmem:s29+$0xFFFFFFB0];
	[tilespmem:s7+$0x38] =	vst v17  }
0x225: {  	[tilespmem:s11+$0x20] =	vst v13;
	v11 =	vmul.f32 v5, v11;
	v21 =	vld [tilespmem:s29+$0x0]  }
0x226: {  	[tilespmem:s22+$0xFFFFFFE8] =	vst v7;
	v13 =	vmul.f32 v18, v19  }
0x227: {  	[tilespmem:s28+$0xFFFFFF80] =	vst v11;
	v14 =	vmul.f32 v8, v14  }
0x228: {  	[tilespmem:s7+$0xFFFFFF70] =	vst v13  }
0x229: {  	v11 =	vmul.f32 v16, v20;
	[tilespmem:s7+$0x58] =	vst v14;
	v13 =	vld [tilespmem:s29+$0xFFFFFF70]  }
0x22a: {  	[tilespmem:s28+$0x78] =	vst v15;
	v14 =	vmul.f32 v17, v21;
	v15 =	vld [tilespmem:s29+$0x70]  }
0x22b: {  	v9 =	vmul.f32 v3, v9;
	[tilespmem:s7+$0xFFFFFFB8] =	vst v11  }
0x22c: {  	v10 =	vmul.f32 v4, v10;
	v11 =	vld [tilespmem:s29+$0xFFFFFFC0];
	[tilespmem:s7+$0x0] =	vst v14  }
0x22d: {  	[tilespmem:s28+$0xFFFFFFC8] =	vst v9;
	v2 =	vmul.f32 v12, v2;
	v9 =	vld [tilespmem:s29+$0x10]  }
0x22e: {  	[tilespmem:s28+$0x10] =	vst v10;
	v10 =	vld [tilespmem:s12+$0xFFFFFF80];
	v12 =	vmul.f32 v18, v13  }
0x22f: {  	[tilespmem:s11+$0xFFFFFFA0] =	vst v2;
	v13 =	vmul.f32 v15, v8  }
0x230: {  	v2 =	vld [tilespmem:s12+$0xFFFFFFD0];
	[tilespmem:s7+$0xFFFFFF80] =	vst v12  }
0x231: {  	v7 =	vmul.f32 v16, v11;
	[tilespmem:s7+$0x68] =	vst v13;
	v11 =	vld [tilespmem:s29+$0xFFFFFF80]  }
0x232: {  	v9 =	vmul.f32 v17, v9;
	v13 =	vld [tilespmem:s29+$0x80]  }
0x233: {  	v10 =	vmul.f32 v10, v5;
	[tilespmem:s7+$0xFFFFFFC8] =	vst v7;
	v12 =	vld [tilespmem:s12+$0x20]  }
0x234: {  	v7 =	vld [tilespmem:s29+$0xFFFFFFD0];
	[tilespmem:s7+$0x10] =	vst v9  }
0x235: {  	v2 =	vmul.f32 v2, v3;
	[tilespmem:s28+$0xFFFFFF90] =	vst v10;
	v9 =	vld [tilespmem:s29+$0x20]  }
0x236: {  	[tilespmem:s22+$0x30] =	vst v6;
	v6 =	vld [tilespmem:s12+$0xFFFFFF90];
	v10 =	vmul.f32 v11, v18  }
0x237: {  	[tilespmem:s28+$0xFFFFFFD8] =	vst v2;
	v2 =	vld [tilespmem:s8+$0x30];
	v8 =	vmul.f32 v13, v8  }
0x238: {  	v12 =	vmul.f32 v12, v4;
	v11 =	vld [tilespmem:s8+$0xFFFFFFE0];
	[tilespmem:s7+$0xFFFFFF90] =	vst v10  }
0x239: {  	v7 =	vmul.f32 v7, v16;
	[tilespmem:s7+$0x78] =	vst v8;
	v8 =	vld [tilespmem:s12+$0xFFFFFFE0]  }
0x23a: {  	[tilespmem:s28+$0x20] =	vst v12;
	v9 =	vmul.f32 v9, v17;
	v10 =	vld [tilespmem:s29+$0xFFFFFF90]  }
0x23b: {  	v5 =	vmul.f32 v6, v5;
	[tilespmem:s7+$0xFFFFFFD8] =	vst v7;
	v6 =	vld [tilespmem:s12+$0x30]  }
0x23c: {  	v1 =	vmul.f32 v2, v1;
	v7 =	vld [tilespmem:s29+$0xFFFFFFE0];
	[tilespmem:s7+$0x20] =	vst v9  }
0x23d: {  	[tilespmem:s28+$0xFFFFFFA0] =	vst v5;
	v0 =	vmul.f32 v11, v0;
	v2 =	vld [tilespmem:s29+$0x30]  }
0x23e: {  	[tilespmem:s11+$0x30] =	vst v1;
	v1 =	vmul.f32 v8, v3  }
0x23f: {  	[tilespmem:s11+$0xFFFFFFE8] =	vst v0;
	v0 =	vmul.f32 v10, v18  }
0x240: {  	v3 =	vmul.f32 v6, v4;
	[tilespmem:s28+$0xFFFFFFE8] =	vst v1  }
0x241: {  	[tilespmem:s7+$0xFFFFFFA0] =	vst v0;
	v0 =	vmul.f32 v7, v16  }
0x242: {  	[tilespmem:s28+$0x30] =	vst v3;
	v1 =	vmul.f32 v2, v17  }
0x243: {  	[tilespmem:s7+$0xFFFFFFE8] =	vst v0  }
0x244: {  	[tilespmem:s7+$0x30] =	vst v1  }
0x245: {  	v0 =	vld [tilespmem:$0x200]  }
0x246: {  	v1 =	vld [tilespmem:$0x210]  }
0x247: {  	v2 =	vld [tilespmem:$0x220]  }
0x248: {  	v3 =	vld [tilespmem:$0x230]  }
0x249: {  	v4 =	vld [tilespmem:$0x240]  }
0x24a: {  	[tilespmem:$0x11780] =	vst v0;
	v0 =	vld [tilespmem:$0x250]  }
0x24b: {  	[tilespmem:$0x11790] =	vst v1;
	v1 =	vld [tilespmem:$0x260]  }
0x24c: {  	[tilespmem:$0x117A0] =	vst v2;
	v2 =	vld [tilespmem:$0x270]  }
0x24d: {  	[tilespmem:$0x117B0] =	vst v3  }
0x24e: {  	[tilespmem:$0x117C0] =	vst v4  }
0x24f: {  	s7 =	sadd.s32 @!p1 s24, s4;
	[tilespmem:$0x117D0] =	vst v0  }
0x250: {  	s7 =	sshll.u32 @!p1 s7, $0x4;
	[tilespmem:$0x117E0] =	vst v1  }
0x251: {  	s12 =	simm.s32 $0xCF00;
	s11 =	simm.s32 $0x11780;
	s7 =	sand.u32 @!p1 $0x1FFFFFF0, s7;
	[tilespmem:$0x117F0] =	vst v2  }
0x252: {  	[spmem:s2] =	stream.indirect.scatter.add.f32 [tilespmem:s12], [sflag:$0x8], $0x48, s11, s10, $0xb8;
	[tilespmem:$0x1E078] =	vst v63  }
0x253: {  	s8 =	sadd.s32 @!p1 s1, s7;
	s11 =	simm.s32 @!p1 $0x0;
	s12 =	simm.s32 @!p1 $0x80  }
0x254: {  	[tilespmem:s12], [sflag:$0xA] =	stream.linear.gather @!p1 [hbm4b:s8+s11], $0x80, $0x38;
	[tilespmem:$0x1E078] =	vst v63  }
0x255: {  	s8 =	simm.s32 @!p1 $0xA  }
0x256: {  	_ =	swait.ge @!p1 [sflag:s8], $0x80  }
0x257: {  	[sflag:s8] =	ssyncset.done @!p1 $0x0  }
0x258: {  	s17 =	simm.s32 @!p1 $0x2B00;
	[sflag:s8] =	ssyncadd.s32 @!p1 $0xFFFFFF80  }
0x259: {  	[tilespmem:s17], [sflag:$0x2] =	stream.indirect.gather @!p1 [hbm4b:s5+s12], $0x50, s12, s12, $0xb8;
	[tilespmem:$0x1E078] =	vst v63  }
0x25a: {  	s7 =	sadd.s32 @!p1 s15, s7;
	s17 =	simm.s32 @!p1 $0x200  }
0x25b: {  	[tilespmem:s17], [sflag:$0xA] =	stream.linear.gather @!p1 [hbm4b:s7+s11], $0x80, $0x38;
	[tilespmem:$0x1E078] =	vst v63  }
0x25c: {  	_ =	swait.ge @!p1 [sflag:s8], $0x80  }
0x25d: {  	[sflag:s8] =	ssyncset.done @!p1 $0x0  }
0x25e: {  	s7 =	simm.s32 @!p1 $0x8B00;
	[sflag:s8] =	ssyncadd.s32 @!p1 $0xFFFFFF80  }
0x25f: {  	[tilespmem:s7], [sflag:$0x5] =	stream.indirect.gather @!p1 [hbm4b:s14+s12], $0x20, s17, s12, $0xb8;
	[tilespmem:$0x1E078] =	vst v63  }
0x260: {  	_ =	swait.ge [sflag:s18], $0x2800  }
0x261: {  	[sflag:s18] =	ssyncset.done $0x0  }
0x262: {  	[sflag:s18] =	ssyncadd.s32 $0xFFFFD800  }
0x263: {  	_ =	swait.ge [sflag:s19], $0x1000  }
0x264: {  	[sflag:s19] =	ssyncset.done $0x0  }
0x265: {  	s7 =	simm.s32 @!p0 $0x9;
	[sflag:s19] =	ssyncadd.s32 $0xFFFFF000  }
0x266: {  	_ =	swait.ge @!p0 [sflag:s7], $0x2400  }
0x267: {  	[sflag:s7] =	ssyncset.done @!p0 $0x0  }
0x268: {  	[sflag:s7] =	ssyncadd.s32 @!p0 $0xFFFFDC00;
	s7 =	simm.s32 $0x53A0  }
0x269: {  	s17 =	simm.s32 $0x9B40;
	v0 =	vld [tilespmem:s7+$0x90]  }
0x26a: {  	v1 =	vld [tilespmem:s17+$0x20];
	_ =	sdelay $0x4  }
0x26b: {  	v2 =	vld [tilespmem:s17+$0x30];
	v0 =	vadd.f32 v1, v0;
	_ =	sdelay $0x1  }
0x26c: {  	v1 =	vmul.f32 $2.000000030e-01, v0;
	_ =	sdelay $0x1  }
0x26d: {  	v0 =	vmax.f32 v0, v1  }
0x26e: {  	v0 =	vsub.f32 v0, v2;
	_ =	sdelay $0x1  }
0x26f: {  	v0 =	vmul.f32 $1.442695020e+00, v0  }
0x270: {  	v1 =	vld [tilespmem:s7+$0xFFFFFFF0]  }
0x271: {  	v2 =	vld [tilespmem:s17+$0xFFFFFFE0];
	(erf) = vpow2.f32 v0  }
0x272: {  	v4 =	vld [tilespmem:s7+$0x40]  }
0x273: {  	v5 =	vld [tilespmem:s17+$0x0]  }
0x274: {  	v6 =	vld [tilespmem:s7+$0xFFFFFFA0]  }
0x275: {  	v0 =	vld [tilespmem:s17+$0xFFFFFFC0]  }
0x276: {  	v1 =	vadd.f32 v2, v1;
	v2 =	vld [tilespmem:s17+$0xFFFFFFF0];
	_ =	sdelay $0x1  }
0x277: {  	v7 =	vld [tilespmem:s17+$0xFFFFFFD0];
	v8 =	vmul.f32 $2.000000030e-01, v1  }
0x278: {  	s8 =	simm.s32 $0x54E0;
	v9 =	vld [tilespmem:s17+$0x10];
	v4 =	vadd.f32 v5, v4  }
0x279: {  	s22 =	simm.s32 $0xF390;
	s20 =	simm.s32 $0x9BC0;
	v0 =	vadd.f32 v0, v6;
	v1 =	vmax.f32 v1, v8;
	v8 =	vld [tilespmem:s8+$0x90];
	v3 =	vpop (erf)  }
0x27a: {  	v6 =	vmul.f32 $2.000000030e-01, v4;
	v1 =	vsub.f32 v1, v2;
	v2 =	vld [tilespmem:s20+$0x20];
	[tilespmem:s22+$0x80] =	vst v3  }
0x27b: {  	v10 =	vmul.f32 $2.000000030e-01, v0;
	v5 =	vld [tilespmem:s7+$0x50]  }
0x27c: {  	v4 =	vmax.f32 v4, v6  }
0x27d: {  	v1 =	vmul.f32 $1.442695020e+00, v1;
	v4 =	vsub.f32 v4, v9;
	v0 =	vmax.f32 v0, v10  }
0x27e: {  	v0 =	vsub.f32 v0, v7  }
0x27f: {  	v4 =	vmul.f32 $1.442695020e+00, v4;
	(erf) = vpow2.f32 v1  }
0x280: {  	v2 =	vadd.f32 v2, v8;
	v0 =	vmul.f32 $1.442695020e+00, v0;
	v1 =	vmul.f32 v3, v5;
	v5 =	vld [tilespmem:s20+$0x30]  }
0x281: {  	(erf) = vpow2.f32 v4  }
0x282: {  	(erf) = vpow2.f32 v0;
	v0 =	vmul.f32 $2.000000030e-01, v2;
	[tilespmem:s22+$0x48] =	vst v1  }
0x283: {  	v1 =	vld [tilespmem:s7+$0x60]  }
0x284: {  	v0 =	vmax.f32 v2, v0  }
0x285: {  	v9 =	vld [tilespmem:s8+$0x40];
	v0 =	vsub.f32 v0, v5  }
0x286: {  	v10 =	vld [tilespmem:s20+$0x0]  }
0x287: {  	v4 =	vld [tilespmem:s8+$0xFFFFFFF0];
	v0 =	vmul.f32 $1.442695020e+00, v0  }
0x288: {  	v2 =	vld [tilespmem:s20+$0xFFFFFFC0];
	v1 =	vmul.f32 v3, v1  }
0x289: {  	v7 =	vpop (erf);
	v5 =	vld [tilespmem:s20+$0xFFFFFFE0];
	(erf) = vpow2.f32 v0  }
0x28a: {  	v6 =	vpop (erf);
	v0 =	vld [tilespmem:s8+$0xFFFFFFA0];
	[tilespmem:s22+$0x58] =	vst v1  }
0x28b: {  	v8 =	vpop (erf);
	v1 =	vld [tilespmem:s7+$0x70]  }
0x28c: {  	v13 =	vld [tilespmem:s20+$0xFFFFFFF0];
	[tilespmem:s22+$0xFFFFFFA8] =	vst v8  }
0x28d: {  	[tilespmem:s22+$0xFFFFFFF0] =	vst v7;
	v12 =	vld [tilespmem:s7+$0xFFFFFF60]  }
0x28e: {  	v14 =	vld [tilespmem:s7+$0xFFFFFFB0];
	v4 =	vadd.f32 v5, v4  }
0x28f: {  	v10 =	vadd.f32 v10, v9;
	v5 =	vld [tilespmem:s20+$0x10]  }
0x290: {  	v11 =	vld [tilespmem:s20+$0xFFFFFFD0];
	v15 =	vmul.f32 $2.000000030e-01, v4;
	v0 =	vadd.f32 v2, v0;
	v1 =	vmul.f32 v1, v3  }
0x291: {  	v16 =	vmul.f32 $2.000000030e-01, v10;
	[tilespmem:s22+$0x38] =	vst v6  }
0x292: {  	s21 =	simm.s32 $0x9C40;
	s11 =	simm.s32 $0xF4B0;
	v2 =	vld [tilespmem:s7+$0x0];
	v12 =	vmul.f32 v8, v12;
	[tilespmem:s22+$0x68] =	vst v1;
	v9 =	vpop (erf);
	v1 =	vmax.f32 v4, v15;
	v4 =	vmul.f32 $2.000000030e-01, v0  }
0x293: {  	v17 =	vld [tilespmem:s21+$0x0];
	v10 =	vmax.f32 v10, v16;
	[tilespmem:s11+$0x80] =	vst v9;
	v1 =	vsub.f32 v1, v13  }
0x294: {  	s12 =	simm.s32 $0x5620;
	[tilespmem:s22+$0xFFFFFF70] =	vst v12;
	v12 =	vld [tilespmem:s8+$0x50];
	v0 =	vmax.f32 v0, v4;
	v4 =	vsub.f32 v10, v5;
	v5 =	vmul.f32 v7, v14  }
0x295: {  	v0 =	vsub.f32 v0, v11;
	v11 =	vld [tilespmem:s12+$0x90]  }
0x296: {  	v1 =	vmul.f32 $1.442695020e+00, v1;
	[tilespmem:s22+$0xFFFFFFB8] =	vst v5;
	v5 =	vld [tilespmem:s21+$0x20]  }
0x297: {  	v43 =	vld [tilespmem:s12+$0xFFFFFFA0];
	v2 =	vmul.f32 v6, v2  }
0x298: {  	v45 =	vld [tilespmem:s21+$0xFFFFFFD0];
	v4 =	vmul.f32 $1.442695020e+00, v4;
	(erf) = vpow2.f32 v1  }
0x299: {  	s29 =	simm.s32 $0x5760;
	v46 =	vld [tilespmem:s21+$0xFFFFFFF0];
	v0 =	vmul.f32 $1.442695020e+00, v0;
	v1 =	vmul.f32 v9, v12  }
0x29a: {  	v53 =	vld [tilespmem:s29+$0xFFFFFFF0];
	[tilespmem:s22+$0x0] =	vst v2;
	(erf) = vpow2.f32 v4  }
0x29b: {  	v2 =	vld [tilespmem:s21+$0x30];
	(erf) = vpow2.f32 v0;
	[tilespmem:s11+$0x48] =	vst v1;
	v0 =	vadd.f32 v5, v11  }
0x29c: {  	v1 =	vld [tilespmem:s8+$0x60]  }
0x29d: {  	v25 =	vld [tilespmem:s29+$0xFFFFFFA0];
	v14 =	vmul.f32 $2.000000030e-01, v0  }
0x29e: {  	v10 =	vld [tilespmem:s7+$0xFFFFFF70]  }
0x29f: {  	v13 =	vld [tilespmem:s7+$0xFFFFFFC0];
	v14 =	vmax.f32 v0, v14  }
0x2a0: {  	v4 =	vld [tilespmem:s7+$0x10];
	v14 =	vsub.f32 v14, v2  }
0x2a1: {  	v5 =	vld [tilespmem:s12+$0xFFFFFFF0];
	v44 =	vmul.f32 v9, v1  }
0x2a2: {  	v11 =	vld [tilespmem:s21+$0xFFFFFFE0];
	v0 =	vpop (erf);
	v14 =	vmul.f32 $1.442695020e+00, v14  }
0x2a3: {  	v16 =	vld [tilespmem:s12+$0x40];
	v1 =	vpop (erf);
	[tilespmem:s11+$0x58] =	vst v44  }
0x2a4: {  	v10 =	vmul.f32 v8, v10;
	v2 =	vpop (erf);
	v19 =	vld [tilespmem:s8+$0x70];
	(erf) = vpow2.f32 v14  }
0x2a5: {  	s17 =	simm.s32 $0x9CC0;
	v12 =	vld [tilespmem:s21+$0xFFFFFFC0]  }
0x2a6: {  	v54 =	vld [tilespmem:s17+$0x30];
	[tilespmem:s22+$0xFFFFFF80] =	vst v10;
	v13 =	vmul.f32 v7, v13  }
0x2a7: {  	v15 =	vld [tilespmem:s7+$0x80];
	v4 =	vmul.f32 v6, v4;
	v5 =	vadd.f32 v11, v5;
	[tilespmem:s11+$0xFFFFFFF0] =	vst v0  }
0x2a8: {  	[tilespmem:s22+$0xFFFFFFC8] =	vst v13;
	v14 =	vld [tilespmem:s8+$0xFFFFFFB0]  }
0x2a9: {  	v10 =	vld [tilespmem:s21+$0x10];
	[tilespmem:s22+$0x10] =	vst v4;
	v4 =	vadd.f32 v17, v16;
	v47 =	vmul.f32 $2.000000030e-01, v5;
	v13 =	vmul.f32 v19, v9  }
0x2aa: {  	v26 =	vld [tilespmem:s17+$0xFFFFFFD0];
	v12 =	vadd.f32 v12, v43;
	[tilespmem:s11+$0xFFFFFFA8] =	vst v2  }
0x2ab: {  	v55 =	vld [tilespmem:s17+$0xFFFFFFF0];
	v5 =	vmax.f32 v5, v47;
	[tilespmem:s11+$0x68] =	vst v13;
	v13 =	vmul.f32 $2.000000030e-01, v4  }
0x2ac: {  	v50 =	vmul.f32 $2.000000030e-01, v12;
	v22 =	vld [tilespmem:s8+$0xFFFFFF60];
	v5 =	vsub.f32 v5, v46  }
0x2ad: {  	s28 =	simm.s32 $0xF5D0;
	v3 =	vmul.f32 v15, v3;
	v15 =	vld [tilespmem:s29+$0x40];
	[tilespmem:s11+$0x38] =	vst v1;
	v14 =	vmul.f32 v0, v14;
	v4 =	vmax.f32 v4, v13;
	v52 =	vpop (erf)  }
0x2ae: {  	v11 =	vld [tilespmem:s7+$0xFFFFFF80];
	v12 =	vmax.f32 v12, v50;
	v5 =	vmul.f32 $1.442695020e+00, v5;
	v4 =	vsub.f32 v4, v10;
	[tilespmem:s28+$0x80] =	vst v52  }
0x2af: {  	v12 =	vsub.f32 v12, v45;
	[tilespmem:s11+$0xFFFFFFB8] =	vst v14;
	v14 =	vld [tilespmem:s12+$0x50]  }
0x2b0: {  	v23 =	vld [tilespmem:s8+$0x0];
	(erf) = vpow2.f32 v5;
	v4 =	vmul.f32 $1.442695020e+00, v4  }
0x2b1: {  	v17 =	vmul.f32 v2, v22;
	v5 =	vmul.f32 $1.442695020e+00, v12;
	v12 =	vld [tilespmem:s29+$0x90]  }
0x2b2: {  	(erf) = vpow2.f32 v4;
	v4 =	vld [tilespmem:s17+$0x20]  }
0x2b3: {  	v16 =	vld [tilespmem:s7+$0xFFFFFFD0];
	[tilespmem:s11+$0xFFFFFF70] =	vst v17  }
0x2b4: {  	v51 =	vld [tilespmem:s8+$0xFFFFFF70];
	(erf) = vpow2.f32 v5;
	v5 =	vmul.f32 v52, v14  }
0x2b5: {  	v17 =	vmul.f32 v1, v23;
	v49 =	vld [tilespmem:s8+$0x80]  }
0x2b6: {  	v14 =	vld [tilespmem:s17+$0xFFFFFFE0];
	[tilespmem:s28+$0x48] =	vst v5  }
0x2b7: {  	v11 =	vmul.f32 v11, v8;
	[tilespmem:s11+$0x0] =	vst v17;
	v5 =	vadd.f32 v4, v12;
	v12 =	vld [tilespmem:s12+$0x60]  }
0x2b8: {  	[tilespmem:s22+$0x78] =	vst v3;
	v10 =	vld [tilespmem:s8+$0x10]  }
0x2b9: {  	[tilespmem:s22+$0xFFFFFF90] =	vst v11;
	v13 =	vld [tilespmem:s8+$0xFFFFFFC0];
	v23 =	vmul.f32 v2, v51;
	v3 =	vpop (erf);
	v24 =	vmul.f32 $2.000000030e-01, v5  }
0x2ba: {  	v9 =	vmul.f32 v49, v9;
	[tilespmem:s28+$0xFFFFFFF0] =	vst v3;
	v4 =	vmul.f32 v16, v7;
	v16 =	vld [tilespmem:s17+$0x0]  }
0x2bb: {  	v17 =	vld [tilespmem:s17+$0xFFFFFFC0];
	[tilespmem:s11+$0xFFFFFF80] =	vst v23;
	v24 =	vmax.f32 v5, v24  }
0x2bc: {  	v48 =	vld [tilespmem:s7+$0x20];
	[tilespmem:s11+$0x78] =	vst v9;
	v14 =	vadd.f32 v14, v53;
	v20 =	vsub.f32 v24, v54;
	v12 =	vmul.f32 v52, v12  }
0x2bd: {  	v11 =	vld [tilespmem:s7+$0xFFFFFF90];
	v10 =	vmul.f32 v1, v10;
	[tilespmem:s22+$0xFFFFFFD8] =	vst v4  }
0x2be: {  	v56 =	vld [tilespmem:s17+$0x10];
	v4 =	vpop (erf);
	v58 =	vmul.f32 $2.000000030e-01, v14;
	v20 =	vmul.f32 $1.442695020e+00, v20;
	[tilespmem:s28+$0x58] =	vst v12  }
0x2bf: {  	v13 =	vmul.f32 v0, v13;
	[tilespmem:s11+$0x10] =	vst v10;
	v5 =	vpop (erf);
	v15 =	vadd.f32 v16, v15;
	v57 =	vld [tilespmem:s12+$0x70]  }
0x2c0: {  	v17 =	vadd.f32 v17, v25;
	v60 =	vld [tilespmem:s8+$0xFFFFFF80];
	[tilespmem:s28+$0xFFFFFFA8] =	vst v5;
	v10 =	vmax.f32 v14, v58;
	(erf) = vpow2.f32 v20  }
0x2c1: {  	v18 =	vmul.f32 v48, v6;
	[tilespmem:s11+$0xFFFFFFC8] =	vst v13;
	v12 =	vld [tilespmem:s12+$0xFFFFFF60];
	v13 =	vmul.f32 $2.000000030e-01, v15;
	v9 =	vsub.f32 v10, v55  }
0x2c2: {  	v8 =	vmul.f32 v11, v8;
	v11 =	vmul.f32 $2.000000030e-01, v17;
	[tilespmem:s28+$0x38] =	vst v4;
	v16 =	vld [tilespmem:s12+$0xFFFFFFB0]  }
0x2c3: {  	[tilespmem:s22+$0x20] =	vst v18;
	v59 =	vld [tilespmem:s12+$0x0];
	v10 =	vmax.f32 v15, v13;
	v9 =	vmul.f32 $1.442695020e+00, v9  }
0x2c4: {  	[tilespmem:s22+$0xFFFFFFA0] =	vst v8;
	v8 =	vmax.f32 v17, v11;
	v17 =	vld [tilespmem:s7+$0x30];
	v10 =	vsub.f32 v10, v56;
	v13 =	vmul.f32 v57, v52  }
0x2c5: {  	v8 =	vsub.f32 v8, v26;
	v14 =	vld [tilespmem:s8+$0xFFFFFFD0];
	(erf) = vpow2.f32 v9  }
0x2c6: {  	v15 =	vld [tilespmem:s8+$0x20];
	v11 =	vmul.f32 v5, v12;
	[tilespmem:s28+$0x68] =	vst v13;
	v13 =	vmul.f32 $1.442695020e+00, v10  }
0x2c7: {  	v62 =	vmul.f32 $1.442695020e+00, v8;
	v16 =	vmul.f32 v3, v16;
	v12 =	vld [tilespmem:s7+$0xFFFFFFE0]  }
0x2c8: {  	[tilespmem:s28+$0xFFFFFF70] =	vst v11;
	v11 =	vmul.f32 v4, v59;
	v61 =	vld [tilespmem:s12+$0x80];
	(erf) = vpow2.f32 v13  }
0x2c9: {  	[tilespmem:s28+$0xFFFFFFB8] =	vst v16;
	v10 =	vld [tilespmem:s12+$0xFFFFFF70];
	v8 =	vpop (erf);
	(erf) = vpow2.f32 v62  }
0x2ca: {  	v16 =	vmul.f32 v60, v2;
	s7 =	simm.s32 $0xF6F0;
	v9 =	vld [tilespmem:s12+$0xFFFFFFC0];
	[tilespmem:s28+$0x0] =	vst v11  }
0x2cb: {  	v63 =	vmul.f32 v14, v0;
	v11 =	vld [tilespmem:s12+$0x10];
	[tilespmem:s7+$0x80] =	vst v8  }
0x2cc: {  	v6 =	vmul.f32 v17, v6;
	[tilespmem:s11+$0xFFFFFF90] =	vst v16;
	v13 =	vmul.f32 v15, v1;
	v14 =	vld [tilespmem:s29+$0x50]  }
0x2cd: {  	s20 =	simm.s32 $0xC;
	s21 =	simm.s32 $0x58A0;
	[tilespmem:s11+$0xFFFFFFD8] =	vst v63;
	v7 =	vmul.f32 v12, v7;
	v12 =	vld [tilespmem:s8+$0xFFFFFF90];
	v15 =	vmul.f32 v61, v52  }
.LBB2_7:
0x2ce: {  	v16 =	vld [tilespmem:s21+$0x90];
	s17 =	sadd.s32 $0x80, s17;
	v10 =	vmul.f32 v5, v10;
	[tilespmem:s11+$0x20] =	vst v13  }
0x2cf: {  	s20 =	sadd.s32 $0x4, s20;
	v13 =	vld [tilespmem:s17+$0x20];
	v17 =	vpop (erf);
	v9 =	vmul.f32 v3, v9;
	[tilespmem:s28+$0x78] =	vst v15  }
0x2d0: {  	p0 =	slt.u32 s20, $0x7C;
	v15 =	vld [tilespmem:s17+$0xFFFFFFC0];
	[tilespmem:s7+$0xFFFFFFF0] =	vst v17;
	v11 =	vmul.f32 v4, v11  }
0x2d1: {  	v18 =	vld [tilespmem:s21+$0xFFFFFFF0];
	v14 =	vmul.f32 v8, v14;
	v19 =	vpop (erf);
	[tilespmem:s28+$0xFFFFFF80] =	vst v10  }
0x2d2: {  	v10 =	vld [tilespmem:s17+$0xFFFFFFE0];
	[tilespmem:s7+$0x38] =	vst v19;
	v12 =	vmul.f32 v12, v2;
	v2 =	vmov v5;
	v5 =	vpop (erf)  }
0x2d3: {  	v20 =	vld [tilespmem:s17+$0x30];
	[tilespmem:s7+$0x48] =	vst v14  }
0x2d4: {  	v13 =	vadd.f32 v13, v16;
	[tilespmem:s7+$0xFFFFFFA8] =	vst v5;
	v14 =	vld [tilespmem:s29+$0x60]  }
0x2d5: {  	v16 =	vld [tilespmem:s21+$0x40];
	[tilespmem:s28+$0xFFFFFFC8] =	vst v9  }
0x2d6: {  	v9 =	vld [tilespmem:s17+$0x0];
	v21 =	vmul.f32 $2.000000030e-01, v13;
	[tilespmem:s28+$0x10] =	vst v11  }
0x2d7: {  	v11 =	vld [tilespmem:s21+$0xFFFFFFA0];
	v10 =	vadd.f32 v10, v18;
	[tilespmem:s11+$0xFFFFFFA0] =	vst v12  }
0x2d8: {  	v12 =	vld [tilespmem:s17+$0xFFFFFFD0];
	v13 =	vmax.f32 v13, v21;
	[tilespmem:s22+$0xFFFFFFE8] =	vst v7  }
0x2d9: {  	v7 =	vld [tilespmem:s17+$0xFFFFFFF0];
	v18 =	vmul.f32 $2.000000030e-01, v10;
	v13 =	vsub.f32 v13, v20;
	v14 =	vmul.f32 v8, v14;
	[tilespmem:s22+$0x30] =	vst v6;
	s22 =	smov.u32 s11;
	s11 =	smov.u32 s28;
	s28 =	smov.u32 s7  }
0x2da: {  	v6 =	vld [tilespmem:s17+$0x10]  }
0x2db: {  	v10 =	vmax.f32 v10, v18;
	v9 =	vadd.f32 v9, v16;
	v13 =	vmul.f32 $1.442695020e+00, v13;
	v16 =	vld [tilespmem:s29+$0xFFFFFF60];
	[tilespmem:s7+$0x58] =	vst v14  }
0x2dc: {  	v11 =	vadd.f32 v15, v11;
	v14 =	vld [tilespmem:s29+$0x70]  }
0x2dd: {  	v15 =	vmul.f32 $2.000000030e-01, v9;
	(erf) = vpow2.f32 v13;
	v13 =	vld [tilespmem:s29+$0xFFFFFFB0]  }
0x2de: {  	v18 =	vmul.f32 $2.000000030e-01, v11;
	v7 =	vsub.f32 v10, v7;
	v10 =	vld [tilespmem:s29+$0x0]  }
0x2df: {  	v9 =	vmax.f32 v9, v15;
	v15 =	vld [tilespmem:s12+$0xFFFFFF80]  }
0x2e0: {  	v11 =	vmax.f32 v11, v18;
	v7 =	vmul.f32 $1.442695020e+00, v7;
	v6 =	vsub.f32 v9, v6;
	v18 =	vld [tilespmem:s12+$0xFFFFFFD0]  }
0x2e1: {  	v9 =	vsub.f32 v11, v12;
	v11 =	vmul.f32 v5, v16;
	v12 =	vmul.f32 v14, v8;
	v14 =	vld [tilespmem:s12+$0x20]  }
0x2e2: {  	v6 =	vmul.f32 $1.442695020e+00, v6;
	(erf) = vpow2.f32 v7;
	v7 =	vld [tilespmem:s8+$0xFFFFFFE0]  }
0x2e3: {  	v13 =	vmul.f32 v17, v13;
	v9 =	vmul.f32 $1.442695020e+00, v9;
	[tilespmem:s7+$0x68] =	vst v12;
	v12 =	vld [tilespmem:s8+$0x30];
	s8 =	smov.u32 s12;
	s12 =	smov.u32 s29;
	s29 =	smov.u32 s21  }
0x2e4: {  	(erf) = vpow2.f32 v6;
	[tilespmem:s7+$0xFFFFFF70] =	vst v11;
	v6 =	vmul.f32 v19, v10;
	v16 =	vld [tilespmem:s12+$0x80]  }
.Ltmp4:
0x2e5: {  	v15 =	vmul.f32 v15, v2;
	(erf) = vpow2.f32 v9;
	v10 =	vld [tilespmem:s12+$0xFFFFFF70];
	[tilespmem:s7+$0xFFFFFFB8] =	vst v13;
	(pc) =	sbr.rel @p0 .LBB2_7-.Ltmp4, $4  }
0x2e6: {  	s7 =	sadd.s32 $0x120, s7;
	v18 =	vmul.f32 v18, v3;
	v20 =	vpop (erf);
	v9 =	vld [tilespmem:s12+$0xFFFFFFC0];
	[tilespmem:s28+$0x0] =	vst v6;
	v13 =	vmul.f32 v14, v4  }
0x2e7: {  	[tilespmem:s7+$0x80] =	vst v20;
	v11 =	vld [tilespmem:s12+$0x10];
	v7 =	vmul.f32 v7, v0;
	v0 =	vmov v3;
	v3 =	vmov v17  }
0x2e8: {  	v14 =	vld [tilespmem:s21+$0x50];
	[tilespmem:s11+$0xFFFFFF90] =	vst v15;
	v6 =	vmul.f32 v12, v1;
	v1 =	vmov v4;
	v4 =	vmov v19  }
0x2e9: {  	s21 =	sadd.s32 $0x140, s21;
	v15 =	vmul.f32 v16, v8;
	v12 =	vld [tilespmem:s8+$0xFFFFFF90];
	[tilespmem:s11+$0xFFFFFFD8] =	vst v18;
	v8 =	vmov v20  }
0x2ea: {  	_ =	sdelay $0x1  }
0x2eb: {  	v16 =	vpop (erf)  }
0x2ec: {  	[tilespmem:s7+$0xFFFFFFF0] =	vst v16;
	v17 =	vpop (erf)  }
0x2ed: {  	v20 =	vld [tilespmem:s29+$0xFFFFFFB0];
	v18 =	vpop (erf);
	[tilespmem:s7+$0x38] =	vst v17  }
0x2ee: {  	[tilespmem:s7+$0xFFFFFFA8] =	vst v18;
	v21 =	vld [tilespmem:s29+$0x0]  }
0x2ef: {  	[tilespmem:s11+$0x20] =	vst v13;
	v19 =	vld [tilespmem:s29+$0xFFFFFF60]  }
0x2f0: {  	[tilespmem:s22+$0xFFFFFFE8] =	vst v7  }
0x2f1: {  	[tilespmem:s22+$0x30] =	vst v6;
	v14 =	vmul.f32 v8, v14  }
0x2f2: {  	[tilespmem:s28+$0x78] =	vst v15;
	v33 =	vmul.f32 v16, v20  }
0x2f3: {  	[tilespmem:s7+$0x48] =	vst v14;
	v35 =	vmul.f32 v17, v21  }
0x2f4: {  	v14 =	vld [tilespmem:s29+$0x60];
	[tilespmem:s7+$0xFFFFFFB8] =	vst v33;
	v31 =	vmul.f32 v18, v19  }
0x2f5: {  	v10 =	vmul.f32 v5, v10;
	v37 =	vld [tilespmem:s29+$0xFFFFFFC0];
	[tilespmem:s7+$0x0] =	vst v35  }
0x2f6: {  	v9 =	vmul.f32 v3, v9;
	[tilespmem:s7+$0xFFFFFF70] =	vst v31;
	v38 =	vld [tilespmem:s29+$0x10]  }
0x2f7: {  	[tilespmem:s28+$0xFFFFFF80] =	vst v10;
	v11 =	vmul.f32 v4, v11;
	v34 =	vld [tilespmem:s29+$0xFFFFFF70]  }
0x2f8: {  	v46 =	vld [tilespmem:s8+$0xFFFFFFE0];
	[tilespmem:s28+$0xFFFFFFC8] =	vst v9;
	v2 =	vmul.f32 v12, v2  }
0x2f9: {  	v39 =	vld [tilespmem:s12+$0xFFFFFF80];
	[tilespmem:s28+$0x10] =	vst v11;
	v32 =	vmul.f32 v8, v14  }
0x2fa: {  	v41 =	vld [tilespmem:s12+$0xFFFFFFD0];
	[tilespmem:s11+$0xFFFFFFA0] =	vst v2;
	v42 =	vmul.f32 v16, v37  }
0x2fb: {  	v43 =	vld [tilespmem:s12+$0x20];
	[tilespmem:s7+$0x58] =	vst v32;
	v9 =	vmul.f32 v17, v38  }
0x2fc: {  	v36 =	vld [tilespmem:s29+$0x70];
	[tilespmem:s7+$0xFFFFFFC8] =	vst v42;
	v40 =	vmul.f32 v18, v34  }
0x2fd: {  	v0 =	vmul.f32 v46, v0;
	v7 =	vld [tilespmem:s29+$0xFFFFFFD0];
	[tilespmem:s7+$0x10] =	vst v9  }
0x2fe: {  	v11 =	vmul.f32 v39, v5;
	[tilespmem:s7+$0xFFFFFF80] =	vst v40;
	v9 =	vld [tilespmem:s29+$0x20]  }
0x2ff: {  	[tilespmem:s11+$0xFFFFFFE8] =	vst v0;
	v2 =	vmul.f32 v41, v3;
	v12 =	vld [tilespmem:s29+$0xFFFFFF80]  }
0x300: {  	v47 =	vld [tilespmem:s8+$0x30];
	[tilespmem:s28+$0xFFFFFF90] =	vst v11;
	v13 =	vmul.f32 v43, v4  }
0x301: {  	v44 =	vld [tilespmem:s12+$0xFFFFFF90];
	[tilespmem:s28+$0xFFFFFFD8] =	vst v2;
	v10 =	vmul.f32 v36, v8  }
0x302: {  	[tilespmem:s28+$0x20] =	vst v13;
	v50 =	vld [tilespmem:s12+$0xFFFFFFE0];
	v7 =	vmul.f32 v7, v16  }
0x303: {  	v52 =	vld [tilespmem:s12+$0x30];
	[tilespmem:s7+$0x68] =	vst v10;
	v9 =	vmul.f32 v9, v17  }
0x304: {  	v10 =	vld [tilespmem:s29+$0x80];
	[tilespmem:s7+$0xFFFFFFD8] =	vst v7;
	v45 =	vmul.f32 v12, v18  }
0x305: {  	v1 =	vmul.f32 v47, v1;
	v7 =	vld [tilespmem:s29+$0xFFFFFFE0];
	[tilespmem:s7+$0x20] =	vst v9  }
0x306: {  	v51 =	vmul.f32 v44, v5;
	[tilespmem:s7+$0xFFFFFF90] =	vst v45;
	v53 =	vld [tilespmem:s29+$0x30]  }
0x307: {  	[tilespmem:s11+$0x30] =	vst v1;
	v55 =	vmul.f32 v50, v3;
	v49 =	vld [tilespmem:s29+$0xFFFFFF90]  }
0x308: {  	[tilespmem:s28+$0xFFFFFFA0] =	vst v51;
	v56 =	vmul.f32 v52, v4  }
0x309: {  	[tilespmem:s28+$0xFFFFFFE8] =	vst v55;
	v48 =	vmul.f32 v10, v8  }
0x30a: {  	[tilespmem:s28+$0x30] =	vst v56;
	v57 =	vmul.f32 v7, v16  }
0x30b: {  	[tilespmem:s7+$0x78] =	vst v48;
	v58 =	vmul.f32 v53, v17  }
0x30c: {  	[tilespmem:s7+$0xFFFFFFE8] =	vst v57;
	v54 =	vmul.f32 v49, v18  }
0x30d: {  	[tilespmem:s7+$0x30] =	vst v58  }
0x30e: {  	[tilespmem:s7+$0xFFFFFFA0] =	vst v54  }
0x30f: {  	v0 =	vld [tilespmem:$0x280]  }
0x310: {  	v1 =	vld [tilespmem:$0x290]  }
0x311: {  	v59 =	vld [tilespmem:$0x2A0]  }
0x312: {  	v3 =	vld [tilespmem:$0x2B0]  }
0x313: {  	v60 =	vld [tilespmem:$0x2C0]  }
0x314: {  	v61 =	vld [tilespmem:$0x2D0];
	[tilespmem:$0x11800] =	vst v0  }
0x315: {  	v62 =	vld [tilespmem:$0x2E0];
	[tilespmem:$0x11810] =	vst v1  }
0x316: {  	v63 =	vld [tilespmem:$0x2F0];
	[tilespmem:$0x11820] =	vst v59  }
0x317: {  	[tilespmem:$0x11830] =	vst v3  }
.Ltmp5:
0x318: {  	[tilespmem:$0x11840] =	vst v60;
	(pc) =	sbr.rel @p1 .LBB2_10-.Ltmp5, $4  }
0x319: {  	[tilespmem:$0x11850] =	vst v61  }
0x31a: {  	[tilespmem:$0x11860] =	vst v62  }
0x31b: {  	s28 =	simm.s32 $0x11800;
	s29 =	simm.s32 $0xF300;
	[tilespmem:$0x11870] =	vst v63  }
0x31c: {  	[spmem:s2] =	stream.indirect.scatter.add.f32 [tilespmem:s29], [sflag:$0x9], $0x48, s28, s10, $0xb8;
	[tilespmem:$0x1E078] =	vst v63  }
0x31d: {  	s7 =	sadd.s32 s24, s6  }
0x31e: {  	s7 =	sshll.u32 s7, $0x4  }
0x31f: {  	s7 =	sand.u32 $0x1FFFFFF0, s7  }
0x320: {  	s8 =	sadd.s32 s1, s7  }
0x321: {  	[tilespmem:s13], [sflag:$0xA] =	stream.linear.gather [hbm4b:s8+s3], $0x80, $0x38;
	[tilespmem:$0x1E078] =	vst v63  }
0x322: {  	_ =	swait.ge [sflag:s9], $0x80  }
0x323: {  	[sflag:s9] =	ssyncset.done $0x0  }
0x324: {  	s28 =	simm.s32 $0x5300;
	[sflag:s9] =	ssyncadd.s32 $0xFFFFFF80  }
0x325: {  	[tilespmem:s28], [sflag:$0x3] =	stream.indirect.gather [hbm4b:s5+s10], $0x50, s13, s10, $0xb8;
	[tilespmem:$0x1E078] =	vst v63  }
0x326: {  	s7 =	sadd.s32 s15, s7  }
0x327: {  	[tilespmem:s16], [sflag:$0xA] =	stream.linear.gather [hbm4b:s7+s3], $0x80, $0x38;
	[tilespmem:$0x1E078] =	vst v63  }
.Ltmp6:
0x328: {  	_ = 	snop;
	(pc) =	sbr.rel .LBB2_2-.Ltmp6, $4  }
0x329: {  	_ =	swait.ge [sflag:s9], $0x80  }
0x32a: {  	[sflag:s9] =	ssyncset.done $0x0  }
0x32b: {  	s29 =	simm.s32 $0x9B00;
	s23 =	sadd.s32 $0x1, s23;
	[sflag:s9] =	ssyncadd.s32 $0xFFFFFF80  }
0x32c: {  	[tilespmem:s29], [sflag:$0x6] =	stream.indirect.gather [hbm4b:s14+s10], $0x20, s16, s10, $0xb8;
	[tilespmem:$0x1E078] =	vst v63  }
.LBB2_11:
0x32d: {  	_ =	sfence.sel $0x180000  }
0x32e: {  	[bflag:$0x0] =	sbarrier.arrive $0xFFFF  }
0x32f: {  	_ =	strace $0x9000004A  }
0x330: {  	s0 =	stileid.u32;
	[bflag:$0x2] =	sbarrier.arrive $0xFFFF  }
0x331: {  	p0 =	sne.s32 s0, $0x0;
	s0 =	rddreg [dreg:$0x3]  }
0x332: {  	s0 =	sadd.s32 @!p0 $0x100000, s0  }
0x333: {  	[sflag:s0] =	ssyncadd.tile.s32 @!p0 $0x1;
	_ =	shalt  }
.Lfunc_end2:
_tile_overlayer_lowered:
.L_overlay_start_2:
0x334: {  	(tag) =	ssettag $0x2  }
0x335: {  	s0 =	rddreg [dreg:$0x0];
	s2 =	stileid.u32  }
0x336: {  	s1 =	rddreg [dreg:$0x1];
	p0 =	sne.s32 s2, $0x0  }
0x337: {  	s3 =	rddreg [dreg:$0x2];
	[bflag:$0x3] =	sbarrier.arrive $0xFFFF;
	s2 =	simm.s32 @!p0 $0x1C0A  }
0x338: {  	[timem:s3], [sflag:s2] =	dma.local @!p0 [hbm:s0], s1  }
0x339: {  	s0 =	simm.s32 @!p0 $0xA  }
0x33a: {  	_ =	swait.ge @!p0 [sflag:s0], s1  }
0x33b: {  	s1 =	ssub.s32 @!p0 $0x0, s1;
	[sflag:s0] =	ssyncset.done @!p0 $0x0  }
0x33c: {  	[sflag:s0] =	ssyncadd.s32 @!p0 s1  }
0x33d: {  	[bflag:$0x3] =	sbarrier.arrive $0xFFFF  }
0x33e: {  	_ =	shalt  }

// kernel: kernel.7.cloned.1.call-start
scs
__scs_entry_jumppad:
0x0: {  	(pc) =	sbr.rel $0x88, $3  }
0x1: {  	(tag) =	ssettag $0x0;
	lr =	simm.s32 $0x1  }
0x2: {  	[smem:$0x3F97] =	sst lr;
	_ =	strace $0xD0000000  }
0x3: {  	_ = 	snop  }
0x4: {  	_ = 	snop  }
0x5: {  	_ = 	snop  }
0x6: {  	_ = 	snop  }
0x7: {  	_ = 	snop  }
__scs_overlays_trampoline_lowered:
0x8: {  	[smem:$0x3FA6] =	sst s0  }
0x9: {  	[smem:$0x3FA7] =	sst s1  }
0xa: {  	[smem:$0x3FA8] =	sst s2  }
0xb: {  	[smem:$0x3FA9] =	sst s3  }
0xc: {  	[smem:$0x3FAA] =	sst s4  }
0xd: {  	[smem:$0x3FAB] =	sst s5  }
0xe: {  	[smem:$0x3FAC] =	sst s6  }
0xf: {  	[smem:$0x3FAD] =	sst s7  }
0x10: {  	[smem:$0x3FAE] =	sst s8  }
0x11: {  	[smem:$0x3FAF] =	sst s9;
	s0 =	simm.s32 @!p0 $0x0  }
0x12: {  	s1 =	sld [smem:$0x3F95];
	s0 =	simm.s32 @p0 $0x1  }
0x13: {  	[smem:$0x3FB0] =	sst s0;
	s0 =	simm.s32 @!p1 $0x0  }
0x14: {  	s2 =	sld [smem:$0x3F94];
	s0 =	simm.s32 @p1 $0x1  }
0x15: {  	[smem:$0x3FB1] =	sst s0;
	s0 =	simm.s32 @!p2 $0x0  }
0x16: {  	s3 =	sld [smem:$0x3FDB];
	s0 =	simm.s32 @p2 $0x1  }
0x17: {  	s4 =	simm.s32 $0x1BF5;
	[smem:$0x3FB3] =	sst s0  }
0x18: {  	s0 =	sld [smem:$0x3F96];
	_ =	swait.ge [sflag:s4], $0x0  }
0x19: {  	s7 =	sld [smem:$0x3F97]  }
0x1a: {  	s8 =	sadd.s32 $0xFFFFE003, lr  }
0x1b: {  	s9 =	sadd.s32 $0xFFFFFEF7, lr;
	s5 =	simm.s32 $0xFFFFFFFF;
	p2 =	slt.u32 s8, $0xFFFFF086  }
0x1c: {  	p1 =	slt.u32 s9, $0xF7A;
	s5 =	simm.s32 @!p2 $0x0  }
0x1d: {  	s5 =	simm.s32 @p1 $0x1;
	p0 =	seq.s32 s7, s2  }
0x1e: {  	s7 =	smul.u32 @!p0 $0xF7A, s2;
	p2 =	seq.s32 @!p0 s5, $0x0  }
0x1f: {  	s9 =	smul.u32 $0xF7A, s1;
	s8 =	simm.s32 @!p0 $0x1BF5;
	p2 =	por !p2, p0  }
0x20: {  	[sflag:s8] =	ssyncset.s32 @!p0 $0xFFFFF086;
	s6 =	sadd.s32 @!p0 s3, s7;
	s7 =	simm.s32 @!p0 $0x108  }
0x21: {  	s3 =	sadd.s32 s3, s9;
	s6 =	sadd.s32 @!p0 $0x88, s6;
	s7 =	simm.s32 @p2 $0x1082  }
0x22: {  	[simem:s7], [sflag:s8] =	dma.local @!p0 [hbm:s6], $0xF7A  }
0x23: {  	s9 =	sor.u32 $0xD0000000, s2;
	s6 =	simm.s32 $0x108;
	_ =	swait.ge @!p0 [sflag:s8], $0x0  }
0x24: {  	s3 =	sadd.s32 $0x88, s3;
	s6 =	simm.s32 @!p1 $0x1082;
	[sflag:s4] =	ssyncset.s32 $0xFFFFF086  }
0x25: {  	[simem:s6], [sflag:s4] =	dma.local [hbm:s3], $0xF7A  }
0x26: {  	[smem:$0x3F97] =	sst s1;
	(tag) =	ssettag s2;
	_ =	strace s9  }
0x27: {  	s1 =	sld [smem:$0x3FA7]  }
0x28: {  	s2 =	sld [smem:$0x3FA8]  }
0x29: {  	s4 =	sld [smem:$0x3FAA]  }
0x2a: {  	p0 =	seq.s32 s5, $0x0;
	s5 =	sld [smem:$0x3FAB]  }
0x2b: {  	s6 =	sld [smem:$0x3FAC]  }
0x2c: {  	s7 =	sld [smem:$0x3FAD]  }
0x2d: {  	s3 =	simm.s32 $0x108;
	s8 =	sld [smem:$0x3FAE]  }
0x2e: {  	s3 =	simm.s32 @!p0 $0x1082;
	s9 =	sld [smem:$0x3FAF]  }
0x2f: {  	lr =	sadd.s32 s0, s3;
	s0 =	sld [smem:$0x3FA6]  }
0x30: {  	s3 =	sld [smem:$0x3FA9]  }
0x31: {  	[smem:$0x3FB2] =	sst s10  }
0x32: {  	s10 =	sld [smem:$0x3FB0];
	_ =	sdelay $0x3  }
0x33: {  	p0 =	seq.s32 s10, $0x1;
	s10 =	sld [smem:$0x3FB2];
	_ =	sdelay $0x3  }
0x34: {  	[smem:$0x3FB2] =	sst s10  }
0x35: {  	s10 =	sld [smem:$0x3FB1];
	_ =	sdelay $0x3  }
0x36: {  	p1 =	seq.s32 s10, $0x1;
	s10 =	sld [smem:$0x3FB2];
	_ =	sdelay $0x3  }
0x37: {  	[smem:$0x3FB2] =	sst s10  }
0x38: {  	s10 =	sld [smem:$0x3FB3]  }
0x39: {  	_ = 	snop;
	(pc) =	sbr.ind lr, $3  }
0x3a: {  	_ = 	snop  }
0x3b: {  	_ = 	snop  }
0x3c: {  	p2 =	seq.s32 s10, $0x1;
	s10 =	sld [smem:$0x3FB2]  }
0x3d: {  	_ =	shalt  }
0x3e: {  	_ =	shalt  }
0x3f: {  	_ =	shalt  }
0x40: {  	_ =	shalt  }
0x41: {  	_ =	shalt  }
0x42: {  	_ =	shalt  }
0x43: {  	_ =	shalt  }
0x44: {  	_ =	shalt  }
0x45: {  	_ =	shalt  }
0x46: {  	_ =	shalt  }
0x47: {  	_ =	shalt  }
0x48: {  	_ =	shalt  }
0x49: {  	_ =	shalt  }
0x4a: {  	_ =	shalt  }
0x4b: {  	_ =	shalt  }
0x4c: {  	_ =	shalt  }
0x4d: {  	_ =	shalt  }
0x4e: {  	_ =	shalt  }
0x4f: {  	_ =	shalt  }
0x50: {  	_ =	shalt  }
0x51: {  	_ =	shalt  }
0x52: {  	_ =	shalt  }
0x53: {  	_ =	shalt  }
0x54: {  	_ =	shalt  }
0x55: {  	_ =	shalt  }
0x56: {  	_ =	shalt  }
0x57: {  	_ =	shalt  }
0x58: {  	_ =	shalt  }
0x59: {  	_ =	shalt  }
0x5a: {  	_ =	shalt  }
0x5b: {  	_ =	shalt  }
0x5c: {  	_ =	shalt  }
0x5d: {  	_ =	shalt  }
0x5e: {  	_ =	shalt  }
0x5f: {  	_ =	shalt  }
0x60: {  	_ =	shalt  }
0x61: {  	_ =	shalt  }
0x62: {  	_ =	shalt  }
0x63: {  	_ =	shalt  }
0x64: {  	_ =	shalt  }
0x65: {  	_ =	shalt  }
0x66: {  	_ =	shalt  }
0x67: {  	_ =	shalt  }
0x68: {  	_ =	shalt  }
0x69: {  	_ =	shalt  }
0x6a: {  	_ =	shalt  }
0x6b: {  	_ =	shalt  }
0x6c: {  	_ =	shalt  }
0x6d: {  	_ =	shalt  }
0x6e: {  	_ =	shalt  }
0x6f: {  	_ =	shalt  }
0x70: {  	_ =	shalt  }
0x71: {  	_ =	shalt  }
0x72: {  	_ =	shalt  }
0x73: {  	_ =	shalt  }
0x74: {  	_ =	shalt  }
0x75: {  	_ =	shalt  }
0x76: {  	_ =	shalt  }
0x77: {  	_ =	shalt  }
0x78: {  	_ =	shalt  }
0x79: {  	_ =	shalt  }
0x7a: {  	_ =	shalt  }
0x7b: {  	_ =	shalt  }
0x7c: {  	_ =	shalt  }
0x7d: {  	_ =	shalt  }
0x7e: {  	_ =	shalt  }
0x7f: {  	_ =	shalt  }
0x80: {  	_ =	shalt  }
0x81: {  	_ =	shalt  }
0x82: {  	_ =	shalt  }
0x83: {  	_ =	shalt  }
0x84: {  	_ =	shalt  }
0x85: {  	_ =	shalt  }
0x86: {  	_ =	shalt  }
0x87: {  	_ =	shalt  }
.Lfunc_end0:
.L_simem_size_0:
called_computation_lowered:
.L_overlay_start_0:
0x88: {  	s2 =	sld [smem:$0x3FD9]  }
0x89: {  	s3 =	sld [smem:$0x3FFE];
	_ =	sdelay $0x1  }
0x8a: {  	s1 =	srdreg.scid  }
0x8b: {  	s0 =	sand.u32 $0x1, s1  }
0x8c: {  	s17 =	sshll.u32 s0, $0xA;
	s2 =	sadd.s32 s3, s2  }
0x8d: {  	s2 =	sadd.s32 s2, s17  }
0x8e: {  	[smem:$0x3FBE] =	sst s2  }
0x8f: {  	_ = 	snop  }
0x90: {  	s2 =	sld [smem:$0x3FD0];
	(tm) =	ssettm $0x1  }
0x91: {  	s18 =	sld [smem:$0x3FFB];
	_ =	sdelay $0x3  }
0x92: {  	_ =	strace s18  }
0x93: {  	s3 =	sld [smem:$0x3FFC];
	_ =	sdelay $0x3  }
0x94: {  	_ =	strace s3  }
0x95: {  	s3 =	sld [smem:$0x3FFD];
	_ =	sdelay $0x3  }
0x96: {  	_ =	strace s3  }
0x97: {  	_ =	strace $0x8FFFFFFF  }
0x98: {  	s19 =	sld [smem:$0x3FDB];
	_ =	sdelay $0x1  }
0x99: {  	s4 =	simm.s32 $_scs_section_size  }
0x9a: {  	s5 =	simm.s32 $_size__tile_overlayer_lowered;
	s6 =	simm.s32 $_tile_overlayer_lowered  }
0x9b: {  	s22 =	simm.s32 $0x1BFF;
	s21 =	sshll.u32 s6, $0x1;
	s3 =	sadd.s32 s4, s19  }
0x9c: {  	s7 =	simm.s32 $0x0;
	s20 =	sshll.u32 s5, $0x1;
	s5 =	sadd.s32 s21, s3  }
0x9d: {  	[timem:s7], [sflag:s22] =	dma.local [hbm:s5], s20  }
0x9e: {  	_ =	swait.ge [sflag:s22], s20  }
0x9f: {  	s4 =	ssub.s32 $0x0, s20;
	[sflag:s22] =	ssyncset.done $0x0  }
0xa0: {  	[sflag:s22] =	ssyncadd.s32 s4;
	_ =	sdelay $0x1  }
0xa1: {  	s23 =	simm.s32 $0x1B8B  }
0xa2: {  	_ =	swait.ge [sflag:s23], $0x1  }
0xa3: {  	[sflag:s23] =	ssyncset.done $0x0  }
0xa4: {  	s25 =	simm.s32 $0x1B8E;
	s24 =	sld [smem:$0x3FFE];
	[sflag:s23] =	ssyncadd.s32 $0xFFFFFFFF  }
0xa5: {  	s26 =	simm.s32 $execute0_lowered;
	[smem:$0x3FD2] =	sst s25  }
0xa6: {  	s5 =	sshll.u32 s26, $0x1;
	_ =	strace $0x80000046;
	[dreg:$0x1] =	wrdreg $0xFFFFFFFF  }
0xa7: {  	s28 =	simm.s32 $_size_execute0_lowered;
	s3 =	sadd.s32 s3, s5;
	[dreg:$0x0] =	wrdreg $0x0  }
0xa8: {  	s5 =	sshll.u32 s28, $0x1;
	[dreg:$0x2] =	wrdreg s3  }
0xa9: {  	[dreg:$0x3] =	wrdreg s5  }
0xaa: {  	[dreg:$0x4] =	wrdreg $0xC0  }
0xab: {  	_ =	task [dreg:s7], $0x5FFFF  }
0xac: {  	[dreg:$0x1] =	wrdreg $0xFFFFFFFF  }
0xad: {  	[dreg:$0x0] =	wrdreg $0x60  }
0xae: {  	[dreg:$0x2] =	wrdreg s24  }
0xaf: {  	[dreg:$0x3] =	wrdreg s2  }
0xb0: {  	[dreg:$0x4] =	wrdreg $0x12EB80  }
0xb1: {  	[dreg:$0x5] =	wrdreg $0x9  }
0xb2: {  	_ =	task.clear_ibuf [dreg:s7], $0x6FFFF;
	_ =	strace $0x90000046  }
0xb3: {  	s29 =	simm.s32 $0x9;
	_ =	strace $0x80000048  }
0xb4: {  	_ =	swait.ge [sflag:s29], $0x1  }
0xb5: {  	[sflag:s29] =	ssyncadd.s32 $0xFFFFFFFF  }
0xb6: {  	_ =	strace $0x90000048  }
0xb7: {  	_ =	sfence  }
0xb8: {  	s30 =	sld [smem:$0x0];
	_ =	sdelay $0x2  }
0xb9: {  	s31 =	sshll.u32 s1, $0xD;
	s1 =	sshrl.u32 s1, $0x2  }
0xba: {  	s3 =	sand.u32 $0x4000, s31;
	s1 =	sadd.s32 s1, s30  }
0xbb: {  	s0 =	sor.u32 s3, s0;
	s1 =	sshll.u32 s1, $0x11  }
0xbc: {  	s0 =	sor.u32 s1, s0  }
0xbd: {  	s0 =	sadd.s32 $0x8F2B, s0  }
0xbe: {  	[sflag:s0] =	ssyncadd.remote.s32 $0x1  }
0xbf: {  	_ =	sfence.sel $0xFFFF  }
0xc0: {  	[dreg:$0x0] =	wrdreg $0xFFFFFFFF;
	(pc) =	sbr.abs _section_cstart, $3  }
0xc1: {  	[dreg:$0x1] =	wrdreg $0xFFFFFFFF  }
0xc2: {  	_ =	task.clear_ibuf [dreg:s7], $0x2FFFF;
	_ =	strace $0x9FFFFFFF  }
0xc3: {  	(tm) =	ssettm $0x7FFFFFFF  }
tec
execute0_lowered:
.L_overlay_start_1:
0x0: {  	(tag) =	ssettag $0x1  }
0x1: {  	s0 =	rddreg [dreg:$0x0]  }
0x2: {  	s1 =	rddreg [dreg:$0x1]  }
0x3: {  	s2 =	rddreg [dreg:$0x2];
	s3 =	simm.s32 $0x0;
	s4 =	srdreg.scid  }
0x4: {  	s10 =	stileid.u32;
	s30 =	simm.s32 $0x2;
	s31 =	simm.s32 $0x5  }
0x5: {  	s28 =	simm.s32 $0x0;
	[smem:$0x7FF] =	sst s3;
	s5 =	sadd.s32 $0xB600, s0  }
0x6: {  	s4 =	sand.u32 $0x1, s4;
	s9 =	sshll.u32 s10, $0x1;
	s10 =	smul.u32 $0xB1C0, s10  }
0x7: {  	s6 =	sadd.s32 $0x44400, s0;
	_ =	strace $0x80000047;
	s7 =	ssub.s32 $0x2, s4  }
0x8: {  	s8 =	sshrl.u32 s7, $0x1;
	s11 =	sadd.s32 $0x2C70, s10;
	s12 =	sadd.s32 $0x42A8, s10  }
0x9: {  	s13 =	sadd.s32 $0x58E0, s10;
	s16 =	sadd.s32 $0x6F18, s10;
	s17 =	sadd.s32 $0x8550, s10  }
0xa: {  	s7 =	ssub.s32 s7, s8;
	s8 =	sor.u32 s4, s9;
	s4 =	smul.u32 $0xB1C00, s4  }
0xb: {  	s18 =	sadd.s32 $0x9B88, s10;
	s9 =	sadd.s32 $0x1638, s10;
	s7 =	smax.u32 s7, $0x1  }
0xc: {  	s14 =	sadd.s32 s10, s4;
	s15 =	sadd.s32 s4, s9;
	s21 =	sadd.s32 s4, s11  }
0xd: {  	s22 =	sadd.s32 s4, s12;
	s19 =	sadd.s32 s4, s13;
	s25 =	sadd.s32 s4, s16  }
0xe: {  	s26 =	sadd.s32 s4, s17;
	s13 =	sadd.s32 s13, s2;
	[dreg:$0x1b] =	wrdreg s7  }
0xf: {  	s16 =	sadd.s32 s16, s2;
	s17 =	sadd.s32 s17, s2;
	[dreg:$0x11] =	wrdreg s13  }
0x10: {  	s14 =	sshrl.u32 s14, $0x3;
	s20 =	sshrl.u32 s15, $0x3;
	[dreg:$0x12] =	wrdreg s16  }
0x11: {  	s15 =	sshrl.u32 s22, $0x3;
	s22 =	sadd.s32 s11, s2;
	[dreg:$0x13] =	wrdreg s17  }
0x12: {  	s4 =	sadd.s32 s4, s18;
	s14 =	sadd.s32 s6, s14;
	[dreg:$0xf] =	wrdreg s22  }
0x13: {  	s4 =	sshrl.u32 s4, $0x3;
	s23 =	sadd.s32 s6, s15;
	[dreg:$0x4] =	wrdreg s14  }
0x14: {  	s24 =	sshrl.u32 s19, $0x3;
	s4 =	sadd.s32 s6, s4;
	[dreg:$0x7] =	wrdreg s23  }
0x15: {  	s15 =	sshrl.u32 s26, $0x3;
	s14 =	sadd.s32 s6, s20;
	[dreg:$0xb] =	wrdreg s4  }
0x16: {  	s11 =	smul.u32 $0x2880, s8;
	s29 =	sadd.s32 s6, s15;
	[dreg:$0x5] =	wrdreg s14  }
0x17: {  	s15 =	sadd.s32 $0x1400, s0;
	s20 =	sadd.s32 s10, s2;
	[dreg:$0xa] =	wrdreg s29  }
0x18: {  	s23 =	sadd.s32 s12, s2;
	s12 =	smul.u32 $0x510, s8;
	[dreg:$0xd] =	wrdreg s20  }
0x19: {  	s14 =	sshrl.u32 s21, $0x3;
	s21 =	sadd.s32 s9, s2;
	[dreg:$0x10] =	wrdreg s23  }
0x1a: {  	s10 =	simm.s32 $0x80;
	s14 =	sadd.s32 s6, s14;
	[dreg:$0xe] =	wrdreg s21  }
0x1b: {  	s9 =	simm.s32 $0xA;
	s4 =	sadd.s32 s15, s12;
	[dreg:$0x6] =	wrdreg s14  }
0x1c: {  	s14 =	sadd.s32 s6, s24;
	s24 =	sadd.s32 s18, s2;
	[dreg:$0x16] =	wrdreg s4  }
0x1d: {  	s18 =	sadd.s32 s1, s12;
	[dreg:$0x8] =	wrdreg s14;
	s14 =	sshrl.u32 s25, $0x3  }
0x1e: {  	s12 =	simm.s32 $0x100;
	[dreg:$0x15] =	wrdreg s18;
	s14 =	sadd.s32 s6, s14  }
0x1f: {  	[dreg:$0x9] =	wrdreg s14;
	s14 =	sadd.s32 $0x24200, s0;
	s0 =	sadd.s32 $0x2E000, s0  }
0x20: {  	s25 =	smul.u32 $0x51, s8;
	[dreg:$0xc] =	wrdreg s0;
	s0 =	sshrl.u32 s11, $0x3  }
0x21: {  	s8 =	simm.s32 $0x11880;
	s18 =	simm.s32 $0x3;
	s19 =	sadd.s32 $0x10, s0  }
0x22: {  	[dreg:$0x14] =	wrdreg s24;
	s0 =	sadd.s32 $0x20, s0;
	s26 =	sadd.s32 s1, s19  }
.Ltmp0:
0x23: {  	s4 =	sadd.s32 s15, s19;
	[dreg:$0x17] =	wrdreg s26;
	(pc) =	sbr.rel .LBB2_1-.Ltmp0, $4  }
0x24: {  	s6 =	sadd.s32 $0x5, s25;
	s29 =	sadd.s32 s1, s0;
	[dreg:$0x18] =	wrdreg s4  }
0x25: {  	v1 =	vlaneseq.u32;
	s11 =	simm.s32 $0x280;
	s0 =	sadd.s32 s15, s0;
	[dreg:$0x19] =	wrdreg s29  }
0x26: {  	v0 =	vand.u32 $0x7, v1;
	v1 =	vshrl.u32 v1, $0x3;
	s19 =	simm.s32 $0x6;
	[dreg:$0x1a] =	wrdreg s0;
	s0 =	sadd.s32 $0x3, s25  }
0x27: {  	v2 =	vor.u32 $0x2, v1;
	v3 =	vor.u32 $0x4, v1;
	v4 =	vor.u32 $0x6, v1;
	s4 =	sadd.s32 $0x4, s25;
	s25 =	simm.s32 $0x1;
	s26 =	simm.s32 $0x4  }
.LBB2_10:
0x28: {  	s7 =	simm.s32 $0x7  }
0x29: {  	_ =	swait.ge [sflag:s7], $0x2400  }
0x2a: {  	[sflag:s7] =	ssyncset.done $0x0  }
0x2b: {  	s21 =	simm.s32 $0x8;
	[sflag:s7] =	ssyncadd.s32 $0xFFFFDC00  }
0x2c: {  	_ =	swait.ge [sflag:s21], $0x2400  }
0x2d: {  	[sflag:s21] =	ssyncset.done $0x0  }
0x2e: {  	s22 =	simm.s32 $0x9;
	[sflag:s21] =	ssyncadd.s32 $0xFFFFDC00  }
0x2f: {  	_ =	swait.ge [sflag:s22], $0x2400  }
0x30: {  	[sflag:s22] =	ssyncset.done $0x0  }
0x31: {  	[sflag:s22] =	ssyncadd.s32 $0xFFFFDC00  }
0x32: {  	[bflag:$0x0] =	sbarrier.arrive $0xFFFF  }
0x33: {  	s8 =	simm.s32 $0x11880;
	s20 =	rddreg [dreg:$0xd]  }
0x34: {  	[tilespmem:s8], [sflag:$0xA] =	stream.linear.gather [spmem:s20], $0x1638, $0x38;
	[tilespmem:$0x1E078] =	vst v63  }
0x35: {  	_ =	swait.ge [sflag:s9], $0x1638  }
0x36: {  	[sflag:s9] =	ssyncset.done $0x0  }
0x37: {  	s23 =	rddreg [dreg:$0x4];
	[sflag:s9] =	ssyncadd.s32 $0xFFFFE9C8  }
0x38: {  	[hbm4b:s23+s3] =	stream.linear.scatter [tilespmem:s8], [sflag:$0xA], $0x1638, $0x38;
	[tilespmem:$0x1E078] =	vst v63  }
0x39: {  	_ =	swait.ge [sflag:s9], $0x1638  }
0x3a: {  	[sflag:s9] =	ssyncset.done $0x0  }
0x3b: {  	s21 =	rddreg [dreg:$0xe];
	[sflag:s9] =	ssyncadd.s32 $0xFFFFE9C8  }
0x3c: {  	[tilespmem:s8], [sflag:$0xA] =	stream.linear.gather [spmem:s21], $0x1638, $0x38;
	[tilespmem:$0x1E078] =	vst v63  }
0x3d: {  	_ =	swait.ge [sflag:s9], $0x1638  }
0x3e: {  	[sflag:s9] =	ssyncset.done $0x0  }
0x3f: {  	s24 =	rddreg [dreg:$0x5];
	[sflag:s9] =	ssyncadd.s32 $0xFFFFE9C8  }
0x40: {  	[hbm4b:s24+s3] =	stream.linear.scatter [tilespmem:s8], [sflag:$0xA], $0x1638, $0x38;
	[tilespmem:$0x1E078] =	vst v63  }
0x41: {  	_ =	swait.ge [sflag:s9], $0x1638  }
0x42: {  	[sflag:s9] =	ssyncset.done $0x0  }
0x43: {  	s22 =	rddreg [dreg:$0xf];
	[sflag:s9] =	ssyncadd.s32 $0xFFFFE9C8  }
0x44: {  	[tilespmem:s8], [sflag:$0xA] =	stream.linear.gather [spmem:s22], $0x1638, $0x38;
	[tilespmem:$0x1E078] =	vst v63  }
0x45: {  	_ =	swait.ge [sflag:s9], $0x1638  }
0x46: {  	[sflag:s9] =	ssyncset.done $0x0  }
0x47: {  	s29 =	rddreg [dreg:$0x6];
	[sflag:s9] =	ssyncadd.s32 $0xFFFFE9C8  }
0x48: {  	[hbm4b:s29+s3] =	stream.linear.scatter [tilespmem:s8], [sflag:$0xA], $0x1638, $0x38;
	[tilespmem:$0x1E078] =	vst v63  }
0x49: {  	_ =	swait.ge [sflag:s9], $0x1638  }
0x4a: {  	[sflag:s9] =	ssyncset.done $0x0  }
0x4b: {  	s23 =	rddreg [dreg:$0x10];
	[sflag:s9] =	ssyncadd.s32 $0xFFFFE9C8  }
0x4c: {  	[tilespmem:s8], [sflag:$0xA] =	stream.linear.gather [spmem:s23], $0x1638, $0x38;
	[tilespmem:$0x1E078] =	vst v63  }
0x4d: {  	_ =	swait.ge [sflag:s9], $0x1638  }
0x4e: {  	[sflag:s9] =	ssyncset.done $0x0  }
0x4f: {  	s13 =	rddreg [dreg:$0x7];
	[sflag:s9] =	ssyncadd.s32 $0xFFFFE9C8  }
0x50: {  	[hbm4b:s13+s3] =	stream.linear.scatter [tilespmem:s8], [sflag:$0xA], $0x1638, $0x38;
	[tilespmem:$0x1E078] =	vst v63  }
0x51: {  	_ =	swait.ge [sflag:s9], $0x1638  }
0x52: {  	[sflag:s9] =	ssyncset.done $0x0  }
0x53: {  	s13 =	rddreg [dreg:$0x11];
	[sflag:s9] =	ssyncadd.s32 $0xFFFFE9C8  }
0x54: {  	[tilespmem:s8], [sflag:$0xA] =	stream.linear.gather [spmem:s13], $0x1638, $0x38;
	[tilespmem:$0x1E078] =	vst v63  }
0x55: {  	_ =	swait.ge [sflag:s9], $0x1638  }
0x56: {  	[sflag:s9] =	ssyncset.done $0x0  }
0x57: {  	s16 =	rddreg [dreg:$0x8];
	[sflag:s9] =	ssyncadd.s32 $0xFFFFE9C8  }
0x58: {  	[hbm4b:s16+s3] =	stream.linear.scatter [tilespmem:s8], [sflag:$0xA], $0x1638, $0x38;
	[tilespmem:$0x1E078] =	vst v63  }
0x59: {  	_ =	swait.ge [sflag:s9], $0x1638  }
0x5a: {  	[sflag:s9] =	ssyncset.done $0x0  }
0x5b: {  	s16 =	rddreg [dreg:$0x12];
	[sflag:s9] =	ssyncadd.s32 $0xFFFFE9C8  }
0x5c: {  	[tilespmem:s8], [sflag:$0xA] =	stream.linear.gather [spmem:s16], $0x1638, $0x38;
	[tilespmem:$0x1E078] =	vst v63  }
0x5d: {  	_ =	swait.ge [sflag:s9], $0x1638  }
0x5e: {  	[sflag:s9] =	ssyncset.done $0x0  }
0x5f: {  	s17 =	rddreg [dreg:$0x9];
	[sflag:s9] =	ssyncadd.s32 $0xFFFFE9C8  }
0x60: {  	[hbm4b:s17+s3] =	stream.linear.scatter [tilespmem:s8], [sflag:$0xA], $0x1638, $0x38;
	[tilespmem:$0x1E078] =	vst v63  }
0x61: {  	_ =	swait.ge [sflag:s9], $0x1638  }
0x62: {  	[sflag:s9] =	ssyncset.done $0x0  }
0x63: {  	s17 =	rddreg [dreg:$0x13];
	[sflag:s9] =	ssyncadd.s32 $0xFFFFE9C8  }
0x64: {  	[tilespmem:s8], [sflag:$0xA] =	stream.linear.gather [spmem:s17], $0x1638, $0x38;
	[tilespmem:$0x1E078] =	vst v63  }
0x65: {  	_ =	swait.ge [sflag:s9], $0x1638  }
0x66: {  	[sflag:s9] =	ssyncset.done $0x0  }
0x67: {  	s24 =	rddreg [dreg:$0xa];
	[sflag:s9] =	ssyncadd.s32 $0xFFFFE9C8  }
0x68: {  	[hbm4b:s24+s3] =	stream.linear.scatter [tilespmem:s8], [sflag:$0xA], $0x1638, $0x38;
	[tilespmem:$0x1E078] =	vst v63  }
0x69: {  	_ =	swait.ge [sflag:s9], $0x1638  }
0x6a: {  	[sflag:s9] =	ssyncset.done $0x0  }
0x6b: {  	s24 =	rddreg [dreg:$0x14];
	[sflag:s9] =	ssyncadd.s32 $0xFFFFE9C8  }
0x6c: {  	[tilespmem:s8], [sflag:$0xA] =	stream.linear.gather [spmem:s24], $0x1638, $0x38;
	[tilespmem:$0x1E078] =	vst v63  }
0x6d: {  	_ =	swait.ge [sflag:s9], $0x1638  }
0x6e: {  	[sflag:s9] =	ssyncset.done $0x0  }
0x6f: {  	s29 =	rddreg [dreg:$0xb];
	[sflag:s9] =	ssyncadd.s32 $0xFFFFE9C8  }
0x70: {  	[hbm4b:s29+s3] =	stream.linear.scatter [tilespmem:s8], [sflag:$0xA], $0x1638, $0x38;
	[tilespmem:$0x1E078] =	vst v63  }
0x71: {  	_ =	swait.ge [sflag:s9], $0x1638  }
0x72: {  	s28 =	rddreg [dreg:$0x1c]  }
0x73: {  	s29 =	rddreg [dreg:$0x1b];
	s28 =	sadd.s32 $0x1, s28  }
0x74: {  	p0 =	sne.s32 s28, s29  }
.Ltmp1:
0x75: {  	_ = 	snop;
	(pc) =	sbr.rel @!p0 .LBB2_11-.Ltmp1, $3  }
0x76: {  	_ =	sdelay $0x1  }
0x77: {  	[sflag:s9] =	ssyncset.done $0x0  }
0x78: {  	[sflag:s9] =	ssyncadd.s32 $0xFFFFE9C8  }
.LBB2_1:
0x79: {  	[dreg:$0x1c] =	wrdreg s28  }
0x7a: {  	s7 =	rddreg [dreg:$0xc]  }
0x7b: {  	[tilespmem:s8], [sflag:$0xA] =	stream.linear.gather [hbm4b:s7+s3], $0x1638, $0x38;
	[tilespmem:$0x1E078] =	vst v63  }
0x7c: {  	_ =	swait.ge [sflag:s9], $0x1638  }
0x7d: {  	[sflag:s9] =	ssyncset.done $0x0  }
0x7e: {  	[sflag:s9] =	ssyncadd.s32 $0xFFFFE9C8  }
0x7f: {  	[spmem:s20] =	stream.linear.scatter [tilespmem:s8], [sflag:$0xA], $0x1638, $0x38;
	[tilespmem:$0x1E078] =	vst v63  }
0x80: {  	_ =	swait.ge [sflag:s9], $0x1638  }
0x81: {  	[sflag:s9] =	ssyncset.done $0x0  }
0x82: {  	[sflag:s9] =	ssyncadd.s32 $0xFFFFE9C8  }
0x83: {  	[spmem:s21] =	stream.linear.scatter [tilespmem:s8], [sflag:$0xA], $0x1638, $0x38;
	[tilespmem:$0x1E078] =	vst v63  }
0x84: {  	_ =	swait.ge [sflag:s9], $0x1638  }
0x85: {  	[sflag:s9] =	ssyncset.done $0x0  }
0x86: {  	[sflag:s9] =	ssyncadd.s32 $0xFFFFE9C8  }
0x87: {  	[spmem:s22] =	stream.linear.scatter [tilespmem:s8], [sflag:$0xA], $0x1638, $0x38;
	[tilespmem:$0x1E078] =	vst v63  }
0x88: {  	_ =	swait.ge [sflag:s9], $0x1638  }
0x89: {  	[sflag:s9] =	ssyncset.done $0x0  }
0x8a: {  	[sflag:s9] =	ssyncadd.s32 $0xFFFFE9C8  }
0x8b: {  	[spmem:s23] =	stream.linear.scatter [tilespmem:s8], [sflag:$0xA], $0x1638, $0x38;
	[tilespmem:$0x1E078] =	vst v63  }
0x8c: {  	_ =	swait.ge [sflag:s9], $0x1638  }
0x8d: {  	[sflag:s9] =	ssyncset.done $0x0  }
0x8e: {  	[sflag:s9] =	ssyncadd.s32 $0xFFFFE9C8  }
0x8f: {  	[spmem:s13] =	stream.linear.scatter [tilespmem:s8], [sflag:$0xA], $0x1638, $0x38;
	[tilespmem:$0x1E078] =	vst v63  }
0x90: {  	_ =	swait.ge [sflag:s9], $0x1638  }
0x91: {  	[sflag:s9] =	ssyncset.done $0x0  }
0x92: {  	[sflag:s9] =	ssyncadd.s32 $0xFFFFE9C8  }
0x93: {  	[spmem:s16] =	stream.linear.scatter [tilespmem:s8], [sflag:$0xA], $0x1638, $0x38;
	[tilespmem:$0x1E078] =	vst v63  }
0x94: {  	_ =	swait.ge [sflag:s9], $0x1638  }
0x95: {  	[sflag:s9] =	ssyncset.done $0x0  }
0x96: {  	[sflag:s9] =	ssyncadd.s32 $0xFFFFE9C8  }
0x97: {  	[spmem:s17] =	stream.linear.scatter [tilespmem:s8], [sflag:$0xA], $0x1638, $0x38;
	[tilespmem:$0x1E078] =	vst v63  }
0x98: {  	_ =	swait.ge [sflag:s9], $0x1638  }
0x99: {  	[sflag:s9] =	ssyncset.done $0x0  }
0x9a: {  	[sflag:s9] =	ssyncadd.s32 $0xFFFFE9C8  }
0x9b: {  	[spmem:s24] =	stream.linear.scatter [tilespmem:s8], [sflag:$0xA], $0x1638, $0x38;
	[tilespmem:$0x1E078] =	vst v63  }
0x9c: {  	_ =	swait.ge [sflag:s9], $0x1638  }
0x9d: {  	[sflag:s9] =	ssyncset.done $0x0  }
0x9e: {  	[sflag:s9] =	ssyncadd.s32 $0xFFFFE9C8  }
0x9f: {  	[bflag:$0x0] =	sbarrier.arrive $0xFFFF  }
0xa0: {  	s23 =	rddreg [dreg:$0x15]  }
0xa1: {  	[tilespmem:s3], [sflag:$0xA] =	stream.linear.gather [hbm4b:s23+s3], $0x80, $0x38;
	[tilespmem:$0x1E078] =	vst v63  }
0xa2: {  	_ =	swait.ge [sflag:s9], $0x80  }
0xa3: {  	[sflag:s9] =	ssyncset.done $0x0  }
0xa4: {  	s24 =	simm.s32 $0x300;
	[sflag:s9] =	ssyncadd.s32 $0xFFFFFF80  }
0xa5: {  	[tilespmem:s24], [sflag:$0x1] =	stream.indirect.gather [hbm4b:s5+s10], $0x50, s3, s10, $0xb8;
	[tilespmem:$0x1E078] =	vst v63  }
0xa6: {  	s29 =	simm.s32 $0x180;
	s28 =	rddreg [dreg:$0x16]  }
0xa7: {  	[tilespmem:s29], [sflag:$0xA] =	stream.linear.gather [hbm4b:s28+s3], $0x80, $0x38;
	[tilespmem:$0x1E078] =	vst v63  }
0xa8: {  	_ =	swait.ge [sflag:s9], $0x80  }
0xa9: {  	[sflag:s9] =	ssyncset.done $0x0  }
0xaa: {  	s13 =	simm.s32 $0x7B00;
	[sflag:s9] =	ssyncadd.s32 $0xFFFFFF80  }
0xab: {  	[tilespmem:s13], [sflag:$0x4] =	stream.indirect.gather [hbm4b:s14+s10], $0x20, s29, s10, $0xb8;
	[tilespmem:$0x1E078] =	vst v63  }
0xac: {  	s16 =	rddreg [dreg:$0x17]  }
0xad: {  	[tilespmem:s10], [sflag:$0xA] =	stream.linear.gather [hbm4b:s16+s3], $0x80, $0x38;
	[tilespmem:$0x1E078] =	vst v63  }
0xae: {  	_ =	swait.ge [sflag:s9], $0x80  }
0xaf: {  	[sflag:s9] =	ssyncset.done $0x0  }
0xb0: {  	s17 =	simm.s32 $0x2B00;
	[sflag:s9] =	ssyncadd.s32 $0xFFFFFF80  }
0xb1: {  	[tilespmem:s17], [sflag:$0x2] =	stream.indirect.gather [hbm4b:s5+s10], $0x50, s10, s10, $0xb8;
	[tilespmem:$0x1E078] =	vst v63  }
0xb2: {  	s21 =	simm.s32 $0x200;
	s20 =	rddreg [dreg:$0x18]  }
0xb3: {  	[tilespmem:s21], [sflag:$0xA] =	stream.linear.gather [hbm4b:s20+s3], $0x80, $0x38;
	[tilespmem:$0x1E078] =	vst v63  }
0xb4: {  	_ =	swait.ge [sflag:s9], $0x80  }
0xb5: {  	[sflag:s9] =	ssyncset.done $0x0  }
0xb6: {  	s22 =	simm.s32 $0x8B00;
	[sflag:s9] =	ssyncadd.s32 $0xFFFFFF80  }
0xb7: {  	[tilespmem:s22], [sflag:$0x5] =	stream.indirect.gather [hbm4b:s14+s10], $0x20, s21, s10, $0xb8;
	[tilespmem:$0x1E078] =	vst v63  }
0xb8: {  	s23 =	rddreg [dreg:$0x19]  }
0xb9: {  	[tilespmem:s12], [sflag:$0xA] =	stream.linear.gather [hbm4b:s23+s3], $0x80, $0x38;
	[tilespmem:$0x1E078] =	vst v63  }
0xba: {  	_ =	swait.ge [sflag:s9], $0x80  }
0xbb: {  	[sflag:s9] =	ssyncset.done $0x0  }
0xbc: {  	s24 =	simm.s32 $0x5300;
	[sflag:s9] =	ssyncadd.s32 $0xFFFFFF80  }
0xbd: {  	[tilespmem:s24], [sflag:$0x3] =	stream.indirect.gather [hbm4b:s5+s10], $0x50, s12, s10, $0xb8;
	[tilespmem:$0x1E078] =	vst v63  }
0xbe: {  	s28 =	rddreg [dreg:$0x1a]  }
0xbf: {  	[tilespmem:s11], [sflag:$0xA] =	stream.linear.gather [hbm4b:s28+s3], $0x80, $0x38;
	[tilespmem:$0x1E078] =	vst v63  }
0xc0: {  	_ =	swait.ge [sflag:s9], $0x80  }
0xc1: {  	[sflag:s9] =	ssyncset.done $0x0  }
0xc2: {  	s29 =	simm.s32 $0x9B00;
	s23 =	simm.s32 $0x0;
	[sflag:s9] =	ssyncadd.s32 $0xFFFFFF80  }
0xc3: {  	[tilespmem:s29], [sflag:$0x6] =	stream.indirect.gather [hbm4b:s14+s10], $0x20, s11, s10, $0xb8;
	[tilespmem:$0x1E078] =	vst v63  }
.LBB2_2:
0xc4: {  	_ =	swait.ge [sflag:s25], $0x2800  }
0xc5: {  	[sflag:s25] =	ssyncset.done $0x0  }
0xc6: {  	[sflag:s25] =	ssyncadd.s32 $0xFFFFD800  }
0xc7: {  	_ =	swait.ge [sflag:s26], $0x1000  }
0xc8: {  	p0 =	seq.s32 s23, $0x0;
	[sflag:s26] =	ssyncset.done $0x0  }
0xc9: {  	s7 =	simm.s32 @!p0 $0x7;
	[sflag:s26] =	ssyncadd.s32 $0xFFFFF000  }
0xca: {  	_ =	swait.ge @!p0 [sflag:s7], $0x2400  }
0xcb: {  	[sflag:s7] =	ssyncset.done @!p0 $0x0  }
0xcc: {  	s24 =	simm.s32 $0x3A0;
	[sflag:s7] =	ssyncadd.s32 @!p0 $0xFFFFDC00  }
0xcd: {  	s17 =	simm.s32 $0x7B40;
	v5 =	vld [tilespmem:s24+$0x90]  }
0xce: {  	v6 =	vld [tilespmem:s17+$0x20];
	_ =	sdelay $0x4  }
0xcf: {  	v7 =	vld [tilespmem:s17+$0x30];
	v5 =	vadd.f32 v6, v5;
	_ =	sdelay $0x1  }
0xd0: {  	v6 =	vmul.f32 $2.000000030e-01, v5  }
0xd1: {  	v8 =	vld [tilespmem:s17+$0xFFFFFFC0]  }
0xd2: {  	v9 =	vld [tilespmem:s24+$0xFFFFFFF0];
	v5 =	vmax.f32 v5, v6  }
0xd3: {  	v10 =	vld [tilespmem:s17+$0x0];
	v5 =	vsub.f32 v5, v7  }
0xd4: {  	v6 =	vld [tilespmem:s17+$0xFFFFFFE0]  }
0xd5: {  	v7 =	vld [tilespmem:s24+$0x40];
	v5 =	vmul.f32 $1.442695020e+00, v5  }
0xd6: {  	v11 =	vld [tilespmem:s24+$0xFFFFFFA0]  }
0xd7: {  	(erf) = vpow2.f32 v5;
	_ =	sdelay $0x1  }
0xd8: {  	v5 =	vadd.f32 v6, v9;
	v6 =	vld [tilespmem:s17+$0xFFFFFFF0]  }
0xd9: {  	v9 =	vld [tilespmem:s17+$0x10];
	v7 =	vadd.f32 v10, v7  }
0xda: {  	v8 =	vadd.f32 v8, v11;
	v10 =	vld [tilespmem:s17+$0xFFFFFFD0];
	v12 =	vmul.f32 $2.000000030e-01, v5  }
0xdb: {  	v11 =	vmul.f32 $2.000000030e-01, v7  }
0xdc: {  	v5 =	vmax.f32 v5, v12;
	v12 =	vmul.f32 $2.000000030e-01, v8  }
0xdd: {  	v5 =	vsub.f32 v5, v6;
	v6 =	vmax.f32 v7, v11  }
0xde: {  	v6 =	vsub.f32 v6, v9;
	v7 =	vmax.f32 v8, v12  }
0xdf: {  	v5 =	vmul.f32 $1.442695020e+00, v5;
	v7 =	vsub.f32 v7, v10;
	v8 =	vpop (erf)  }
0xe0: {  	s22 =	simm.s32 $0x4E0;
	v6 =	vmul.f32 $1.442695020e+00, v6;
	v9 =	vperm.xlane v8, v0  }
0xe1: {  	s8 =	simm.s32 $0xAB90;
	s20 =	simm.s32 $0x7BC0;
	(erf) = vpow2.f32 v5;
	v5 =	vmul.f32 $1.442695020e+00, v7;
	v7 =	vld [tilespmem:s22+$0x90]  }
0xe2: {  	(erf) = vpow2.f32 v6;
	v6 =	vld [tilespmem:s20+$0x20];
	[tilespmem:s8+$0x80] =	vst v9  }
0xe3: {  	(erf) = vpow2.f32 v5;
	v5 =	vld [tilespmem:s24+$0x50];
	_ =	sdelay $0x2  }
0xe4: {  	v9 =	vperm.xlane v8, v1  }
0xe5: {  	v10 =	vld [tilespmem:s20+$0x30];
	v6 =	vadd.f32 v6, v7  }
0xe6: {  	v5 =	vmul.f32 v9, v5  }
0xe7: {  	v16 =	vld [tilespmem:s20+$0x0];
	v9 =	vmul.f32 $2.000000030e-01, v6  }
0xe8: {  	v12 =	vld [tilespmem:s22+$0xFFFFFFF0];
	[tilespmem:s8+$0x48] =	vst v5  }
0xe9: {  	v11 =	vpop (erf);
	v6 =	vmax.f32 v6, v9;
	v13 =	vld [tilespmem:s24+$0x60]  }
0xea: {  	v9 =	vld [tilespmem:s20+$0xFFFFFFE0];
	v6 =	vsub.f32 v6, v10;
	v5 =	vpop (erf)  }
0xeb: {  	v17 =	vperm.xlane v8, v2;
	v10 =	vld [tilespmem:s22+$0x40];
	v14 =	vpop (erf)  }
0xec: {  	v19 =	vld [tilespmem:s22+$0xFFFFFFA0];
	v6 =	vmul.f32 $1.442695020e+00, v6;
	v15 =	vperm.xlane v14, v0  }
0xed: {  	v7 =	vld [tilespmem:s20+$0xFFFFFFC0];
	v18 =	vperm.xlane v11, v0  }
0xee: {  	v20 =	vld [tilespmem:s20+$0x10];
	(erf) = vpow2.f32 v6;
	[tilespmem:s8+$0xFFFFFFA8] =	vst v15;
	v13 =	vmul.f32 v17, v13  }
0xef: {  	[tilespmem:s8+$0xFFFFFFF0] =	vst v18;
	v6 =	vld [tilespmem:s24+$0xFFFFFF60]  }
0xf0: {  	v9 =	vadd.f32 v9, v12;
	v12 =	vld [tilespmem:s24+$0xFFFFFFB0];
	v10 =	vadd.f32 v16, v10;
	[tilespmem:s8+$0x58] =	vst v13  }
0xf1: {  	v17 =	vperm.xlane v14, v1;
	v16 =	vld [tilespmem:s24+$0x70]  }
0xf2: {  	v7 =	vadd.f32 v7, v19;
	v15 =	vld [tilespmem:s20+$0xFFFFFFF0];
	v13 =	vperm.xlane v5, v0;
	v19 =	vmul.f32 $2.000000030e-01, v10  }
0xf3: {  	v18 =	vmul.f32 $2.000000030e-01, v9  }
0xf4: {  	v22 =	vld [tilespmem:s20+$0xFFFFFFD0];
	[tilespmem:s8+$0x38] =	vst v13;
	v13 =	vperm.xlane v8, v3;
	v10 =	vmax.f32 v10, v19;
	v6 =	vmul.f32 v17, v6  }
0xf5: {  	s21 =	simm.s32 $0x7C40;
	v21 =	vperm.xlane v11, v1  }
0xf6: {  	v24 =	vld [tilespmem:s21+$0xFFFFFFE0];
	v9 =	vmax.f32 v9, v18;
	v18 =	vmul.f32 $2.000000030e-01, v7;
	[tilespmem:s8+$0xFFFFFF70] =	vst v6;
	v6 =	vmul.f32 v13, v16  }
0xf7: {  	v12 =	vmul.f32 v21, v12;
	v9 =	vsub.f32 v9, v15;
	v17 =	vld [tilespmem:s24+$0x0];
	v13 =	vsub.f32 v10, v20;
	v10 =	vpop (erf)  }
0xf8: {  	v27 =	vld [tilespmem:s21+$0x30];
	v7 =	vmax.f32 v7, v18;
	[tilespmem:s8+$0x68] =	vst v6;
	v6 =	vperm.xlane v10, v0  }
0xf9: {  	s13 =	simm.s32 $0xACB0;
	s29 =	simm.s32 $0x760;
	v29 =	vld [tilespmem:s21+$0x0];
	[tilespmem:s8+$0xFFFFFFB8] =	vst v12;
	v7 =	vsub.f32 v7, v22;
	v9 =	vmul.f32 $1.442695020e+00, v9  }
0xfa: {  	v34 =	vld [tilespmem:s29+$0x40];
	v12 =	vperm.xlane v5, v1;
	v13 =	vmul.f32 $1.442695020e+00, v13;
	[tilespmem:s13+$0x80] =	vst v6  }
0xfb: {  	s16 =	simm.s32 $0x620;
	v7 =	vmul.f32 $1.442695020e+00, v7;
	(erf) = vpow2.f32 v9;
	v6 =	vld [tilespmem:s22+$0x50]  }
0xfc: {  	v12 =	vmul.f32 v12, v17;
	v17 =	vld [tilespmem:s16+$0x90];
	(erf) = vpow2.f32 v13  }
0xfd: {  	s7 =	simm.s32 $0x7CC0;
	(erf) = vpow2.f32 v7;
	v7 =	vld [tilespmem:s21+$0x20]  }
0xfe: {  	v39 =	vld [tilespmem:s7+$0x0];
	v18 =	vperm.xlane v10, v1  }
0xff: {  	v16 =	vld [tilespmem:s24+$0xFFFFFFC0]  }
0x100: {  	v15 =	vld [tilespmem:s24+$0xFFFFFF70];
	v6 =	vmul.f32 v18, v6  }
0x101: {  	v26 =	vperm.xlane v11, v3;
	v21 =	vperm.xlane v14, v2;
	v9 =	vld [tilespmem:s24+$0x80]  }
0x102: {  	v30 =	vld [tilespmem:s16+$0xFFFFFFA0];
	v25 =	vperm.xlane v14, v3;
	v20 =	vperm.xlane v11, v2;
	v7 =	vadd.f32 v7, v17  }
0x103: {  	v19 =	vperm.xlane v14, v4;
	v14 =	vld [tilespmem:s16+$0x40];
	v8 =	vperm.xlane v8, v4  }
0x104: {  	v22 =	vld [tilespmem:s16+$0xFFFFFFF0];
	v18 =	vperm.xlane v11, v4;
	[tilespmem:s13+$0x48] =	vst v6;
	v11 =	vmul.f32 $2.000000030e-01, v7;
	v6 =	vpop (erf)  }
0x105: {  	v56 =	vadd.f32 v39, v34;
	v16 =	vmul.f32 v20, v16;
	v15 =	vmul.f32 v21, v15;
	v28 =	vld [tilespmem:s22+$0x60];
	v21 =	vpop (erf)  }
0x106: {  	v13 =	vld [tilespmem:s21+$0xFFFFFFC0];
	v32 =	vmul.f32 v8, v9;
	v7 =	vmax.f32 v7, v11;
	v8 =	vperm.xlane v6, v0;
	v20 =	vpop (erf)  }
0x107: {  	v31 =	vld [tilespmem:s21+$0xFFFFFFD0];
	v39 =	vmul.f32 $2.000000030e-01, v56;
	[tilespmem:s8+$0x0] =	vst v12;
	v7 =	vsub.f32 v7, v27;
	v11 =	vperm.xlane v20, v0  }
0x108: {  	v23 =	vperm.xlane v5, v2;
	v14 =	vadd.f32 v29, v14;
	v12 =	vld [tilespmem:s24+$0x10];
	v27 =	vperm.xlane v10, v2;
	[tilespmem:s13+$0xFFFFFFF0] =	vst v8  }
0x109: {  	v9 =	vld [tilespmem:s21+$0xFFFFFFF0];
	v7 =	vmul.f32 $1.442695020e+00, v7;
	v8 =	vperm.xlane v21, v0;
	[tilespmem:s13+$0xFFFFFFA8] =	vst v11;
	v11 =	vadd.f32 v24, v22  }
0x10a: {  	v48 =	vmul.f32 $2.000000030e-01, v14;
	v29 =	vld [tilespmem:s22+$0xFFFFFFB0];
	v24 =	vmul.f32 v27, v28  }
0x10b: {  	v22 =	vld [tilespmem:s21+$0x10];
	(erf) = vpow2.f32 v7;
	[tilespmem:s13+$0x38] =	vst v8;
	v8 =	vadd.f32 v13, v30;
	v33 =	vmul.f32 $2.000000030e-01, v11  }
0x10c: {  	v14 =	vmax.f32 v14, v48;
	[tilespmem:s8+$0xFFFFFFC8] =	vst v16;
	v16 =	vperm.xlane v10, v3;
	v17 =	vperm.xlane v5, v3;
	v28 =	vld [tilespmem:s22+$0xFFFFFF60]  }
0x10d: {  	v12 =	vmul.f32 v23, v12;
	v49 =	vld [tilespmem:s22+$0x0];
	[tilespmem:s13+$0x58] =	vst v24;
	v23 =	vmul.f32 $2.000000030e-01, v8;
	v11 =	vmax.f32 v11, v33  }
0x10e: {  	[tilespmem:s8+$0xFFFFFF80] =	vst v15;
	v50 =	vperm.xlane v21, v3;
	v27 =	vperm.xlane v6, v1;
	v13 =	vld [tilespmem:s22+$0x70];
	v9 =	vsub.f32 v11, v9  }
0x10f: {  	v44 =	vld [tilespmem:s29+$0xFFFFFFA0];
	[tilespmem:s8+$0x10] =	vst v12;
	v15 =	vperm.xlane v20, v1;
	v7 =	vperm.xlane v21, v1;
	v8 =	vmax.f32 v8, v23  }
0x110: {  	v23 =	vld [tilespmem:s24+$0x20];
	v12 =	vsub.f32 v14, v22;
	v22 =	vmul.f32 v27, v29;
	v9 =	vmul.f32 $1.442695020e+00, v9  }
0x111: {  	v24 =	vperm.xlane v6, v2;
	v11 =	vld [tilespmem:s24+$0xFFFFFF80];
	v15 =	vmul.f32 v15, v28  }
0x112: {  	v14 =	vld [tilespmem:s24+$0xFFFFFFD0];
	v29 =	vperm.xlane v6, v3;
	v28 =	vperm.xlane v20, v2;
	[tilespmem:s13+$0xFFFFFFB8] =	vst v22  }
0x113: {  	v7 =	vmul.f32 v7, v49;
	[tilespmem:s13+$0xFFFFFF70] =	vst v15;
	v13 =	vmul.f32 v16, v13;
	v16 =	vld [tilespmem:s22+$0xFFFFFFC0]  }
0x114: {  	v8 =	vsub.f32 v8, v31;
	v12 =	vmul.f32 $1.442695020e+00, v12;
	v15 =	vld [tilespmem:s22+$0xFFFFFF70];
	(erf) = vpow2.f32 v9;
	v9 =	vpop (erf)  }
0x115: {  	[tilespmem:s13+$0x0] =	vst v7;
	v17 =	vmul.f32 v17, v23;
	v23 =	vld [tilespmem:s7+$0xFFFFFFC0];
	v7 =	vperm.xlane v9, v0  }
0x116: {  	s28 =	simm.s32 $0xADD0;
	v8 =	vmul.f32 $1.442695020e+00, v8;
	[tilespmem:s13+$0x68] =	vst v13;
	(erf) = vpow2.f32 v12;
	v12 =	vld [tilespmem:s22+$0x10]  }
0x117: {  	v11 =	vmul.f32 v25, v11;
	v25 =	vperm.xlane v20, v3;
	v22 =	vld [tilespmem:s22+$0x80];
	[tilespmem:s28+$0x80] =	vst v7  }
0x118: {  	(erf) = vpow2.f32 v8;
	v8 =	vperm.xlane v20, v4;
	v20 =	vld [tilespmem:s16+$0x50]  }
0x119: {  	v13 =	vperm.xlane v21, v2;
	v14 =	vmul.f32 v26, v14;
	[tilespmem:s8+$0xFFFFFF90] =	vst v11;
	v11 =	vld [tilespmem:s29+$0x90]  }
0x11a: {  	v7 =	vperm.xlane v6, v4;
	v6 =	vperm.xlane v21, v4;
	v21 =	vld [tilespmem:s7+$0x20]  }
0x11b: {  	v27 =	vld [tilespmem:s24+$0xFFFFFF90];
	v26 =	vmul.f32 v28, v15;
	v15 =	vperm.xlane v9, v1  }
0x11c: {  	v10 =	vperm.xlane v10, v4;
	v24 =	vmul.f32 v24, v16;
	v23 =	vadd.f32 v23, v44  }
0x11d: {  	v36 =	vld [tilespmem:s7+$0x30];
	v5 =	vperm.xlane v5, v4;
	v15 =	vmul.f32 v15, v20  }
0x11e: {  	v28 =	vld [tilespmem:s29+$0xFFFFFFF0];
	[tilespmem:s13+$0xFFFFFFC8] =	vst v24;
	v22 =	vmul.f32 v10, v22;
	v24 =	vmul.f32 $2.000000030e-01, v23  }
0x11f: {  	v54 =	vperm.xlane v9, v2;
	v45 =	vmul.f32 v13, v12;
	v10 =	vld [tilespmem:s7+$0xFFFFFFE0];
	v11 =	vadd.f32 v21, v11;
	[tilespmem:s28+$0x48] =	vst v15  }
0x120: {  	v51 =	vpop (erf);
	v19 =	vmul.f32 v19, v27;
	[tilespmem:s13+$0x78] =	vst v22;
	v22 =	vmax.f32 v23, v24;
	v23 =	vperm.xlane v9, v3;
	v42 =	vld [tilespmem:s16+$0x60]  }
0x121: {  	[tilespmem:s8+$0x20] =	vst v17;
	v52 =	vperm.xlane v51, v0;
	v35 =	vpop (erf);
	v41 =	vmul.f32 $2.000000030e-01, v11  }
0x122: {  	[tilespmem:s8+$0xFFFFFFD8] =	vst v14;
	v16 =	vperm.xlane v51, v2;
	v13 =	vperm.xlane v51, v3;
	v38 =	vpop (erf)  }
0x123: {  	v46 =	vld [tilespmem:s7+$0xFFFFFFD0];
	[tilespmem:s13+$0xFFFFFF80] =	vst v26;
	v20 =	vperm.xlane v51, v1;
	v40 =	vperm.xlane v38, v0;
	v11 =	vmax.f32 v11, v41  }
0x124: {  	v26 =	vld [tilespmem:s7+$0xFFFFFFF0];
	v21 =	vperm.xlane v35, v0;
	v28 =	vadd.f32 v10, v28;
	[tilespmem:s28+$0xFFFFFFF0] =	vst v52;
	v11 =	vsub.f32 v11, v36  }
0x125: {  	v55 =	vld [tilespmem:s7+$0x10];
	v37 =	vperm.xlane v35, v1;
	[tilespmem:s28+$0xFFFFFFA8] =	vst v40;
	v36 =	vmul.f32 v54, v42  }
0x126: {  	[tilespmem:s28+$0x38] =	vst v21;
	v21 =	vmul.f32 $2.000000030e-01, v28;
	v57 =	vld [tilespmem:s16+$0xFFFFFF60];
	v11 =	vmul.f32 $1.442695020e+00, v11  }
0x127: {  	v14 =	vperm.xlane v35, v3;
	v17 =	vperm.xlane v35, v4;
	v58 =	vld [tilespmem:s16+$0xFFFFFFB0];
	[tilespmem:s28+$0x58] =	vst v36  }
0x128: {  	v53 =	vperm.xlane v38, v1;
	v21 =	vmax.f32 v28, v21;
	(erf) = vpow2.f32 v11;
	v28 =	vld [tilespmem:s16+$0x70]  }
0x129: {  	v61 =	vld [tilespmem:s22+$0xFFFFFFD0];
	v43 =	vperm.xlane v38, v2;
	v21 =	vsub.f32 v21, v26;
	v26 =	vmax.f32 v56, v39  }
0x12a: {  	v12 =	vperm.xlane v38, v3;
	v10 =	vperm.xlane v38, v4;
	v59 =	vld [tilespmem:s16+$0x0];
	v26 =	vsub.f32 v26, v55  }
0x12b: {  	v60 =	vld [tilespmem:s22+$0xFFFFFF80];
	[tilespmem:s13+$0x10] =	vst v45;
	v21 =	vmul.f32 $1.442695020e+00, v21;
	v27 =	vmul.f32 v53, v57  }
0x12c: {  	v62 =	vld [tilespmem:s22+$0x20];
	v22 =	vsub.f32 v22, v46;
	[tilespmem:s8+$0xFFFFFFA0] =	vst v19;
	v20 =	vmul.f32 v20, v58;
	v24 =	vmul.f32 $1.442695020e+00, v26  }
0x12d: {  	v26 =	vld [tilespmem:s24+$0xFFFFFFE0];
	(erf) = vpow2.f32 v21;
	[tilespmem:s28+$0xFFFFFF70] =	vst v27;
	v19 =	vmul.f32 v23, v28  }
0x12e: {  	[tilespmem:s8+$0x78] =	vst v32;
	v29 =	vmul.f32 v29, v61;
	v21 =	vmul.f32 $1.442695020e+00, v22;
	v63 =	vld [tilespmem:s16+$0xFFFFFF70]  }
0x12f: {  	[tilespmem:s28+$0xFFFFFFB8] =	vst v20;
	v20 =	vmul.f32 v37, v59;
	v22 =	vld [tilespmem:s24+$0x30];
	(erf) = vpow2.f32 v24  }
0x130: {  	v24 =	vld [tilespmem:s16+$0xFFFFFFC0];
	(erf) = vpow2.f32 v21;
	v28 =	vmul.f32 v25, v60;
	[tilespmem:s28+$0x68] =	vst v19  }
0x131: {  	v15 =	vperm.xlane v35, v2;
	v11 =	vperm.xlane v51, v4;
	[tilespmem:s28+$0x0] =	vst v20;
	v23 =	vld [tilespmem:s16+$0x80];
	v19 =	vpop (erf)  }
0x132: {  	s17 =	simm.s32 $0xAEF0;
	v20 =	vld [tilespmem:s16+$0x10];
	v21 =	vmul.f32 v18, v26;
	[tilespmem:s13+$0xFFFFFF90] =	vst v28;
	v27 =	vperm.xlane v19, v0  }
0x133: {  	s20 =	simm.s32 $0xC;
	s21 =	simm.s32 $0x8A0;
	[tilespmem:s13+$0xFFFFFFD8] =	vst v29;
	s24 =	smul.u32 $0x3, s23;
	v25 =	vmul.f32 v50, v62;
	v26 =	vmul.f32 v43, v63;
	v18 =	vld [tilespmem:s22+$0xFFFFFF90]  }
.LBB2_3:
0x134: {  	v28 =	vld [tilespmem:s21+$0x90];
	[tilespmem:s17+$0x80] =	vst v27;
	v27 =	vperm.xlane v9, v4;
	v22 =	vmul.f32 v5, v22;
	v5 =	vmovc v6;
	v6 =	vmov v17  }
0x135: {  	s7 =	sadd.s32 $0x80, s7;
	v9 =	vmov v19;
	v17 =	vld [tilespmem:s29+$0x50];
	[tilespmem:s28+$0xFFFFFF80] =	vst v26;
	v16 =	vmul.f32 v16, v24  }
0x136: {  	s20 =	sadd.s32 $0x4, s20;
	v19 =	vld [tilespmem:s7+$0x20];
	v24 =	vpop (erf);
	v23 =	vmul.f32 v27, v23;
	[tilespmem:s13+$0x20] =	vst v25  }
0x137: {  	p1 =	slt.u32 s20, $0x7C;
	v25 =	vld [tilespmem:s7+$0xFFFFFFC0];
	v26 =	vperm.xlane v24, v0;
	v27 =	vperm.xlane v24, v1;
	[tilespmem:s28+$0xFFFFFFC8] =	vst v16  }
0x138: {  	v30 =	vperm.xlane v9, v1;
	v16 =	vperm.xlane v24, v2;
	v29 =	vld [tilespmem:s21+$0xFFFFFFF0];
	v31 =	vpop (erf);
	[tilespmem:s28+$0x78] =	vst v23  }
0x139: {  	v23 =	vld [tilespmem:s7+$0xFFFFFFE0];
	[tilespmem:s17+$0xFFFFFFF0] =	vst v26;
	v26 =	vperm.xlane v31, v0;
	v32 =	vperm.xlane v31, v1;
	v33 =	vpop (erf)  }
0x13a: {  	v34 =	vld [tilespmem:s21+$0x40];
	v35 =	vperm.xlane v33, v0;
	v17 =	vmul.f32 v30, v17;
	[tilespmem:s8+$0xFFFFFFE8] =	vst v21  }
0x13b: {  	v30 =	vperm.xlane v33, v2;
	v21 =	vld [tilespmem:s7+$0x30];
	v19 =	vadd.f32 v19, v28;
	v28 =	vperm.xlane v33, v1;
	[tilespmem:s17+$0x38] =	vst v26  }
0x13c: {  	v26 =	vld [tilespmem:s7+$0x0];
	[tilespmem:s17+$0x48] =	vst v17;
	v17 =	vmul.f32 v15, v20;
	v15 =	vperm.xlane v31, v2  }
0x13d: {  	v20 =	vmul.f32 $2.000000030e-01, v19;
	[tilespmem:s17+$0xFFFFFFA8] =	vst v35;
	v35 =	vperm.xlane v33, v3;
	v36 =	vld [tilespmem:s29+$0x60]  }
0x13e: {  	v38 =	vperm.xlane v31, v3;
	v37 =	vld [tilespmem:s21+$0xFFFFFFA0];
	v23 =	vadd.f32 v23, v29;
	v29 =	vperm.xlane v24, v3;
	[tilespmem:s28+$0x10] =	vst v17  }
0x13f: {  	v39 =	vld [tilespmem:s7+$0xFFFFFFD0];
	v17 =	vmax.f32 v19, v20;
	v19 =	vperm.xlane v33, v4;
	v33 =	vperm.xlane v24, v4;
	[tilespmem:s8+$0x30] =	vst v22;
	s8 =	smov.u32 s13;
	s13 =	smov.u32 s28;
	s28 =	smov.u32 s17  }
0x140: {  	v24 =	vperm.xlane v9, v2;
	v20 =	vld [tilespmem:s7+$0xFFFFFFF0];
	v22 =	vmul.f32 $2.000000030e-01, v23;
	v21 =	vsub.f32 v17, v21  }
0x141: {  	v18 =	vmul.f32 v8, v18;
	v8 =	vmovc v10;
	v17 =	vperm.xlane v31, v4;
	v40 =	vld [tilespmem:s7+$0x10];
	v26 =	vadd.f32 v26, v34  }
0x142: {  	v10 =	vmovc v19;
	v22 =	vmax.f32 v23, v22;
	v21 =	vmul.f32 $1.442695020e+00, v21;
	v23 =	vld [tilespmem:s29+$0xFFFFFF60];
	v24 =	vmul.f32 v24, v36  }
0x143: {  	v19 =	vadd.f32 v25, v37;
	v25 =	vmul.f32 $2.000000030e-01, v26;
	v31 =	vld [tilespmem:s29+$0xFFFFFFB0];
	[tilespmem:s8+$0xFFFFFFA0] =	vst v18  }
0x144: {  	(erf) = vpow2.f32 v21;
	v18 =	vld [tilespmem:s29+$0x0];
	[tilespmem:s17+$0x58] =	vst v24  }
0x145: {  	v21 =	vmul.f32 $2.000000030e-01, v19;
	v20 =	vsub.f32 v22, v20;
	v22 =	vmax.f32 v26, v25;
	v24 =	vld [tilespmem:s29+$0x70]  }
0x146: {  	v22 =	vsub.f32 v22, v40;
	v25 =	vld [tilespmem:s16+$0xFFFFFF80]  }
0x147: {  	v19 =	vmax.f32 v19, v21;
	v20 =	vmul.f32 $1.442695020e+00, v20;
	v21 =	vmul.f32 v28, v23;
	v26 =	vld [tilespmem:s16+$0xFFFFFFD0]  }
0x148: {  	v23 =	vperm.xlane v9, v3;
	v19 =	vsub.f32 v19, v39;
	v22 =	vmul.f32 $1.442695020e+00, v22;
	v28 =	vld [tilespmem:s16+$0x20]  }
0x149: {  	(erf) = vpow2.f32 v20;
	[tilespmem:s17+$0xFFFFFF70] =	vst v21;
	v20 =	vmul.f32 v27, v31;
	v21 =	vld [tilespmem:s22+$0xFFFFFFE0]  }
0x14a: {  	v27 =	vmul.f32 $1.442695020e+00, v19;
	v31 =	vld [tilespmem:s29+$0xFFFFFF70];
	v23 =	vmul.f32 v23, v24  }
.Ltmp2:
0x14b: {  	v18 =	vmul.f32 v32, v18;
	(erf) = vpow2.f32 v22;
	[tilespmem:s17+$0xFFFFFFB8] =	vst v20;
	v22 =	vld [tilespmem:s22+$0x30];
	s22 =	smov.u32 s16;
	s16 =	smov.u32 s29;
	(pc) =	sbr.rel @p1 .LBB2_3-.Ltmp2, $4  }
0x14c: {  	v32 =	vmul.f32 v12, v25;
	v12 =	vmov v35;
	s29 =	smov.u32 s21;
	(erf) = vpow2.f32 v27;
	v24 =	vld [tilespmem:s16+$0xFFFFFFC0];
	[tilespmem:s17+$0x68] =	vst v23  }
0x14d: {  	v34 =	vmul.f32 v13, v26;
	v13 =	vmov v29;
	v19 =	vpop (erf);
	[tilespmem:s17+$0x0] =	vst v18;
	v23 =	vld [tilespmem:s16+$0x80];
	v25 =	vmul.f32 v14, v28  }
0x14e: {  	v14 =	vmovc v38;
	v27 =	vperm.xlane v19, v0;
	v20 =	vld [tilespmem:s16+$0x10];
	[tilespmem:s13+$0xFFFFFF90] =	vst v32;
	v21 =	vmul.f32 v7, v21;
	v7 =	vmov v11  }
0x14f: {  	s21 =	sadd.s32 $0x140, s21;
	s17 =	sadd.s32 $0x120, s17;
	v11 =	vmov v33;
	v26 =	vmul.f32 v30, v31;
	v18 =	vld [tilespmem:s22+$0xFFFFFF90];
	[tilespmem:s13+$0xFFFFFFD8] =	vst v34  }
0x150: {  	[tilespmem:s17+$0x80] =	vst v27  }
0x151: {  	v27 =	vld [tilespmem:s29+$0x50];
	_ =	sdelay $0x2  }
0x152: {  	v29 =	vperm.xlane v19, v1;
	v28 =	vpop (erf)  }
0x153: {  	v30 =	vpop (erf)  }
0x154: {  	v31 =	vpop (erf);
	v27 =	vmul.f32 v29, v27  }
0x155: {  	v29 =	vperm.xlane v31, v0  }
0x156: {  	v32 =	vperm.xlane v28, v0;
	[tilespmem:s17+$0x48] =	vst v27  }
0x157: {  	v27 =	vperm.xlane v30, v0;
	[tilespmem:s17+$0xFFFFFFA8] =	vst v29;
	v29 =	vld [tilespmem:s29+$0x60]  }
0x158: {  	[tilespmem:s17+$0xFFFFFFF0] =	vst v32;
	v42 =	vld [tilespmem:s29+$0xFFFFFF60]  }
0x159: {  	[tilespmem:s17+$0x38] =	vst v27;
	v27 =	vld [tilespmem:s29+$0xFFFFFFB0]  }
0x15a: {  	v33 =	vperm.xlane v19, v2;
	[tilespmem:s13+$0x20] =	vst v25;
	v34 =	vld [tilespmem:s29+$0x0]  }
0x15b: {  	[tilespmem:s8+$0xFFFFFFE8] =	vst v21;
	v16 =	vmul.f32 v16, v24;
	v24 =	vperm.xlane v31, v1  }
0x15c: {  	[tilespmem:s28+$0xFFFFFF80] =	vst v26;
	v25 =	vperm.xlane v28, v1;
	v26 =	vmul.f32 v33, v29  }
0x15d: {  	[tilespmem:s28+$0xFFFFFFC8] =	vst v16;
	v16 =	vperm.xlane v30, v1;
	v24 =	vmul.f32 v24, v42  }
0x15e: {  	v9 =	vperm.xlane v9, v4;
	v25 =	vmul.f32 v25, v27;
	[tilespmem:s17+$0x58] =	vst v26  }
0x15f: {  	[tilespmem:s17+$0xFFFFFF70] =	vst v24;
	v16 =	vmul.f32 v16, v34;
	v26 =	vld [tilespmem:s29+$0x70]  }
0x160: {  	v9 =	vmul.f32 v9, v23;
	v23 =	vld [tilespmem:s29+$0xFFFFFF70];
	[tilespmem:s17+$0xFFFFFFB8] =	vst v25  }
0x161: {  	v5 =	vmul.f32 v5, v22;
	v24 =	vld [tilespmem:s29+$0xFFFFFFC0];
	[tilespmem:s17+$0x0] =	vst v16  }
0x162: {  	[tilespmem:s28+$0x78] =	vst v9;
	v9 =	vmul.f32 v15, v20;
	v15 =	vperm.xlane v19, v3;
	v16 =	vld [tilespmem:s29+$0x10]  }
0x163: {  	[tilespmem:s8+$0x30] =	vst v5;
	v5 =	vld [tilespmem:s16+$0xFFFFFFD0];
	v20 =	vperm.xlane v31, v2  }
0x164: {  	v21 =	vperm.xlane v28, v2;
	[tilespmem:s28+$0x10] =	vst v9;
	v9 =	vld [tilespmem:s16+$0xFFFFFF80];
	v15 =	vmul.f32 v15, v26  }
0x165: {  	v22 =	vperm.xlane v30, v2;
	v20 =	vmul.f32 v20, v23  }
0x166: {  	v23 =	vld [tilespmem:s16+$0x20];
	[tilespmem:s17+$0x68] =	vst v15;
	v15 =	vmul.f32 v21, v24  }
0x167: {  	[tilespmem:s17+$0xFFFFFF80] =	vst v20;
	v16 =	vmul.f32 v22, v16;
	v21 =	vld [tilespmem:s29+$0x80]  }
0x168: {  	v8 =	vmul.f32 v8, v18;
	[tilespmem:s17+$0xFFFFFFC8] =	vst v15;
	v15 =	vld [tilespmem:s29+$0xFFFFFF80]  }
0x169: {  	v5 =	vmul.f32 v13, v5;
	v9 =	vmul.f32 v12, v9;
	[tilespmem:s17+$0x10] =	vst v16;
	v12 =	vld [tilespmem:s29+$0xFFFFFFD0]  }
0x16a: {  	[tilespmem:s13+$0xFFFFFFA0] =	vst v8;
	v8 =	vperm.xlane v19, v4;
	v13 =	vld [tilespmem:s29+$0x20]  }
0x16b: {  	v18 =	vld [tilespmem:s22+$0xFFFFFFE0];
	[tilespmem:s28+$0xFFFFFFD8] =	vst v5;
	v16 =	vperm.xlane v31, v3;
	v14 =	vmul.f32 v14, v23  }
0x16c: {  	v19 =	vld [tilespmem:s22+$0x30];
	[tilespmem:s28+$0xFFFFFF90] =	vst v9;
	v9 =	vperm.xlane v28, v3;
	v5 =	vmul.f32 v8, v21  }
0x16d: {  	v20 =	vld [tilespmem:s16+$0xFFFFFF90];
	[tilespmem:s28+$0x20] =	vst v14;
	v8 =	vperm.xlane v30, v3;
	v14 =	vmul.f32 v16, v15  }
0x16e: {  	[tilespmem:s17+$0x78] =	vst v5;
	v5 =	vld [tilespmem:s16+$0xFFFFFFE0];
	v9 =	vmul.f32 v9, v12  }
0x16f: {  	v12 =	vld [tilespmem:s16+$0x30];
	v8 =	vmul.f32 v8, v13;
	[tilespmem:s17+$0xFFFFFF90] =	vst v14  }
0x170: {  	v7 =	vmul.f32 v7, v18;
	v13 =	vld [tilespmem:s29+$0xFFFFFF90];
	[tilespmem:s17+$0xFFFFFFD8] =	vst v9  }
0x171: {  	v6 =	vmul.f32 v6, v19;
	[tilespmem:s17+$0x20] =	vst v8;
	v8 =	vld [tilespmem:s29+$0xFFFFFFE0]  }
0x172: {  	[tilespmem:s13+$0xFFFFFFE8] =	vst v7;
	v7 =	vmul.f32 v10, v20;
	v9 =	vld [tilespmem:s29+$0x30]  }
0x173: {  	[tilespmem:s13+$0x30] =	vst v6;
	v10 =	vperm.xlane v31, v4;
	v5 =	vmul.f32 v11, v5  }
0x174: {  	v6 =	vperm.xlane v28, v4;
	[tilespmem:s28+$0xFFFFFFA0] =	vst v7;
	v7 =	vmul.f32 v17, v12  }
0x175: {  	v11 =	vperm.xlane v30, v4;
	[tilespmem:s28+$0xFFFFFFE8] =	vst v5;
	v5 =	vmul.f32 v10, v13  }
0x176: {  	[tilespmem:s28+$0x30] =	vst v7;
	v6 =	vmul.f32 v6, v8  }
0x177: {  	[tilespmem:s17+$0xFFFFFFA0] =	vst v5;
	v5 =	vmul.f32 v11, v9  }
0x178: {  	[tilespmem:s17+$0xFFFFFFE8] =	vst v6  }
0x179: {  	[tilespmem:s17+$0x30] =	vst v5  }
0x17a: {  	v5 =	vld [tilespmem:$0x180]  }
0x17b: {  	v6 =	vld [tilespmem:$0x190]  }
0x17c: {  	v7 =	vld [tilespmem:$0x1A0]  }
0x17d: {  	v8 =	vld [tilespmem:$0x1B0]  }
0x17e: {  	v9 =	vld [tilespmem:$0x1C0]  }
0x17f: {  	[tilespmem:$0x11700] =	vst v5;
	v5 =	vld [tilespmem:$0x1D0]  }
0x180: {  	[tilespmem:$0x11710] =	vst v6;
	v6 =	vld [tilespmem:$0x1E0]  }
0x181: {  	[tilespmem:$0x11720] =	vst v7;
	v7 =	vld [tilespmem:$0x1F0]  }
0x182: {  	[tilespmem:$0x11730] =	vst v8  }
0x183: {  	[tilespmem:$0x11740] =	vst v9  }
0x184: {  	[tilespmem:$0x11750] =	vst v5  }
0x185: {  	[tilespmem:$0x11760] =	vst v6  }
0x186: {  	s7 =	simm.s32 $0x11700;
	p1 =	seq.s32 s23, $0x1A;
	s16 =	simm.s32 $0xAB00;
	[tilespmem:$0x11770] =	vst v7  }
0x187: {  	[spmem:s2] =	stream.indirect.scatter.add.f32 [tilespmem:s16], [sflag:$0x7], $0x48, s7, s10, $0xb8;
	[tilespmem:$0x1E078] =	vst v63  }
0x188: {  	s7 =	sadd.s32 @!p1 s24, s0  }
0x189: {  	s7 =	sshll.u32 @!p1 s7, $0x4  }
0x18a: {  	s7 =	sand.u32 @!p1 $0x1FFFFFF0, s7  }
0x18b: {  	s13 =	simm.s32 @!p1 $0x0;
	s8 =	sadd.s32 @!p1 s1, s7  }
0x18c: {  	[tilespmem:s13], [sflag:$0xA] =	stream.linear.gather @!p1 [hbm4b:s8+s13], $0x80, $0x38;
	[tilespmem:$0x1E078] =	vst v63  }
0x18d: {  	s8 =	simm.s32 @!p1 $0xA  }
0x18e: {  	_ =	swait.ge @!p1 [sflag:s8], $0x80  }
0x18f: {  	[sflag:s8] =	ssyncset.done @!p1 $0x0  }
0x190: {  	s17 =	simm.s32 @!p1 $0x300;
	s16 =	simm.s32 @!p1 $0x80;
	[sflag:s8] =	ssyncadd.s32 @!p1 $0xFFFFFF80  }
0x191: {  	[tilespmem:s17], [sflag:$0x1] =	stream.indirect.gather @!p1 [hbm4b:s5+s16], $0x50, s13, s16, $0xb8;
	[tilespmem:$0x1E078] =	vst v63  }
0x192: {  	s7 =	sadd.s32 @!p1 s15, s7;
	s17 =	simm.s32 @!p1 $0x180  }
0x193: {  	[tilespmem:s17], [sflag:$0xA] =	stream.linear.gather @!p1 [hbm4b:s7+s13], $0x80, $0x38;
	[tilespmem:$0x1E078] =	vst v63  }
0x194: {  	_ =	swait.ge @!p1 [sflag:s8], $0x80  }
0x195: {  	[sflag:s8] =	ssyncset.done @!p1 $0x0  }
0x196: {  	s7 =	simm.s32 @!p1 $0x7B00;
	[sflag:s8] =	ssyncadd.s32 @!p1 $0xFFFFFF80  }
0x197: {  	[tilespmem:s7], [sflag:$0x4] =	stream.indirect.gather @!p1 [hbm4b:s14+s16], $0x20, s17, s16, $0xb8;
	[tilespmem:$0x1E078] =	vst v63  }
0x198: {  	_ =	swait.ge [sflag:s30], $0x2800  }
0x199: {  	[sflag:s30] =	ssyncset.done $0x0  }
0x19a: {  	[sflag:s30] =	ssyncadd.s32 $0xFFFFD800  }
0x19b: {  	_ =	swait.ge [sflag:s31], $0x1000  }
0x19c: {  	[sflag:s31] =	ssyncset.done $0x0  }
0x19d: {  	s7 =	simm.s32 @!p0 $0x8;
	[sflag:s31] =	ssyncadd.s32 $0xFFFFF000  }
0x19e: {  	_ =	swait.ge @!p0 [sflag:s7], $0x2400  }
0x19f: {  	[sflag:s7] =	ssyncset.done @!p0 $0x0  }
0x1a0: {  	[sflag:s7] =	ssyncadd.s32 @!p0 $0xFFFFDC00;
	s7 =	simm.s32 $0x2BA0  }
0x1a1: {  	s17 =	simm.s32 $0x8B40;
	v5 =	vld [tilespmem:s7+$0x90]  }
0x1a2: {  	v6 =	vld [tilespmem:s17+$0x20];
	_ =	sdelay $0x4  }
0x1a3: {  	v7 =	vld [tilespmem:s17+$0x30];
	v5 =	vadd.f32 v6, v5;
	_ =	sdelay $0x1  }
0x1a4: {  	v6 =	vmul.f32 $2.000000030e-01, v5  }
0x1a5: {  	v8 =	vld [tilespmem:s17+$0xFFFFFFC0]  }
0x1a6: {  	v9 =	vld [tilespmem:s7+$0xFFFFFFF0];
	v5 =	vmax.f32 v5, v6  }
0x1a7: {  	v10 =	vld [tilespmem:s17+$0x0];
	v5 =	vsub.f32 v5, v7  }
0x1a8: {  	v6 =	vld [tilespmem:s17+$0xFFFFFFE0]  }
0x1a9: {  	v7 =	vld [tilespmem:s7+$0x40];
	v5 =	vmul.f32 $1.442695020e+00, v5  }
0x1aa: {  	v11 =	vld [tilespmem:s7+$0xFFFFFFA0]  }
0x1ab: {  	(erf) = vpow2.f32 v5;
	_ =	sdelay $0x1  }
0x1ac: {  	v5 =	vadd.f32 v6, v9;
	v6 =	vld [tilespmem:s17+$0xFFFFFFF0]  }
0x1ad: {  	v9 =	vld [tilespmem:s17+$0x10];
	v7 =	vadd.f32 v10, v7  }
0x1ae: {  	v8 =	vadd.f32 v8, v11;
	v10 =	vld [tilespmem:s17+$0xFFFFFFD0];
	v12 =	vmul.f32 $2.000000030e-01, v5  }
0x1af: {  	v11 =	vmul.f32 $2.000000030e-01, v7  }
0x1b0: {  	v5 =	vmax.f32 v5, v12;
	v12 =	vmul.f32 $2.000000030e-01, v8  }
0x1b1: {  	v5 =	vsub.f32 v5, v6;
	v6 =	vmax.f32 v7, v11  }
0x1b2: {  	v6 =	vsub.f32 v6, v9;
	v7 =	vmax.f32 v8, v12  }
0x1b3: {  	v5 =	vmul.f32 $1.442695020e+00, v5;
	v7 =	vsub.f32 v7, v10;
	v8 =	vpop (erf)  }
0x1b4: {  	s22 =	simm.s32 $0x2CE0;
	v6 =	vmul.f32 $1.442695020e+00, v6;
	v9 =	vperm.xlane v8, v0  }
0x1b5: {  	s20 =	simm.s32 $0x8BC0;
	s8 =	simm.s32 $0xCF90;
	(erf) = vpow2.f32 v5;
	v5 =	vmul.f32 $1.442695020e+00, v7;
	v7 =	vld [tilespmem:s22+$0x90]  }
0x1b6: {  	(erf) = vpow2.f32 v6;
	v6 =	vld [tilespmem:s20+$0x20];
	[tilespmem:s8+$0x80] =	vst v9  }
0x1b7: {  	(erf) = vpow2.f32 v5;
	v5 =	vld [tilespmem:s7+$0x50];
	_ =	sdelay $0x2  }
0x1b8: {  	v9 =	vperm.xlane v8, v1  }
0x1b9: {  	v10 =	vld [tilespmem:s20+$0x30];
	v6 =	vadd.f32 v6, v7  }
0x1ba: {  	v5 =	vmul.f32 v9, v5  }
0x1bb: {  	v16 =	vld [tilespmem:s20+$0x0];
	v9 =	vmul.f32 $2.000000030e-01, v6  }
0x1bc: {  	v12 =	vld [tilespmem:s22+$0xFFFFFFF0];
	[tilespmem:s8+$0x48] =	vst v5  }
0x1bd: {  	v11 =	vpop (erf);
	v6 =	vmax.f32 v6, v9;
	v13 =	vld [tilespmem:s7+$0x60]  }
0x1be: {  	v9 =	vld [tilespmem:s20+$0xFFFFFFE0];
	v6 =	vsub.f32 v6, v10;
	v5 =	vpop (erf)  }
0x1bf: {  	v17 =	vperm.xlane v8, v2;
	v10 =	vld [tilespmem:s22+$0x40];
	v14 =	vpop (erf)  }
0x1c0: {  	v19 =	vld [tilespmem:s22+$0xFFFFFFA0];
	v6 =	vmul.f32 $1.442695020e+00, v6;
	v15 =	vperm.xlane v14, v0  }
0x1c1: {  	v7 =	vld [tilespmem:s20+$0xFFFFFFC0];
	v18 =	vperm.xlane v11, v0  }
0x1c2: {  	v20 =	vld [tilespmem:s20+$0x10];
	(erf) = vpow2.f32 v6;
	[tilespmem:s8+$0xFFFFFFA8] =	vst v15;
	v13 =	vmul.f32 v17, v13  }
0x1c3: {  	[tilespmem:s8+$0xFFFFFFF0] =	vst v18;
	v6 =	vld [tilespmem:s7+$0xFFFFFF60]  }
0x1c4: {  	v9 =	vadd.f32 v9, v12;
	v12 =	vld [tilespmem:s7+$0xFFFFFFB0];
	v10 =	vadd.f32 v16, v10;
	[tilespmem:s8+$0x58] =	vst v13  }
0x1c5: {  	v17 =	vperm.xlane v14, v1;
	v16 =	vld [tilespmem:s7+$0x70]  }
0x1c6: {  	v7 =	vadd.f32 v7, v19;
	v15 =	vld [tilespmem:s20+$0xFFFFFFF0];
	v13 =	vperm.xlane v5, v0;
	v19 =	vmul.f32 $2.000000030e-01, v10  }
0x1c7: {  	v18 =	vmul.f32 $2.000000030e-01, v9  }
0x1c8: {  	v22 =	vld [tilespmem:s20+$0xFFFFFFD0];
	[tilespmem:s8+$0x38] =	vst v13;
	v13 =	vperm.xlane v8, v3;
	v10 =	vmax.f32 v10, v19;
	v6 =	vmul.f32 v17, v6  }
0x1c9: {  	s21 =	simm.s32 $0x8C40;
	v21 =	vperm.xlane v11, v1  }
0x1ca: {  	v24 =	vld [tilespmem:s21+$0xFFFFFFE0];
	v9 =	vmax.f32 v9, v18;
	v18 =	vmul.f32 $2.000000030e-01, v7;
	[tilespmem:s8+$0xFFFFFF70] =	vst v6;
	v6 =	vmul.f32 v13, v16  }
0x1cb: {  	v12 =	vmul.f32 v21, v12;
	v9 =	vsub.f32 v9, v15;
	v17 =	vld [tilespmem:s7+$0x0];
	v13 =	vsub.f32 v10, v20;
	v10 =	vpop (erf)  }
0x1cc: {  	v27 =	vld [tilespmem:s21+$0x30];
	v7 =	vmax.f32 v7, v18;
	[tilespmem:s8+$0x68] =	vst v6;
	v6 =	vperm.xlane v10, v0  }
0x1cd: {  	s29 =	simm.s32 $0x2F60;
	s13 =	simm.s32 $0xD0B0;
	v29 =	vld [tilespmem:s21+$0x0];
	[tilespmem:s8+$0xFFFFFFB8] =	vst v12;
	v7 =	vsub.f32 v7, v22;
	v9 =	vmul.f32 $1.442695020e+00, v9  }
0x1ce: {  	v52 =	vld [tilespmem:s29+$0x40];
	v12 =	vperm.xlane v5, v1;
	v13 =	vmul.f32 $1.442695020e+00, v13;
	[tilespmem:s13+$0x80] =	vst v6  }
0x1cf: {  	s16 =	simm.s32 $0x2E20;
	v7 =	vmul.f32 $1.442695020e+00, v7;
	(erf) = vpow2.f32 v9;
	v6 =	vld [tilespmem:s22+$0x50]  }
0x1d0: {  	v12 =	vmul.f32 v12, v17;
	v17 =	vld [tilespmem:s16+$0x90];
	(erf) = vpow2.f32 v13  }
0x1d1: {  	s17 =	simm.s32 $0x8CC0;
	(erf) = vpow2.f32 v7;
	v7 =	vld [tilespmem:s21+$0x20]  }
0x1d2: {  	v39 =	vld [tilespmem:s17+$0x0];
	v18 =	vperm.xlane v10, v1  }
0x1d3: {  	v16 =	vld [tilespmem:s7+$0xFFFFFFC0]  }
0x1d4: {  	v15 =	vld [tilespmem:s7+$0xFFFFFF70];
	v6 =	vmul.f32 v18, v6  }
0x1d5: {  	v26 =	vperm.xlane v11, v3;
	v21 =	vperm.xlane v14, v2;
	v9 =	vld [tilespmem:s7+$0x80]  }
0x1d6: {  	v43 =	vld [tilespmem:s16+$0xFFFFFFA0];
	v25 =	vperm.xlane v14, v3;
	v20 =	vperm.xlane v11, v2;
	v7 =	vadd.f32 v7, v17  }
0x1d7: {  	v19 =	vperm.xlane v14, v4;
	v14 =	vld [tilespmem:s16+$0x40];
	v8 =	vperm.xlane v8, v4  }
0x1d8: {  	v22 =	vld [tilespmem:s16+$0xFFFFFFF0];
	v18 =	vperm.xlane v11, v4;
	[tilespmem:s13+$0x48] =	vst v6;
	v11 =	vmul.f32 $2.000000030e-01, v7;
	v6 =	vpop (erf)  }
0x1d9: {  	v56 =	vadd.f32 v39, v52;
	v16 =	vmul.f32 v20, v16;
	v15 =	vmul.f32 v21, v15;
	v28 =	vld [tilespmem:s22+$0x60];
	v21 =	vpop (erf)  }
0x1da: {  	v13 =	vld [tilespmem:s21+$0xFFFFFFC0];
	[tilespmem:s8+$0x0] =	vst v12;
	v45 =	vmul.f32 v8, v9;
	v7 =	vmax.f32 v7, v11;
	v8 =	vperm.xlane v6, v0;
	v20 =	vpop (erf)  }
0x1db: {  	v39 =	vmul.f32 $2.000000030e-01, v56;
	v12 =	vld [tilespmem:s7+$0x10];
	v7 =	vsub.f32 v7, v27;
	v11 =	vperm.xlane v20, v0  }
0x1dc: {  	v44 =	vld [tilespmem:s21+$0xFFFFFFD0];
	v23 =	vperm.xlane v5, v2;
	v14 =	vadd.f32 v29, v14;
	v27 =	vperm.xlane v10, v2;
	[tilespmem:s13+$0xFFFFFFF0] =	vst v8  }
0x1dd: {  	v9 =	vld [tilespmem:s21+$0xFFFFFFF0];
	v7 =	vmul.f32 $1.442695020e+00, v7;
	v8 =	vperm.xlane v21, v0;
	[tilespmem:s13+$0xFFFFFFA8] =	vst v11;
	v11 =	vadd.f32 v24, v22  }
0x1de: {  	v47 =	vmul.f32 $2.000000030e-01, v14;
	v29 =	vld [tilespmem:s22+$0xFFFFFFB0];
	v24 =	vmul.f32 v27, v28  }
0x1df: {  	v22 =	vld [tilespmem:s21+$0x10];
	(erf) = vpow2.f32 v7;
	[tilespmem:s13+$0x38] =	vst v8;
	v8 =	vadd.f32 v13, v43;
	v46 =	vmul.f32 $2.000000030e-01, v11  }
0x1e0: {  	v14 =	vmax.f32 v14, v47;
	[tilespmem:s8+$0xFFFFFFC8] =	vst v16;
	v16 =	vperm.xlane v10, v3;
	v12 =	vmul.f32 v23, v12;
	v28 =	vld [tilespmem:s22+$0xFFFFFF60]  }
0x1e1: {  	v17 =	vperm.xlane v5, v3;
	v48 =	vld [tilespmem:s22+$0x0];
	[tilespmem:s13+$0x58] =	vst v24;
	v23 =	vmul.f32 $2.000000030e-01, v8;
	v11 =	vmax.f32 v11, v46  }
0x1e2: {  	[tilespmem:s8+$0x10] =	vst v12;
	v49 =	vperm.xlane v21, v3;
	v27 =	vperm.xlane v6, v1;
	v13 =	vld [tilespmem:s22+$0x70];
	v9 =	vsub.f32 v11, v9  }
0x1e3: {  	[tilespmem:s8+$0xFFFFFF80] =	vst v15;
	v15 =	vperm.xlane v20, v1;
	v7 =	vperm.xlane v21, v1;
	v8 =	vmax.f32 v8, v23;
	v23 =	vld [tilespmem:s7+$0x20]  }
0x1e4: {  	v11 =	vld [tilespmem:s7+$0xFFFFFF80];
	v12 =	vsub.f32 v14, v22;
	v22 =	vmul.f32 v27, v29;
	v9 =	vmul.f32 $1.442695020e+00, v9  }
0x1e5: {  	v24 =	vperm.xlane v6, v2;
	v14 =	vld [tilespmem:s7+$0xFFFFFFD0];
	v15 =	vmul.f32 v15, v28  }
0x1e6: {  	v8 =	vsub.f32 v8, v44;
	v29 =	vperm.xlane v6, v3;
	v44 =	vld [tilespmem:s29+$0xFFFFFFA0];
	v28 =	vperm.xlane v20, v2;
	[tilespmem:s13+$0xFFFFFFB8] =	vst v22  }
0x1e7: {  	v7 =	vmul.f32 v7, v48;
	[tilespmem:s13+$0xFFFFFF70] =	vst v15;
	v13 =	vmul.f32 v16, v13;
	v16 =	vld [tilespmem:s22+$0xFFFFFFC0]  }
0x1e8: {  	v12 =	vmul.f32 $1.442695020e+00, v12;
	v15 =	vld [tilespmem:s22+$0xFFFFFF70];
	(erf) = vpow2.f32 v9;
	v9 =	vpop (erf)  }
0x1e9: {  	[tilespmem:s13+$0x0] =	vst v7;
	v17 =	vmul.f32 v17, v23;
	v23 =	vld [tilespmem:s17+$0xFFFFFFC0];
	v7 =	vperm.xlane v9, v0  }
0x1ea: {  	s28 =	simm.s32 $0xD1D0;
	v8 =	vmul.f32 $1.442695020e+00, v8;
	[tilespmem:s13+$0x68] =	vst v13;
	(erf) = vpow2.f32 v12;
	v12 =	vld [tilespmem:s22+$0x10]  }
0x1eb: {  	v11 =	vmul.f32 v25, v11;
	v25 =	vperm.xlane v20, v3;
	v22 =	vld [tilespmem:s22+$0x80];
	[tilespmem:s28+$0x80] =	vst v7  }
0x1ec: {  	(erf) = vpow2.f32 v8;
	v8 =	vperm.xlane v20, v4;
	v20 =	vld [tilespmem:s16+$0x50]  }
0x1ed: {  	v13 =	vperm.xlane v21, v2;
	v14 =	vmul.f32 v26, v14;
	[tilespmem:s8+$0xFFFFFF90] =	vst v11;
	v11 =	vld [tilespmem:s29+$0x90]  }
0x1ee: {  	v7 =	vperm.xlane v6, v4;
	v6 =	vperm.xlane v21, v4;
	v21 =	vld [tilespmem:s17+$0x20]  }
0x1ef: {  	v27 =	vld [tilespmem:s7+$0xFFFFFF90];
	v26 =	vmul.f32 v28, v15;
	v15 =	vperm.xlane v9, v1  }
0x1f0: {  	v10 =	vperm.xlane v10, v4;
	v24 =	vmul.f32 v24, v16;
	v23 =	vadd.f32 v23, v44  }
0x1f1: {  	v36 =	vld [tilespmem:s17+$0x30];
	v5 =	vperm.xlane v5, v4;
	[tilespmem:s8+$0x78] =	vst v45;
	v15 =	vmul.f32 v15, v20  }
0x1f2: {  	v28 =	vld [tilespmem:s29+$0xFFFFFFF0];
	[tilespmem:s13+$0xFFFFFFC8] =	vst v24;
	v22 =	vmul.f32 v10, v22;
	v24 =	vmul.f32 $2.000000030e-01, v23  }
0x1f3: {  	v54 =	vperm.xlane v9, v2;
	v45 =	vmul.f32 v13, v12;
	v10 =	vld [tilespmem:s17+$0xFFFFFFE0];
	v11 =	vadd.f32 v21, v11;
	[tilespmem:s28+$0x48] =	vst v15  }
0x1f4: {  	v50 =	vpop (erf);
	v19 =	vmul.f32 v19, v27;
	[tilespmem:s13+$0x78] =	vst v22;
	v22 =	vmax.f32 v23, v24;
	v23 =	vperm.xlane v9, v3;
	v42 =	vld [tilespmem:s16+$0x60]  }
0x1f5: {  	[tilespmem:s8+$0x20] =	vst v17;
	v51 =	vperm.xlane v50, v0;
	v35 =	vpop (erf);
	v41 =	vmul.f32 $2.000000030e-01, v11  }
0x1f6: {  	[tilespmem:s8+$0xFFFFFFD8] =	vst v14;
	v16 =	vperm.xlane v50, v2;
	v13 =	vperm.xlane v50, v3;
	v38 =	vpop (erf)  }
0x1f7: {  	v55 =	vld [tilespmem:s17+$0x10];
	[tilespmem:s13+$0xFFFFFF80] =	vst v26;
	v20 =	vperm.xlane v50, v1;
	v40 =	vperm.xlane v38, v0;
	v11 =	vmax.f32 v11, v41  }
0x1f8: {  	v26 =	vld [tilespmem:s17+$0xFFFFFFF0];
	v21 =	vperm.xlane v35, v0;
	v28 =	vadd.f32 v10, v28;
	[tilespmem:s28+$0xFFFFFFF0] =	vst v51;
	v11 =	vsub.f32 v11, v36  }
0x1f9: {  	v46 =	vld [tilespmem:s17+$0xFFFFFFD0];
	v37 =	vperm.xlane v35, v1;
	[tilespmem:s28+$0xFFFFFFA8] =	vst v40;
	v36 =	vmul.f32 v54, v42  }
0x1fa: {  	[tilespmem:s28+$0x38] =	vst v21;
	v21 =	vmul.f32 $2.000000030e-01, v28;
	v57 =	vld [tilespmem:s16+$0xFFFFFF60];
	v11 =	vmul.f32 $1.442695020e+00, v11  }
0x1fb: {  	v14 =	vperm.xlane v35, v3;
	v17 =	vperm.xlane v35, v4;
	v58 =	vld [tilespmem:s16+$0xFFFFFFB0];
	[tilespmem:s28+$0x58] =	vst v36  }
0x1fc: {  	v53 =	vperm.xlane v38, v1;
	v21 =	vmax.f32 v28, v21;
	(erf) = vpow2.f32 v11;
	v28 =	vld [tilespmem:s16+$0x70]  }
0x1fd: {  	v61 =	vld [tilespmem:s22+$0xFFFFFFD0];
	v43 =	vperm.xlane v38, v2;
	v21 =	vsub.f32 v21, v26;
	v26 =	vmax.f32 v56, v39  }
0x1fe: {  	v12 =	vperm.xlane v38, v3;
	v10 =	vperm.xlane v38, v4;
	v59 =	vld [tilespmem:s16+$0x0];
	v26 =	vsub.f32 v26, v55  }
0x1ff: {  	v60 =	vld [tilespmem:s22+$0xFFFFFF80];
	[tilespmem:s13+$0x10] =	vst v45;
	v21 =	vmul.f32 $1.442695020e+00, v21;
	v27 =	vmul.f32 v53, v57  }
0x200: {  	v62 =	vld [tilespmem:s22+$0x20];
	v22 =	vsub.f32 v22, v46;
	[tilespmem:s8+$0xFFFFFFA0] =	vst v19;
	v20 =	vmul.f32 v20, v58;
	v24 =	vmul.f32 $1.442695020e+00, v26  }
0x201: {  	v26 =	vld [tilespmem:s7+$0xFFFFFFE0];
	(erf) = vpow2.f32 v21;
	[tilespmem:s28+$0xFFFFFF70] =	vst v27;
	v19 =	vmul.f32 v23, v28  }
0x202: {  	v29 =	vmul.f32 v29, v61;
	v21 =	vmul.f32 $1.442695020e+00, v22;
	v63 =	vld [tilespmem:s16+$0xFFFFFF70]  }
0x203: {  	[tilespmem:s28+$0xFFFFFFB8] =	vst v20;
	v20 =	vmul.f32 v37, v59;
	v22 =	vld [tilespmem:s7+$0x30];
	(erf) = vpow2.f32 v24  }
0x204: {  	v24 =	vld [tilespmem:s16+$0xFFFFFFC0];
	(erf) = vpow2.f32 v21;
	v28 =	vmul.f32 v25, v60;
	[tilespmem:s28+$0x68] =	vst v19  }
0x205: {  	v15 =	vperm.xlane v35, v2;
	v11 =	vperm.xlane v50, v4;
	[tilespmem:s28+$0x0] =	vst v20;
	v23 =	vld [tilespmem:s16+$0x80];
	v19 =	vpop (erf)  }
0x206: {  	v20 =	vld [tilespmem:s16+$0x10];
	v21 =	vmul.f32 v18, v26;
	[tilespmem:s13+$0xFFFFFF90] =	vst v28;
	v27 =	vperm.xlane v19, v0  }
0x207: {  	s20 =	simm.s32 $0xC;
	s21 =	simm.s32 $0x30A0;
	[tilespmem:s13+$0xFFFFFFD8] =	vst v29;
	s7 =	simm.s32 $0xD2F0;
	v25 =	vmul.f32 v49, v62;
	v26 =	vmul.f32 v43, v63;
	v18 =	vld [tilespmem:s22+$0xFFFFFF90]  }
.LBB2_5:
0x208: {  	v28 =	vld [tilespmem:s21+$0x90];
	[tilespmem:s7+$0x80] =	vst v27;
	v27 =	vperm.xlane v9, v4;
	v22 =	vmul.f32 v5, v22;
	v5 =	vmovc v6;
	v6 =	vmov v17  }
0x209: {  	s17 =	sadd.s32 $0x80, s17;
	v9 =	vmov v19;
	v17 =	vld [tilespmem:s29+$0x50];
	[tilespmem:s28+$0xFFFFFF80] =	vst v26;
	v16 =	vmul.f32 v16, v24  }
0x20a: {  	s20 =	sadd.s32 $0x4, s20;
	v19 =	vld [tilespmem:s17+$0x20];
	v24 =	vpop (erf);
	v23 =	vmul.f32 v27, v23;
	[tilespmem:s13+$0x20] =	vst v25  }
0x20b: {  	p2 =	slt.u32 s20, $0x7C;
	v25 =	vld [tilespmem:s17+$0xFFFFFFC0];
	v26 =	vperm.xlane v24, v0;
	v27 =	vperm.xlane v24, v1;
	[tilespmem:s28+$0xFFFFFFC8] =	vst v16  }
0x20c: {  	v30 =	vperm.xlane v9, v1;
	v16 =	vperm.xlane v24, v2;
	v29 =	vld [tilespmem:s21+$0xFFFFFFF0];
	v31 =	vpop (erf);
	[tilespmem:s28+$0x78] =	vst v23  }
0x20d: {  	v23 =	vld [tilespmem:s17+$0xFFFFFFE0];
	[tilespmem:s7+$0xFFFFFFF0] =	vst v26;
	v26 =	vperm.xlane v31, v0;
	v32 =	vperm.xlane v31, v1;
	v33 =	vpop (erf)  }
0x20e: {  	v34 =	vld [tilespmem:s21+$0x40];
	v35 =	vperm.xlane v33, v0;
	v17 =	vmul.f32 v30, v17;
	[tilespmem:s8+$0xFFFFFFE8] =	vst v21  }
0x20f: {  	v30 =	vperm.xlane v33, v2;
	v21 =	vld [tilespmem:s17+$0x30];
	v19 =	vadd.f32 v19, v28;
	v28 =	vperm.xlane v33, v1;
	[tilespmem:s7+$0x38] =	vst v26  }
0x210: {  	v26 =	vld [tilespmem:s17+$0x0];
	[tilespmem:s7+$0x48] =	vst v17;
	v17 =	vmul.f32 v15, v20;
	v15 =	vperm.xlane v31, v2  }
0x211: {  	v20 =	vmul.f32 $2.000000030e-01, v19;
	[tilespmem:s7+$0xFFFFFFA8] =	vst v35;
	v35 =	vperm.xlane v33, v3;
	v36 =	vld [tilespmem:s29+$0x60]  }
0x212: {  	v38 =	vperm.xlane v31, v3;
	v37 =	vld [tilespmem:s21+$0xFFFFFFA0];
	v23 =	vadd.f32 v23, v29;
	v29 =	vperm.xlane v24, v3;
	[tilespmem:s28+$0x10] =	vst v17  }
0x213: {  	v39 =	vld [tilespmem:s17+$0xFFFFFFD0];
	v17 =	vmax.f32 v19, v20;
	v19 =	vperm.xlane v33, v4;
	v33 =	vperm.xlane v24, v4;
	[tilespmem:s8+$0x30] =	vst v22;
	s8 =	smov.u32 s13;
	s13 =	smov.u32 s28;
	s28 =	smov.u32 s7  }
0x214: {  	v24 =	vperm.xlane v9, v2;
	v20 =	vld [tilespmem:s17+$0xFFFFFFF0];
	v22 =	vmul.f32 $2.000000030e-01, v23;
	v21 =	vsub.f32 v17, v21  }
0x215: {  	v18 =	vmul.f32 v8, v18;
	v8 =	vmovc v10;
	v17 =	vperm.xlane v31, v4;
	v40 =	vld [tilespmem:s17+$0x10];
	v26 =	vadd.f32 v26, v34  }
0x216: {  	v10 =	vmovc v19;
	v22 =	vmax.f32 v23, v22;
	v21 =	vmul.f32 $1.442695020e+00, v21;
	v23 =	vld [tilespmem:s29+$0xFFFFFF60];
	v24 =	vmul.f32 v24, v36  }
0x217: {  	v19 =	vadd.f32 v25, v37;
	v25 =	vmul.f32 $2.000000030e-01, v26;
	v31 =	vld [tilespmem:s29+$0xFFFFFFB0];
	[tilespmem:s8+$0xFFFFFFA0] =	vst v18  }
0x218: {  	(erf) = vpow2.f32 v21;
	v18 =	vld [tilespmem:s29+$0x0];
	[tilespmem:s7+$0x58] =	vst v24  }
0x219: {  	v21 =	vmul.f32 $2.000000030e-01, v19;
	v20 =	vsub.f32 v22, v20;
	v22 =	vmax.f32 v26, v25;
	v24 =	vld [tilespmem:s29+$0x70]  }
0x21a: {  	v22 =	vsub.f32 v22, v40;
	v25 =	vld [tilespmem:s16+$0xFFFFFF80]  }
0x21b: {  	v19 =	vmax.f32 v19, v21;
	v20 =	vmul.f32 $1.442695020e+00, v20;
	v21 =	vmul.f32 v28, v23;
	v26 =	vld [tilespmem:s16+$0xFFFFFFD0]  }
0x21c: {  	v23 =	vperm.xlane v9, v3;
	v19 =	vsub.f32 v19, v39;
	v22 =	vmul.f32 $1.442695020e+00, v22;
	v28 =	vld [tilespmem:s16+$0x20]  }
0x21d: {  	(erf) = vpow2.f32 v20;
	[tilespmem:s7+$0xFFFFFF70] =	vst v21;
	v20 =	vmul.f32 v27, v31;
	v21 =	vld [tilespmem:s22+$0xFFFFFFE0]  }
0x21e: {  	v27 =	vmul.f32 $1.442695020e+00, v19;
	v31 =	vld [tilespmem:s29+$0xFFFFFF70];
	v23 =	vmul.f32 v23, v24  }
.Ltmp3:
0x21f: {  	v18 =	vmul.f32 v32, v18;
	(erf) = vpow2.f32 v22;
	[tilespmem:s7+$0xFFFFFFB8] =	vst v20;
	v22 =	vld [tilespmem:s22+$0x30];
	s22 =	smov.u32 s16;
	s16 =	smov.u32 s29;
	(pc) =	sbr.rel @p2 .LBB2_5-.Ltmp3, $4  }
0x220: {  	v32 =	vmul.f32 v12, v25;
	v12 =	vmov v35;
	s29 =	smov.u32 s21;
	(erf) = vpow2.f32 v27;
	v24 =	vld [tilespmem:s16+$0xFFFFFFC0];
	[tilespmem:s7+$0x68] =	vst v23  }
0x221: {  	v34 =	vmul.f32 v13, v26;
	v13 =	vmov v29;
	v19 =	vpop (erf);
	[tilespmem:s7+$0x0] =	vst v18;
	v23 =	vld [tilespmem:s16+$0x80];
	v25 =	vmul.f32 v14, v28  }
0x222: {  	v14 =	vmovc v38;
	v27 =	vperm.xlane v19, v0;
	v20 =	vld [tilespmem:s16+$0x10];
	[tilespmem:s13+$0xFFFFFF90] =	vst v32;
	v21 =	vmul.f32 v7, v21;
	v7 =	vmov v11  }
0x223: {  	s21 =	sadd.s32 $0x140, s21;
	s7 =	sadd.s32 $0x120, s7;
	v11 =	vmov v33;
	v26 =	vmul.f32 v30, v31;
	v18 =	vld [tilespmem:s22+$0xFFFFFF90];
	[tilespmem:s13+$0xFFFFFFD8] =	vst v34  }
0x224: {  	[tilespmem:s7+$0x80] =	vst v27  }
0x225: {  	v27 =	vld [tilespmem:s29+$0x50];
	_ =	sdelay $0x2  }
0x226: {  	v29 =	vperm.xlane v19, v1;
	v28 =	vpop (erf)  }
0x227: {  	v30 =	vpop (erf)  }
0x228: {  	v31 =	vpop (erf);
	v27 =	vmul.f32 v29, v27  }
0x229: {  	v29 =	vperm.xlane v31, v0  }
0x22a: {  	v32 =	vperm.xlane v28, v0;
	[tilespmem:s7+$0x48] =	vst v27  }
0x22b: {  	v27 =	vperm.xlane v30, v0;
	[tilespmem:s7+$0xFFFFFFA8] =	vst v29;
	v29 =	vld [tilespmem:s29+$0x60]  }
0x22c: {  	[tilespmem:s7+$0xFFFFFFF0] =	vst v32;
	v42 =	vld [tilespmem:s29+$0xFFFFFF60]  }
0x22d: {  	[tilespmem:s7+$0x38] =	vst v27;
	v27 =	vld [tilespmem:s29+$0xFFFFFFB0]  }
0x22e: {  	v33 =	vperm.xlane v19, v2;
	[tilespmem:s13+$0x20] =	vst v25;
	v34 =	vld [tilespmem:s29+$0x0]  }
0x22f: {  	[tilespmem:s8+$0xFFFFFFE8] =	vst v21;
	v16 =	vmul.f32 v16, v24;
	v24 =	vperm.xlane v31, v1  }
0x230: {  	[tilespmem:s28+$0xFFFFFF80] =	vst v26;
	v25 =	vperm.xlane v28, v1;
	v26 =	vmul.f32 v33, v29  }
0x231: {  	[tilespmem:s28+$0xFFFFFFC8] =	vst v16;
	v16 =	vperm.xlane v30, v1;
	v24 =	vmul.f32 v24, v42  }
0x232: {  	v9 =	vperm.xlane v9, v4;
	v25 =	vmul.f32 v25, v27;
	[tilespmem:s7+$0x58] =	vst v26  }
0x233: {  	[tilespmem:s7+$0xFFFFFF70] =	vst v24;
	v16 =	vmul.f32 v16, v34;
	v26 =	vld [tilespmem:s29+$0x70]  }
0x234: {  	v9 =	vmul.f32 v9, v23;
	v23 =	vld [tilespmem:s29+$0xFFFFFF70];
	[tilespmem:s7+$0xFFFFFFB8] =	vst v25  }
0x235: {  	v5 =	vmul.f32 v5, v22;
	v24 =	vld [tilespmem:s29+$0xFFFFFFC0];
	[tilespmem:s7+$0x0] =	vst v16  }
0x236: {  	[tilespmem:s28+$0x78] =	vst v9;
	v9 =	vmul.f32 v15, v20;
	v15 =	vperm.xlane v19, v3;
	v16 =	vld [tilespmem:s29+$0x10]  }
0x237: {  	[tilespmem:s8+$0x30] =	vst v5;
	v5 =	vld [tilespmem:s16+$0xFFFFFFD0];
	v20 =	vperm.xlane v31, v2  }
0x238: {  	v21 =	vperm.xlane v28, v2;
	[tilespmem:s28+$0x10] =	vst v9;
	v9 =	vld [tilespmem:s16+$0xFFFFFF80];
	v15 =	vmul.f32 v15, v26  }
0x239: {  	v22 =	vperm.xlane v30, v2;
	v20 =	vmul.f32 v20, v23  }
0x23a: {  	v23 =	vld [tilespmem:s16+$0x20];
	[tilespmem:s7+$0x68] =	vst v15;
	v15 =	vmul.f32 v21, v24  }
0x23b: {  	[tilespmem:s7+$0xFFFFFF80] =	vst v20;
	v16 =	vmul.f32 v22, v16;
	v21 =	vld [tilespmem:s29+$0x80]  }
0x23c: {  	v8 =	vmul.f32 v8, v18;
	[tilespmem:s7+$0xFFFFFFC8] =	vst v15;
	v15 =	vld [tilespmem:s29+$0xFFFFFF80]  }
0x23d: {  	v5 =	vmul.f32 v13, v5;
	v9 =	vmul.f32 v12, v9;
	[tilespmem:s7+$0x10] =	vst v16;
	v12 =	vld [tilespmem:s29+$0xFFFFFFD0]  }
0x23e: {  	[tilespmem:s13+$0xFFFFFFA0] =	vst v8;
	v8 =	vperm.xlane v19, v4;
	v13 =	vld [tilespmem:s29+$0x20]  }
0x23f: {  	v18 =	vld [tilespmem:s22+$0xFFFFFFE0];
	[tilespmem:s28+$0xFFFFFFD8] =	vst v5;
	v16 =	vperm.xlane v31, v3;
	v14 =	vmul.f32 v14, v23  }
0x240: {  	v19 =	vld [tilespmem:s22+$0x30];
	[tilespmem:s28+$0xFFFFFF90] =	vst v9;
	v9 =	vperm.xlane v28, v3;
	v5 =	vmul.f32 v8, v21  }
0x241: {  	v20 =	vld [tilespmem:s16+$0xFFFFFF90];
	[tilespmem:s28+$0x20] =	vst v14;
	v8 =	vperm.xlane v30, v3;
	v14 =	vmul.f32 v16, v15  }
0x242: {  	[tilespmem:s7+$0x78] =	vst v5;
	v5 =	vld [tilespmem:s16+$0xFFFFFFE0];
	v9 =	vmul.f32 v9, v12  }
0x243: {  	v12 =	vld [tilespmem:s16+$0x30];
	v8 =	vmul.f32 v8, v13;
	[tilespmem:s7+$0xFFFFFF90] =	vst v14  }
0x244: {  	v7 =	vmul.f32 v7, v18;
	v13 =	vld [tilespmem:s29+$0xFFFFFF90];
	[tilespmem:s7+$0xFFFFFFD8] =	vst v9  }
0x245: {  	v6 =	vmul.f32 v6, v19;
	[tilespmem:s7+$0x20] =	vst v8;
	v8 =	vld [tilespmem:s29+$0xFFFFFFE0]  }
0x246: {  	[tilespmem:s13+$0xFFFFFFE8] =	vst v7;
	v7 =	vmul.f32 v10, v20;
	v9 =	vld [tilespmem:s29+$0x30]  }
0x247: {  	[tilespmem:s13+$0x30] =	vst v6;
	v10 =	vperm.xlane v31, v4;
	v5 =	vmul.f32 v11, v5  }
0x248: {  	v6 =	vperm.xlane v28, v4;
	[tilespmem:s28+$0xFFFFFFA0] =	vst v7;
	v7 =	vmul.f32 v17, v12  }
0x249: {  	v11 =	vperm.xlane v30, v4;
	[tilespmem:s28+$0xFFFFFFE8] =	vst v5;
	v5 =	vmul.f32 v10, v13  }
0x24a: {  	[tilespmem:s28+$0x30] =	vst v7;
	v6 =	vmul.f32 v6, v8  }
0x24b: {  	[tilespmem:s7+$0xFFFFFFA0] =	vst v5;
	v5 =	vmul.f32 v11, v9  }
0x24c: {  	[tilespmem:s7+$0xFFFFFFE8] =	vst v6  }
0x24d: {  	[tilespmem:s7+$0x30] =	vst v5  }
0x24e: {  	v5 =	vld [tilespmem:$0x200]  }
0x24f: {  	v6 =	vld [tilespmem:$0x210]  }
0x250: {  	v7 =	vld [tilespmem:$0x220]  }
0x251: {  	v8 =	vld [tilespmem:$0x230]  }
0x252: {  	v9 =	vld [tilespmem:$0x240]  }
0x253: {  	[tilespmem:$0x11780] =	vst v5;
	v5 =	vld [tilespmem:$0x250]  }
0x254: {  	[tilespmem:$0x11790] =	vst v6;
	v6 =	vld [tilespmem:$0x260]  }
0x255: {  	[tilespmem:$0x117A0] =	vst v7;
	v7 =	vld [tilespmem:$0x270]  }
0x256: {  	[tilespmem:$0x117B0] =	vst v8  }
0x257: {  	[tilespmem:$0x117C0] =	vst v9  }
0x258: {  	s7 =	sadd.s32 @!p1 s24, s4;
	[tilespmem:$0x117D0] =	vst v5  }
0x259: {  	s7 =	sshll.u32 @!p1 s7, $0x4;
	[tilespmem:$0x117E0] =	vst v6  }
0x25a: {  	s13 =	simm.s32 $0x11780;
	s16 =	simm.s32 $0xCF00;
	s7 =	sand.u32 @!p1 $0x1FFFFFF0, s7;
	[tilespmem:$0x117F0] =	vst v7  }
0x25b: {  	[spmem:s2] =	stream.indirect.scatter.add.f32 [tilespmem:s16], [sflag:$0x8], $0x48, s13, s10, $0xb8;
	[tilespmem:$0x1E078] =	vst v63  }
0x25c: {  	s8 =	sadd.s32 @!p1 s1, s7;
	s13 =	simm.s32 @!p1 $0x0;
	s16 =	simm.s32 @!p1 $0x80  }
0x25d: {  	[tilespmem:s16], [sflag:$0xA] =	stream.linear.gather @!p1 [hbm4b:s8+s13], $0x80, $0x38;
	[tilespmem:$0x1E078] =	vst v63  }
0x25e: {  	s8 =	simm.s32 @!p1 $0xA  }
0x25f: {  	_ =	swait.ge @!p1 [sflag:s8], $0x80  }
0x260: {  	[sflag:s8] =	ssyncset.done @!p1 $0x0  }
0x261: {  	s17 =	simm.s32 @!p1 $0x2B00;
	[sflag:s8] =	ssyncadd.s32 @!p1 $0xFFFFFF80  }
0x262: {  	[tilespmem:s17], [sflag:$0x2] =	stream.indirect.gather @!p1 [hbm4b:s5+s16], $0x50, s16, s16, $0xb8;
	[tilespmem:$0x1E078] =	vst v63  }
0x263: {  	s7 =	sadd.s32 @!p1 s15, s7;
	s17 =	simm.s32 @!p1 $0x200  }
0x264: {  	[tilespmem:s17], [sflag:$0xA] =	stream.linear.gather @!p1 [hbm4b:s7+s13], $0x80, $0x38;
	[tilespmem:$0x1E078] =	vst v63  }
0x265: {  	_ =	swait.ge @!p1 [sflag:s8], $0x80  }
0x266: {  	[sflag:s8] =	ssyncset.done @!p1 $0x0  }
0x267: {  	s7 =	simm.s32 @!p1 $0x8B00;
	[sflag:s8] =	ssyncadd.s32 @!p1 $0xFFFFFF80  }
0x268: {  	[tilespmem:s7], [sflag:$0x5] =	stream.indirect.gather @!p1 [hbm4b:s14+s16], $0x20, s17, s16, $0xb8;
	[tilespmem:$0x1E078] =	vst v63  }
0x269: {  	_ =	swait.ge [sflag:s18], $0x2800  }
0x26a: {  	[sflag:s18] =	ssyncset.done $0x0  }
0x26b: {  	[sflag:s18] =	ssyncadd.s32 $0xFFFFD800  }
0x26c: {  	_ =	swait.ge [sflag:s19], $0x1000  }
0x26d: {  	[sflag:s19] =	ssyncset.done $0x0  }
0x26e: {  	s7 =	simm.s32 @!p0 $0x9;
	[sflag:s19] =	ssyncadd.s32 $0xFFFFF000  }
0x26f: {  	_ =	swait.ge @!p0 [sflag:s7], $0x2400  }
0x270: {  	[sflag:s7] =	ssyncset.done @!p0 $0x0  }
0x271: {  	[sflag:s7] =	ssyncadd.s32 @!p0 $0xFFFFDC00;
	s7 =	simm.s32 $0x53A0  }
0x272: {  	s17 =	simm.s32 $0x9B40;
	v5 =	vld [tilespmem:s7+$0x90]  }
0x273: {  	v6 =	vld [tilespmem:s17+$0x20];
	_ =	sdelay $0x4  }
0x274: {  	v7 =	vld [tilespmem:s17+$0x30];
	v5 =	vadd.f32 v6, v5;
	_ =	sdelay $0x1  }
0x275: {  	v6 =	vmul.f32 $2.000000030e-01, v5  }
0x276: {  	v8 =	vld [tilespmem:s17+$0xFFFFFFC0]  }
0x277: {  	v9 =	vld [tilespmem:s7+$0xFFFFFFF0];
	v5 =	vmax.f32 v5, v6  }
0x278: {  	v10 =	vld [tilespmem:s17+$0x0];
	v5 =	vsub.f32 v5, v7  }
0x279: {  	v6 =	vld [tilespmem:s17+$0xFFFFFFE0]  }
0x27a: {  	v7 =	vld [tilespmem:s7+$0x40];
	v5 =	vmul.f32 $1.442695020e+00, v5  }
0x27b: {  	v11 =	vld [tilespmem:s7+$0xFFFFFFA0]  }
0x27c: {  	(erf) = vpow2.f32 v5;
	_ =	sdelay $0x1  }
0x27d: {  	v5 =	vadd.f32 v6, v9;
	v6 =	vld [tilespmem:s17+$0xFFFFFFF0]  }
0x27e: {  	v9 =	vld [tilespmem:s17+$0x10];
	v7 =	vadd.f32 v10, v7  }
0x27f: {  	v8 =	vadd.f32 v8, v11;
	v10 =	vld [tilespmem:s17+$0xFFFFFFD0];
	v12 =	vmul.f32 $2.000000030e-01, v5  }
0x280: {  	v11 =	vmul.f32 $2.000000030e-01, v7  }
0x281: {  	v5 =	vmax.f32 v5, v12;
	v12 =	vmul.f32 $2.000000030e-01, v8  }
0x282: {  	v5 =	vsub.f32 v5, v6;
	v6 =	vmax.f32 v7, v11  }
0x283: {  	v6 =	vsub.f32 v6, v9;
	v7 =	vmax.f32 v8, v12  }
0x284: {  	v5 =	vmul.f32 $1.442695020e+00, v5;
	v7 =	vsub.f32 v7, v10;
	v8 =	vpop (erf)  }
0x285: {  	s22 =	simm.s32 $0x54E0;
	v6 =	vmul.f32 $1.442695020e+00, v6;
	v9 =	vperm.xlane v8, v0  }
0x286: {  	s20 =	simm.s32 $0x9BC0;
	s8 =	simm.s32 $0xF390;
	(erf) = vpow2.f32 v5;
	v5 =	vmul.f32 $1.442695020e+00, v7;
	v7 =	vld [tilespmem:s22+$0x90]  }
0x287: {  	(erf) = vpow2.f32 v6;
	v6 =	vld [tilespmem:s20+$0x20];
	[tilespmem:s8+$0x80] =	vst v9  }
0x288: {  	(erf) = vpow2.f32 v5;
	v5 =	vld [tilespmem:s7+$0x50];
	_ =	sdelay $0x2  }
0x289: {  	v9 =	vperm.xlane v8, v1  }
0x28a: {  	v10 =	vld [tilespmem:s20+$0x30];
	v6 =	vadd.f32 v6, v7  }
0x28b: {  	v5 =	vmul.f32 v9, v5  }
0x28c: {  	v16 =	vld [tilespmem:s20+$0x0];
	v9 =	vmul.f32 $2.000000030e-01, v6  }
0x28d: {  	v12 =	vld [tilespmem:s22+$0xFFFFFFF0];
	[tilespmem:s8+$0x48] =	vst v5  }
0x28e: {  	v11 =	vpop (erf);
	v6 =	vmax.f32 v6, v9;
	v13 =	vld [tilespmem:s7+$0x60]  }
0x28f: {  	v9 =	vld [tilespmem:s20+$0xFFFFFFE0];
	v6 =	vsub.f32 v6, v10;
	v5 =	vpop (erf)  }
0x290: {  	v17 =	vperm.xlane v8, v2;
	v10 =	vld [tilespmem:s22+$0x40];
	v14 =	vpop (erf)  }
0x291: {  	v19 =	vld [tilespmem:s22+$0xFFFFFFA0];
	v6 =	vmul.f32 $1.442695020e+00, v6;
	v15 =	vperm.xlane v14, v0  }
0x292: {  	v7 =	vld [tilespmem:s20+$0xFFFFFFC0];
	v18 =	vperm.xlane v11, v0  }
0x293: {  	v20 =	vld [tilespmem:s20+$0x10];
	(erf) = vpow2.f32 v6;
	[tilespmem:s8+$0xFFFFFFA8] =	vst v15;
	v13 =	vmul.f32 v17, v13  }
0x294: {  	[tilespmem:s8+$0xFFFFFFF0] =	vst v18;
	v6 =	vld [tilespmem:s7+$0xFFFFFF60]  }
0x295: {  	v9 =	vadd.f32 v9, v12;
	v12 =	vld [tilespmem:s7+$0xFFFFFFB0];
	v10 =	vadd.f32 v16, v10;
	[tilespmem:s8+$0x58] =	vst v13  }
0x296: {  	v17 =	vperm.xlane v14, v1;
	v16 =	vld [tilespmem:s7+$0x70]  }
0x297: {  	v7 =	vadd.f32 v7, v19;
	v15 =	vld [tilespmem:s20+$0xFFFFFFF0];
	v13 =	vperm.xlane v5, v0;
	v19 =	vmul.f32 $2.000000030e-01, v10  }
0x298: {  	v18 =	vmul.f32 $2.000000030e-01, v9  }
0x299: {  	v22 =	vld [tilespmem:s20+$0xFFFFFFD0];
	[tilespmem:s8+$0x38] =	vst v13;
	v13 =	vperm.xlane v8, v3;
	v10 =	vmax.f32 v10, v19;
	v6 =	vmul.f32 v17, v6  }
0x29a: {  	s21 =	simm.s32 $0x9C40;
	v21 =	vperm.xlane v11, v1  }
0x29b: {  	v24 =	vld [tilespmem:s21+$0xFFFFFFE0];
	v9 =	vmax.f32 v9, v18;
	v18 =	vmul.f32 $2.000000030e-01, v7;
	[tilespmem:s8+$0xFFFFFF70] =	vst v6;
	v6 =	vmul.f32 v13, v16  }
0x29c: {  	v12 =	vmul.f32 v21, v12;
	v9 =	vsub.f32 v9, v15;
	v17 =	vld [tilespmem:s7+$0x0];
	v13 =	vsub.f32 v10, v20;
	v10 =	vpop (erf)  }
0x29d: {  	v27 =	vld [tilespmem:s21+$0x30];
	v7 =	vmax.f32 v7, v18;
	[tilespmem:s8+$0x68] =	vst v6;
	v6 =	vperm.xlane v10, v0  }
0x29e: {  	s29 =	simm.s32 $0x5760;
	s13 =	simm.s32 $0xF4B0;
	v29 =	vld [tilespmem:s21+$0x0];
	[tilespmem:s8+$0xFFFFFFB8] =	vst v12;
	v7 =	vsub.f32 v7, v22;
	v9 =	vmul.f32 $1.442695020e+00, v9  }
0x29f: {  	v52 =	vld [tilespmem:s29+$0x40];
	v12 =	vperm.xlane v5, v1;
	v13 =	vmul.f32 $1.442695020e+00, v13;
	[tilespmem:s13+$0x80] =	vst v6  }
0x2a0: {  	s16 =	simm.s32 $0x5620;
	v7 =	vmul.f32 $1.442695020e+00, v7;
	(erf) = vpow2.f32 v9;
	v6 =	vld [tilespmem:s22+$0x50]  }
0x2a1: {  	v12 =	vmul.f32 v12, v17;
	v17 =	vld [tilespmem:s16+$0x90];
	(erf) = vpow2.f32 v13  }
0x2a2: {  	s17 =	simm.s32 $0x9CC0;
	(erf) = vpow2.f32 v7;
	v7 =	vld [tilespmem:s21+$0x20]  }
0x2a3: {  	v39 =	vld [tilespmem:s17+$0x0];
	v18 =	vperm.xlane v10, v1  }
0x2a4: {  	v16 =	vld [tilespmem:s7+$0xFFFFFFC0]  }
0x2a5: {  	v15 =	vld [tilespmem:s7+$0xFFFFFF70];
	v6 =	vmul.f32 v18, v6  }
0x2a6: {  	v26 =	vperm.xlane v11, v3;
	v21 =	vperm.xlane v14, v2;
	v9 =	vld [tilespmem:s7+$0x80]  }
0x2a7: {  	v43 =	vld [tilespmem:s16+$0xFFFFFFA0];
	v25 =	vperm.xlane v14, v3;
	v20 =	vperm.xlane v11, v2;
	v7 =	vadd.f32 v7, v17  }
0x2a8: {  	v19 =	vperm.xlane v14, v4;
	v14 =	vld [tilespmem:s16+$0x40];
	v8 =	vperm.xlane v8, v4  }
0x2a9: {  	v22 =	vld [tilespmem:s16+$0xFFFFFFF0];
	v18 =	vperm.xlane v11, v4;
	[tilespmem:s13+$0x48] =	vst v6;
	v11 =	vmul.f32 $2.000000030e-01, v7;
	v6 =	vpop (erf)  }
0x2aa: {  	v56 =	vadd.f32 v39, v52;
	v16 =	vmul.f32 v20, v16;
	v15 =	vmul.f32 v21, v15;
	v28 =	vld [tilespmem:s22+$0x60];
	v21 =	vpop (erf)  }
0x2ab: {  	v13 =	vld [tilespmem:s21+$0xFFFFFFC0];
	[tilespmem:s8+$0x0] =	vst v12;
	v45 =	vmul.f32 v8, v9;
	v7 =	vmax.f32 v7, v11;
	v8 =	vperm.xlane v6, v0;
	v20 =	vpop (erf)  }
0x2ac: {  	v39 =	vmul.f32 $2.000000030e-01, v56;
	v12 =	vld [tilespmem:s7+$0x10];
	v7 =	vsub.f32 v7, v27;
	v11 =	vperm.xlane v20, v0  }
0x2ad: {  	v44 =	vld [tilespmem:s21+$0xFFFFFFD0];
	v23 =	vperm.xlane v5, v2;
	v14 =	vadd.f32 v29, v14;
	v27 =	vperm.xlane v10, v2;
	[tilespmem:s13+$0xFFFFFFF0] =	vst v8  }
0x2ae: {  	v9 =	vld [tilespmem:s21+$0xFFFFFFF0];
	v7 =	vmul.f32 $1.442695020e+00, v7;
	v8 =	vperm.xlane v21, v0;
	[tilespmem:s13+$0xFFFFFFA8] =	vst v11;
	v11 =	vadd.f32 v24, v22  }
0x2af: {  	v47 =	vmul.f32 $2.000000030e-01, v14;
	v29 =	vld [tilespmem:s22+$0xFFFFFFB0];
	v24 =	vmul.f32 v27, v28  }
0x2b0: {  	v22 =	vld [tilespmem:s21+$0x10];
	(erf) = vpow2.f32 v7;
	[tilespmem:s13+$0x38] =	vst v8;
	v8 =	vadd.f32 v13, v43;
	v46 =	vmul.f32 $2.000000030e-01, v11  }
0x2b1: {  	v14 =	vmax.f32 v14, v47;
	[tilespmem:s8+$0xFFFFFFC8] =	vst v16;
	v16 =	vperm.xlane v10, v3;
	v12 =	vmul.f32 v23, v12;
	v28 =	vld [tilespmem:s22+$0xFFFFFF60]  }
0x2b2: {  	v17 =	vperm.xlane v5, v3;
	v48 =	vld [tilespmem:s22+$0x0];
	[tilespmem:s13+$0x58] =	vst v24;
	v23 =	vmul.f32 $2.000000030e-01, v8;
	v11 =	vmax.f32 v11, v46  }
0x2b3: {  	[tilespmem:s8+$0x10] =	vst v12;
	v49 =	vperm.xlane v21, v3;
	v27 =	vperm.xlane v6, v1;
	v13 =	vld [tilespmem:s22+$0x70];
	v9 =	vsub.f32 v11, v9  }
0x2b4: {  	[tilespmem:s8+$0xFFFFFF80] =	vst v15;
	v15 =	vperm.xlane v20, v1;
	v7 =	vperm.xlane v21, v1;
	v8 =	vmax.f32 v8, v23;
	v23 =	vld [tilespmem:s7+$0x20]  }
0x2b5: {  	v11 =	vld [tilespmem:s7+$0xFFFFFF80];
	v12 =	vsub.f32 v14, v22;
	v22 =	vmul.f32 v27, v29;
	v9 =	vmul.f32 $1.442695020e+00, v9  }
0x2b6: {  	v24 =	vperm.xlane v6, v2;
	v14 =	vld [tilespmem:s7+$0xFFFFFFD0];
	v15 =	vmul.f32 v15, v28  }
0x2b7: {  	v8 =	vsub.f32 v8, v44;
	v29 =	vperm.xlane v6, v3;
	v44 =	vld [tilespmem:s29+$0xFFFFFFA0];
	v28 =	vperm.xlane v20, v2;
	[tilespmem:s13+$0xFFFFFFB8] =	vst v22  }
0x2b8: {  	v7 =	vmul.f32 v7, v48;
	[tilespmem:s13+$0xFFFFFF70] =	vst v15;
	v13 =	vmul.f32 v16, v13;
	v16 =	vld [tilespmem:s22+$0xFFFFFFC0]  }
0x2b9: {  	v12 =	vmul.f32 $1.442695020e+00, v12;
	v15 =	vld [tilespmem:s22+$0xFFFFFF70];
	(erf) = vpow2.f32 v9;
	v9 =	vpop (erf)  }
0x2ba: {  	[tilespmem:s13+$0x0] =	vst v7;
	v17 =	vmul.f32 v17, v23;
	v23 =	vld [tilespmem:s17+$0xFFFFFFC0];
	v7 =	vperm.xlane v9, v0  }
0x2bb: {  	s28 =	simm.s32 $0xF5D0;
	v8 =	vmul.f32 $1.442695020e+00, v8;
	[tilespmem:s13+$0x68] =	vst v13;
	(erf) = vpow2.f32 v12;
	v12 =	vld [tilespmem:s22+$0x10]  }
0x2bc: {  	v11 =	vmul.f32 v25, v11;
	v25 =	vperm.xlane v20, v3;
	v22 =	vld [tilespmem:s22+$0x80];
	[tilespmem:s28+$0x80] =	vst v7  }
0x2bd: {  	(erf) = vpow2.f32 v8;
	v8 =	vperm.xlane v20, v4;
	v20 =	vld [tilespmem:s16+$0x50]  }
0x2be: {  	v13 =	vperm.xlane v21, v2;
	v14 =	vmul.f32 v26, v14;
	[tilespmem:s8+$0xFFFFFF90] =	vst v11;
	v11 =	vld [tilespmem:s29+$0x90]  }
0x2bf: {  	v7 =	vperm.xlane v6, v4;
	v6 =	vperm.xlane v21, v4;
	v21 =	vld [tilespmem:s17+$0x20]  }
0x2c0: {  	v27 =	vld [tilespmem:s7+$0xFFFFFF90];
	v26 =	vmul.f32 v28, v15;
	v15 =	vperm.xlane v9, v1  }
0x2c1: {  	v10 =	vperm.xlane v10, v4;
	v24 =	vmul.f32 v24, v16;
	v23 =	vadd.f32 v23, v44  }
0x2c2: {  	v36 =	vld [tilespmem:s17+$0x30];
	v5 =	vperm.xlane v5, v4;
	[tilespmem:s8+$0x78] =	vst v45;
	v15 =	vmul.f32 v15, v20  }
0x2c3: {  	v28 =	vld [tilespmem:s29+$0xFFFFFFF0];
	[tilespmem:s13+$0xFFFFFFC8] =	vst v24;
	v22 =	vmul.f32 v10, v22;
	v24 =	vmul.f32 $2.000000030e-01, v23  }
0x2c4: {  	v54 =	vperm.xlane v9, v2;
	v45 =	vmul.f32 v13, v12;
	v10 =	vld [tilespmem:s17+$0xFFFFFFE0];
	v11 =	vadd.f32 v21, v11;
	[tilespmem:s28+$0x48] =	vst v15  }
0x2c5: {  	v50 =	vpop (erf);
	v19 =	vmul.f32 v19, v27;
	[tilespmem:s13+$0x78] =	vst v22;
	v22 =	vmax.f32 v23, v24;
	v23 =	vperm.xlane v9, v3;
	v42 =	vld [tilespmem:s16+$0x60]  }
0x2c6: {  	[tilespmem:s8+$0x20] =	vst v17;
	v51 =	vperm.xlane v50, v0;
	v35 =	vpop (erf);
	v41 =	vmul.f32 $2.000000030e-01, v11  }
0x2c7: {  	[tilespmem:s8+$0xFFFFFFD8] =	vst v14;
	v16 =	vperm.xlane v50, v2;
	v13 =	vperm.xlane v50, v3;
	v38 =	vpop (erf)  }
0x2c8: {  	v55 =	vld [tilespmem:s17+$0x10];
	[tilespmem:s13+$0xFFFFFF80] =	vst v26;
	v20 =	vperm.xlane v50, v1;
	v40 =	vperm.xlane v38, v0;
	v11 =	vmax.f32 v11, v41  }
0x2c9: {  	v26 =	vld [tilespmem:s17+$0xFFFFFFF0];
	v21 =	vperm.xlane v35, v0;
	v28 =	vadd.f32 v10, v28;
	[tilespmem:s28+$0xFFFFFFF0] =	vst v51;
	v11 =	vsub.f32 v11, v36  }
0x2ca: {  	v46 =	vld [tilespmem:s17+$0xFFFFFFD0];
	v37 =	vperm.xlane v35, v1;
	[tilespmem:s28+$0xFFFFFFA8] =	vst v40;
	v36 =	vmul.f32 v54, v42  }
0x2cb: {  	[tilespmem:s28+$0x38] =	vst v21;
	v21 =	vmul.f32 $2.000000030e-01, v28;
	v57 =	vld [tilespmem:s16+$0xFFFFFF60];
	v11 =	vmul.f32 $1.442695020e+00, v11  }
0x2cc: {  	v14 =	vperm.xlane v35, v3;
	v17 =	vperm.xlane v35, v4;
	v58 =	vld [tilespmem:s16+$0xFFFFFFB0];
	[tilespmem:s28+$0x58] =	vst v36  }
0x2cd: {  	v53 =	vperm.xlane v38, v1;
	v21 =	vmax.f32 v28, v21;
	(erf) = vpow2.f32 v11;
	v28 =	vld [tilespmem:s16+$0x70]  }
0x2ce: {  	v61 =	vld [tilespmem:s22+$0xFFFFFFD0];
	v43 =	vperm.xlane v38, v2;
	v21 =	vsub.f32 v21, v26;
	v26 =	vmax.f32 v56, v39  }
0x2cf: {  	v12 =	vperm.xlane v38, v3;
	v10 =	vperm.xlane v38, v4;
	v59 =	vld [tilespmem:s16+$0x0];
	v26 =	vsub.f32 v26, v55  }
0x2d0: {  	v60 =	vld [tilespmem:s22+$0xFFFFFF80];
	[tilespmem:s13+$0x10] =	vst v45;
	v21 =	vmul.f32 $1.442695020e+00, v21;
	v27 =	vmul.f32 v53, v57  }
0x2d1: {  	v62 =	vld [tilespmem:s22+$0x20];
	v22 =	vsub.f32 v22, v46;
	[tilespmem:s8+$0xFFFFFFA0] =	vst v19;
	v20 =	vmul.f32 v20, v58;
	v24 =	vmul.f32 $1.442695020e+00, v26  }
0x2d2: {  	v26 =	vld [tilespmem:s7+$0xFFFFFFE0];
	(erf) = vpow2.f32 v21;
	[tilespmem:s28+$0xFFFFFF70] =	vst v27;
	v19 =	vmul.f32 v23, v28  }
0x2d3: {  	v29 =	vmul.f32 v29, v61;
	v21 =	vmul.f32 $1.442695020e+00, v22;
	v63 =	vld [tilespmem:s16+$0xFFFFFF70]  }
0x2d4: {  	[tilespmem:s28+$0xFFFFFFB8] =	vst v20;
	v20 =	vmul.f32 v37, v59;
	v22 =	vld [tilespmem:s7+$0x30];
	(erf) = vpow2.f32 v24  }
0x2d5: {  	v24 =	vld [tilespmem:s16+$0xFFFFFFC0];
	(erf) = vpow2.f32 v21;
	v28 =	vmul.f32 v25, v60;
	[tilespmem:s28+$0x68] =	vst v19  }
0x2d6: {  	v15 =	vperm.xlane v35, v2;
	v11 =	vperm.xlane v50, v4;
	[tilespmem:s28+$0x0] =	vst v20;
	v23 =	vld [tilespmem:s16+$0x80];
	v19 =	vpop (erf)  }
0x2d7: {  	v20 =	vld [tilespmem:s16+$0x10];
	v21 =	vmul.f32 v18, v26;
	[tilespmem:s13+$0xFFFFFF90] =	vst v28;
	v27 =	vperm.xlane v19, v0  }
0x2d8: {  	s20 =	simm.s32 $0xC;
	s21 =	simm.s32 $0x58A0;
	[tilespmem:s13+$0xFFFFFFD8] =	vst v29;
	s7 =	simm.s32 $0xF6F0;
	v25 =	vmul.f32 v49, v62;
	v26 =	vmul.f32 v43, v63;
	v18 =	vld [tilespmem:s22+$0xFFFFFF90]  }
.LBB2_7:
0x2d9: {  	v28 =	vld [tilespmem:s21+$0x90];
	[tilespmem:s7+$0x80] =	vst v27;
	v27 =	vperm.xlane v9, v4;
	v22 =	vmul.f32 v5, v22;
	v5 =	vmovc v6;
	v6 =	vmov v17  }
0x2da: {  	s17 =	sadd.s32 $0x80, s17;
	v9 =	vmov v19;
	v17 =	vld [tilespmem:s29+$0x50];
	[tilespmem:s28+$0xFFFFFF80] =	vst v26;
	v16 =	vmul.f32 v16, v24  }
0x2db: {  	s20 =	sadd.s32 $0x4, s20;
	v19 =	vld [tilespmem:s17+$0x20];
	v24 =	vpop (erf);
	v23 =	vmul.f32 v27, v23;
	[tilespmem:s13+$0x20] =	vst v25  }
0x2dc: {  	p0 =	slt.u32 s20, $0x7C;
	v25 =	vld [tilespmem:s17+$0xFFFFFFC0];
	v26 =	vperm.xlane v24, v0;
	v27 =	vperm.xlane v24, v1;
	[tilespmem:s28+$0xFFFFFFC8] =	vst v16  }
0x2dd: {  	v30 =	vperm.xlane v9, v1;
	v16 =	vperm.xlane v24, v2;
	v29 =	vld [tilespmem:s21+$0xFFFFFFF0];
	v31 =	vpop (erf);
	[tilespmem:s28+$0x78] =	vst v23  }
0x2de: {  	v23 =	vld [tilespmem:s17+$0xFFFFFFE0];
	[tilespmem:s7+$0xFFFFFFF0] =	vst v26;
	v26 =	vperm.xlane v31, v0;
	v32 =	vperm.xlane v31, v1;
	v33 =	vpop (erf)  }
0x2df: {  	v34 =	vld [tilespmem:s21+$0x40];
	v35 =	vperm.xlane v33, v0;
	v17 =	vmul.f32 v30, v17;
	[tilespmem:s8+$0xFFFFFFE8] =	vst v21  }
0x2e0: {  	v30 =	vperm.xlane v33, v2;
	v21 =	vld [tilespmem:s17+$0x30];
	v19 =	vadd.f32 v19, v28;
	v28 =	vperm.xlane v33, v1;
	[tilespmem:s7+$0x38] =	vst v26  }
0x2e1: {  	v26 =	vld [tilespmem:s17+$0x0];
	[tilespmem:s7+$0x48] =	vst v17;
	v17 =	vmul.f32 v15, v20;
	v15 =	vperm.xlane v31, v2  }
0x2e2: {  	v20 =	vmul.f32 $2.000000030e-01, v19;
	[tilespmem:s7+$0xFFFFFFA8] =	vst v35;
	v35 =	vperm.xlane v33, v3;
	v36 =	vld [tilespmem:s29+$0x60]  }
0x2e3: {  	v38 =	vperm.xlane v31, v3;
	v37 =	vld [tilespmem:s21+$0xFFFFFFA0];
	v23 =	vadd.f32 v23, v29;
	v29 =	vperm.xlane v24, v3;
	[tilespmem:s28+$0x10] =	vst v17  }
0x2e4: {  	v39 =	vld [tilespmem:s17+$0xFFFFFFD0];
	v17 =	vmax.f32 v19, v20;
	v19 =	vperm.xlane v33, v4;
	v33 =	vperm.xlane v24, v4;
	[tilespmem:s8+$0x30] =	vst v22;
	s8 =	smov.u32 s13;
	s13 =	smov.u32 s28;
	s28 =	smov.u32 s7  }
0x2e5: {  	v24 =	vperm.xlane v9, v2;
	v20 =	vld [tilespmem:s17+$0xFFFFFFF0];
	v22 =	vmul.f32 $2.000000030e-01, v23;
	v21 =	vsub.f32 v17, v21  }
0x2e6: {  	v18 =	vmul.f32 v8, v18;
	v8 =	vmovc v10;
	v17 =	vperm.xlane v31, v4;
	v40 =	vld [tilespmem:s17+$0x10];
	v26 =	vadd.f32 v26, v34  }
0x2e7: {  	v10 =	vmovc v19;
	v22 =	vmax.f32 v23, v22;
	v21 =	vmul.f32 $1.442695020e+00, v21;
	v23 =	vld [tilespmem:s29+$0xFFFFFF60];
	v24 =	vmul.f32 v24, v36  }
0x2e8: {  	v19 =	vadd.f32 v25, v37;
	v25 =	vmul.f32 $2.000000030e-01, v26;
	v31 =	vld [tilespmem:s29+$0xFFFFFFB0];
	[tilespmem:s8+$0xFFFFFFA0] =	vst v18  }
0x2e9: {  	(erf) = vpow2.f32 v21;
	v18 =	vld [tilespmem:s29+$0x0];
	[tilespmem:s7+$0x58] =	vst v24  }
0x2ea: {  	v21 =	vmul.f32 $2.000000030e-01, v19;
	v20 =	vsub.f32 v22, v20;
	v22 =	vmax.f32 v26, v25;
	v24 =	vld [tilespmem:s29+$0x70]  }
0x2eb: {  	v22 =	vsub.f32 v22, v40;
	v25 =	vld [tilespmem:s16+$0xFFFFFF80]  }
0x2ec: {  	v19 =	vmax.f32 v19, v21;
	v20 =	vmul.f32 $1.442695020e+00, v20;
	v21 =	vmul.f32 v28, v23;
	v26 =	vld [tilespmem:s16+$0xFFFFFFD0]  }
0x2ed: {  	v23 =	vperm.xlane v9, v3;
	v19 =	vsub.f32 v19, v39;
	v22 =	vmul.f32 $1.442695020e+00, v22;
	v28 =	vld [tilespmem:s16+$0x20]  }
0x2ee: {  	(erf) = vpow2.f32 v20;
	[tilespmem:s7+$0xFFFFFF70] =	vst v21;
	v20 =	vmul.f32 v27, v31;
	v21 =	vld [tilespmem:s22+$0xFFFFFFE0]  }
0x2ef: {  	v27 =	vmul.f32 $1.442695020e+00, v19;
	v31 =	vld [tilespmem:s29+$0xFFFFFF70];
	v23 =	vmul.f32 v23, v24  }
.Ltmp4:
0x2f0: {  	v18 =	vmul.f32 v32, v18;
	(erf) = vpow2.f32 v22;
	[tilespmem:s7+$0xFFFFFFB8] =	vst v20;
	v22 =	vld [tilespmem:s22+$0x30];
	s22 =	smov.u32 s16;
	s16 =	smov.u32 s29;
	(pc) =	sbr.rel @p0 .LBB2_7-.Ltmp4, $4  }
0x2f1: {  	v32 =	vmul.f32 v12, v25;
	v12 =	vmov v35;
	s29 =	smov.u32 s21;
	(erf) = vpow2.f32 v27;
	v24 =	vld [tilespmem:s16+$0xFFFFFFC0];
	[tilespmem:s7+$0x68] =	vst v23  }
0x2f2: {  	v34 =	vmul.f32 v13, v26;
	v13 =	vmov v29;
	v19 =	vpop (erf);
	[tilespmem:s7+$0x0] =	vst v18;
	v23 =	vld [tilespmem:s16+$0x80];
	v25 =	vmul.f32 v14, v28  }
0x2f3: {  	v14 =	vmovc v38;
	v27 =	vperm.xlane v19, v0;
	v20 =	vld [tilespmem:s16+$0x10];
	[tilespmem:s13+$0xFFFFFF90] =	vst v32;
	v21 =	vmul.f32 v7, v21;
	v7 =	vmov v11  }
0x2f4: {  	s21 =	sadd.s32 $0x140, s21;
	s7 =	sadd.s32 $0x120, s7;
	v11 =	vmov v33;
	v26 =	vmul.f32 v30, v31;
	v18 =	vld [tilespmem:s22+$0xFFFFFF90];
	[tilespmem:s13+$0xFFFFFFD8] =	vst v34  }
0x2f5: {  	[tilespmem:s7+$0x80] =	vst v27  }
0x2f6: {  	v27 =	vld [tilespmem:s29+$0x50];
	_ =	sdelay $0x2  }
0x2f7: {  	v29 =	vperm.xlane v19, v1;
	v28 =	vpop (erf)  }
0x2f8: {  	v30 =	vpop (erf)  }
0x2f9: {  	v31 =	vpop (erf);
	v27 =	vmul.f32 v29, v27  }
0x2fa: {  	v56 =	vperm.xlane v31, v0  }
0x2fb: {  	v32 =	vperm.xlane v28, v0;
	[tilespmem:s7+$0x48] =	vst v27  }
0x2fc: {  	v57 =	vperm.xlane v30, v0;
	[tilespmem:s7+$0xFFFFFFA8] =	vst v56;
	v58 =	vld [tilespmem:s29+$0x60]  }
0x2fd: {  	[tilespmem:s7+$0xFFFFFFF0] =	vst v32;
	v59 =	vld [tilespmem:s29+$0xFFFFFF60]  }
0x2fe: {  	v60 =	vld [tilespmem:s29+$0xFFFFFFB0];
	[tilespmem:s7+$0x38] =	vst v57  }
0x2ff: {  	v33 =	vperm.xlane v19, v2;
	v34 =	vld [tilespmem:s29+$0x0]  }
0x300: {  	[tilespmem:s13+$0x20] =	vst v25;
	v16 =	vmul.f32 v16, v24;
	v61 =	vperm.xlane v31, v1  }
0x301: {  	[tilespmem:s8+$0xFFFFFFE8] =	vst v21;
	v63 =	vperm.xlane v28, v1;
	v62 =	vmul.f32 v33, v58  }
0x302: {  	[tilespmem:s28+$0xFFFFFFC8] =	vst v16;
	v29 =	vperm.xlane v30, v1;
	v24 =	vmul.f32 v61, v59  }
0x303: {  	v32 =	vmul.f32 v63, v60;
	[tilespmem:s7+$0x58] =	vst v62  }
0x304: {  	v16 =	vmul.f32 v29, v34;
	[tilespmem:s7+$0xFFFFFF70] =	vst v24;
	v33 =	vld [tilespmem:s29+$0x70]  }
0x305: {  	v9 =	vperm.xlane v9, v4;
	[tilespmem:s7+$0xFFFFFFB8] =	vst v32;
	v34 =	vld [tilespmem:s29+$0xFFFFFF70]  }
0x306: {  	v5 =	vmul.f32 v5, v22;
	v35 =	vld [tilespmem:s29+$0xFFFFFFC0];
	[tilespmem:s7+$0x0] =	vst v16  }
0x307: {  	v37 =	vperm.xlane v19, v3;
	[tilespmem:s28+$0xFFFFFF80] =	vst v26;
	v9 =	vmul.f32 v9, v23;
	v16 =	vld [tilespmem:s29+$0x10]  }
0x308: {  	[tilespmem:s8+$0x30] =	vst v5;
	v36 =	vmul.f32 v15, v20;
	v38 =	vperm.xlane v31, v2  }
0x309: {  	v40 =	vld [tilespmem:s16+$0xFFFFFF80];
	v39 =	vperm.xlane v28, v2;
	[tilespmem:s28+$0x78] =	vst v9;
	v15 =	vmul.f32 v37, v33  }
0x30a: {  	v5 =	vld [tilespmem:s16+$0xFFFFFFD0];
	[tilespmem:s28+$0x10] =	vst v36;
	v41 =	vperm.xlane v30, v2;
	v20 =	vmul.f32 v38, v34  }
0x30b: {  	v42 =	vld [tilespmem:s16+$0x20];
	v43 =	vmul.f32 v39, v35;
	[tilespmem:s7+$0x68] =	vst v15  }
0x30c: {  	v16 =	vmul.f32 v41, v16;
	[tilespmem:s7+$0xFFFFFF80] =	vst v20;
	v44 =	vld [tilespmem:s29+$0x80]  }
0x30d: {  	v8 =	vmul.f32 v8, v18;
	[tilespmem:s7+$0xFFFFFFC8] =	vst v43;
	v45 =	vld [tilespmem:s29+$0xFFFFFF80]  }
0x30e: {  	v9 =	vmul.f32 v12, v40;
	v46 =	vld [tilespmem:s29+$0xFFFFFFD0];
	[tilespmem:s7+$0x10] =	vst v16  }
0x30f: {  	v47 =	vperm.xlane v19, v4;
	[tilespmem:s13+$0xFFFFFFA0] =	vst v8;
	v5 =	vmul.f32 v13, v5;
	v48 =	vld [tilespmem:s29+$0x20]  }
0x310: {  	v50 =	vld [tilespmem:s22+$0xFFFFFFE0];
	v49 =	vperm.xlane v31, v3;
	[tilespmem:s28+$0xFFFFFF90] =	vst v9;
	v14 =	vmul.f32 v14, v42  }
0x311: {  	v52 =	vld [tilespmem:s22+$0x30];
	v51 =	vperm.xlane v28, v3;
	[tilespmem:s28+$0xFFFFFFD8] =	vst v5;
	v5 =	vmul.f32 v47, v44  }
0x312: {  	v53 =	vperm.xlane v30, v3;
	v54 =	vld [tilespmem:s16+$0xFFFFFF90];
	[tilespmem:s28+$0x20] =	vst v14;
	v55 =	vmul.f32 v49, v45  }
0x313: {  	v9 =	vmul.f32 v51, v46;
	[tilespmem:s7+$0x78] =	vst v5;
	v5 =	vld [tilespmem:s16+$0xFFFFFFE0]  }
0x314: {  	v56 =	vld [tilespmem:s16+$0x30];
	v8 =	vmul.f32 v53, v48;
	[tilespmem:s7+$0xFFFFFF90] =	vst v55  }
0x315: {  	v7 =	vmul.f32 v7, v50;
	[tilespmem:s7+$0xFFFFFFD8] =	vst v9;
	v57 =	vld [tilespmem:s29+$0xFFFFFF90]  }
0x316: {  	v6 =	vmul.f32 v6, v52;
	v58 =	vld [tilespmem:s29+$0xFFFFFFE0];
	[tilespmem:s7+$0x20] =	vst v8  }
0x317: {  	[tilespmem:s13+$0xFFFFFFE8] =	vst v7;
	v7 =	vmul.f32 v10, v54;
	v59 =	vld [tilespmem:s29+$0x30]  }
0x318: {  	[tilespmem:s13+$0x30] =	vst v6;
	v60 =	vperm.xlane v31, v4;
	v5 =	vmul.f32 v11, v5  }
0x319: {  	v6 =	vperm.xlane v28, v4;
	[tilespmem:s28+$0xFFFFFFA0] =	vst v7;
	v7 =	vmul.f32 v17, v56  }
0x31a: {  	v61 =	vperm.xlane v30, v4;
	[tilespmem:s28+$0xFFFFFFE8] =	vst v5;
	v5 =	vmul.f32 v60, v57  }
0x31b: {  	[tilespmem:s28+$0x30] =	vst v7;
	v6 =	vmul.f32 v6, v58  }
0x31c: {  	[tilespmem:s7+$0xFFFFFFA0] =	vst v5;
	v5 =	vmul.f32 v61, v59  }
0x31d: {  	[tilespmem:s7+$0xFFFFFFE8] =	vst v6  }
0x31e: {  	[tilespmem:s7+$0x30] =	vst v5  }
0x31f: {  	v5 =	vld [tilespmem:$0x280]  }
0x320: {  	v6 =	vld [tilespmem:$0x290]  }
0x321: {  	v7 =	vld [tilespmem:$0x2A0]  }
0x322: {  	v62 =	vld [tilespmem:$0x2B0]  }
0x323: {  	v63 =	vld [tilespmem:$0x2C0]  }
0x324: {  	[tilespmem:$0x11800] =	vst v5;
	v5 =	vld [tilespmem:$0x2D0]  }
0x325: {  	[tilespmem:$0x11810] =	vst v6;
	v6 =	vld [tilespmem:$0x2E0]  }
0x326: {  	[tilespmem:$0x11820] =	vst v7;
	v7 =	vld [tilespmem:$0x2F0]  }
0x327: {  	[tilespmem:$0x11830] =	vst v62  }
.Ltmp5:
0x328: {  	[tilespmem:$0x11840] =	vst v63;
	(pc) =	sbr.rel @p1 .LBB2_10-.Ltmp5, $4  }
0x329: {  	[tilespmem:$0x11850] =	vst v5  }
0x32a: {  	[tilespmem:$0x11860] =	vst v6  }
0x32b: {  	s29 =	simm.s32 $0xF300;
	s28 =	simm.s32 $0x11800;
	[tilespmem:$0x11870] =	vst v7  }
0x32c: {  	[spmem:s2] =	stream.indirect.scatter.add.f32 [tilespmem:s29], [sflag:$0x9], $0x48, s28, s10, $0xb8;
	[tilespmem:$0x1E078] =	vst v63  }
0x32d: {  	s7 =	sadd.s32 s24, s6  }
0x32e: {  	s7 =	sshll.u32 s7, $0x4  }
0x32f: {  	s7 =	sand.u32 $0x1FFFFFF0, s7  }
0x330: {  	s8 =	sadd.s32 s1, s7  }
0x331: {  	[tilespmem:s12], [sflag:$0xA] =	stream.linear.gather [hbm4b:s8+s3], $0x80, $0x38;
	[tilespmem:$0x1E078] =	vst v63  }
0x332: {  	_ =	swait.ge [sflag:s9], $0x80  }
0x333: {  	[sflag:s9] =	ssyncset.done $0x0  }
0x334: {  	s28 =	simm.s32 $0x5300;
	[sflag:s9] =	ssyncadd.s32 $0xFFFFFF80  }
0x335: {  	[tilespmem:s28], [sflag:$0x3] =	stream.indirect.gather [hbm4b:s5+s10], $0x50, s12, s10, $0xb8;
	[tilespmem:$0x1E078] =	vst v63  }
0x336: {  	s7 =	sadd.s32 s15, s7  }
0x337: {  	[tilespmem:s11], [sflag:$0xA] =	stream.linear.gather [hbm4b:s7+s3], $0x80, $0x38;
	[tilespmem:$0x1E078] =	vst v63  }
.Ltmp6:
0x338: {  	_ = 	snop;
	(pc) =	sbr.rel .LBB2_2-.Ltmp6, $4  }
0x339: {  	_ =	swait.ge [sflag:s9], $0x80  }
0x33a: {  	[sflag:s9] =	ssyncset.done $0x0  }
0x33b: {  	s29 =	simm.s32 $0x9B00;
	s23 =	sadd.s32 $0x1, s23;
	[sflag:s9] =	ssyncadd.s32 $0xFFFFFF80  }
0x33c: {  	[tilespmem:s29], [sflag:$0x6] =	stream.indirect.gather [hbm4b:s14+s10], $0x20, s11, s10, $0xb8;
	[tilespmem:$0x1E078] =	vst v63  }
.LBB2_11:
0x33d: {  	_ =	sfence.sel $0x180000  }
0x33e: {  	[bflag:$0x0] =	sbarrier.arrive $0xFFFF  }
0x33f: {  	_ =	strace $0x90000047  }
0x340: {  	s0 =	stileid.u32;
	[bflag:$0x2] =	sbarrier.arrive $0xFFFF  }
0x341: {  	p0 =	sne.s32 s0, $0x0;
	s0 =	rddreg [dreg:$0x3]  }
0x342: {  	s0 =	sadd.s32 @!p0 $0x100000, s0  }
0x343: {  	[sflag:s0] =	ssyncadd.tile.s32 @!p0 $0x1;
	_ =	shalt  }
.Lfunc_end2:
_tile_overlayer_lowered:
.L_overlay_start_2:
0x344: {  	(tag) =	ssettag $0x2  }
0x345: {  	s0 =	rddreg [dreg:$0x0];
	s2 =	stileid.u32  }
0x346: {  	s1 =	rddreg [dreg:$0x1];
	p0 =	sne.s32 s2, $0x0  }
0x347: {  	s3 =	rddreg [dreg:$0x2];
	[bflag:$0x3] =	sbarrier.arrive $0xFFFF;
	s2 =	simm.s32 @!p0 $0x1C0A  }
0x348: {  	[timem:s3], [sflag:s2] =	dma.local @!p0 [hbm:s0], s1  }
0x349: {  	s0 =	simm.s32 @!p0 $0xA  }
0x34a: {  	_ =	swait.ge @!p0 [sflag:s0], s1  }
0x34b: {  	s1 =	ssub.s32 @!p0 $0x0, s1;
	[sflag:s0] =	ssyncset.done @!p0 $0x0  }
0x34c: {  	[sflag:s0] =	ssyncadd.s32 @!p0 s1  }
0x34d: {  	[bflag:$0x3] =	sbarrier.arrive $0xFFFF  }
0x34e: {  	_ =	shalt  }

</sc_bundles>
